<compile_context>
chip_gen: v7x
topology: tpu7x:2x2x1
jax: 0.10.2.dev20260603
libtpu: 0.0.44.dev20260713+nightly
codegen_flags: <defaults>
</compile_context>

<pallas_src>
import functools

import jax
import jax.numpy as jnp
from jax import lax
from jax.experimental import pallas as pl
from jax.experimental.pallas import tpu as pltpu
from jax.experimental.pallas import tpu_sc as plsc

_LANES = 16


def _encode_body(x_ref, w_ref, b_ref, y_ref):
    acc = jnp.dot(x_ref[...], w_ref[...], preferred_element_type=jnp.float32)
    y_ref[...] = jnp.tanh(acc + b_ref[...])


def _decode_loss_body(x_ref, y_ref, w_ref, b_ref, out_ref):
    xh = jnp.dot(y_ref[...], w_ref[...], preferred_element_type=jnp.float32)
    d = x_ref[...] - (xh + b_ref[...])
    out_ref[...] = jnp.sum(d * d).reshape(1, 1)


def _make_edge_kernel(n_workers, n_chunks, chunk, h):
    mesh = plsc.VectorSubcoreMesh(core_axis_name="core", subcore_axis_name="sub")
    info = plsc.get_sparse_core_info()
    nc = info.num_cores

    @functools.partial(
        pl.kernel,
        mesh=mesh,
        out_type=jax.ShapeDtypeStruct((n_workers, _LANES), jnp.float32),
        scratch_types=[
            pltpu.VMEM((n_chunks, chunk), jnp.int32),
            pltpu.VMEM((n_chunks, chunk), jnp.int32),
            pltpu.VMEM((n_chunks, chunk), jnp.float32),
            pltpu.VMEM((chunk, h), jnp.float32),
            pltpu.VMEM((chunk, h), jnp.float32),
            pltpu.VMEM((_LANES,), jnp.float32),
            pltpu.SemaphoreType.DMA,
            pltpu.SemaphoreType.DMA,
        ],
        compiler_params=pltpu.CompilerParams(
            needs_layout_passes=False, use_tc_tiling_on_sc=False),
    )
    def edge_kernel(row_hbm, col_hbm, wgt_hbm, y_hbm, out_hbm,
                    row_v, col_v, w_v, r1_v, r2_v, out_v, sem1, sem2):
        wid = lax.axis_index("sub") * nc + lax.axis_index("core")
        pltpu.sync_copy(row_hbm.at[wid], row_v)
        pltpu.sync_copy(col_hbm.at[wid], col_v)
        pltpu.sync_copy(wgt_hbm.at[wid], w_v)

        def chunk_body(c, total):
            cp1 = pltpu.async_copy(y_hbm.at[row_v.at[c]], r1_v, sem1)
            cp2 = pltpu.async_copy(y_hbm.at[col_v.at[c]], r2_v, sem2)
            cp1.wait()
            cp2.wait()
            lanes = jnp.arange(_LANES, dtype=jnp.int32)
            for g in range(chunk // _LANES):
                e_idx = lanes + (g * _LANES)
                acc = jnp.zeros((_LANES,), jnp.float32)
                for d0 in range(h):
                    d_idx = (lanes + d0) & (h - 1)
                    v1 = plsc.load_gather(r1_v, [e_idx, d_idx])
                    v2 = plsc.load_gather(r2_v, [e_idx, d_idx])
                    df = v1 - v2
                    acc = acc + df * df
                xx = acc + jnp.float32(1e-12)
                bits = plsc.bitcast(xx, jnp.int32)
                bits = jnp.int32(0x5F3759DF) - lax.shift_right_arithmetic(
                    bits, jnp.int32(1))
                y = plsc.bitcast(bits, jnp.float32)
                for _ in range(3):
                    y = y * (jnp.float32(1.5)
                             - jnp.float32(0.5) * xx * y * y)
                dist = xx * y
                w = w_v[c, pl.ds(g * _LANES, _LANES)]
                total = total + dist * w
            return total

        total = lax.fori_loop(0, n_chunks, chunk_body,
                              jnp.zeros((_LANES,), jnp.float32))
        out_v[...] = total
        pltpu.sync_copy(out_v, out_hbm.at[wid])

    return edge_kernel


def kernel(x, edge_index, edge_weight, W_enc, b_enc, W_dec, b_dec):
    n, d = x.shape
    h = W_enc.shape[1]
    e = edge_weight.shape[0]

    info = plsc.get_sparse_core_info()
    n_workers = info.num_cores * info.num_subcores
    per_worker = e // n_workers
    chunk = 80
    n_chunks = per_worker // chunk
    assert per_worker * n_workers == e and n_chunks * chunk == per_worker

    Y = pl.pallas_call(
        _encode_body,
        out_shape=jax.ShapeDtypeStruct((n, h), jnp.float32),
    )(x, W_enc, b_enc.reshape(1, h))

    row3 = edge_index[0].reshape(n_workers, n_chunks, chunk)
    col3 = edge_index[1].reshape(n_workers, n_chunks, chunk)
    wgt3 = edge_weight.reshape(n_workers, n_chunks, chunk)

    edge_kernel = _make_edge_kernel(n_workers, n_chunks, chunk, h)
    partials = edge_kernel(row3, col3, wgt3, Y)

    sq_sum = pl.pallas_call(
        _decode_loss_body,
        out_shape=jax.ShapeDtypeStruct((1, 1), jnp.float32),
    )(x, Y, W_dec, b_dec.reshape(1, d))

    loss1 = sq_sum[0, 0] / jnp.float32(n * d)
    loss2 = jnp.sum(partials) / jnp.float32(e)
    return loss1 + loss2

# --- scband reference (transcript-rebuilt; emitter-appended) ---
"""Pipeline reference for scband-miso-16965120820093 (READ-ONLY COPY).

The authoritative reference and input builder live on the scoring server;
editing this copy changes nothing except your own understanding.
"""

import jax, jax.numpy as jnp
import numpy as np

N = 10000   # n_nodes
D = 128     # npca / feature dim
E = 320000  # n_edges (avg_degree=32)
H = 32      # nembedding


def setup_inputs(seed: int = 0) -> dict:
    key = jax.random.key(seed)
    k1, k2, k3, k4, k5, k6, k7 = jax.random.split(key, 7)
    x = jax.random.normal(k1, (N, D), dtype=jnp.float32)
    edge_index = jax.random.randint(k2, (2, E), 0, N, dtype=jnp.int32)
    edge_weight = jax.random.uniform(k3, (E,), dtype=jnp.float32)
    # MLP autoencoder params: encoder D->H (embeddings), decoder H->D (reconstruction)
    W_enc = jax.random.normal(k4, (D, H), dtype=jnp.float32) * (1.0 / np.sqrt(D))
    b_enc = jnp.zeros((H,), dtype=jnp.float32)
    W_dec = jax.random.normal(k5, (H, D), dtype=jnp.float32) * (1.0 / np.sqrt(H))
    b_dec = jnp.zeros((D,), dtype=jnp.float32)
    return {"x": x, "edge_index": edge_index, "edge_weight": edge_weight,
            "W_enc": W_enc, "b_enc": b_enc, "W_dec": W_dec, "b_dec": b_dec}


def reference(x, edge_index, edge_weight, W_enc, b_enc, W_dec, b_dec):
    # MLP forward: embeddings Y = get_embeddings(x); x_hat = decoder(Y)
    Y = jnp.tanh(x @ W_enc + b_enc)
    x_hat = Y @ W_dec + b_dec
    # reconstruction loss: nn.MSELoss()(x, x_hat)
    loss1 = jnp.mean((x - x_hat) ** 2)
    # sc_loss: gather embedding rows by sparse adjacency indices (message passing)
    row = edge_index[0]
    col = edge_index[1]
    rows1 = jnp.take(Y, row, axis=0)
    rows2 = jnp.take(Y, col, axis=0)
    diff = rows1 - rows2
    dist = jnp.sqrt(jnp.sum(diff * diff, axis=1) + 1e-12)
    loss2 = jnp.mean(dist * edge_weight)
    return loss1 + loss2

if __name__ == "__main__":
    import jax
    _d = setup_inputs()
    print(jax.jit(kernel)(*tuple(_d.values())))

</pallas_src>

<mosaic_0001>
#map = affine_map<(d0, d1) -> (0, 0, 0)>
#map1 = affine_map<(d0, d1) -> (0, 0)>
module attributes {stable_mosaic.version = 14 : i64} {
  func.func @edge_kernel(%arg0: i32, %arg1: i32, %arg2: memref<32x125x80xi32, #tpu.memory_space<hbm>>, %arg3: memref<32x125x80xi32, #tpu.memory_space<hbm>>, %arg4: memref<32x125x80xf32, #tpu.memory_space<hbm>>, %arg5: memref<10000x32xf32, #tpu.memory_space<hbm>>, %arg6: memref<32x16xf32, #tpu.memory_space<hbm>>, %arg7: memref<125x80xi32, #tpu.memory_space<vmem>>, %arg8: memref<125x80xi32, #tpu.memory_space<vmem>>, %arg9: memref<125x80xf32, #tpu.memory_space<vmem>>, %arg10: memref<80x32xf32, #tpu.memory_space<vmem>>, %arg11: memref<80x32xf32, #tpu.memory_space<vmem>>, %arg12: memref<16xf32, #tpu.memory_space<vmem>>, %arg13: memref<!tpu.dma_semaphore, #tpu.memory_space<semaphore_mem>>, %arg14: memref<!tpu.dma_semaphore, #tpu.memory_space<semaphore_mem>>) attributes {dimension_semantics = [#tpu.dimension_semantics<core_parallel>, #tpu.dimension_semantics<subcore_parallel>], iteration_bounds = array<i64: 2, 16>, scalar_prefetch = 0 : i64, scratch_operands = 8 : i64, tpu.core_type = #tpu.core_type<sc_vector_subcore>, window_params = [{transform_indices = #map}, {transform_indices = #map}, {transform_indices = #map}, {transform_indices = #map1}, {transform_indices = #map1}]} {
    %mul3A = arith.constant 2 : i32
    %mul3A_0 = arith.muli %arg1, %mul3A : i32
    %add3A = arith.addi %mul3A_0, %arg0 : i32
    "tpu.region"() ({
      %run_scoped3A = tpu.sem_alloc : memref<!tpu.dma_semaphore, #tpu.memory_space<semaphore_mem>>
      %dma_start3A = arith.constant 0 : i32
      %dma_start3A_8 = arith.constant 0 : i32
      %dma_start3A_9 = tpu.memref_slice %arg2[%add3A, %dma_start3A, %dma_start3A_8] : memref<32x125x80xi32, #tpu.memory_space<hbm>> -> memref<1x125x80xi32, #tpu.memory_space<hbm>>
      %dma_start3A_10 = tpu.memref_squeeze %dma_start3A_9 : memref<1x125x80xi32, #tpu.memory_space<hbm>> -> memref<125x80xi32, #tpu.memory_space<hbm>>
      %dma_start3A_11 = arith.constant 0 : i32
      %dma_start3A_12 = arith.constant 0 : i32
      %dma_start3A_13 = tpu.memref_slice %arg2[%add3A, %dma_start3A_11, %dma_start3A_12] : memref<32x125x80xi32, #tpu.memory_space<hbm>> -> memref<1x125x80xi32, #tpu.memory_space<hbm>>
      %dma_start3A_14 = tpu.memref_squeeze %dma_start3A_13 : memref<1x125x80xi32, #tpu.memory_space<hbm>> -> memref<125x80xi32, #tpu.memory_space<hbm>>
      tpu.enqueue_dma source(%dma_start3A_14 : memref<125x80xi32, #tpu.memory_space<hbm>>) target(%arg7 : memref<125x80xi32, #tpu.memory_space<vmem>>) target_semaphore(%run_scoped3A : memref<!tpu.dma_semaphore, #tpu.memory_space<semaphore_mem>>)
      %dma_wait3A = arith.constant 0 : i32
      %dma_wait3A_15 = arith.constant 0 : i32
      %dma_wait3A_16 = tpu.memref_slice %arg2[%add3A, %dma_wait3A, %dma_wait3A_15] : memref<32x125x80xi32, #tpu.memory_space<hbm>> -> memref<1x125x80xi32, #tpu.memory_space<hbm>>
      %dma_wait3A_17 = tpu.memref_squeeze %dma_wait3A_16 : memref<1x125x80xi32, #tpu.memory_space<hbm>> -> memref<125x80xi32, #tpu.memory_space<hbm>>
      %dma_wait3A_18 = arith.constant 0 : i32
      %dma_wait3A_19 = arith.constant 0 : i32
      %dma_wait3A_20 = tpu.memref_slice %arg2[%add3A, %dma_wait3A_18, %dma_wait3A_19] : memref<32x125x80xi32, #tpu.memory_space<hbm>> -> memref<1x125x80xi32, #tpu.memory_space<hbm>>
      %dma_wait3A_21 = tpu.memref_squeeze %dma_wait3A_20 : memref<1x125x80xi32, #tpu.memory_space<hbm>> -> memref<125x80xi32, #tpu.memory_space<hbm>>
      tpu.wait_dma2 semaphore(%run_scoped3A : memref<!tpu.dma_semaphore, #tpu.memory_space<semaphore_mem>>) src(%dma_wait3A_21 : memref<125x80xi32, #tpu.memory_space<hbm>>) dst(%arg7 : memref<125x80xi32, #tpu.memory_space<vmem>>)
      tpu.yield
    }) : () -> ()
    "tpu.region"() ({
      %run_scoped3A = tpu.sem_alloc : memref<!tpu.dma_semaphore, #tpu.memory_space<semaphore_mem>>
      %dma_start3A = arith.constant 0 : i32
      %dma_start3A_8 = arith.constant 0 : i32
      %dma_start3A_9 = tpu.memref_slice %arg3[%add3A, %dma_start3A, %dma_start3A_8] : memref<32x125x80xi32, #tpu.memory_space<hbm>> -> memref<1x125x80xi32, #tpu.memory_space<hbm>>
      %dma_start3A_10 = tpu.memref_squeeze %dma_start3A_9 : memref<1x125x80xi32, #tpu.memory_space<hbm>> -> memref<125x80xi32, #tpu.memory_space<hbm>>
      %dma_start3A_11 = arith.constant 0 : i32
      %dma_start3A_12 = arith.constant 0 : i32
      %dma_start3A_13 = tpu.memref_slice %arg3[%add3A, %dma_start3A_11, %dma_start3A_12] : memref<32x125x80xi32, #tpu.memory_space<hbm>> -> memref<1x125x80xi32, #tpu.memory_space<hbm>>
      %dma_start3A_14 = tpu.memref_squeeze %dma_start3A_13 : memref<1x125x80xi32, #tpu.memory_space<hbm>> -> memref<125x80xi32, #tpu.memory_space<hbm>>
      tpu.enqueue_dma source(%dma_start3A_14 : memref<125x80xi32, #tpu.memory_space<hbm>>) target(%arg8 : memref<125x80xi32, #tpu.memory_space<vmem>>) target_semaphore(%run_scoped3A : memref<!tpu.dma_semaphore, #tpu.memory_space<semaphore_mem>>)
      %dma_wait3A = arith.constant 0 : i32
      %dma_wait3A_15 = arith.constant 0 : i32
      %dma_wait3A_16 = tpu.memref_slice %arg3[%add3A, %dma_wait3A, %dma_wait3A_15] : memref<32x125x80xi32, #tpu.memory_space<hbm>> -> memref<1x125x80xi32, #tpu.memory_space<hbm>>
      %dma_wait3A_17 = tpu.memref_squeeze %dma_wait3A_16 : memref<1x125x80xi32, #tpu.memory_space<hbm>> -> memref<125x80xi32, #tpu.memory_space<hbm>>
      %dma_wait3A_18 = arith.constant 0 : i32
      %dma_wait3A_19 = arith.constant 0 : i32
      %dma_wait3A_20 = tpu.memref_slice %arg3[%add3A, %dma_wait3A_18, %dma_wait3A_19] : memref<32x125x80xi32, #tpu.memory_space<hbm>> -> memref<1x125x80xi32, #tpu.memory_space<hbm>>
      %dma_wait3A_21 = tpu.memref_squeeze %dma_wait3A_20 : memref<1x125x80xi32, #tpu.memory_space<hbm>> -> memref<125x80xi32, #tpu.memory_space<hbm>>
      tpu.wait_dma2 semaphore(%run_scoped3A : memref<!tpu.dma_semaphore, #tpu.memory_space<semaphore_mem>>) src(%dma_wait3A_21 : memref<125x80xi32, #tpu.memory_space<hbm>>) dst(%arg8 : memref<125x80xi32, #tpu.memory_space<vmem>>)
      tpu.yield
    }) : () -> ()
    "tpu.region"() ({
      %run_scoped3A = tpu.sem_alloc : memref<!tpu.dma_semaphore, #tpu.memory_space<semaphore_mem>>
      %dma_start3A = arith.constant 0 : i32
      %dma_start3A_8 = arith.constant 0 : i32
      %dma_start3A_9 = tpu.memref_slice %arg4[%add3A, %dma_start3A, %dma_start3A_8] : memref<32x125x80xf32, #tpu.memory_space<hbm>> -> memref<1x125x80xf32, #tpu.memory_space<hbm>>
      %dma_start3A_10 = tpu.memref_squeeze %dma_start3A_9 : memref<1x125x80xf32, #tpu.memory_space<hbm>> -> memref<125x80xf32, #tpu.memory_space<hbm>>
      %dma_start3A_11 = arith.constant 0 : i32
      %dma_start3A_12 = arith.constant 0 : i32
      %dma_start3A_13 = tpu.memref_slice %arg4[%add3A, %dma_start3A_11, %dma_start3A_12] : memref<32x125x80xf32, #tpu.memory_space<hbm>> -> memref<1x125x80xf32, #tpu.memory_space<hbm>>
      %dma_start3A_14 = tpu.memref_squeeze %dma_start3A_13 : memref<1x125x80xf32, #tpu.memory_space<hbm>> -> memref<125x80xf32, #tpu.memory_space<hbm>>
      tpu.enqueue_dma source(%dma_start3A_14 : memref<125x80xf32, #tpu.memory_space<hbm>>) target(%arg9 : memref<125x80xf32, #tpu.memory_space<vmem>>) target_semaphore(%run_scoped3A : memref<!tpu.dma_semaphore, #tpu.memory_space<semaphore_mem>>)
      %dma_wait3A = arith.constant 0 : i32
      %dma_wait3A_15 = arith.constant 0 : i32
      %dma_wait3A_16 = tpu.memref_slice %arg4[%add3A, %dma_wait3A, %dma_wait3A_15] : memref<32x125x80xf32, #tpu.memory_space<hbm>> -> memref<1x125x80xf32, #tpu.memory_space<hbm>>
      %dma_wait3A_17 = tpu.memref_squeeze %dma_wait3A_16 : memref<1x125x80xf32, #tpu.memory_space<hbm>> -> memref<125x80xf32, #tpu.memory_space<hbm>>
      %dma_wait3A_18 = arith.constant 0 : i32
      %dma_wait3A_19 = arith.constant 0 : i32
      %dma_wait3A_20 = tpu.memref_slice %arg4[%add3A, %dma_wait3A_18, %dma_wait3A_19] : memref<32x125x80xf32, #tpu.memory_space<hbm>> -> memref<1x125x80xf32, #tpu.memory_space<hbm>>
      %dma_wait3A_21 = tpu.memref_squeeze %dma_wait3A_20 : memref<1x125x80xf32, #tpu.memory_space<hbm>> -> memref<125x80xf32, #tpu.memory_space<hbm>>
      tpu.wait_dma2 semaphore(%run_scoped3A : memref<!tpu.dma_semaphore, #tpu.memory_space<semaphore_mem>>) src(%dma_wait3A_21 : memref<125x80xf32, #tpu.memory_space<hbm>>) dst(%arg9 : memref<125x80xf32, #tpu.memory_space<vmem>>)
      tpu.yield
    }) : () -> ()
    %broadcast_in_dim3A = arith.constant 0.000000e+00 : f32
    %broadcast_in_dim3A_1 = vector.broadcast %broadcast_in_dim3A : f32 to vector<16xf32>
    %scan3A = arith.constant 0 : i32
    %scan3A_2 = arith.constant 125 : i32
    %scan3A_3 = arith.addi %scan3A, %scan3A_2 : i32
    %scan3A_4 = arith.constant 1 : i32
    %scan3A_5 = scf.for %scan3A_8 = %scan3A to %scan3A_3 step %scan3A_4 iter_args(%scan3A_9 = %broadcast_in_dim3A_1) -> (vector<16xf32>)  : i32 {
      %dma_start3A = arith.constant 0 : i32
      %dma_start3A_10 = tpu.memref_slice %arg7[%scan3A_8, %dma_start3A] : memref<125x80xi32, #tpu.memory_space<vmem>> -> memref<1x80xi32, #tpu.memory_space<vmem>>
      %dma_start3A_11 = tpu.memref_squeeze %dma_start3A_10 : memref<1x80xi32, #tpu.memory_space<vmem>> -> memref<80xi32, #tpu.memory_space<vmem>>
      %dma_start3A_12 = arith.constant 0 : i32
      %dma_start3A_13 = arith.constant 0 : i32
      %dma_start3A_14 = tpu.memref_slice %arg5[%dma_start3A_12, %dma_start3A_13] : memref<10000x32xf32, #tpu.memory_space<hbm>> -> memref<10000x32xf32, #tpu.memory_space<hbm>>
      tpu.enqueue_indirect_dma source(%dma_start3A_14 : memref<10000x32xf32, #tpu.memory_space<hbm>>) target(%arg10 : memref<80x32xf32, #tpu.memory_space<vmem>>) offsets(%dma_start3A_11 : memref<80xi32, #tpu.memory_space<vmem>>) semaphore(%arg13 : memref<!tpu.dma_semaphore, #tpu.memory_space<semaphore_mem>>)
      %dma_start3A_15 = arith.constant 0 : i32
      %dma_start3A_16 = tpu.memref_slice %arg8[%scan3A_8, %dma_start3A_15] : memref<125x80xi32, #tpu.memory_space<vmem>> -> memref<1x80xi32, #tpu.memory_space<vmem>>
      %dma_start3A_17 = tpu.memref_squeeze %dma_start3A_16 : memref<1x80xi32, #tpu.memory_space<vmem>> -> memref<80xi32, #tpu.memory_space<vmem>>
      %dma_start3A_18 = arith.constant 0 : i32
      %dma_start3A_19 = arith.constant 0 : i32
      %dma_start3A_20 = tpu.memref_slice %arg5[%dma_start3A_18, %dma_start3A_19] : memref<10000x32xf32, #tpu.memory_space<hbm>> -> memref<10000x32xf32, #tpu.memory_space<hbm>>
      tpu.enqueue_indirect_dma source(%dma_start3A_20 : memref<10000x32xf32, #tpu.memory_space<hbm>>) target(%arg11 : memref<80x32xf32, #tpu.memory_space<vmem>>) offsets(%dma_start3A_17 : memref<80xi32, #tpu.memory_space<vmem>>) semaphore(%arg14 : memref<!tpu.dma_semaphore, #tpu.memory_space<semaphore_mem>>)
      %dma_wait3A = arith.constant 0 : i32
      %dma_wait3A_21 = tpu.memref_slice %arg7[%scan3A_8, %dma_wait3A] : memref<125x80xi32, #tpu.memory_space<vmem>> -> memref<1x80xi32, #tpu.memory_space<vmem>>
      %dma_wait3A_22 = tpu.memref_squeeze %dma_wait3A_21 : memref<1x80xi32, #tpu.memory_space<vmem>> -> memref<80xi32, #tpu.memory_space<vmem>>
      %dma_wait3A_23 = arith.constant 0 : i32
      %dma_wait3A_24 = arith.constant 0 : i32
      %dma_wait3A_25 = tpu.memref_slice %arg5[%dma_wait3A_23, %dma_wait3A_24] : memref<10000x32xf32, #tpu.memory_space<hbm>> -> memref<10000x32xf32, #tpu.memory_space<hbm>>
      tpu.wait_indirect_dma semaphore(%arg13 : memref<!tpu.dma_semaphore, #tpu.memory_space<semaphore_mem>>) src(%dma_wait3A_25 : memref<10000x32xf32, #tpu.memory_space<hbm>>) dst(%arg10 : memref<80x32xf32, #tpu.memory_space<vmem>>)
      %dma_wait3A_26 = arith.constant 0 : i32
      %dma_wait3A_27 = tpu.memref_slice %arg8[%scan3A_8, %dma_wait3A_26] : memref<125x80xi32, #tpu.memory_space<vmem>> -> memref<1x80xi32, #tpu.memory_space<vmem>>
      %dma_wait3A_28 = tpu.memref_squeeze %dma_wait3A_27 : memref<1x80xi32, #tpu.memory_space<vmem>> -> memref<80xi32, #tpu.memory_space<vmem>>
      %dma_wait3A_29 = arith.constant 0 : i32
      %dma_wait3A_30 = arith.constant 0 : i32
      %dma_wait3A_31 = tpu.memref_slice %arg5[%dma_wait3A_29, %dma_wait3A_30] : memref<10000x32xf32, #tpu.memory_space<hbm>> -> memref<10000x32xf32, #tpu.memory_space<hbm>>
      tpu.wait_indirect_dma semaphore(%arg14 : memref<!tpu.dma_semaphore, #tpu.memory_space<semaphore_mem>>) src(%dma_wait3A_31 : memref<10000x32xf32, #tpu.memory_space<hbm>>) dst(%arg11 : memref<80x32xf32, #tpu.memory_space<vmem>>)
      %iota3A = tpu.iota {dimensions = array<i32: 0>} : vector<16xi32>
      %add3A_32 = arith.constant 0 : i32
      %add3A_33 = vector.broadcast %add3A_32 : i32 to vector<16xi32>
      %add3A_34 = arith.addi %iota3A, %add3A_33 : vector<16xi32>
      %broadcast_in_dim3A_35 = arith.constant 0.000000e+00 : f32
      %broadcast_in_dim3A_36 = vector.broadcast %broadcast_in_dim3A_35 : f32 to vector<16xf32>
      %add3A_37 = arith.constant 0 : i32
      %add3A_38 = vector.broadcast %add3A_37 : i32 to vector<16xi32>
      %add3A_39 = arith.addi %iota3A, %add3A_38 : vector<16xi32>
      %and3A = arith.constant 31 : i32
      %and3A_40 = vector.broadcast %and3A : i32 to vector<16xi32>
      %and3A_41 = arith.andi %add3A_39, %and3A_40 : vector<16xi32>
      %gather3A = tpu.vector_load_idx %arg10[%add3A_34, %and3A_41] : memref<80x32xf32, #tpu.memory_space<vmem>>[vector<16xi32>, vector<16xi32>], vector<16xf32>,
      %gather3A_42 = tpu.vector_load_idx %arg11[%add3A_34, %and3A_41] : memref<80x32xf32, #tpu.memory_space<vmem>>[vector<16xi32>, vector<16xi32>], vector<16xf32>,
      %sub3A = arith.subf %gather3A, %gather3A_42 : vector<16xf32>
      %mul3A_43 = arith.mulf %sub3A, %sub3A : vector<16xf32>
      %add3A_44 = arith.addf %broadcast_in_dim3A_36, %mul3A_43 : vector<16xf32>
      %add3A_45 = arith.constant 1 : i32
      %add3A_46 = vector.broadcast %add3A_45 : i32 to vector<16xi32>
      %add3A_47 = arith.addi %iota3A, %add3A_46 : vector<16xi32>
      %and3A_48 = arith.constant 31 : i32
      %and3A_49 = vector.broadcast %and3A_48 : i32 to vector<16xi32>
      %and3A_50 = arith.andi %add3A_47, %and3A_49 : vector<16xi32>
      %gather3A_51 = tpu.vector_load_idx %arg10[%add3A_34, %and3A_50] : memref<80x32xf32, #tpu.memory_space<vmem>>[vector<16xi32>, vector<16xi32>], vector<16xf32>,
      %gather3A_52 = tpu.vector_load_idx %arg11[%add3A_34, %and3A_50] : memref<80x32xf32, #tpu.memory_space<vmem>>[vector<16xi32>, vector<16xi32>], vector<16xf32>,
      %sub3A_53 = arith.subf %gather3A_51, %gather3A_52 : vector<16xf32>
      %mul3A_54 = arith.mulf %sub3A_53, %sub3A_53 : vector<16xf32>
      %add3A_55 = arith.addf %add3A_44, %mul3A_54 : vector<16xf32>
      %add3A_56 = arith.constant 2 : i32
      %add3A_57 = vector.broadcast %add3A_56 : i32 to vector<16xi32>
      %add3A_58 = arith.addi %iota3A, %add3A_57 : vector<16xi32>
      %and3A_59 = arith.constant 31 : i32
      %and3A_60 = vector.broadcast %and3A_59 : i32 to vector<16xi32>
      %and3A_61 = arith.andi %add3A_58, %and3A_60 : vector<16xi32>
      %gather3A_62 = tpu.vector_load_idx %arg10[%add3A_34, %and3A_61] : memref<80x32xf32, #tpu.memory_space<vmem>>[vector<16xi32>, vector<16xi32>], vector<16xf32>,
      %gather3A_63 = tpu.vector_load_idx %arg11[%add3A_34, %and3A_61] : memref<80x32xf32, #tpu.memory_space<vmem>>[vector<16xi32>, vector<16xi32>], vector<16xf32>,
      %sub3A_64 = arith.subf %gather3A_62, %gather3A_63 : vector<16xf32>
      %mul3A_65 = arith.mulf %sub3A_64, %sub3A_64 : vector<16xf32>
      %add3A_66 = arith.addf %add3A_55, %mul3A_65 : vector<16xf32>
      %add3A_67 = arith.constant 3 : i32
      %add3A_68 = vector.broadcast %add3A_67 : i32 to vector<16xi32>
      %add3A_69 = arith.addi %iota3A, %add3A_68 : vector<16xi32>
      %and3A_70 = arith.constant 31 : i32
      %and3A_71 = vector.broadcast %and3A_70 : i32 to vector<16xi32>
      %and3A_72 = arith.andi %add3A_69, %and3A_71 : vector<16xi32>
      %gather3A_73 = tpu.vector_load_idx %arg10[%add3A_34, %and3A_72] : memref<80x32xf32, #tpu.memory_space<vmem>>[vector<16xi32>, vector<16xi32>], vector<16xf32>,
      %gather3A_74 = tpu.vector_load_idx %arg11[%add3A_34, %and3A_72] : memref<80x32xf32, #tpu.memory_space<vmem>>[vector<16xi32>, vector<16xi32>], vector<16xf32>,
      %sub3A_75 = arith.subf %gather3A_73, %gather3A_74 : vector<16xf32>
      %mul3A_76 = arith.mulf %sub3A_75, %sub3A_75 : vector<16xf32>
      %add3A_77 = arith.addf %add3A_66, %mul3A_76 : vector<16xf32>
      %add3A_78 = arith.constant 4 : i32
      %add3A_79 = vector.broadcast %add3A_78 : i32 to vector<16xi32>
      %add3A_80 = arith.addi %iota3A, %add3A_79 : vector<16xi32>
      %and3A_81 = arith.constant 31 : i32
      %and3A_82 = vector.broadcast %and3A_81 : i32 to vector<16xi32>
      %and3A_83 = arith.andi %add3A_80, %and3A_82 : vector<16xi32>
      %gather3A_84 = tpu.vector_load_idx %arg10[%add3A_34, %and3A_83] : memref<80x32xf32, #tpu.memory_space<vmem>>[vector<16xi32>, vector<16xi32>], vector<16xf32>,
      %gather3A_85 = tpu.vector_load_idx %arg11[%add3A_34, %and3A_83] : memref<80x32xf32, #tpu.memory_space<vmem>>[vector<16xi32>, vector<16xi32>], vector<16xf32>,
      %sub3A_86 = arith.subf %gather3A_84, %gather3A_85 : vector<16xf32>
      %mul3A_87 = arith.mulf %sub3A_86, %sub3A_86 : vector<16xf32>
      %add3A_88 = arith.addf %add3A_77, %mul3A_87 : vector<16xf32>
      %add3A_89 = arith.constant 5 : i32
      %add3A_90 = vector.broadcast %add3A_89 : i32 to vector<16xi32>
      %add3A_91 = arith.addi %iota3A, %add3A_90 : vector<16xi32>
      %and3A_92 = arith.constant 31 : i32
      %and3A_93 = vector.broadcast %and3A_92 : i32 to vector<16xi32>
      %and3A_94 = arith.andi %add3A_91, %and3A_93 : vector<16xi32>
      %gather3A_95 = tpu.vector_load_idx %arg10[%add3A_34, %and3A_94] : memref<80x32xf32, #tpu.memory_space<vmem>>[vector<16xi32>, vector<16xi32>], vector<16xf32>,
      %gather3A_96 = tpu.vector_load_idx %arg11[%add3A_34, %and3A_94] : memref<80x32xf32, #tpu.memory_space<vmem>>[vector<16xi32>, vector<16xi32>], vector<16xf32>,
      %sub3A_97 = arith.subf %gather3A_95, %gather3A_96 : vector<16xf32>
      %mul3A_98 = arith.mulf %sub3A_97, %sub3A_97 : vector<16xf32>
      %add3A_99 = arith.addf %add3A_88, %mul3A_98 : vector<16xf32>
      %add3A_100 = arith.constant 6 : i32
      %add3A_101 = vector.broadcast %add3A_100 : i32 to vector<16xi32>
      %add3A_102 = arith.addi %iota3A, %add3A_101 : vector<16xi32>
      %and3A_103 = arith.constant 31 : i32
      %and3A_104 = vector.broadcast %and3A_103 : i32 to vector<16xi32>
      %and3A_105 = arith.andi %add3A_102, %and3A_104 : vector<16xi32>
      %gather3A_106 = tpu.vector_load_idx %arg10[%add3A_34, %and3A_105] : memref<80x32xf32, #tpu.memory_space<vmem>>[vector<16xi32>, vector<16xi32>], vector<16xf32>,
      %gather3A_107 = tpu.vector_load_idx %arg11[%add3A_34, %and3A_105] : memref<80x32xf32, #tpu.memory_space<vmem>>[vector<16xi32>, vector<16xi32>], vector<16xf32>,
      %sub3A_108 = arith.subf %gather3A_106, %gather3A_107 : vector<16xf32>
      %mul3A_109 = arith.mulf %sub3A_108, %sub3A_108 : vector<16xf32>
      %add3A_110 = arith.addf %add3A_99, %mul3A_109 : vector<16xf32>
      %add3A_111 = arith.constant 7 : i32
      %add3A_112 = vector.broadcast %add3A_111 : i32 to vector<16xi32>
      %add3A_113 = arith.addi %iota3A, %add3A_112 : vector<16xi32>
      %and3A_114 = arith.constant 31 : i32
      %and3A_115 = vector.broadcast %and3A_114 : i32 to vector<16xi32>
      %and3A_116 = arith.andi %add3A_113, %and3A_115 : vector<16xi32>
      %gather3A_117 = tpu.vector_load_idx %arg10[%add3A_34, %and3A_116] : memref<80x32xf32, #tpu.memory_space<vmem>>[vector<16xi32>, vector<16xi32>], vector<16xf32>,
      %gather3A_118 = tpu.vector_load_idx %arg11[%add3A_34, %and3A_116] : memref<80x32xf32, #tpu.memory_space<vmem>>[vector<16xi32>, vector<16xi32>], vector<16xf32>,
      %sub3A_119 = arith.subf %gather3A_117, %gather3A_118 : vector<16xf32>
      %mul3A_120 = arith.mulf %sub3A_119, %sub3A_119 : vector<16xf32>
      %add3A_121 = arith.addf %add3A_110, %mul3A_120 : vector<16xf32>
      %add3A_122 = arith.constant 8 : i32
      %add3A_123 = vector.broadcast %add3A_122 : i32 to vector<16xi32>
      %add3A_124 = arith.addi %iota3A, %add3A_123 : vector<16xi32>
      %and3A_125 = arith.constant 31 : i32
      %and3A_126 = vector.broadcast %and3A_125 : i32 to vector<16xi32>
      %and3A_127 = arith.andi %add3A_124, %and3A_126 : vector<16xi32>
      %gather3A_128 = tpu.vector_load_idx %arg10[%add3A_34, %and3A_127] : memref<80x32xf32, #tpu.memory_space<vmem>>[vector<16xi32>, vector<16xi32>], vector<16xf32>,
      %gather3A_129 = tpu.vector_load_idx %arg11[%add3A_34, %and3A_127] : memref<80x32xf32, #tpu.memory_space<vmem>>[vector<16xi32>, vector<16xi32>], vector<16xf32>,
      %sub3A_130 = arith.subf %gather3A_128, %gather3A_129 : vector<16xf32>
      %mul3A_131 = arith.mulf %sub3A_130, %sub3A_130 : vector<16xf32>
      %add3A_132 = arith.addf %add3A_121, %mul3A_131 : vector<16xf32>
      %add3A_133 = arith.constant 9 : i32
      %add3A_134 = vector.broadcast %add3A_133 : i32 to vector<16xi32>
      %add3A_135 = arith.addi %iota3A, %add3A_134 : vector<16xi32>
      %and3A_136 = arith.constant 31 : i32
      %and3A_137 = vector.broadcast %and3A_136 : i32 to vector<16xi32>
      %and3A_138 = arith.andi %add3A_135, %and3A_137 : vector<16xi32>
      %gather3A_139 = tpu.vector_load_idx %arg10[%add3A_34, %and3A_138] : memref<80x32xf32, #tpu.memory_space<vmem>>[vector<16xi32>, vector<16xi32>], vector<16xf32>,
      %gather3A_140 = tpu.vector_load_idx %arg11[%add3A_34, %and3A_138] : memref<80x32xf32, #tpu.memory_space<vmem>>[vector<16xi32>, vector<16xi32>], vector<16xf32>,
      %sub3A_141 = arith.subf %gather3A_139, %gather3A_140 : vector<16xf32>
      %mul3A_142 = arith.mulf %sub3A_141, %sub3A_141 : vector<16xf32>
      %add3A_143 = arith.addf %add3A_132, %mul3A_142 : vector<16xf32>
      %add3A_144 = arith.constant 10 : i32
      %add3A_145 = vector.broadcast %add3A_144 : i32 to vector<16xi32>
      %add3A_146 = arith.addi %iota3A, %add3A_145 : vector<16xi32>
      %and3A_147 = arith.constant 31 : i32
      %and3A_148 = vector.broadcast %and3A_147 : i32 to vector<16xi32>
      %and3A_149 = arith.andi %add3A_146, %and3A_148 : vector<16xi32>
      %gather3A_150 = tpu.vector_load_idx %arg10[%add3A_34, %and3A_149] : memref<80x32xf32, #tpu.memory_space<vmem>>[vector<16xi32>, vector<16xi32>], vector<16xf32>,
      %gather3A_151 = tpu.vector_load_idx %arg11[%add3A_34, %and3A_149] : memref<80x32xf32, #tpu.memory_space<vmem>>[vector<16xi32>, vector<16xi32>], vector<16xf32>,
      %sub3A_152 = arith.subf %gather3A_150, %gather3A_151 : vector<16xf32>
      %mul3A_153 = arith.mulf %sub3A_152, %sub3A_152 : vector<16xf32>
      %add3A_154 = arith.addf %add3A_143, %mul3A_153 : vector<16xf32>
      %add3A_155 = arith.constant 11 : i32
      %add3A_156 = vector.broadcast %add3A_155 : i32 to vector<16xi32>
      %add3A_157 = arith.addi %iota3A, %add3A_156 : vector<16xi32>
      %and3A_158 = arith.constant 31 : i32
      %and3A_159 = vector.broadcast %and3A_158 : i32 to vector<16xi32>
      %and3A_160 = arith.andi %add3A_157, %and3A_159 : vector<16xi32>
      %gather3A_161 = tpu.vector_load_idx %arg10[%add3A_34, %and3A_160] : memref<80x32xf32, #tpu.memory_space<vmem>>[vector<16xi32>, vector<16xi32>], vector<16xf32>,
      %gather3A_162 = tpu.vector_load_idx %arg11[%add3A_34, %and3A_160] : memref<80x32xf32, #tpu.memory_space<vmem>>[vector<16xi32>, vector<16xi32>], vector<16xf32>,
      %sub3A_163 = arith.subf %gather3A_161, %gather3A_162 : vector<16xf32>
      %mul3A_164 = arith.mulf %sub3A_163, %sub3A_163 : vector<16xf32>
      %add3A_165 = arith.addf %add3A_154, %mul3A_164 : vector<16xf32>
      %add3A_166 = arith.constant 12 : i32
      %add3A_167 = vector.broadcast %add3A_166 : i32 to vector<16xi32>
      %add3A_168 = arith.addi %iota3A, %add3A_167 : vector<16xi32>
      %and3A_169 = arith.constant 31 : i32
      %and3A_170 = vector.broadcast %and3A_169 : i32 to vector<16xi32>
      %and3A_171 = arith.andi %add3A_168, %and3A_170 : vector<16xi32>
      %gather3A_172 = tpu.vector_load_idx %arg10[%add3A_34, %and3A_171] : memref<80x32xf32, #tpu.memory_space<vmem>>[vector<16xi32>, vector<16xi32>], vector<16xf32>,
      %gather3A_173 = tpu.vector_load_idx %arg11[%add3A_34, %and3A_171] : memref<80x32xf32, #tpu.memory_space<vmem>>[vector<16xi32>, vector<16xi32>], vector<16xf32>,
      %sub3A_174 = arith.subf %gather3A_172, %gather3A_173 : vector<16xf32>
      %mul3A_175 = arith.mulf %sub3A_174, %sub3A_174 : vector<16xf32>
      %add3A_176 = arith.addf %add3A_165, %mul3A_175 : vector<16xf32>
      %add3A_177 = arith.constant 13 : i32
      %add3A_178 = vector.broadcast %add3A_177 : i32 to vector<16xi32>
      %add3A_179 = arith.addi %iota3A, %add3A_178 : vector<16xi32>
      %and3A_180 = arith.constant 31 : i32
      %and3A_181 = vector.broadcast %and3A_180 : i32 to vector<16xi32>
      %and3A_182 = arith.andi %add3A_179, %and3A_181 : vector<16xi32>
      %gather3A_183 = tpu.vector_load_idx %arg10[%add3A_34, %and3A_182] : memref<80x32xf32, #tpu.memory_space<vmem>>[vector<16xi32>, vector<16xi32>], vector<16xf32>,
      %gather3A_184 = tpu.vector_load_idx %arg11[%add3A_34, %and3A_182] : memref<80x32xf32, #tpu.memory_space<vmem>>[vector<16xi32>, vector<16xi32>], vector<16xf32>,
      %sub3A_185 = arith.subf %gather3A_183, %gather3A_184 : vector<16xf32>
      %mul3A_186 = arith.mulf %sub3A_185, %sub3A_185 : vector<16xf32>
      %add3A_187 = arith.addf %add3A_176, %mul3A_186 : vector<16xf32>
      %add3A_188 = arith.constant 14 : i32
      %add3A_189 = vector.broadcast %add3A_188 : i32 to vector<16xi32>
      %add3A_190 = arith.addi %iota3A, %add3A_189 : vector<16xi32>
      %and3A_191 = arith.constant 31 : i32
      %and3A_192 = vector.broadcast %and3A_191 : i32 to vector<16xi32>
      %and3A_193 = arith.andi %add3A_190, %and3A_192 : vector<16xi32>
      %gather3A_194 = tpu.vector_load_idx %arg10[%add3A_34, %and3A_193] : memref<80x32xf32, #tpu.memory_space<vmem>>[vector<16xi32>, vector<16xi32>], vector<16xf32>,
      %gather3A_195 = tpu.vector_load_idx %arg11[%add3A_34, %and3A_193] : memref<80x32xf32, #tpu.memory_space<vmem>>[vector<16xi32>, vector<16xi32>], vector<16xf32>,
      %sub3A_196 = arith.subf %gather3A_194, %gather3A_195 : vector<16xf32>
      %mul3A_197 = arith.mulf %sub3A_196, %sub3A_196 : vector<16xf32>
      %add3A_198 = arith.addf %add3A_187, %mul3A_197 : vector<16xf32>
      %add3A_199 = arith.constant 15 : i32
      %add3A_200 = vector.broadcast %add3A_199 : i32 to vector<16xi32>
      %add3A_201 = arith.addi %iota3A, %add3A_200 : vector<16xi32>
      %and3A_202 = arith.constant 31 : i32
      %and3A_203 = vector.broadcast %and3A_202 : i32 to vector<16xi32>
      %and3A_204 = arith.andi %add3A_201, %and3A_203 : vector<16xi32>
      %gather3A_205 = tpu.vector_load_idx %arg10[%add3A_34, %and3A_204] : memref<80x32xf32, #tpu.memory_space<vmem>>[vector<16xi32>, vector<16xi32>], vector<16xf32>,
      %gather3A_206 = tpu.vector_load_idx %arg11[%add3A_34, %and3A_204] : memref<80x32xf32, #tpu.memory_space<vmem>>[vector<16xi32>, vector<16xi32>], vector<16xf32>,
      %sub3A_207 = arith.subf %gather3A_205, %gather3A_206 : vector<16xf32>
      %mul3A_208 = arith.mulf %sub3A_207, %sub3A_207 : vector<16xf32>
      %add3A_209 = arith.addf %add3A_198, %mul3A_208 : vector<16xf32>
      %add3A_210 = arith.constant 16 : i32
      %add3A_211 = vector.broadcast %add3A_210 : i32 to vector<16xi32>
      %add3A_212 = arith.addi %iota3A, %add3A_211 : vector<16xi32>
      %and3A_213 = arith.constant 31 : i32
      %and3A_214 = vector.broadcast %and3A_213 : i32 to vector<16xi32>
      %and3A_215 = arith.andi %add3A_212, %and3A_214 : vector<16xi32>
      %gather3A_216 = tpu.vector_load_idx %arg10[%add3A_34, %and3A_215] : memref<80x32xf32, #tpu.memory_space<vmem>>[vector<16xi32>, vector<16xi32>], vector<16xf32>,
      %gather3A_217 = tpu.vector_load_idx %arg11[%add3A_34, %and3A_215] : memref<80x32xf32, #tpu.memory_space<vmem>>[vector<16xi32>, vector<16xi32>], vector<16xf32>,
      %sub3A_218 = arith.subf %gather3A_216, %gather3A_217 : vector<16xf32>
      %mul3A_219 = arith.mulf %sub3A_218, %sub3A_218 : vector<16xf32>
      %add3A_220 = arith.addf %add3A_209, %mul3A_219 : vector<16xf32>
      %add3A_221 = arith.constant 17 : i32
      %add3A_222 = vector.broadcast %add3A_221 : i32 to vector<16xi32>
      %add3A_223 = arith.addi %iota3A, %add3A_222 : vector<16xi32>
      %and3A_224 = arith.constant 31 : i32
      %and3A_225 = vector.broadcast %and3A_224 : i32 to vector<16xi32>
      %and3A_226 = arith.andi %add3A_223, %and3A_225 : vector<16xi32>
      %gather3A_227 = tpu.vector_load_idx %arg10[%add3A_34, %and3A_226] : memref<80x32xf32, #tpu.memory_space<vmem>>[vector<16xi32>, vector<16xi32>], vector<16xf32>,
      %gather3A_228 = tpu.vector_load_idx %arg11[%add3A_34, %and3A_226] : memref<80x32xf32, #tpu.memory_space<vmem>>[vector<16xi32>, vector<16xi32>], vector<16xf32>,
      %sub3A_229 = arith.subf %gather3A_227, %gather3A_228 : vector<16xf32>
      %mul3A_230 = arith.mulf %sub3A_229, %sub3A_229 : vector<16xf32>
      %add3A_231 = arith.addf %add3A_220, %mul3A_230 : vector<16xf32>
      %add3A_232 = arith.constant 18 : i32
      %add3A_233 = vector.broadcast %add3A_232 : i32 to vector<16xi32>
      %add3A_234 = arith.addi %iota3A, %add3A_233 : vector<16xi32>
      %and3A_235 = arith.constant 31 : i32
      %and3A_236 = vector.broadcast %and3A_235 : i32 to vector<16xi32>
      %and3A_237 = arith.andi %add3A_234, %and3A_236 : vector<16xi32>
      %gather3A_238 = tpu.vector_load_idx %arg10[%add3A_34, %and3A_237] : memref<80x32xf32, #tpu.memory_space<vmem>>[vector<16xi32>, vector<16xi32>], vector<16xf32>,
      %gather3A_239 = tpu.vector_load_idx %arg11[%add3A_34, %and3A_237] : memref<80x32xf32, #tpu.memory_space<vmem>>[vector<16xi32>, vector<16xi32>], vector<16xf32>,
      %sub3A_240 = arith.subf %gather3A_238, %gather3A_239 : vector<16xf32>
      %mul3A_241 = arith.mulf %sub3A_240, %sub3A_240 : vector<16xf32>
      %add3A_242 = arith.addf %add3A_231, %mul3A_241 : vector<16xf32>
      %add3A_243 = arith.constant 19 : i32
      %add3A_244 = vector.broadcast %add3A_243 : i32 to vector<16xi32>
      %add3A_245 = arith.addi %iota3A, %add3A_244 : vector<16xi32>
      %and3A_246 = arith.constant 31 : i32
      %and3A_247 = vector.broadcast %and3A_246 : i32 to vector<16xi32>
      %and3A_248 = arith.andi %add3A_245, %and3A_247 : vector<16xi32>
      %gather3A_249 = tpu.vector_load_idx %arg10[%add3A_34, %and3A_248] : memref<80x32xf32, #tpu.memory_space<vmem>>[vector<16xi32>, vector<16xi32>], vector<16xf32>,
      %gather3A_250 = tpu.vector_load_idx %arg11[%add3A_34, %and3A_248] : memref<80x32xf32, #tpu.memory_space<vmem>>[vector<16xi32>, vector<16xi32>], vector<16xf32>,
      %sub3A_251 = arith.subf %gather3A_249, %gather3A_250 : vector<16xf32>
      %mul3A_252 = arith.mulf %sub3A_251, %sub3A_251 : vector<16xf32>
      %add3A_253 = arith.addf %add3A_242, %mul3A_252 : vector<16xf32>
      %add3A_254 = arith.constant 20 : i32
      %add3A_255 = vector.broadcast %add3A_254 : i32 to vector<16xi32>
      %add3A_256 = arith.addi %iota3A, %add3A_255 : vector<16xi32>
      %and3A_257 = arith.constant 31 : i32
      %and3A_258 = vector.broadcast %and3A_257 : i32 to vector<16xi32>
      %and3A_259 = arith.andi %add3A_256, %and3A_258 : vector<16xi32>
      %gather3A_260 = tpu.vector_load_idx %arg10[%add3A_34, %and3A_259] : memref<80x32xf32, #tpu.memory_space<vmem>>[vector<16xi32>, vector<16xi32>], vector<16xf32>,
      %gather3A_261 = tpu.vector_load_idx %arg11[%add3A_34, %and3A_259] : memref<80x32xf32, #tpu.memory_space<vmem>>[vector<16xi32>, vector<16xi32>], vector<16xf32>,
      %sub3A_262 = arith.subf %gather3A_260, %gather3A_261 : vector<16xf32>
      %mul3A_263 = arith.mulf %sub3A_262, %sub3A_262 : vector<16xf32>
      %add3A_264 = arith.addf %add3A_253, %mul3A_263 : vector<16xf32>
      %add3A_265 = arith.constant 21 : i32
      %add3A_266 = vector.broadcast %add3A_265 : i32 to vector<16xi32>
      %add3A_267 = arith.addi %iota3A, %add3A_266 : vector<16xi32>
      %and3A_268 = arith.constant 31 : i32
      %and3A_269 = vector.broadcast %and3A_268 : i32 to vector<16xi32>
      %and3A_270 = arith.andi %add3A_267, %and3A_269 : vector<16xi32>
      %gather3A_271 = tpu.vector_load_idx %arg10[%add3A_34, %and3A_270] : memref<80x32xf32, #tpu.memory_space<vmem>>[vector<16xi32>, vector<16xi32>], vector<16xf32>,
      %gather3A_272 = tpu.vector_load_idx %arg11[%add3A_34, %and3A_270] : memref<80x32xf32, #tpu.memory_space<vmem>>[vector<16xi32>, vector<16xi32>], vector<16xf32>,
      %sub3A_273 = arith.subf %gather3A_271, %gather3A_272 : vector<16xf32>
      %mul3A_274 = arith.mulf %sub3A_273, %sub3A_273 : vector<16xf32>
      %add3A_275 = arith.addf %add3A_264, %mul3A_274 : vector<16xf32>
      %add3A_276 = arith.constant 22 : i32
      %add3A_277 = vector.broadcast %add3A_276 : i32 to vector<16xi32>
      %add3A_278 = arith.addi %iota3A, %add3A_277 : vector<16xi32>
      %and3A_279 = arith.constant 31 : i32
      %and3A_280 = vector.broadcast %and3A_279 : i32 to vector<16xi32>
      %and3A_281 = arith.andi %add3A_278, %and3A_280 : vector<16xi32>
      %gather3A_282 = tpu.vector_load_idx %arg10[%add3A_34, %and3A_281] : memref<80x32xf32, #tpu.memory_space<vmem>>[vector<16xi32>, vector<16xi32>], vector<16xf32>,
      %gather3A_283 = tpu.vector_load_idx %arg11[%add3A_34, %and3A_281] : memref<80x32xf32, #tpu.memory_space<vmem>>[vector<16xi32>, vector<16xi32>], vector<16xf32>,
      %sub3A_284 = arith.subf %gather3A_282, %gather3A_283 : vector<16xf32>
      %mul3A_285 = arith.mulf %sub3A_284, %sub3A_284 : vector<16xf32>
      %add3A_286 = arith.addf %add3A_275, %mul3A_285 : vector<16xf32>
      %add3A_287 = arith.constant 23 : i32
      %add3A_288 = vector.broadcast %add3A_287 : i32 to vector<16xi32>
      %add3A_289 = arith.addi %iota3A, %add3A_288 : vector<16xi32>
      %and3A_290 = arith.constant 31 : i32
      %and3A_291 = vector.broadcast %and3A_290 : i32 to vector<16xi32>
      %and3A_292 = arith.andi %add3A_289, %and3A_291 : vector<16xi32>
      %gather3A_293 = tpu.vector_load_idx %arg10[%add3A_34, %and3A_292] : memref<80x32xf32, #tpu.memory_space<vmem>>[vector<16xi32>, vector<16xi32>], vector<16xf32>,
      %gather3A_294 = tpu.vector_load_idx %arg11[%add3A_34, %and3A_292] : memref<80x32xf32, #tpu.memory_space<vmem>>[vector<16xi32>, vector<16xi32>], vector<16xf32>,
      %sub3A_295 = arith.subf %gather3A_293, %gather3A_294 : vector<16xf32>
      %mul3A_296 = arith.mulf %sub3A_295, %sub3A_295 : vector<16xf32>
      %add3A_297 = arith.addf %add3A_286, %mul3A_296 : vector<16xf32>
      %add3A_298 = arith.constant 24 : i32
      %add3A_299 = vector.broadcast %add3A_298 : i32 to vector<16xi32>
      %add3A_300 = arith.addi %iota3A, %add3A_299 : vector<16xi32>
      %and3A_301 = arith.constant 31 : i32
      %and3A_302 = vector.broadcast %and3A_301 : i32 to vector<16xi32>
      %and3A_303 = arith.andi %add3A_300, %and3A_302 : vector<16xi32>
      %gather3A_304 = tpu.vector_load_idx %arg10[%add3A_34, %and3A_303] : memref<80x32xf32, #tpu.memory_space<vmem>>[vector<16xi32>, vector<16xi32>], vector<16xf32>,
      %gather3A_305 = tpu.vector_load_idx %arg11[%add3A_34, %and3A_303] : memref<80x32xf32, #tpu.memory_space<vmem>>[vector<16xi32>, vector<16xi32>], vector<16xf32>,
      %sub3A_306 = arith.subf %gather3A_304, %gather3A_305 : vector<16xf32>
      %mul3A_307 = arith.mulf %sub3A_306, %sub3A_306 : vector<16xf32>
      %add3A_308 = arith.addf %add3A_297, %mul3A_307 : vector<16xf32>
      %add3A_309 = arith.constant 25 : i32
      %add3A_310 = vector.broadcast %add3A_309 : i32 to vector<16xi32>
      %add3A_311 = arith.addi %iota3A, %add3A_310 : vector<16xi32>
      %and3A_312 = arith.constant 31 : i32
      %and3A_313 = vector.broadcast %and3A_312 : i32 to vector<16xi32>
      %and3A_314 = arith.andi %add3A_311, %and3A_313 : vector<16xi32>
      %gather3A_315 = tpu.vector_load_idx %arg10[%add3A_34, %and3A_314] : memref<80x32xf32, #tpu.memory_space<vmem>>[vector<16xi32>, vector<16xi32>], vector<16xf32>,
      %gather3A_316 = tpu.vector_load_idx %arg11[%add3A_34, %and3A_314] : memref<80x32xf32, #tpu.memory_space<vmem>>[vector<16xi32>, vector<16xi32>], vector<16xf32>,
      %sub3A_317 = arith.subf %gather3A_315, %gather3A_316 : vector<16xf32>
      %mul3A_318 = arith.mulf %sub3A_317, %sub3A_317 : vector<16xf32>
      %add3A_319 = arith.addf %add3A_308, %mul3A_318 : vector<16xf32>
      %add3A_320 = arith.constant 26 : i32
      %add3A_321 = vector.broadcast %add3A_320 : i32 to vector<16xi32>
      %add3A_322 = arith.addi %iota3A, %add3A_321 : vector<16xi32>
      %and3A_323 = arith.constant 31 : i32
      %and3A_324 = vector.broadcast %and3A_323 : i32 to vector<16xi32>
      %and3A_325 = arith.andi %add3A_322, %and3A_324 : vector<16xi32>
      %gather3A_326 = tpu.vector_load_idx %arg10[%add3A_34, %and3A_325] : memref<80x32xf32, #tpu.memory_space<vmem>>[vector<16xi32>, vector<16xi32>], vector<16xf32>,
      %gather3A_327 = tpu.vector_load_idx %arg11[%add3A_34, %and3A_325] : memref<80x32xf32, #tpu.memory_space<vmem>>[vector<16xi32>, vector<16xi32>], vector<16xf32>,
      %sub3A_328 = arith.subf %gather3A_326, %gather3A_327 : vector<16xf32>
      %mul3A_329 = arith.mulf %sub3A_328, %sub3A_328 : vector<16xf32>
      %add3A_330 = arith.addf %add3A_319, %mul3A_329 : vector<16xf32>
      %add3A_331 = arith.constant 27 : i32
      %add3A_332 = vector.broadcast %add3A_331 : i32 to vector<16xi32>
      %add3A_333 = arith.addi %iota3A, %add3A_332 : vector<16xi32>
      %and3A_334 = arith.constant 31 : i32
      %and3A_335 = vector.broadcast %and3A_334 : i32 to vector<16xi32>
      %and3A_336 = arith.andi %add3A_333, %and3A_335 : vector<16xi32>
      %gather3A_337 = tpu.vector_load_idx %arg10[%add3A_34, %and3A_336] : memref<80x32xf32, #tpu.memory_space<vmem>>[vector<16xi32>, vector<16xi32>], vector<16xf32>,
      %gather3A_338 = tpu.vector_load_idx %arg11[%add3A_34, %and3A_336] : memref<80x32xf32, #tpu.memory_space<vmem>>[vector<16xi32>, vector<16xi32>], vector<16xf32>,
      %sub3A_339 = arith.subf %gather3A_337, %gather3A_338 : vector<16xf32>
      %mul3A_340 = arith.mulf %sub3A_339, %sub3A_339 : vector<16xf32>
      %add3A_341 = arith.addf %add3A_330, %mul3A_340 : vector<16xf32>
      %add3A_342 = arith.constant 28 : i32
      %add3A_343 = vector.broadcast %add3A_342 : i32 to vector<16xi32>
      %add3A_344 = arith.addi %iota3A, %add3A_343 : vector<16xi32>
      %and3A_345 = arith.constant 31 : i32
      %and3A_346 = vector.broadcast %and3A_345 : i32 to vector<16xi32>
      %and3A_347 = arith.andi %add3A_344, %and3A_346 : vector<16xi32>
      %gather3A_348 = tpu.vector_load_idx %arg10[%add3A_34, %and3A_347] : memref<80x32xf32, #tpu.memory_space<vmem>>[vector<16xi32>, vector<16xi32>], vector<16xf32>,
      %gather3A_349 = tpu.vector_load_idx %arg11[%add3A_34, %and3A_347] : memref<80x32xf32, #tpu.memory_space<vmem>>[vector<16xi32>, vector<16xi32>], vector<16xf32>,
      %sub3A_350 = arith.subf %gather3A_348, %gather3A_349 : vector<16xf32>
      %mul3A_351 = arith.mulf %sub3A_350, %sub3A_350 : vector<16xf32>
      %add3A_352 = arith.addf %add3A_341, %mul3A_351 : vector<16xf32>
      %add3A_353 = arith.constant 29 : i32
      %add3A_354 = vector.broadcast %add3A_353 : i32 to vector<16xi32>
      %add3A_355 = arith.addi %iota3A, %add3A_354 : vector<16xi32>
      %and3A_356 = arith.constant 31 : i32
      %and3A_357 = vector.broadcast %and3A_356 : i32 to vector<16xi32>
      %and3A_358 = arith.andi %add3A_355, %and3A_357 : vector<16xi32>
      %gather3A_359 = tpu.vector_load_idx %arg10[%add3A_34, %and3A_358] : memref<80x32xf32, #tpu.memory_space<vmem>>[vector<16xi32>, vector<16xi32>], vector<16xf32>,
      %gather3A_360 = tpu.vector_load_idx %arg11[%add3A_34, %and3A_358] : memref<80x32xf32, #tpu.memory_space<vmem>>[vector<16xi32>, vector<16xi32>], vector<16xf32>,
      %sub3A_361 = arith.subf %gather3A_359, %gather3A_360 : vector<16xf32>
      %mul3A_362 = arith.mulf %sub3A_361, %sub3A_361 : vector<16xf32>
      %add3A_363 = arith.addf %add3A_352, %mul3A_362 : vector<16xf32>
      %add3A_364 = arith.constant 30 : i32
      %add3A_365 = vector.broadcast %add3A_364 : i32 to vector<16xi32>
      %add3A_366 = arith.addi %iota3A, %add3A_365 : vector<16xi32>
      %and3A_367 = arith.constant 31 : i32
      %and3A_368 = vector.broadcast %and3A_367 : i32 to vector<16xi32>
      %and3A_369 = arith.andi %add3A_366, %and3A_368 : vector<16xi32>
      %gather3A_370 = tpu.vector_load_idx %arg10[%add3A_34, %and3A_369] : memref<80x32xf32, #tpu.memory_space<vmem>>[vector<16xi32>, vector<16xi32>], vector<16xf32>,
      %gather3A_371 = tpu.vector_load_idx %arg11[%add3A_34, %and3A_369] : memref<80x32xf32, #tpu.memory_space<vmem>>[vector<16xi32>, vector<16xi32>], vector<16xf32>,
      %sub3A_372 = arith.subf %gather3A_370, %gather3A_371 : vector<16xf32>
      %mul3A_373 = arith.mulf %sub3A_372, %sub3A_372 : vector<16xf32>
      %add3A_374 = arith.addf %add3A_363, %mul3A_373 : vector<16xf32>
      %add3A_375 = arith.constant 31 : i32
      %add3A_376 = vector.broadcast %add3A_375 : i32 to vector<16xi32>
      %add3A_377 = arith.addi %iota3A, %add3A_376 : vector<16xi32>
      %and3A_378 = arith.constant 31 : i32
      %and3A_379 = vector.broadcast %and3A_378 : i32 to vector<16xi32>
      %and3A_380 = arith.andi %add3A_377, %and3A_379 : vector<16xi32>
      %gather3A_381 = tpu.vector_load_idx %arg10[%add3A_34, %and3A_380] : memref<80x32xf32, #tpu.memory_space<vmem>>[vector<16xi32>, vector<16xi32>], vector<16xf32>,
      %gather3A_382 = tpu.vector_load_idx %arg11[%add3A_34, %and3A_380] : memref<80x32xf32, #tpu.memory_space<vmem>>[vector<16xi32>, vector<16xi32>], vector<16xf32>,
      %sub3A_383 = arith.subf %gather3A_381, %gather3A_382 : vector<16xf32>
      %mul3A_384 = arith.mulf %sub3A_383, %sub3A_383 : vector<16xf32>
      %add3A_385 = arith.addf %add3A_374, %mul3A_384 : vector<16xf32>
      %add3A_386 = arith.constant 9.99999996E-13 : f32
      %add3A_387 = vector.broadcast %add3A_386 : f32 to vector<16xf32>
      %add3A_388 = arith.addf %add3A_385, %add3A_387 : vector<16xf32>
      %bitcast3A = vector.bitcast %add3A_388 : vector<16xf32> to vector<16xi32>
      %shift_right_arithmetic3A = arith.constant 1 : i32
      %shift_right_arithmetic3A_389 = vector.broadcast %shift_right_arithmetic3A : i32 to vector<16xi32>
      %shift_right_arithmetic3A_390 = arith.shrsi %bitcast3A, %shift_right_arithmetic3A_389 : vector<16xi32>
      %sub3A_391 = arith.constant 1597463007 : i32
      %sub3A_392 = vector.broadcast %sub3A_391 : i32 to vector<16xi32>
      %sub3A_393 = arith.subi %sub3A_392, %shift_right_arithmetic3A_390 : vector<16xi32>
      %bitcast3A_394 = vector.bitcast %sub3A_393 : vector<16xi32> to vector<16xf32>
      %mul3A_395 = arith.constant 5.000000e-01 : f32
      %mul3A_396 = vector.broadcast %mul3A_395 : f32 to vector<16xf32>
      %mul3A_397 = arith.mulf %mul3A_396, %add3A_388 : vector<16xf32>
      %mul3A_398 = arith.mulf %mul3A_397, %bitcast3A_394 : vector<16xf32>
      %mul3A_399 = arith.mulf %mul3A_398, %bitcast3A_394 : vector<16xf32>
      %sub3A_400 = arith.constant 1.500000e+00 : f32
      %sub3A_401 = vector.broadcast %sub3A_400 : f32 to vector<16xf32>
      %sub3A_402 = arith.subf %sub3A_401, %mul3A_399 : vector<16xf32>
      %mul3A_403 = arith.mulf %bitcast3A_394, %sub3A_402 : vector<16xf32>
      %mul3A_404 = arith.constant 5.000000e-01 : f32
      %mul3A_405 = vector.broadcast %mul3A_404 : f32 to vector<16xf32>
      %mul3A_406 = arith.mulf %mul3A_405, %add3A_388 : vector<16xf32>
      %mul3A_407 = arith.mulf %mul3A_406, %mul3A_403 : vector<16xf32>
      %mul3A_408 = arith.mulf %mul3A_407, %mul3A_403 : vector<16xf32>
      %sub3A_409 = arith.constant 1.500000e+00 : f32
      %sub3A_410 = vector.broadcast %sub3A_409 : f32 to vector<16xf32>
      %sub3A_411 = arith.subf %sub3A_410, %mul3A_408 : vector<16xf32>
      %mul3A_412 = arith.mulf %mul3A_403, %sub3A_411 : vector<16xf32>
      %mul3A_413 = arith.constant 5.000000e-01 : f32
      %mul3A_414 = vector.broadcast %mul3A_413 : f32 to vector<16xf32>
      %mul3A_415 = arith.mulf %mul3A_414, %add3A_388 : vector<16xf32>
      %mul3A_416 = arith.mulf %mul3A_415, %mul3A_412 : vector<16xf32>
      %mul3A_417 = arith.mulf %mul3A_416, %mul3A_412 : vector<16xf32>
      %sub3A_418 = arith.constant 1.500000e+00 : f32
      %sub3A_419 = vector.broadcast %sub3A_418 : f32 to vector<16xf32>
      %sub3A_420 = arith.subf %sub3A_419, %mul3A_417 : vector<16xf32>
      %mul3A_421 = arith.mulf %mul3A_412, %sub3A_420 : vector<16xf32>
      %mul3A_422 = arith.mulf %add3A_388, %mul3A_421 : vector<16xf32>
      %get3A = arith.index_cast %scan3A_8 : i32 to index
      %get3A_423 = arith.constant 0 : index
      %get3A_424 = tpu.vector_load %arg9[%get3A, %get3A_423] {strides = array<i32>} : memref<125x80xf32, #tpu.memory_space<vmem>>, vector<16xf32>,
      %mul3A_425 = arith.mulf %mul3A_422, %get3A_424 : vector<16xf32>
      %add3A_426 = arith.addf %scan3A_9, %mul3A_425 : vector<16xf32>
      %add3A_427 = arith.constant 16 : i32
      %add3A_428 = vector.broadcast %add3A_427 : i32 to vector<16xi32>
      %add3A_429 = arith.addi %iota3A, %add3A_428 : vector<16xi32>
      %broadcast_in_dim3A_430 = arith.constant 0.000000e+00 : f32
      %broadcast_in_dim3A_431 = vector.broadcast %broadcast_in_dim3A_430 : f32 to vector<16xf32>
      %add3A_432 = arith.constant 0 : i32
      %add3A_433 = vector.broadcast %add3A_432 : i32 to vector<16xi32>
      %add3A_434 = arith.addi %iota3A, %add3A_433 : vector<16xi32>
      %and3A_435 = arith.constant 31 : i32
      %and3A_436 = vector.broadcast %and3A_435 : i32 to vector<16xi32>
      %and3A_437 = arith.andi %add3A_434, %and3A_436 : vector<16xi32>
      %gather3A_438 = tpu.vector_load_idx %arg10[%add3A_429, %and3A_437] : memref<80x32xf32, #tpu.memory_space<vmem>>[vector<16xi32>, vector<16xi32>], vector<16xf32>,
      %gather3A_439 = tpu.vector_load_idx %arg11[%add3A_429, %and3A_437] : memref<80x32xf32, #tpu.memory_space<vmem>>[vector<16xi32>, vector<16xi32>], vector<16xf32>,
      %sub3A_440 = arith.subf %gather3A_438, %gather3A_439 : vector<16xf32>
      %mul3A_441 = arith.mulf %sub3A_440, %sub3A_440 : vector<16xf32>
      %add3A_442 = arith.addf %broadcast_in_dim3A_431, %mul3A_441 : vector<16xf32>
      %add3A_443 = arith.constant 1 : i32
      %add3A_444 = vector.broadcast %add3A_443 : i32 to vector<16xi32>
      %add3A_445 = arith.addi %iota3A, %add3A_444 : vector<16xi32>
      %and3A_446 = arith.constant 31 : i32
      %and3A_447 = vector.broadcast %and3A_446 : i32 to vector<16xi32>
      %and3A_448 = arith.andi %add3A_445, %and3A_447 : vector<16xi32>
      %gather3A_449 = tpu.vector_load_idx %arg10[%add3A_429, %and3A_448] : memref<80x32xf32, #tpu.memory_space<vmem>>[vector<16xi32>, vector<16xi32>], vector<16xf32>,
      %gather3A_450 = tpu.vector_load_idx %arg11[%add3A_429, %and3A_448] : memref<80x32xf32, #tpu.memory_space<vmem>>[vector<16xi32>, vector<16xi32>], vector<16xf32>,
      %sub3A_451 = arith.subf %gather3A_449, %gather3A_450 : vector<16xf32>
      %mul3A_452 = arith.mulf %sub3A_451, %sub3A_451 : vector<16xf32>
      %add3A_453 = arith.addf %add3A_442, %mul3A_452 : vector<16xf32>
      %add3A_454 = arith.constant 2 : i32
      %add3A_455 = vector.broadcast %add3A_454 : i32 to vector<16xi32>
      %add3A_456 = arith.addi %iota3A, %add3A_455 : vector<16xi32>
      %and3A_457 = arith.constant 31 : i32
      %and3A_458 = vector.broadcast %and3A_457 : i32 to vector<16xi32>
      %and3A_459 = arith.andi %add3A_456, %and3A_458 : vector<16xi32>
      %gather3A_460 = tpu.vector_load_idx %arg10[%add3A_429, %and3A_459] : memref<80x32xf32, #tpu.memory_space<vmem>>[vector<16xi32>, vector<16xi32>], vector<16xf32>,
      %gather3A_461 = tpu.vector_load_idx %arg11[%add3A_429, %and3A_459] : memref<80x32xf32, #tpu.memory_space<vmem>>[vector<16xi32>, vector<16xi32>], vector<16xf32>,
      %sub3A_462 = arith.subf %gather3A_460, %gather3A_461 : vector<16xf32>
      %mul3A_463 = arith.mulf %sub3A_462, %sub3A_462 : vector<16xf32>
      %add3A_464 = arith.addf %add3A_453, %mul3A_463 : vector<16xf32>
      %add3A_465 = arith.constant 3 : i32
      %add3A_466 = vector.broadcast %add3A_465 : i32 to vector<16xi32>
      %add3A_467 = arith.addi %iota3A, %add3A_466 : vector<16xi32>
      %and3A_468 = arith.constant 31 : i32
      %and3A_469 = vector.broadcast %and3A_468 : i32 to vector<16xi32>
      %and3A_470 = arith.andi %add3A_467, %and3A_469 : vector<16xi32>
      %gather3A_471 = tpu.vector_load_idx %arg10[%add3A_429, %and3A_470] : memref<80x32xf32, #tpu.memory_space<vmem>>[vector<16xi32>, vector<16xi32>], vector<16xf32>,
      %gather3A_472 = tpu.vector_load_idx %arg11[%add3A_429, %and3A_470] : memref<80x32xf32, #tpu.memory_space<vmem>>[vector<16xi32>, vector<16xi32>], vector<16xf32>,
      %sub3A_473 = arith.subf %gather3A_471, %gather3A_472 : vector<16xf32>
      %mul3A_474 = arith.mulf %sub3A_473, %sub3A_473 : vector<16xf32>
      %add3A_475 = arith.addf %add3A_464, %mul3A_474 : vector<16xf32>
      %add3A_476 = arith.constant 4 : i32
      %add3A_477 = vector.broadcast %add3A_476 : i32 to vector<16xi32>
      %add3A_478 = arith.addi %iota3A, %add3A_477 : vector<16xi32>
      %and3A_479 = arith.constant 31 : i32
      %and3A_480 = vector.broadcast %and3A_479 : i32 to vector<16xi32>
      %and3A_481 = arith.andi %add3A_478, %and3A_480 : vector<16xi32>
      %gather3A_482 = tpu.vector_load_idx %arg10[%add3A_429, %and3A_481] : memref<80x32xf32, #tpu.memory_space<vmem>>[vector<16xi32>, vector<16xi32>], vector<16xf32>,
      %gather3A_483 = tpu.vector_load_idx %arg11[%add3A_429, %and3A_481] : memref<80x32xf32, #tpu.memory_space<vmem>>[vector<16xi32>, vector<16xi32>], vector<16xf32>,
      %sub3A_484 = arith.subf %gather3A_482, %gather3A_483 : vector<16xf32>
      %mul3A_485 = arith.mulf %sub3A_484, %sub3A_484 : vector<16xf32>
      %add3A_486 = arith.addf %add3A_475, %mul3A_485 : vector<16xf32>
      %add3A_487 = arith.constant 5 : i32
      %add3A_488 = vector.broadcast %add3A_487 : i32 to vector<16xi32>
      %add3A_489 = arith.addi %iota3A, %add3A_488 : vector<16xi32>
      %and3A_490 = arith.constant 31 : i32
      %and3A_491 = vector.broadcast %and3A_490 : i32 to vector<16xi32>
      %and3A_492 = arith.andi %add3A_489, %and3A_491 : vector<16xi32>
      %gather3A_493 = tpu.vector_load_idx %arg10[%add3A_429, %and3A_492] : memref<80x32xf32, #tpu.memory_space<vmem>>[vector<16xi32>, vector<16xi32>], vector<16xf32>,
      %gather3A_494 = tpu.vector_load_idx %arg11[%add3A_429, %and3A_492] : memref<80x32xf32, #tpu.memory_space<vmem>>[vector<16xi32>, vector<16xi32>], vector<16xf32>,
      %sub3A_495 = arith.subf %gather3A_493, %gather3A_494 : vector<16xf32>
      %mul3A_496 = arith.mulf %sub3A_495, %sub3A_495 : vector<16xf32>
      %add3A_497 = arith.addf %add3A_486, %mul3A_496 : vector<16xf32>
      %add3A_498 = arith.constant 6 : i32
      %add3A_499 = vector.broadcast %add3A_498 : i32 to vector<16xi32>
      %add3A_500 = arith.addi %iota3A, %add3A_499 : vector<16xi32>
      %and3A_501 = arith.constant 31 : i32
      %and3A_502 = vector.broadcast %and3A_501 : i32 to vector<16xi32>
      %and3A_503 = arith.andi %add3A_500, %and3A_502 : vector<16xi32>
      %gather3A_504 = tpu.vector_load_idx %arg10[%add3A_429, %and3A_503] : memref<80x32xf32, #tpu.memory_space<vmem>>[vector<16xi32>, vector<16xi32>], vector<16xf32>,
      %gather3A_505 = tpu.vector_load_idx %arg11[%add3A_429, %and3A_503] : memref<80x32xf32, #tpu.memory_space<vmem>>[vector<16xi32>, vector<16xi32>], vector<16xf32>,
      %sub3A_506 = arith.subf %gather3A_504, %gather3A_505 : vector<16xf32>
      %mul3A_507 = arith.mulf %sub3A_506, %sub3A_506 : vector<16xf32>
      %add3A_508 = arith.addf %add3A_497, %mul3A_507 : vector<16xf32>
      %add3A_509 = arith.constant 7 : i32
      %add3A_510 = vector.broadcast %add3A_509 : i32 to vector<16xi32>
      %add3A_511 = arith.addi %iota3A, %add3A_510 : vector<16xi32>
      %and3A_512 = arith.constant 31 : i32
      %and3A_513 = vector.broadcast %and3A_512 : i32 to vector<16xi32>
      %and3A_514 = arith.andi %add3A_511, %and3A_513 : vector<16xi32>
      %gather3A_515 = tpu.vector_load_idx %arg10[%add3A_429, %and3A_514] : memref<80x32xf32, #tpu.memory_space<vmem>>[vector<16xi32>, vector<16xi32>], vector<16xf32>,
      %gather3A_516 = tpu.vector_load_idx %arg11[%add3A_429, %and3A_514] : memref<80x32xf32, #tpu.memory_space<vmem>>[vector<16xi32>, vector<16xi32>], vector<16xf32>,
      %sub3A_517 = arith.subf %gather3A_515, %gather3A_516 : vector<16xf32>
      %mul3A_518 = arith.mulf %sub3A_517, %sub3A_517 : vector<16xf32>
      %add3A_519 = arith.addf %add3A_508, %mul3A_518 : vector<16xf32>
      %add3A_520 = arith.constant 8 : i32
      %add3A_521 = vector.broadcast %add3A_520 : i32 to vector<16xi32>
      %add3A_522 = arith.addi %iota3A, %add3A_521 : vector<16xi32>
      %and3A_523 = arith.constant 31 : i32
      %and3A_524 = vector.broadcast %and3A_523 : i32 to vector<16xi32>
      %and3A_525 = arith.andi %add3A_522, %and3A_524 : vector<16xi32>
      %gather3A_526 = tpu.vector_load_idx %arg10[%add3A_429, %and3A_525] : memref<80x32xf32, #tpu.memory_space<vmem>>[vector<16xi32>, vector<16xi32>], vector<16xf32>,
      %gather3A_527 = tpu.vector_load_idx %arg11[%add3A_429, %and3A_525] : memref<80x32xf32, #tpu.memory_space<vmem>>[vector<16xi32>, vector<16xi32>], vector<16xf32>,
      %sub3A_528 = arith.subf %gather3A_526, %gather3A_527 : vector<16xf32>
      %mul3A_529 = arith.mulf %sub3A_528, %sub3A_528 : vector<16xf32>
      %add3A_530 = arith.addf %add3A_519, %mul3A_529 : vector<16xf32>
      %add3A_531 = arith.constant 9 : i32
      %add3A_532 = vector.broadcast %add3A_531 : i32 to vector<16xi32>
      %add3A_533 = arith.addi %iota3A, %add3A_532 : vector<16xi32>
      %and3A_534 = arith.constant 31 : i32
      %and3A_535 = vector.broadcast %and3A_534 : i32 to vector<16xi32>
      %and3A_536 = arith.andi %add3A_533, %and3A_535 : vector<16xi32>
      %gather3A_537 = tpu.vector_load_idx %arg10[%add3A_429, %and3A_536] : memref<80x32xf32, #tpu.memory_space<vmem>>[vector<16xi32>, vector<16xi32>], vector<16xf32>,
      %gather3A_538 = tpu.vector_load_idx %arg11[%add3A_429, %and3A_536] : memref<80x32xf32, #tpu.memory_space<vmem>>[vector<16xi32>, vector<16xi32>], vector<16xf32>,
      %sub3A_539 = arith.subf %gather3A_537, %gather3A_538 : vector<16xf32>
      %mul3A_540 = arith.mulf %sub3A_539, %sub3A_539 : vector<16xf32>
      %add3A_541 = arith.addf %add3A_530, %mul3A_540 : vector<16xf32>
      %add3A_542 = arith.constant 10 : i32
      %add3A_543 = vector.broadcast %add3A_542 : i32 to vector<16xi32>
      %add3A_544 = arith.addi %iota3A, %add3A_543 : vector<16xi32>
      %and3A_545 = arith.constant 31 : i32
      %and3A_546 = vector.broadcast %and3A_545 : i32 to vector<16xi32>
      %and3A_547 = arith.andi %add3A_544, %and3A_546 : vector<16xi32>
      %gather3A_548 = tpu.vector_load_idx %arg10[%add3A_429, %and3A_547] : memref<80x32xf32, #tpu.memory_space<vmem>>[vector<16xi32>, vector<16xi32>], vector<16xf32>,
      %gather3A_549 = tpu.vector_load_idx %arg11[%add3A_429, %and3A_547] : memref<80x32xf32, #tpu.memory_space<vmem>>[vector<16xi32>, vector<16xi32>], vector<16xf32>,
      %sub3A_550 = arith.subf %gather3A_548, %gather3A_549 : vector<16xf32>
      %mul3A_551 = arith.mulf %sub3A_550, %sub3A_550 : vector<16xf32>
      %add3A_552 = arith.addf %add3A_541, %mul3A_551 : vector<16xf32>
      %add3A_553 = arith.constant 11 : i32
      %add3A_554 = vector.broadcast %add3A_553 : i32 to vector<16xi32>
      %add3A_555 = arith.addi %iota3A, %add3A_554 : vector<16xi32>
      %and3A_556 = arith.constant 31 : i32
      %and3A_557 = vector.broadcast %and3A_556 : i32 to vector<16xi32>
      %and3A_558 = arith.andi %add3A_555, %and3A_557 : vector<16xi32>
      %gather3A_559 = tpu.vector_load_idx %arg10[%add3A_429, %and3A_558] : memref<80x32xf32, #tpu.memory_space<vmem>>[vector<16xi32>, vector<16xi32>], vector<16xf32>,
      %gather3A_560 = tpu.vector_load_idx %arg11[%add3A_429, %and3A_558] : memref<80x32xf32, #tpu.memory_space<vmem>>[vector<16xi32>, vector<16xi32>], vector<16xf32>,
      %sub3A_561 = arith.subf %gather3A_559, %gather3A_560 : vector<16xf32>
      %mul3A_562 = arith.mulf %sub3A_561, %sub3A_561 : vector<16xf32>
      %add3A_563 = arith.addf %add3A_552, %mul3A_562 : vector<16xf32>
      %add3A_564 = arith.constant 12 : i32
      %add3A_565 = vector.broadcast %add3A_564 : i32 to vector<16xi32>
      %add3A_566 = arith.addi %iota3A, %add3A_565 : vector<16xi32>
      %and3A_567 = arith.constant 31 : i32
      %and3A_568 = vector.broadcast %and3A_567 : i32 to vector<16xi32>
      %and3A_569 = arith.andi %add3A_566, %and3A_568 : vector<16xi32>
      %gather3A_570 = tpu.vector_load_idx %arg10[%add3A_429, %and3A_569] : memref<80x32xf32, #tpu.memory_space<vmem>>[vector<16xi32>, vector<16xi32>], vector<16xf32>,
      %gather3A_571 = tpu.vector_load_idx %arg11[%add3A_429, %and3A_569] : memref<80x32xf32, #tpu.memory_space<vmem>>[vector<16xi32>, vector<16xi32>], vector<16xf32>,
      %sub3A_572 = arith.subf %gather3A_570, %gather3A_571 : vector<16xf32>
      %mul3A_573 = arith.mulf %sub3A_572, %sub3A_572 : vector<16xf32>
      %add3A_574 = arith.addf %add3A_563, %mul3A_573 : vector<16xf32>
      %add3A_575 = arith.constant 13 : i32
      %add3A_576 = vector.broadcast %add3A_575 : i32 to vector<16xi32>
      %add3A_577 = arith.addi %iota3A, %add3A_576 : vector<16xi32>
      %and3A_578 = arith.constant 31 : i32
      %and3A_579 = vector.broadcast %and3A_578 : i32 to vector<16xi32>
      %and3A_580 = arith.andi %add3A_577, %and3A_579 : vector<16xi32>
      %gather3A_581 = tpu.vector_load_idx %arg10[%add3A_429, %and3A_580] : memref<80x32xf32, #tpu.memory_space<vmem>>[vector<16xi32>, vector<16xi32>], vector<16xf32>,
      %gather3A_582 = tpu.vector_load_idx %arg11[%add3A_429, %and3A_580] : memref<80x32xf32, #tpu.memory_space<vmem>>[vector<16xi32>, vector<16xi32>], vector<16xf32>,
      %sub3A_583 = arith.subf %gather3A_581, %gather3A_582 : vector<16xf32>
      %mul3A_584 = arith.mulf %sub3A_583, %sub3A_583 : vector<16xf32>
      %add3A_585 = arith.addf %add3A_574, %mul3A_584 : vector<16xf32>
      %add3A_586 = arith.constant 14 : i32
      %add3A_587 = vector.broadcast %add3A_586 : i32 to vector<16xi32>
      %add3A_588 = arith.addi %iota3A, %add3A_587 : vector<16xi32>
      %and3A_589 = arith.constant 31 : i32
      %and3A_590 = vector.broadcast %and3A_589 : i32 to vector<16xi32>
      %and3A_591 = arith.andi %add3A_588, %and3A_590 : vector<16xi32>
      %gather3A_592 = tpu.vector_load_idx %arg10[%add3A_429, %and3A_591] : memref<80x32xf32, #tpu.memory_space<vmem>>[vector<16xi32>, vector<16xi32>], vector<16xf32>,
      %gather3A_593 = tpu.vector_load_idx %arg11[%add3A_429, %and3A_591] : memref<80x32xf32, #tpu.memory_space<vmem>>[vector<16xi32>, vector<16xi32>], vector<16xf32>,
      %sub3A_594 = arith.subf %gather3A_592, %gather3A_593 : vector<16xf32>
      %mul3A_595 = arith.mulf %sub3A_594, %sub3A_594 : vector<16xf32>
      %add3A_596 = arith.addf %add3A_585, %mul3A_595 : vector<16xf32>
      %add3A_597 = arith.constant 15 : i32
      %add3A_598 = vector.broadcast %add3A_597 : i32 to vector<16xi32>
      %add3A_599 = arith.addi %iota3A, %add3A_598 : vector<16xi32>
      %and3A_600 = arith.constant 31 : i32
      %and3A_601 = vector.broadcast %and3A_600 : i32 to vector<16xi32>
      %and3A_602 = arith.andi %add3A_599, %and3A_601 : vector<16xi32>
      %gather3A_603 = tpu.vector_load_idx %arg10[%add3A_429, %and3A_602] : memref<80x32xf32, #tpu.memory_space<vmem>>[vector<16xi32>, vector<16xi32>], vector<16xf32>,
      %gather3A_604 = tpu.vector_load_idx %arg11[%add3A_429, %and3A_602] : memref<80x32xf32, #tpu.memory_space<vmem>>[vector<16xi32>, vector<16xi32>], vector<16xf32>,
      %sub3A_605 = arith.subf %gather3A_603, %gather3A_604 : vector<16xf32>
      %mul3A_606 = arith.mulf %sub3A_605, %sub3A_605 : vector<16xf32>
      %add3A_607 = arith.addf %add3A_596, %mul3A_606 : vector<16xf32>
      %add3A_608 = arith.constant 16 : i32
      %add3A_609 = vector.broadcast %add3A_608 : i32 to vector<16xi32>
      %add3A_610 = arith.addi %iota3A, %add3A_609 : vector<16xi32>
      %and3A_611 = arith.constant 31 : i32
      %and3A_612 = vector.broadcast %and3A_611 : i32 to vector<16xi32>
      %and3A_613 = arith.andi %add3A_610, %and3A_612 : vector<16xi32>
      %gather3A_614 = tpu.vector_load_idx %arg10[%add3A_429, %and3A_613] : memref<80x32xf32, #tpu.memory_space<vmem>>[vector<16xi32>, vector<16xi32>], vector<16xf32>,
      %gather3A_615 = tpu.vector_load_idx %arg11[%add3A_429, %and3A_613] : memref<80x32xf32, #tpu.memory_space<vmem>>[vector<16xi32>, vector<16xi32>], vector<16xf32>,
      %sub3A_616 = arith.subf %gather3A_614, %gather3A_615 : vector<16xf32>
      %mul3A_617 = arith.mulf %sub3A_616, %sub3A_616 : vector<16xf32>
      %add3A_618 = arith.addf %add3A_607, %mul3A_617 : vector<16xf32>
      %add3A_619 = arith.constant 17 : i32
      %add3A_620 = vector.broadcast %add3A_619 : i32 to vector<16xi32>
      %add3A_621 = arith.addi %iota3A, %add3A_620 : vector<16xi32>
      %and3A_622 = arith.constant 31 : i32
      %and3A_623 = vector.broadcast %and3A_622 : i32 to vector<16xi32>
      %and3A_624 = arith.andi %add3A_621, %and3A_623 : vector<16xi32>
      %gather3A_625 = tpu.vector_load_idx %arg10[%add3A_429, %and3A_624] : memref<80x32xf32, #tpu.memory_space<vmem>>[vector<16xi32>, vector<16xi32>], vector<16xf32>,
      %gather3A_626 = tpu.vector_load_idx %arg11[%add3A_429, %and3A_624] : memref<80x32xf32, #tpu.memory_space<vmem>>[vector<16xi32>, vector<16xi32>], vector<16xf32>,
      %sub3A_627 = arith.subf %gather3A_625, %gather3A_626 : vector<16xf32>
      %mul3A_628 = arith.mulf %sub3A_627, %sub3A_627 : vector<16xf32>
      %add3A_629 = arith.addf %add3A_618, %mul3A_628 : vector<16xf32>
      %add3A_630 = arith.constant 18 : i32
      %add3A_631 = vector.broadcast %add3A_630 : i32 to vector<16xi32>
      %add3A_632 = arith.addi %iota3A, %add3A_631 : vector<16xi32>
      %and3A_633 = arith.constant 31 : i32
      %and3A_634 = vector.broadcast %and3A_633 : i32 to vector<16xi32>
      %and3A_635 = arith.andi %add3A_632, %and3A_634 : vector<16xi32>
      %gather3A_636 = tpu.vector_load_idx %arg10[%add3A_429, %and3A_635] : memref<80x32xf32, #tpu.memory_space<vmem>>[vector<16xi32>, vector<16xi32>], vector<16xf32>,
      %gather3A_637 = tpu.vector_load_idx %arg11[%add3A_429, %and3A_635] : memref<80x32xf32, #tpu.memory_space<vmem>>[vector<16xi32>, vector<16xi32>], vector<16xf32>,
      %sub3A_638 = arith.subf %gather3A_636, %gather3A_637 : vector<16xf32>
      %mul3A_639 = arith.mulf %sub3A_638, %sub3A_638 : vector<16xf32>
      %add3A_640 = arith.addf %add3A_629, %mul3A_639 : vector<16xf32>
      %add3A_641 = arith.constant 19 : i32
      %add3A_642 = vector.broadcast %add3A_641 : i32 to vector<16xi32>
      %add3A_643 = arith.addi %iota3A, %add3A_642 : vector<16xi32>
      %and3A_644 = arith.constant 31 : i32
      %and3A_645 = vector.broadcast %and3A_644 : i32 to vector<16xi32>
      %and3A_646 = arith.andi %add3A_643, %and3A_645 : vector<16xi32>
      %gather3A_647 = tpu.vector_load_idx %arg10[%add3A_429, %and3A_646] : memref<80x32xf32, #tpu.memory_space<vmem>>[vector<16xi32>, vector<16xi32>], vector<16xf32>,
      %gather3A_648 = tpu.vector_load_idx %arg11[%add3A_429, %and3A_646] : memref<80x32xf32, #tpu.memory_space<vmem>>[vector<16xi32>, vector<16xi32>], vector<16xf32>,
      %sub3A_649 = arith.subf %gather3A_647, %gather3A_648 : vector<16xf32>
      %mul3A_650 = arith.mulf %sub3A_649, %sub3A_649 : vector<16xf32>
      %add3A_651 = arith.addf %add3A_640, %mul3A_650 : vector<16xf32>
      %add3A_652 = arith.constant 20 : i32
      %add3A_653 = vector.broadcast %add3A_652 : i32 to vector<16xi32>
      %add3A_654 = arith.addi %iota3A, %add3A_653 : vector<16xi32>
      %and3A_655 = arith.constant 31 : i32
      %and3A_656 = vector.broadcast %and3A_655 : i32 to vector<16xi32>
      %and3A_657 = arith.andi %add3A_654, %and3A_656 : vector<16xi32>
      %gather3A_658 = tpu.vector_load_idx %arg10[%add3A_429, %and3A_657] : memref<80x32xf32, #tpu.memory_space<vmem>>[vector<16xi32>, vector<16xi32>], vector<16xf32>,
      %gather3A_659 = tpu.vector_load_idx %arg11[%add3A_429, %and3A_657] : memref<80x32xf32, #tpu.memory_space<vmem>>[vector<16xi32>, vector<16xi32>], vector<16xf32>,
      %sub3A_660 = arith.subf %gather3A_658, %gather3A_659 : vector<16xf32>
      %mul3A_661 = arith.mulf %sub3A_660, %sub3A_660 : vector<16xf32>
      %add3A_662 = arith.addf %add3A_651, %mul3A_661 : vector<16xf32>
      %add3A_663 = arith.constant 21 : i32
      %add3A_664 = vector.broadcast %add3A_663 : i32 to vector<16xi32>
      %add3A_665 = arith.addi %iota3A, %add3A_664 : vector<16xi32>
      %and3A_666 = arith.constant 31 : i32
      %and3A_667 = vector.broadcast %and3A_666 : i32 to vector<16xi32>
      %and3A_668 = arith.andi %add3A_665, %and3A_667 : vector<16xi32>
      %gather3A_669 = tpu.vector_load_idx %arg10[%add3A_429, %and3A_668] : memref<80x32xf32, #tpu.memory_space<vmem>>[vector<16xi32>, vector<16xi32>], vector<16xf32>,
      %gather3A_670 = tpu.vector_load_idx %arg11[%add3A_429, %and3A_668] : memref<80x32xf32, #tpu.memory_space<vmem>>[vector<16xi32>, vector<16xi32>], vector<16xf32>,
      %sub3A_671 = arith.subf %gather3A_669, %gather3A_670 : vector<16xf32>
      %mul3A_672 = arith.mulf %sub3A_671, %sub3A_671 : vector<16xf32>
      %add3A_673 = arith.addf %add3A_662, %mul3A_672 : vector<16xf32>
      %add3A_674 = arith.constant 22 : i32
      %add3A_675 = vector.broadcast %add3A_674 : i32 to vector<16xi32>
      %add3A_676 = arith.addi %iota3A, %add3A_675 : vector<16xi32>
      %and3A_677 = arith.constant 31 : i32
      %and3A_678 = vector.broadcast %and3A_677 : i32 to vector<16xi32>
      %and3A_679 = arith.andi %add3A_676, %and3A_678 : vector<16xi32>
      %gather3A_680 = tpu.vector_load_idx %arg10[%add3A_429, %and3A_679] : memref<80x32xf32, #tpu.memory_space<vmem>>[vector<16xi32>, vector<16xi32>], vector<16xf32>,
      %gather3A_681 = tpu.vector_load_idx %arg11[%add3A_429, %and3A_679] : memref<80x32xf32, #tpu.memory_space<vmem>>[vector<16xi32>, vector<16xi32>], vector<16xf32>,
      %sub3A_682 = arith.subf %gather3A_680, %gather3A_681 : vector<16xf32>
      %mul3A_683 = arith.mulf %sub3A_682, %sub3A_682 : vector<16xf32>
      %add3A_684 = arith.addf %add3A_673, %mul3A_683 : vector<16xf32>
      %add3A_685 = arith.constant 23 : i32
      %add3A_686 = vector.broadcast %add3A_685 : i32 to vector<16xi32>
      %add3A_687 = arith.addi %iota3A, %add3A_686 : vector<16xi32>
      %and3A_688 = arith.constant 31 : i32
      %and3A_689 = vector.broadcast %and3A_688 : i32 to vector<16xi32>
      %and3A_690 = arith.andi %add3A_687, %and3A_689 : vector<16xi32>
      %gather3A_691 = tpu.vector_load_idx %arg10[%add3A_429, %and3A_690] : memref<80x32xf32, #tpu.memory_space<vmem>>[vector<16xi32>, vector<16xi32>], vector<16xf32>,
      %gather3A_692 = tpu.vector_load_idx %arg11[%add3A_429, %and3A_690] : memref<80x32xf32, #tpu.memory_space<vmem>>[vector<16xi32>, vector<16xi32>], vector<16xf32>,
      %sub3A_693 = arith.subf %gather3A_691, %gather3A_692 : vector<16xf32>
      %mul3A_694 = arith.mulf %sub3A_693, %sub3A_693 : vector<16xf32>
      %add3A_695 = arith.addf %add3A_684, %mul3A_694 : vector<16xf32>
      %add3A_696 = arith.constant 24 : i32
      %add3A_697 = vector.broadcast %add3A_696 : i32 to vector<16xi32>
      %add3A_698 = arith.addi %iota3A, %add3A_697 : vector<16xi32>
      %and3A_699 = arith.constant 31 : i32
      %and3A_700 = vector.broadcast %and3A_699 : i32 to vector<16xi32>
      %and3A_701 = arith.andi %add3A_698, %and3A_700 : vector<16xi32>
      %gather3A_702 = tpu.vector_load_idx %arg10[%add3A_429, %and3A_701] : memref<80x32xf32, #tpu.memory_space<vmem>>[vector<16xi32>, vector<16xi32>], vector<16xf32>,
      %gather3A_703 = tpu.vector_load_idx %arg11[%add3A_429, %and3A_701] : memref<80x32xf32, #tpu.memory_space<vmem>>[vector<16xi32>, vector<16xi32>], vector<16xf32>,
      %sub3A_704 = arith.subf %gather3A_702, %gather3A_703 : vector<16xf32>
      %mul3A_705 = arith.mulf %sub3A_704, %sub3A_704 : vector<16xf32>
      %add3A_706 = arith.addf %add3A_695, %mul3A_705 : vector<16xf32>
      %add3A_707 = arith.constant 25 : i32
      %add3A_708 = vector.broadcast %add3A_707 : i32 to vector<16xi32>
      %add3A_709 = arith.addi %iota3A, %add3A_708 : vector<16xi32>
      %and3A_710 = arith.constant 31 : i32
      %and3A_711 = vector.broadcast %and3A_710 : i32 to vector<16xi32>
      %and3A_712 = arith.andi %add3A_709, %and3A_711 : vector<16xi32>
      %gather3A_713 = tpu.vector_load_idx %arg10[%add3A_429, %and3A_712] : memref<80x32xf32, #tpu.memory_space<vmem>>[vector<16xi32>, vector<16xi32>], vector<16xf32>,
      %gather3A_714 = tpu.vector_load_idx %arg11[%add3A_429, %and3A_712] : memref<80x32xf32, #tpu.memory_space<vmem>>[vector<16xi32>, vector<16xi32>], vector<16xf32>,
      %sub3A_715 = arith.subf %gather3A_713, %gather3A_714 : vector<16xf32>
      %mul3A_716 = arith.mulf %sub3A_715, %sub3A_715 : vector<16xf32>
      %add3A_717 = arith.addf %add3A_706, %mul3A_716 : vector<16xf32>
      %add3A_718 = arith.constant 26 : i32
      %add3A_719 = vector.broadcast %add3A_718 : i32 to vector<16xi32>
      %add3A_720 = arith.addi %iota3A, %add3A_719 : vector<16xi32>
      %and3A_721 = arith.constant 31 : i32
      %and3A_722 = vector.broadcast %and3A_721 : i32 to vector<16xi32>
      %and3A_723 = arith.andi %add3A_720, %and3A_722 : vector<16xi32>
      %gather3A_724 = tpu.vector_load_idx %arg10[%add3A_429, %and3A_723] : memref<80x32xf32, #tpu.memory_space<vmem>>[vector<16xi32>, vector<16xi32>], vector<16xf32>,
      %gather3A_725 = tpu.vector_load_idx %arg11[%add3A_429, %and3A_723] : memref<80x32xf32, #tpu.memory_space<vmem>>[vector<16xi32>, vector<16xi32>], vector<16xf32>,
      %sub3A_726 = arith.subf %gather3A_724, %gather3A_725 : vector<16xf32>
      %mul3A_727 = arith.mulf %sub3A_726, %sub3A_726 : vector<16xf32>
      %add3A_728 = arith.addf %add3A_717, %mul3A_727 : vector<16xf32>
      %add3A_729 = arith.constant 27 : i32
      %add3A_730 = vector.broadcast %add3A_729 : i32 to vector<16xi32>
      %add3A_731 = arith.addi %iota3A, %add3A_730 : vector<16xi32>
      %and3A_732 = arith.constant 31 : i32
      %and3A_733 = vector.broadcast %and3A_732 : i32 to vector<16xi32>
      %and3A_734 = arith.andi %add3A_731, %and3A_733 : vector<16xi32>
      %gather3A_735 = tpu.vector_load_idx %arg10[%add3A_429, %and3A_734] : memref<80x32xf32, #tpu.memory_space<vmem>>[vector<16xi32>, vector<16xi32>], vector<16xf32>,
      %gather3A_736 = tpu.vector_load_idx %arg11[%add3A_429, %and3A_734] : memref<80x32xf32, #tpu.memory_space<vmem>>[vector<16xi32>, vector<16xi32>], vector<16xf32>,
      %sub3A_737 = arith.subf %gather3A_735, %gather3A_736 : vector<16xf32>
      %mul3A_738 = arith.mulf %sub3A_737, %sub3A_737 : vector<16xf32>
      %add3A_739 = arith.addf %add3A_728, %mul3A_738 : vector<16xf32>
      %add3A_740 = arith.constant 28 : i32
      %add3A_741 = vector.broadcast %add3A_740 : i32 to vector<16xi32>
      %add3A_742 = arith.addi %iota3A, %add3A_741 : vector<16xi32>
      %and3A_743 = arith.constant 31 : i32
      %and3A_744 = vector.broadcast %and3A_743 : i32 to vector<16xi32>
      %and3A_745 = arith.andi %add3A_742, %and3A_744 : vector<16xi32>
      %gather3A_746 = tpu.vector_load_idx %arg10[%add3A_429, %and3A_745] : memref<80x32xf32, #tpu.memory_space<vmem>>[vector<16xi32>, vector<16xi32>], vector<16xf32>,
      %gather3A_747 = tpu.vector_load_idx %arg11[%add3A_429, %and3A_745] : memref<80x32xf32, #tpu.memory_space<vmem>>[vector<16xi32>, vector<16xi32>], vector<16xf32>,
      %sub3A_748 = arith.subf %gather3A_746, %gather3A_747 : vector<16xf32>
      %mul3A_749 = arith.mulf %sub3A_748, %sub3A_748 : vector<16xf32>
      %add3A_750 = arith.addf %add3A_739, %mul3A_749 : vector<16xf32>
      %add3A_751 = arith.constant 29 : i32
      %add3A_752 = vector.broadcast %add3A_751 : i32 to vector<16xi32>
      %add3A_753 = arith.addi %iota3A, %add3A_752 : vector<16xi32>
      %and3A_754 = arith.constant 31 : i32
      %and3A_755 = vector.broadcast %and3A_754 : i32 to vector<16xi32>
      %and3A_756 = arith.andi %add3A_753, %and3A_755 : vector<16xi32>
      %gather3A_757 = tpu.vector_load_idx %arg10[%add3A_429, %and3A_756] : memref<80x32xf32, #tpu.memory_space<vmem>>[vector<16xi32>, vector<16xi32>], vector<16xf32>,
      %gather3A_758 = tpu.vector_load_idx %arg11[%add3A_429, %and3A_756] : memref<80x32xf32, #tpu.memory_space<vmem>>[vector<16xi32>, vector<16xi32>], vector<16xf32>,
      %sub3A_759 = arith.subf %gather3A_757, %gather3A_758 : vector<16xf32>
      %mul3A_760 = arith.mulf %sub3A_759, %sub3A_759 : vector<16xf32>
      %add3A_761 = arith.addf %add3A_750, %mul3A_760 : vector<16xf32>
      %add3A_762 = arith.constant 30 : i32
      %add3A_763 = vector.broadcast %add3A_762 : i32 to vector<16xi32>
      %add3A_764 = arith.addi %iota3A, %add3A_763 : vector<16xi32>
      %and3A_765 = arith.constant 31 : i32
      %and3A_766 = vector.broadcast %and3A_765 : i32 to vector<16xi32>
      %and3A_767 = arith.andi %add3A_764, %and3A_766 : vector<16xi32>
      %gather3A_768 = tpu.vector_load_idx %arg10[%add3A_429, %and3A_767] : memref<80x32xf32, #tpu.memory_space<vmem>>[vector<16xi32>, vector<16xi32>], vector<16xf32>,
      %gather3A_769 = tpu.vector_load_idx %arg11[%add3A_429, %and3A_767] : memref<80x32xf32, #tpu.memory_space<vmem>>[vector<16xi32>, vector<16xi32>], vector<16xf32>,
      %sub3A_770 = arith.subf %gather3A_768, %gather3A_769 : vector<16xf32>
      %mul3A_771 = arith.mulf %sub3A_770, %sub3A_770 : vector<16xf32>
      %add3A_772 = arith.addf %add3A_761, %mul3A_771 : vector<16xf32>
      %add3A_773 = arith.constant 31 : i32
      %add3A_774 = vector.broadcast %add3A_773 : i32 to vector<16xi32>
      %add3A_775 = arith.addi %iota3A, %add3A_774 : vector<16xi32>
      %and3A_776 = arith.constant 31 : i32
      %and3A_777 = vector.broadcast %and3A_776 : i32 to vector<16xi32>
      %and3A_778 = arith.andi %add3A_775, %and3A_777 : vector<16xi32>
      %gather3A_779 = tpu.vector_load_idx %arg10[%add3A_429, %and3A_778] : memref<80x32xf32, #tpu.memory_space<vmem>>[vector<16xi32>, vector<16xi32>], vector<16xf32>,
      %gather3A_780 = tpu.vector_load_idx %arg11[%add3A_429, %and3A_778] : memref<80x32xf32, #tpu.memory_space<vmem>>[vector<16xi32>, vector<16xi32>], vector<16xf32>,
      %sub3A_781 = arith.subf %gather3A_779, %gather3A_780 : vector<16xf32>
      %mul3A_782 = arith.mulf %sub3A_781, %sub3A_781 : vector<16xf32>
      %add3A_783 = arith.addf %add3A_772, %mul3A_782 : vector<16xf32>
      %add3A_784 = arith.constant 9.99999996E-13 : f32
      %add3A_785 = vector.broadcast %add3A_784 : f32 to vector<16xf32>
      %add3A_786 = arith.addf %add3A_783, %add3A_785 : vector<16xf32>
      %bitcast3A_787 = vector.bitcast %add3A_786 : vector<16xf32> to vector<16xi32>
      %shift_right_arithmetic3A_788 = arith.constant 1 : i32
      %shift_right_arithmetic3A_789 = vector.broadcast %shift_right_arithmetic3A_788 : i32 to vector<16xi32>
      %shift_right_arithmetic3A_790 = arith.shrsi %bitcast3A_787, %shift_right_arithmetic3A_789 : vector<16xi32>
      %sub3A_791 = arith.constant 1597463007 : i32
      %sub3A_792 = vector.broadcast %sub3A_791 : i32 to vector<16xi32>
      %sub3A_793 = arith.subi %sub3A_792, %shift_right_arithmetic3A_790 : vector<16xi32>
      %bitcast3A_794 = vector.bitcast %sub3A_793 : vector<16xi32> to vector<16xf32>
      %mul3A_795 = arith.constant 5.000000e-01 : f32
      %mul3A_796 = vector.broadcast %mul3A_795 : f32 to vector<16xf32>
      %mul3A_797 = arith.mulf %mul3A_796, %add3A_786 : vector<16xf32>
      %mul3A_798 = arith.mulf %mul3A_797, %bitcast3A_794 : vector<16xf32>
      %mul3A_799 = arith.mulf %mul3A_798, %bitcast3A_794 : vector<16xf32>
      %sub3A_800 = arith.constant 1.500000e+00 : f32
      %sub3A_801 = vector.broadcast %sub3A_800 : f32 to vector<16xf32>
      %sub3A_802 = arith.subf %sub3A_801, %mul3A_799 : vector<16xf32>
      %mul3A_803 = arith.mulf %bitcast3A_794, %sub3A_802 : vector<16xf32>
      %mul3A_804 = arith.constant 5.000000e-01 : f32
      %mul3A_805 = vector.broadcast %mul3A_804 : f32 to vector<16xf32>
      %mul3A_806 = arith.mulf %mul3A_805, %add3A_786 : vector<16xf32>
      %mul3A_807 = arith.mulf %mul3A_806, %mul3A_803 : vector<16xf32>
      %mul3A_808 = arith.mulf %mul3A_807, %mul3A_803 : vector<16xf32>
      %sub3A_809 = arith.constant 1.500000e+00 : f32
      %sub3A_810 = vector.broadcast %sub3A_809 : f32 to vector<16xf32>
      %sub3A_811 = arith.subf %sub3A_810, %mul3A_808 : vector<16xf32>
      %mul3A_812 = arith.mulf %mul3A_803, %sub3A_811 : vector<16xf32>
      %mul3A_813 = arith.constant 5.000000e-01 : f32
      %mul3A_814 = vector.broadcast %mul3A_813 : f32 to vector<16xf32>
      %mul3A_815 = arith.mulf %mul3A_814, %add3A_786 : vector<16xf32>
      %mul3A_816 = arith.mulf %mul3A_815, %mul3A_812 : vector<16xf32>
      %mul3A_817 = arith.mulf %mul3A_816, %mul3A_812 : vector<16xf32>
      %sub3A_818 = arith.constant 1.500000e+00 : f32
      %sub3A_819 = vector.broadcast %sub3A_818 : f32 to vector<16xf32>
      %sub3A_820 = arith.subf %sub3A_819, %mul3A_817 : vector<16xf32>
      %mul3A_821 = arith.mulf %mul3A_812, %sub3A_820 : vector<16xf32>
      %mul3A_822 = arith.mulf %add3A_786, %mul3A_821 : vector<16xf32>
      %get3A_823 = arith.index_cast %scan3A_8 : i32 to index
      %get3A_824 = arith.constant 16 : index
      %get3A_825 = tpu.vector_load %arg9[%get3A_823, %get3A_824] {strides = array<i32>} : memref<125x80xf32, #tpu.memory_space<vmem>>, vector<16xf32>,
      %mul3A_826 = arith.mulf %mul3A_822, %get3A_825 : vector<16xf32>
      %add3A_827 = arith.addf %add3A_426, %mul3A_826 : vector<16xf32>
      %add3A_828 = arith.constant 32 : i32
      %add3A_829 = vector.broadcast %add3A_828 : i32 to vector<16xi32>
      %add3A_830 = arith.addi %iota3A, %add3A_829 : vector<16xi32>
      %broadcast_in_dim3A_831 = arith.constant 0.000000e+00 : f32
      %broadcast_in_dim3A_832 = vector.broadcast %broadcast_in_dim3A_831 : f32 to vector<16xf32>
      %add3A_833 = arith.constant 0 : i32
      %add3A_834 = vector.broadcast %add3A_833 : i32 to vector<16xi32>
      %add3A_835 = arith.addi %iota3A, %add3A_834 : vector<16xi32>
      %and3A_836 = arith.constant 31 : i32
      %and3A_837 = vector.broadcast %and3A_836 : i32 to vector<16xi32>
      %and3A_838 = arith.andi %add3A_835, %and3A_837 : vector<16xi32>
      %gather3A_839 = tpu.vector_load_idx %arg10[%add3A_830, %and3A_838] : memref<80x32xf32, #tpu.memory_space<vmem>>[vector<16xi32>, vector<16xi32>], vector<16xf32>,
      %gather3A_840 = tpu.vector_load_idx %arg11[%add3A_830, %and3A_838] : memref<80x32xf32, #tpu.memory_space<vmem>>[vector<16xi32>, vector<16xi32>], vector<16xf32>,
      %sub3A_841 = arith.subf %gather3A_839, %gather3A_840 : vector<16xf32>
      %mul3A_842 = arith.mulf %sub3A_841, %sub3A_841 : vector<16xf32>
      %add3A_843 = arith.addf %broadcast_in_dim3A_832, %mul3A_842 : vector<16xf32>
      %add3A_844 = arith.constant 1 : i32
      %add3A_845 = vector.broadcast %add3A_844 : i32 to vector<16xi32>
      %add3A_846 = arith.addi %iota3A, %add3A_845 : vector<16xi32>
      %and3A_847 = arith.constant 31 : i32
      %and3A_848 = vector.broadcast %and3A_847 : i32 to vector<16xi32>
      %and3A_849 = arith.andi %add3A_846, %and3A_848 : vector<16xi32>
      %gather3A_850 = tpu.vector_load_idx %arg10[%add3A_830, %and3A_849] : memref<80x32xf32, #tpu.memory_space<vmem>>[vector<16xi32>, vector<16xi32>], vector<16xf32>,
      %gather3A_851 = tpu.vector_load_idx %arg11[%add3A_830, %and3A_849] : memref<80x32xf32, #tpu.memory_space<vmem>>[vector<16xi32>, vector<16xi32>], vector<16xf32>,
      %sub3A_852 = arith.subf %gather3A_850, %gather3A_851 : vector<16xf32>
      %mul3A_853 = arith.mulf %sub3A_852, %sub3A_852 : vector<16xf32>
      %add3A_854 = arith.addf %add3A_843, %mul3A_853 : vector<16xf32>
      %add3A_855 = arith.constant 2 : i32
      %add3A_856 = vector.broadcast %add3A_855 : i32 to vector<16xi32>
      %add3A_857 = arith.addi %iota3A, %add3A_856 : vector<16xi32>
      %and3A_858 = arith.constant 31 : i32
      %and3A_859 = vector.broadcast %and3A_858 : i32 to vector<16xi32>
      %and3A_860 = arith.andi %add3A_857, %and3A_859 : vector<16xi32>
      %gather3A_861 = tpu.vector_load_idx %arg10[%add3A_830, %and3A_860] : memref<80x32xf32, #tpu.memory_space<vmem>>[vector<16xi32>, vector<16xi32>], vector<16xf32>,
      %gather3A_862 = tpu.vector_load_idx %arg11[%add3A_830, %and3A_860] : memref<80x32xf32, #tpu.memory_space<vmem>>[vector<16xi32>, vector<16xi32>], vector<16xf32>,
      %sub3A_863 = arith.subf %gather3A_861, %gather3A_862 : vector<16xf32>
      %mul3A_864 = arith.mulf %sub3A_863, %sub3A_863 : vector<16xf32>
      %add3A_865 = arith.addf %add3A_854, %mul3A_864 : vector<16xf32>
      %add3A_866 = arith.constant 3 : i32
      %add3A_867 = vector.broadcast %add3A_866 : i32 to vector<16xi32>
      %add3A_868 = arith.addi %iota3A, %add3A_867 : vector<16xi32>
      %and3A_869 = arith.constant 31 : i32
      %and3A_870 = vector.broadcast %and3A_869 : i32 to vector<16xi32>
      %and3A_871 = arith.andi %add3A_868, %and3A_870 : vector<16xi32>
      %gather3A_872 = tpu.vector_load_idx %arg10[%add3A_830, %and3A_871] : memref<80x32xf32, #tpu.memory_space<vmem>>[vector<16xi32>, vector<16xi32>], vector<16xf32>,
      %gather3A_873 = tpu.vector_load_idx %arg11[%add3A_830, %and3A_871] : memref<80x32xf32, #tpu.memory_space<vmem>>[vector<16xi32>, vector<16xi32>], vector<16xf32>,
      %sub3A_874 = arith.subf %gather3A_872, %gather3A_873 : vector<16xf32>
      %mul3A_875 = arith.mulf %sub3A_874, %sub3A_874 : vector<16xf32>
      %add3A_876 = arith.addf %add3A_865, %mul3A_875 : vector<16xf32>
      %add3A_877 = arith.constant 4 : i32
      %add3A_878 = vector.broadcast %add3A_877 : i32 to vector<16xi32>
      %add3A_879 = arith.addi %iota3A, %add3A_878 : vector<16xi32>
      %and3A_880 = arith.constant 31 : i32
      %and3A_881 = vector.broadcast %and3A_880 : i32 to vector<16xi32>
      %and3A_882 = arith.andi %add3A_879, %and3A_881 : vector<16xi32>
      %gather3A_883 = tpu.vector_load_idx %arg10[%add3A_830, %and3A_882] : memref<80x32xf32, #tpu.memory_space<vmem>>[vector<16xi32>, vector<16xi32>], vector<16xf32>,
      %gather3A_884 = tpu.vector_load_idx %arg11[%add3A_830, %and3A_882] : memref<80x32xf32, #tpu.memory_space<vmem>>[vector<16xi32>, vector<16xi32>], vector<16xf32>,
      %sub3A_885 = arith.subf %gather3A_883, %gather3A_884 : vector<16xf32>
      %mul3A_886 = arith.mulf %sub3A_885, %sub3A_885 : vector<16xf32>
      %add3A_887 = arith.addf %add3A_876, %mul3A_886 : vector<16xf32>
      %add3A_888 = arith.constant 5 : i32
      %add3A_889 = vector.broadcast %add3A_888 : i32 to vector<16xi32>
      %add3A_890 = arith.addi %iota3A, %add3A_889 : vector<16xi32>
      %and3A_891 = arith.constant 31 : i32
      %and3A_892 = vector.broadcast %and3A_891 : i32 to vector<16xi32>
      %and3A_893 = arith.andi %add3A_890, %and3A_892 : vector<16xi32>
      %gather3A_894 = tpu.vector_load_idx %arg10[%add3A_830, %and3A_893] : memref<80x32xf32, #tpu.memory_space<vmem>>[vector<16xi32>, vector<16xi32>], vector<16xf32>,
      %gather3A_895 = tpu.vector_load_idx %arg11[%add3A_830, %and3A_893] : memref<80x32xf32, #tpu.memory_space<vmem>>[vector<16xi32>, vector<16xi32>], vector<16xf32>,
      %sub3A_896 = arith.subf %gather3A_894, %gather3A_895 : vector<16xf32>
      %mul3A_897 = arith.mulf %sub3A_896, %sub3A_896 : vector<16xf32>
      %add3A_898 = arith.addf %add3A_887, %mul3A_897 : vector<16xf32>
      %add3A_899 = arith.constant 6 : i32
      %add3A_900 = vector.broadcast %add3A_899 : i32 to vector<16xi32>
      %add3A_901 = arith.addi %iota3A, %add3A_900 : vector<16xi32>
      %and3A_902 = arith.constant 31 : i32
      %and3A_903 = vector.broadcast %and3A_902 : i32 to vector<16xi32>
      %and3A_904 = arith.andi %add3A_901, %and3A_903 : vector<16xi32>
      %gather3A_905 = tpu.vector_load_idx %arg10[%add3A_830, %and3A_904] : memref<80x32xf32, #tpu.memory_space<vmem>>[vector<16xi32>, vector<16xi32>], vector<16xf32>,
      %gather3A_906 = tpu.vector_load_idx %arg11[%add3A_830, %and3A_904] : memref<80x32xf32, #tpu.memory_space<vmem>>[vector<16xi32>, vector<16xi32>], vector<16xf32>,
      %sub3A_907 = arith.subf %gather3A_905, %gather3A_906 : vector<16xf32>
      %mul3A_908 = arith.mulf %sub3A_907, %sub3A_907 : vector<16xf32>
      %add3A_909 = arith.addf %add3A_898, %mul3A_908 : vector<16xf32>
      %add3A_910 = arith.constant 7 : i32
      %add3A_911 = vector.broadcast %add3A_910 : i32 to vector<16xi32>
      %add3A_912 = arith.addi %iota3A, %add3A_911 : vector<16xi32>
      %and3A_913 = arith.constant 31 : i32
      %and3A_914 = vector.broadcast %and3A_913 : i32 to vector<16xi32>
      %and3A_915 = arith.andi %add3A_912, %and3A_914 : vector<16xi32>
      %gather3A_916 = tpu.vector_load_idx %arg10[%add3A_830, %and3A_915] : memref<80x32xf32, #tpu.memory_space<vmem>>[vector<16xi32>, vector<16xi32>], vector<16xf32>,
      %gather3A_917 = tpu.vector_load_idx %arg11[%add3A_830, %and3A_915] : memref<80x32xf32, #tpu.memory_space<vmem>>[vector<16xi32>, vector<16xi32>], vector<16xf32>,
      %sub3A_918 = arith.subf %gather3A_916, %gather3A_917 : vector<16xf32>
      %mul3A_919 = arith.mulf %sub3A_918, %sub3A_918 : vector<16xf32>
      %add3A_920 = arith.addf %add3A_909, %mul3A_919 : vector<16xf32>
      %add3A_921 = arith.constant 8 : i32
      %add3A_922 = vector.broadcast %add3A_921 : i32 to vector<16xi32>
      %add3A_923 = arith.addi %iota3A, %add3A_922 : vector<16xi32>
      %and3A_924 = arith.constant 31 : i32
      %and3A_925 = vector.broadcast %and3A_924 : i32 to vector<16xi32>
      %and3A_926 = arith.andi %add3A_923, %and3A_925 : vector<16xi32>
      %gather3A_927 = tpu.vector_load_idx %arg10[%add3A_830, %and3A_926] : memref<80x32xf32, #tpu.memory_space<vmem>>[vector<16xi32>, vector<16xi32>], vector<16xf32>,
      %gather3A_928 = tpu.vector_load_idx %arg11[%add3A_830, %and3A_926] : memref<80x32xf32, #tpu.memory_space<vmem>>[vector<16xi32>, vector<16xi32>], vector<16xf32>,
      %sub3A_929 = arith.subf %gather3A_927, %gather3A_928 : vector<16xf32>
      %mul3A_930 = arith.mulf %sub3A_929, %sub3A_929 : vector<16xf32>
      %add3A_931 = arith.addf %add3A_920, %mul3A_930 : vector<16xf32>
      %add3A_932 = arith.constant 9 : i32
      %add3A_933 = vector.broadcast %add3A_932 : i32 to vector<16xi32>
      %add3A_934 = arith.addi %iota3A, %add3A_933 : vector<16xi32>
      %and3A_935 = arith.constant 31 : i32
      %and3A_936 = vector.broadcast %and3A_935 : i32 to vector<16xi32>
      %and3A_937 = arith.andi %add3A_934, %and3A_936 : vector<16xi32>
      %gather3A_938 = tpu.vector_load_idx %arg10[%add3A_830, %and3A_937] : memref<80x32xf32, #tpu.memory_space<vmem>>[vector<16xi32>, vector<16xi32>], vector<16xf32>,
      %gather3A_939 = tpu.vector_load_idx %arg11[%add3A_830, %and3A_937] : memref<80x32xf32, #tpu.memory_space<vmem>>[vector<16xi32>, vector<16xi32>], vector<16xf32>,
      %sub3A_940 = arith.subf %gather3A_938, %gather3A_939 : vector<16xf32>
      %mul3A_941 = arith.mulf %sub3A_940, %sub3A_940 : vector<16xf32>
      %add3A_942 = arith.addf %add3A_931, %mul3A_941 : vector<16xf32>
      %add3A_943 = arith.constant 10 : i32
      %add3A_944 = vector.broadcast %add3A_943 : i32 to vector<16xi32>
      %add3A_945 = arith.addi %iota3A, %add3A_944 : vector<16xi32>
      %and3A_946 = arith.constant 31 : i32
      %and3A_947 = vector.broadcast %and3A_946 : i32 to vector<16xi32>
      %and3A_948 = arith.andi %add3A_945, %and3A_947 : vector<16xi32>
      %gather3A_949 = tpu.vector_load_idx %arg10[%add3A_830, %and3A_948] : memref<80x32xf32, #tpu.memory_space<vmem>>[vector<16xi32>, vector<16xi32>], vector<16xf32>,
      %gather3A_950 = tpu.vector_load_idx %arg11[%add3A_830, %and3A_948] : memref<80x32xf32, #tpu.memory_space<vmem>>[vector<16xi32>, vector<16xi32>], vector<16xf32>,
      %sub3A_951 = arith.subf %gather3A_949, %gather3A_950 : vector<16xf32>
      %mul3A_952 = arith.mulf %sub3A_951, %sub3A_951 : vector<16xf32>
      %add3A_953 = arith.addf %add3A_942, %mul3A_952 : vector<16xf32>
      %add3A_954 = arith.constant 11 : i32
      %add3A_955 = vector.broadcast %add3A_954 : i32 to vector<16xi32>
      %add3A_956 = arith.addi %iota3A, %add3A_955 : vector<16xi32>
      %and3A_957 = arith.constant 31 : i32
      %and3A_958 = vector.broadcast %and3A_957 : i32 to vector<16xi32>
      %and3A_959 = arith.andi %add3A_956, %and3A_958 : vector<16xi32>
      %gather3A_960 = tpu.vector_load_idx %arg10[%add3A_830, %and3A_959] : memref<80x32xf32, #tpu.memory_space<vmem>>[vector<16xi32>, vector<16xi32>], vector<16xf32>,
      %gather3A_961 = tpu.vector_load_idx %arg11[%add3A_830, %and3A_959] : memref<80x32xf32, #tpu.memory_space<vmem>>[vector<16xi32>, vector<16xi32>], vector<16xf32>,
      %sub3A_962 = arith.subf %gather3A_960, %gather3A_961 : vector<16xf32>
      %mul3A_963 = arith.mulf %sub3A_962, %sub3A_962 : vector<16xf32>
      %add3A_964 = arith.addf %add3A_953, %mul3A_963 : vector<16xf32>
      %add3A_965 = arith.constant 12 : i32
      %add3A_966 = vector.broadcast %add3A_965 : i32 to vector<16xi32>
      %add3A_967 = arith.addi %iota3A, %add3A_966 : vector<16xi32>
      %and3A_968 = arith.constant 31 : i32
      %and3A_969 = vector.broadcast %and3A_968 : i32 to vector<16xi32>
      %and3A_970 = arith.andi %add3A_967, %and3A_969 : vector<16xi32>
      %gather3A_971 = tpu.vector_load_idx %arg10[%add3A_830, %and3A_970] : memref<80x32xf32, #tpu.memory_space<vmem>>[vector<16xi32>, vector<16xi32>], vector<16xf32>,
      %gather3A_972 = tpu.vector_load_idx %arg11[%add3A_830, %and3A_970] : memref<80x32xf32, #tpu.memory_space<vmem>>[vector<16xi32>, vector<16xi32>], vector<16xf32>,
      %sub3A_973 = arith.subf %gather3A_971, %gather3A_972 : vector<16xf32>
      %mul3A_974 = arith.mulf %sub3A_973, %sub3A_973 : vector<16xf32>
      %add3A_975 = arith.addf %add3A_964, %mul3A_974 : vector<16xf32>
      %add3A_976 = arith.constant 13 : i32
      %add3A_977 = vector.broadcast %add3A_976 : i32 to vector<16xi32>
      %add3A_978 = arith.addi %iota3A, %add3A_977 : vector<16xi32>
      %and3A_979 = arith.constant 31 : i32
      %and3A_980 = vector.broadcast %and3A_979 : i32 to vector<16xi32>
      %and3A_981 = arith.andi %add3A_978, %and3A_980 : vector<16xi32>
      %gather3A_982 = tpu.vector_load_idx %arg10[%add3A_830, %and3A_981] : memref<80x32xf32, #tpu.memory_space<vmem>>[vector<16xi32>, vector<16xi32>], vector<16xf32>,
      %gather3A_983 = tpu.vector_load_idx %arg11[%add3A_830, %and3A_981] : memref<80x32xf32, #tpu.memory_space<vmem>>[vector<16xi32>, vector<16xi32>], vector<16xf32>,
      %sub3A_984 = arith.subf %gather3A_982, %gather3A_983 : vector<16xf32>
      %mul3A_985 = arith.mulf %sub3A_984, %sub3A_984 : vector<16xf32>
      %add3A_986 = arith.addf %add3A_975, %mul3A_985 : vector<16xf32>
      %add3A_987 = arith.constant 14 : i32
      %add3A_988 = vector.broadcast %add3A_987 : i32 to vector<16xi32>
      %add3A_989 = arith.addi %iota3A, %add3A_988 : vector<16xi32>
      %and3A_990 = arith.constant 31 : i32
      %and3A_991 = vector.broadcast %and3A_990 : i32 to vector<16xi32>
      %and3A_992 = arith.andi %add3A_989, %and3A_991 : vector<16xi32>
      %gather3A_993 = tpu.vector_load_idx %arg10[%add3A_830, %and3A_992] : memref<80x32xf32, #tpu.memory_space<vmem>>[vector<16xi32>, vector<16xi32>], vector<16xf32>,
      %gather3A_994 = tpu.vector_load_idx %arg11[%add3A_830, %and3A_992] : memref<80x32xf32, #tpu.memory_space<vmem>>[vector<16xi32>, vector<16xi32>], vector<16xf32>,
      %sub3A_995 = arith.subf %gather3A_993, %gather3A_994 : vector<16xf32>
      %mul3A_996 = arith.mulf %sub3A_995, %sub3A_995 : vector<16xf32>
      %add3A_997 = arith.addf %add3A_986, %mul3A_996 : vector<16xf32>
      %add3A_998 = arith.constant 15 : i32
      %add3A_999 = vector.broadcast %add3A_998 : i32 to vector<16xi32>
      %add3A_1000 = arith.addi %iota3A, %add3A_999 : vector<16xi32>
      %and3A_1001 = arith.constant 31 : i32
      %and3A_1002 = vector.broadcast %and3A_1001 : i32 to vector<16xi32>
      %and3A_1003 = arith.andi %add3A_1000, %and3A_1002 : vector<16xi32>
      %gather3A_1004 = tpu.vector_load_idx %arg10[%add3A_830, %and3A_1003] : memref<80x32xf32, #tpu.memory_space<vmem>>[vector<16xi32>, vector<16xi32>], vector<16xf32>,
      %gather3A_1005 = tpu.vector_load_idx %arg11[%add3A_830, %and3A_1003] : memref<80x32xf32, #tpu.memory_space<vmem>>[vector<16xi32>, vector<16xi32>], vector<16xf32>,
      %sub3A_1006 = arith.subf %gather3A_1004, %gather3A_1005 : vector<16xf32>
      %mul3A_1007 = arith.mulf %sub3A_1006, %sub3A_1006 : vector<16xf32>
      %add3A_1008 = arith.addf %add3A_997, %mul3A_1007 : vector<16xf32>
      %add3A_1009 = arith.constant 16 : i32
      %add3A_1010 = vector.broadcast %add3A_1009 : i32 to vector<16xi32>
      %add3A_1011 = arith.addi %iota3A, %add3A_1010 : vector<16xi32>
      %and3A_1012 = arith.constant 31 : i32
      %and3A_1013 = vector.broadcast %and3A_1012 : i32 to vector<16xi32>
      %and3A_1014 = arith.andi %add3A_1011, %and3A_1013 : vector<16xi32>
      %gather3A_1015 = tpu.vector_load_idx %arg10[%add3A_830, %and3A_1014] : memref<80x32xf32, #tpu.memory_space<vmem>>[vector<16xi32>, vector<16xi32>], vector<16xf32>,
      %gather3A_1016 = tpu.vector_load_idx %arg11[%add3A_830, %and3A_1014] : memref<80x32xf32, #tpu.memory_space<vmem>>[vector<16xi32>, vector<16xi32>], vector<16xf32>,
      %sub3A_1017 = arith.subf %gather3A_1015, %gather3A_1016 : vector<16xf32>
      %mul3A_1018 = arith.mulf %sub3A_1017, %sub3A_1017 : vector<16xf32>
      %add3A_1019 = arith.addf %add3A_1008, %mul3A_1018 : vector<16xf32>
      %add3A_1020 = arith.constant 17 : i32
      %add3A_1021 = vector.broadcast %add3A_1020 : i32 to vector<16xi32>
      %add3A_1022 = arith.addi %iota3A, %add3A_1021 : vector<16xi32>
      %and3A_1023 = arith.constant 31 : i32
      %and3A_1024 = vector.broadcast %and3A_1023 : i32 to vector<16xi32>
      %and3A_1025 = arith.andi %add3A_1022, %and3A_1024 : vector<16xi32>
      %gather3A_1026 = tpu.vector_load_idx %arg10[%add3A_830, %and3A_1025] : memref<80x32xf32, #tpu.memory_space<vmem>>[vector<16xi32>, vector<16xi32>], vector<16xf32>,
      %gather3A_1027 = tpu.vector_load_idx %arg11[%add3A_830, %and3A_1025] : memref<80x32xf32, #tpu.memory_space<vmem>>[vector<16xi32>, vector<16xi32>], vector<16xf32>,
      %sub3A_1028 = arith.subf %gather3A_1026, %gather3A_1027 : vector<16xf32>
      %mul3A_1029 = arith.mulf %sub3A_1028, %sub3A_1028 : vector<16xf32>
      %add3A_1030 = arith.addf %add3A_1019, %mul3A_1029 : vector<16xf32>
      %add3A_1031 = arith.constant 18 : i32
      %add3A_1032 = vector.broadcast %add3A_1031 : i32 to vector<16xi32>
      %add3A_1033 = arith.addi %iota3A, %add3A_1032 : vector<16xi32>
      %and3A_1034 = arith.constant 31 : i32
      %and3A_1035 = vector.broadcast %and3A_1034 : i32 to vector<16xi32>
      %and3A_1036 = arith.andi %add3A_1033, %and3A_1035 : vector<16xi32>
      %gather3A_1037 = tpu.vector_load_idx %arg10[%add3A_830, %and3A_1036] : memref<80x32xf32, #tpu.memory_space<vmem>>[vector<16xi32>, vector<16xi32>], vector<16xf32>,
      %gather3A_1038 = tpu.vector_load_idx %arg11[%add3A_830, %and3A_1036] : memref<80x32xf32, #tpu.memory_space<vmem>>[vector<16xi32>, vector<16xi32>], vector<16xf32>,
      %sub3A_1039 = arith.subf %gather3A_1037, %gather3A_1038 : vector<16xf32>
      %mul3A_1040 = arith.mulf %sub3A_1039, %sub3A_1039 : vector<16xf32>
      %add3A_1041 = arith.addf %add3A_1030, %mul3A_1040 : vector<16xf32>
      %add3A_1042 = arith.constant 19 : i32
      %add3A_1043 = vector.broadcast %add3A_1042 : i32 to vector<16xi32>
      %add3A_1044 = arith.addi %iota3A, %add3A_1043 : vector<16xi32>
      %and3A_1045 = arith.constant 31 : i32
      %and3A_1046 = vector.broadcast %and3A_1045 : i32 to vector<16xi32>
      %and3A_1047 = arith.andi %add3A_1044, %and3A_1046 : vector<16xi32>
      %gather3A_1048 = tpu.vector_load_idx %arg10[%add3A_830, %and3A_1047] : memref<80x32xf32, #tpu.memory_space<vmem>>[vector<16xi32>, vector<16xi32>], vector<16xf32>,
      %gather3A_1049 = tpu.vector_load_idx %arg11[%add3A_830, %and3A_1047] : memref<80x32xf32, #tpu.memory_space<vmem>>[vector<16xi32>, vector<16xi32>], vector<16xf32>,
      %sub3A_1050 = arith.subf %gather3A_1048, %gather3A_1049 : vector<16xf32>
      %mul3A_1051 = arith.mulf %sub3A_1050, %sub3A_1050 : vector<16xf32>
      %add3A_1052 = arith.addf %add3A_1041, %mul3A_1051 : vector<16xf32>
      %add3A_1053 = arith.constant 20 : i32
      %add3A_1054 = vector.broadcast %add3A_1053 : i32 to vector<16xi32>
      %add3A_1055 = arith.addi %iota3A, %add3A_1054 : vector<16xi32>
      %and3A_1056 = arith.constant 31 : i32
      %and3A_1057 = vector.broadcast %and3A_1056 : i32 to vector<16xi32>
      %and3A_1058 = arith.andi %add3A_1055, %and3A_1057 : vector<16xi32>
      %gather3A_1059 = tpu.vector_load_idx %arg10[%add3A_830, %and3A_1058] : memref<80x32xf32, #tpu.memory_space<vmem>>[vector<16xi32>, vector<16xi32>], vector<16xf32>,
      %gather3A_1060 = tpu.vector_load_idx %arg11[%add3A_830, %and3A_1058] : memref<80x32xf32, #tpu.memory_space<vmem>>[vector<16xi32>, vector<16xi32>], vector<16xf32>,
      %sub3A_1061 = arith.subf %gather3A_1059, %gather3A_1060 : vector<16xf32>
      %mul3A_1062 = arith.mulf %sub3A_1061, %sub3A_1061 : vector<16xf32>
      %add3A_1063 = arith.addf %add3A_1052, %mul3A_1062 : vector<16xf32>
      %add3A_1064 = arith.constant 21 : i32
      %add3A_1065 = vector.broadcast %add3A_1064 : i32 to vector<16xi32>
      %add3A_1066 = arith.addi %iota3A, %add3A_1065 : vector<16xi32>
      %and3A_1067 = arith.constant 31 : i32
      %and3A_1068 = vector.broadcast %and3A_1067 : i32 to vector<16xi32>
      %and3A_1069 = arith.andi %add3A_1066, %and3A_1068 : vector<16xi32>
      %gather3A_1070 = tpu.vector_load_idx %arg10[%add3A_830, %and3A_1069] : memref<80x32xf32, #tpu.memory_space<vmem>>[vector<16xi32>, vector<16xi32>], vector<16xf32>,
      %gather3A_1071 = tpu.vector_load_idx %arg11[%add3A_830, %and3A_1069] : memref<80x32xf32, #tpu.memory_space<vmem>>[vector<16xi32>, vector<16xi32>], vector<16xf32>,
      %sub3A_1072 = arith.subf %gather3A_1070, %gather3A_1071 : vector<16xf32>
      %mul3A_1073 = arith.mulf %sub3A_1072, %sub3A_1072 : vector<16xf32>
      %add3A_1074 = arith.addf %add3A_1063, %mul3A_1073 : vector<16xf32>
      %add3A_1075 = arith.constant 22 : i32
      %add3A_1076 = vector.broadcast %add3A_1075 : i32 to vector<16xi32>
      %add3A_1077 = arith.addi %iota3A, %add3A_1076 : vector<16xi32>
      %and3A_1078 = arith.constant 31 : i32
      %and3A_1079 = vector.broadcast %and3A_1078 : i32 to vector<16xi32>
      %and3A_1080 = arith.andi %add3A_1077, %and3A_1079 : vector<16xi32>
      %gather3A_1081 = tpu.vector_load_idx %arg10[%add3A_830, %and3A_1080] : memref<80x32xf32, #tpu.memory_space<vmem>>[vector<16xi32>, vector<16xi32>], vector<16xf32>,
      %gather3A_1082 = tpu.vector_load_idx %arg11[%add3A_830, %and3A_1080] : memref<80x32xf32, #tpu.memory_space<vmem>>[vector<16xi32>, vector<16xi32>], vector<16xf32>,
      %sub3A_1083 = arith.subf %gather3A_1081, %gather3A_1082 : vector<16xf32>
      %mul3A_1084 = arith.mulf %sub3A_1083, %sub3A_1083 : vector<16xf32>
      %add3A_1085 = arith.addf %add3A_1074, %mul3A_1084 : vector<16xf32>
      %add3A_1086 = arith.constant 23 : i32
      %add3A_1087 = vector.broadcast %add3A_1086 : i32 to vector<16xi32>
      %add3A_1088 = arith.addi %iota3A, %add3A_1087 : vector<16xi32>
      %and3A_1089 = arith.constant 31 : i32
      %and3A_1090 = vector.broadcast %and3A_1089 : i32 to vector<16xi32>
      %and3A_1091 = arith.andi %add3A_1088, %and3A_1090 : vector<16xi32>
      %gather3A_1092 = tpu.vector_load_idx %arg10[%add3A_830, %and3A_1091] : memref<80x32xf32, #tpu.memory_space<vmem>>[vector<16xi32>, vector<16xi32>], vector<16xf32>,
      %gather3A_1093 = tpu.vector_load_idx %arg11[%add3A_830, %and3A_1091] : memref<80x32xf32, #tpu.memory_space<vmem>>[vector<16xi32>, vector<16xi32>], vector<16xf32>,
      %sub3A_1094 = arith.subf %gather3A_1092, %gather3A_1093 : vector<16xf32>
      %mul3A_1095 = arith.mulf %sub3A_1094, %sub3A_1094 : vector<16xf32>
      %add3A_1096 = arith.addf %add3A_1085, %mul3A_1095 : vector<16xf32>
      %add3A_1097 = arith.constant 24 : i32
      %add3A_1098 = vector.broadcast %add3A_1097 : i32 to vector<16xi32>
      %add3A_1099 = arith.addi %iota3A, %add3A_1098 : vector<16xi32>
      %and3A_1100 = arith.constant 31 : i32
      %and3A_1101 = vector.broadcast %and3A_1100 : i32 to vector<16xi32>
      %and3A_1102 = arith.andi %add3A_1099, %and3A_1101 : vector<16xi32>
      %gather3A_1103 = tpu.vector_load_idx %arg10[%add3A_830, %and3A_1102] : memref<80x32xf32, #tpu.memory_space<vmem>>[vector<16xi32>, vector<16xi32>], vector<16xf32>,
      %gather3A_1104 = tpu.vector_load_idx %arg11[%add3A_830, %and3A_1102] : memref<80x32xf32, #tpu.memory_space<vmem>>[vector<16xi32>, vector<16xi32>], vector<16xf32>,
      %sub3A_1105 = arith.subf %gather3A_1103, %gather3A_1104 : vector<16xf32>
      %mul3A_1106 = arith.mulf %sub3A_1105, %sub3A_1105 : vector<16xf32>
      %add3A_1107 = arith.addf %add3A_1096, %mul3A_1106 : vector<16xf32>
      %add3A_1108 = arith.constant 25 : i32
      %add3A_1109 = vector.broadcast %add3A_1108 : i32 to vector<16xi32>
      %add3A_1110 = arith.addi %iota3A, %add3A_1109 : vector<16xi32>
      %and3A_1111 = arith.constant 31 : i32
      %and3A_1112 = vector.broadcast %and3A_1111 : i32 to vector<16xi32>
      %and3A_1113 = arith.andi %add3A_1110, %and3A_1112 : vector<16xi32>
      %gather3A_1114 = tpu.vector_load_idx %arg10[%add3A_830, %and3A_1113] : memref<80x32xf32, #tpu.memory_space<vmem>>[vector<16xi32>, vector<16xi32>], vector<16xf32>,
      %gather3A_1115 = tpu.vector_load_idx %arg11[%add3A_830, %and3A_1113] : memref<80x32xf32, #tpu.memory_space<vmem>>[vector<16xi32>, vector<16xi32>], vector<16xf32>,
      %sub3A_1116 = arith.subf %gather3A_1114, %gather3A_1115 : vector<16xf32>
      %mul3A_1117 = arith.mulf %sub3A_1116, %sub3A_1116 : vector<16xf32>
      %add3A_1118 = arith.addf %add3A_1107, %mul3A_1117 : vector<16xf32>
      %add3A_1119 = arith.constant 26 : i32
      %add3A_1120 = vector.broadcast %add3A_1119 : i32 to vector<16xi32>
      %add3A_1121 = arith.addi %iota3A, %add3A_1120 : vector<16xi32>
      %and3A_1122 = arith.constant 31 : i32
      %and3A_1123 = vector.broadcast %and3A_1122 : i32 to vector<16xi32>
      %and3A_1124 = arith.andi %add3A_1121, %and3A_1123 : vector<16xi32>
      %gather3A_1125 = tpu.vector_load_idx %arg10[%add3A_830, %and3A_1124] : memref<80x32xf32, #tpu.memory_space<vmem>>[vector<16xi32>, vector<16xi32>], vector<16xf32>,
      %gather3A_1126 = tpu.vector_load_idx %arg11[%add3A_830, %and3A_1124] : memref<80x32xf32, #tpu.memory_space<vmem>>[vector<16xi32>, vector<16xi32>], vector<16xf32>,
      %sub3A_1127 = arith.subf %gather3A_1125, %gather3A_1126 : vector<16xf32>
      %mul3A_1128 = arith.mulf %sub3A_1127, %sub3A_1127 : vector<16xf32>
      %add3A_1129 = arith.addf %add3A_1118, %mul3A_1128 : vector<16xf32>
      %add3A_1130 = arith.constant 27 : i32
      %add3A_1131 = vector.broadcast %add3A_1130 : i32 to vector<16xi32>
      %add3A_1132 = arith.addi %iota3A, %add3A_1131 : vector<16xi32>
      %and3A_1133 = arith.constant 31 : i32
      %and3A_1134 = vector.broadcast %and3A_1133 : i32 to vector<16xi32>
      %and3A_1135 = arith.andi %add3A_1132, %and3A_1134 : vector<16xi32>
      %gather3A_1136 = tpu.vector_load_idx %arg10[%add3A_830, %and3A_1135] : memref<80x32xf32, #tpu.memory_space<vmem>>[vector<16xi32>, vector<16xi32>], vector<16xf32>,
      %gather3A_1137 = tpu.vector_load_idx %arg11[%add3A_830, %and3A_1135] : memref<80x32xf32, #tpu.memory_space<vmem>>[vector<16xi32>, vector<16xi32>], vector<16xf32>,
      %sub3A_1138 = arith.subf %gather3A_1136, %gather3A_1137 : vector<16xf32>
      %mul3A_1139 = arith.mulf %sub3A_1138, %sub3A_1138 : vector<16xf32>
      %add3A_1140 = arith.addf %add3A_1129, %mul3A_1139 : vector<16xf32>
      %add3A_1141 = arith.constant 28 : i32
      %add3A_1142 = vector.broadcast %add3A_1141 : i32 to vector<16xi32>
      %add3A_1143 = arith.addi %iota3A, %add3A_1142 : vector<16xi32>
      %and3A_1144 = arith.constant 31 : i32
      %and3A_1145 = vector.broadcast %and3A_1144 : i32 to vector<16xi32>
      %and3A_1146 = arith.andi %add3A_1143, %and3A_1145 : vector<16xi32>
      %gather3A_1147 = tpu.vector_load_idx %arg10[%add3A_830, %and3A_1146] : memref<80x32xf32, #tpu.memory_space<vmem>>[vector<16xi32>, vector<16xi32>], vector<16xf32>,
      %gather3A_1148 = tpu.vector_load_idx %arg11[%add3A_830, %and3A_1146] : memref<80x32xf32, #tpu.memory_space<vmem>>[vector<16xi32>, vector<16xi32>], vector<16xf32>,
      %sub3A_1149 = arith.subf %gather3A_1147, %gather3A_1148 : vector<16xf32>
      %mul3A_1150 = arith.mulf %sub3A_1149, %sub3A_1149 : vector<16xf32>
      %add3A_1151 = arith.addf %add3A_1140, %mul3A_1150 : vector<16xf32>
      %add3A_1152 = arith.constant 29 : i32
      %add3A_1153 = vector.broadcast %add3A_1152 : i32 to vector<16xi32>
      %add3A_1154 = arith.addi %iota3A, %add3A_1153 : vector<16xi32>
      %and3A_1155 = arith.constant 31 : i32
      %and3A_1156 = vector.broadcast %and3A_1155 : i32 to vector<16xi32>
      %and3A_1157 = arith.andi %add3A_1154, %and3A_1156 : vector<16xi32>
      %gather3A_1158 = tpu.vector_load_idx %arg10[%add3A_830, %and3A_1157] : memref<80x32xf32, #tpu.memory_space<vmem>>[vector<16xi32>, vector<16xi32>], vector<16xf32>,
      %gather3A_1159 = tpu.vector_load_idx %arg11[%add3A_830, %and3A_1157] : memref<80x32xf32, #tpu.memory_space<vmem>>[vector<16xi32>, vector<16xi32>], vector<16xf32>,
      %sub3A_1160 = arith.subf %gather3A_1158, %gather3A_1159 : vector<16xf32>
      %mul3A_1161 = arith.mulf %sub3A_1160, %sub3A_1160 : vector<16xf32>
      %add3A_1162 = arith.addf %add3A_1151, %mul3A_1161 : vector<16xf32>
      %add3A_1163 = arith.constant 30 : i32
      %add3A_1164 = vector.broadcast %add3A_1163 : i32 to vector<16xi32>
      %add3A_1165 = arith.addi %iota3A, %add3A_1164 : vector<16xi32>
      %and3A_1166 = arith.constant 31 : i32
      %and3A_1167 = vector.broadcast %and3A_1166 : i32 to vector<16xi32>
      %and3A_1168 = arith.andi %add3A_1165, %and3A_1167 : vector<16xi32>
      %gather3A_1169 = tpu.vector_load_idx %arg10[%add3A_830, %and3A_1168] : memref<80x32xf32, #tpu.memory_space<vmem>>[vector<16xi32>, vector<16xi32>], vector<16xf32>,
      %gather3A_1170 = tpu.vector_load_idx %arg11[%add3A_830, %and3A_1168] : memref<80x32xf32, #tpu.memory_space<vmem>>[vector<16xi32>, vector<16xi32>], vector<16xf32>,
      %sub3A_1171 = arith.subf %gather3A_1169, %gather3A_1170 : vector<16xf32>
      %mul3A_1172 = arith.mulf %sub3A_1171, %sub3A_1171 : vector<16xf32>
      %add3A_1173 = arith.addf %add3A_1162, %mul3A_1172 : vector<16xf32>
      %add3A_1174 = arith.constant 31 : i32
      %add3A_1175 = vector.broadcast %add3A_1174 : i32 to vector<16xi32>
      %add3A_1176 = arith.addi %iota3A, %add3A_1175 : vector<16xi32>
      %and3A_1177 = arith.constant 31 : i32
      %and3A_1178 = vector.broadcast %and3A_1177 : i32 to vector<16xi32>
      %and3A_1179 = arith.andi %add3A_1176, %and3A_1178 : vector<16xi32>
      %gather3A_1180 = tpu.vector_load_idx %arg10[%add3A_830, %and3A_1179] : memref<80x32xf32, #tpu.memory_space<vmem>>[vector<16xi32>, vector<16xi32>], vector<16xf32>,
      %gather3A_1181 = tpu.vector_load_idx %arg11[%add3A_830, %and3A_1179] : memref<80x32xf32, #tpu.memory_space<vmem>>[vector<16xi32>, vector<16xi32>], vector<16xf32>,
      %sub3A_1182 = arith.subf %gather3A_1180, %gather3A_1181 : vector<16xf32>
      %mul3A_1183 = arith.mulf %sub3A_1182, %sub3A_1182 : vector<16xf32>
      %add3A_1184 = arith.addf %add3A_1173, %mul3A_1183 : vector<16xf32>
      %add3A_1185 = arith.constant 9.99999996E-13 : f32
      %add3A_1186 = vector.broadcast %add3A_1185 : f32 to vector<16xf32>
      %add3A_1187 = arith.addf %add3A_1184, %add3A_1186 : vector<16xf32>
      %bitcast3A_1188 = vector.bitcast %add3A_1187 : vector<16xf32> to vector<16xi32>
      %shift_right_arithmetic3A_1189 = arith.constant 1 : i32
      %shift_right_arithmetic3A_1190 = vector.broadcast %shift_right_arithmetic3A_1189 : i32 to vector<16xi32>
      %shift_right_arithmetic3A_1191 = arith.shrsi %bitcast3A_1188, %shift_right_arithmetic3A_1190 : vector<16xi32>
      %sub3A_1192 = arith.constant 1597463007 : i32
      %sub3A_1193 = vector.broadcast %sub3A_1192 : i32 to vector<16xi32>
      %sub3A_1194 = arith.subi %sub3A_1193, %shift_right_arithmetic3A_1191 : vector<16xi32>
      %bitcast3A_1195 = vector.bitcast %sub3A_1194 : vector<16xi32> to vector<16xf32>
      %mul3A_1196 = arith.constant 5.000000e-01 : f32
      %mul3A_1197 = vector.broadcast %mul3A_1196 : f32 to vector<16xf32>
      %mul3A_1198 = arith.mulf %mul3A_1197, %add3A_1187 : vector<16xf32>
      %mul3A_1199 = arith.mulf %mul3A_1198, %bitcast3A_1195 : vector<16xf32>
      %mul3A_1200 = arith.mulf %mul3A_1199, %bitcast3A_1195 : vector<16xf32>
      %sub3A_1201 = arith.constant 1.500000e+00 : f32
      %sub3A_1202 = vector.broadcast %sub3A_1201 : f32 to vector<16xf32>
      %sub3A_1203 = arith.subf %sub3A_1202, %mul3A_1200 : vector<16xf32>
      %mul3A_1204 = arith.mulf %bitcast3A_1195, %sub3A_1203 : vector<16xf32>
      %mul3A_1205 = arith.constant 5.000000e-01 : f32
      %mul3A_1206 = vector.broadcast %mul3A_1205 : f32 to vector<16xf32>
      %mul3A_1207 = arith.mulf %mul3A_1206, %add3A_1187 : vector<16xf32>
      %mul3A_1208 = arith.mulf %mul3A_1207, %mul3A_1204 : vector<16xf32>
      %mul3A_1209 = arith.mulf %mul3A_1208, %mul3A_1204 : vector<16xf32>
      %sub3A_1210 = arith.constant 1.500000e+00 : f32
      %sub3A_1211 = vector.broadcast %sub3A_1210 : f32 to vector<16xf32>
      %sub3A_1212 = arith.subf %sub3A_1211, %mul3A_1209 : vector<16xf32>
      %mul3A_1213 = arith.mulf %mul3A_1204, %sub3A_1212 : vector<16xf32>
      %mul3A_1214 = arith.constant 5.000000e-01 : f32
      %mul3A_1215 = vector.broadcast %mul3A_1214 : f32 to vector<16xf32>
      %mul3A_1216 = arith.mulf %mul3A_1215, %add3A_1187 : vector<16xf32>
      %mul3A_1217 = arith.mulf %mul3A_1216, %mul3A_1213 : vector<16xf32>
      %mul3A_1218 = arith.mulf %mul3A_1217, %mul3A_1213 : vector<16xf32>
      %sub3A_1219 = arith.constant 1.500000e+00 : f32
      %sub3A_1220 = vector.broadcast %sub3A_1219 : f32 to vector<16xf32>
      %sub3A_1221 = arith.subf %sub3A_1220, %mul3A_1218 : vector<16xf32>
      %mul3A_1222 = arith.mulf %mul3A_1213, %sub3A_1221 : vector<16xf32>
      %mul3A_1223 = arith.mulf %add3A_1187, %mul3A_1222 : vector<16xf32>
      %get3A_1224 = arith.index_cast %scan3A_8 : i32 to index
      %get3A_1225 = arith.constant 32 : index
      %get3A_1226 = tpu.vector_load %arg9[%get3A_1224, %get3A_1225] {strides = array<i32>} : memref<125x80xf32, #tpu.memory_space<vmem>>, vector<16xf32>,
      %mul3A_1227 = arith.mulf %mul3A_1223, %get3A_1226 : vector<16xf32>
      %add3A_1228 = arith.addf %add3A_827, %mul3A_1227 : vector<16xf32>
      %add3A_1229 = arith.constant 48 : i32
      %add3A_1230 = vector.broadcast %add3A_1229 : i32 to vector<16xi32>
      %add3A_1231 = arith.addi %iota3A, %add3A_1230 : vector<16xi32>
      %broadcast_in_dim3A_1232 = arith.constant 0.000000e+00 : f32
      %broadcast_in_dim3A_1233 = vector.broadcast %broadcast_in_dim3A_1232 : f32 to vector<16xf32>
      %add3A_1234 = arith.constant 0 : i32
      %add3A_1235 = vector.broadcast %add3A_1234 : i32 to vector<16xi32>
      %add3A_1236 = arith.addi %iota3A, %add3A_1235 : vector<16xi32>
      %and3A_1237 = arith.constant 31 : i32
      %and3A_1238 = vector.broadcast %and3A_1237 : i32 to vector<16xi32>
      %and3A_1239 = arith.andi %add3A_1236, %and3A_1238 : vector<16xi32>
      %gather3A_1240 = tpu.vector_load_idx %arg10[%add3A_1231, %and3A_1239] : memref<80x32xf32, #tpu.memory_space<vmem>>[vector<16xi32>, vector<16xi32>], vector<16xf32>,
      %gather3A_1241 = tpu.vector_load_idx %arg11[%add3A_1231, %and3A_1239] : memref<80x32xf32, #tpu.memory_space<vmem>>[vector<16xi32>, vector<16xi32>], vector<16xf32>,
      %sub3A_1242 = arith.subf %gather3A_1240, %gather3A_1241 : vector<16xf32>
      %mul3A_1243 = arith.mulf %sub3A_1242, %sub3A_1242 : vector<16xf32>
      %add3A_1244 = arith.addf %broadcast_in_dim3A_1233, %mul3A_1243 : vector<16xf32>
      %add3A_1245 = arith.constant 1 : i32
      %add3A_1246 = vector.broadcast %add3A_1245 : i32 to vector<16xi32>
      %add3A_1247 = arith.addi %iota3A, %add3A_1246 : vector<16xi32>
      %and3A_1248 = arith.constant 31 : i32
      %and3A_1249 = vector.broadcast %and3A_1248 : i32 to vector<16xi32>
      %and3A_1250 = arith.andi %add3A_1247, %and3A_1249 : vector<16xi32>
      %gather3A_1251 = tpu.vector_load_idx %arg10[%add3A_1231, %and3A_1250] : memref<80x32xf32, #tpu.memory_space<vmem>>[vector<16xi32>, vector<16xi32>], vector<16xf32>,
      %gather3A_1252 = tpu.vector_load_idx %arg11[%add3A_1231, %and3A_1250] : memref<80x32xf32, #tpu.memory_space<vmem>>[vector<16xi32>, vector<16xi32>], vector<16xf32>,
      %sub3A_1253 = arith.subf %gather3A_1251, %gather3A_1252 : vector<16xf32>
      %mul3A_1254 = arith.mulf %sub3A_1253, %sub3A_1253 : vector<16xf32>
      %add3A_1255 = arith.addf %add3A_1244, %mul3A_1254 : vector<16xf32>
      %add3A_1256 = arith.constant 2 : i32
      %add3A_1257 = vector.broadcast %add3A_1256 : i32 to vector<16xi32>
      %add3A_1258 = arith.addi %iota3A, %add3A_1257 : vector<16xi32>
      %and3A_1259 = arith.constant 31 : i32
      %and3A_1260 = vector.broadcast %and3A_1259 : i32 to vector<16xi32>
      %and3A_1261 = arith.andi %add3A_1258, %and3A_1260 : vector<16xi32>
      %gather3A_1262 = tpu.vector_load_idx %arg10[%add3A_1231, %and3A_1261] : memref<80x32xf32, #tpu.memory_space<vmem>>[vector<16xi32>, vector<16xi32>], vector<16xf32>,
      %gather3A_1263 = tpu.vector_load_idx %arg11[%add3A_1231, %and3A_1261] : memref<80x32xf32, #tpu.memory_space<vmem>>[vector<16xi32>, vector<16xi32>], vector<16xf32>,
      %sub3A_1264 = arith.subf %gather3A_1262, %gather3A_1263 : vector<16xf32>
      %mul3A_1265 = arith.mulf %sub3A_1264, %sub3A_1264 : vector<16xf32>
      %add3A_1266 = arith.addf %add3A_1255, %mul3A_1265 : vector<16xf32>
      %add3A_1267 = arith.constant 3 : i32
      %add3A_1268 = vector.broadcast %add3A_1267 : i32 to vector<16xi32>
      %add3A_1269 = arith.addi %iota3A, %add3A_1268 : vector<16xi32>
      %and3A_1270 = arith.constant 31 : i32
      %and3A_1271 = vector.broadcast %and3A_1270 : i32 to vector<16xi32>
      %and3A_1272 = arith.andi %add3A_1269, %and3A_1271 : vector<16xi32>
      %gather3A_1273 = tpu.vector_load_idx %arg10[%add3A_1231, %and3A_1272] : memref<80x32xf32, #tpu.memory_space<vmem>>[vector<16xi32>, vector<16xi32>], vector<16xf32>,
      %gather3A_1274 = tpu.vector_load_idx %arg11[%add3A_1231, %and3A_1272] : memref<80x32xf32, #tpu.memory_space<vmem>>[vector<16xi32>, vector<16xi32>], vector<16xf32>,
      %sub3A_1275 = arith.subf %gather3A_1273, %gather3A_1274 : vector<16xf32>
      %mul3A_1276 = arith.mulf %sub3A_1275, %sub3A_1275 : vector<16xf32>
      %add3A_1277 = arith.addf %add3A_1266, %mul3A_1276 : vector<16xf32>
      %add3A_1278 = arith.constant 4 : i32
      %add3A_1279 = vector.broadcast %add3A_1278 : i32 to vector<16xi32>
      %add3A_1280 = arith.addi %iota3A, %add3A_1279 : vector<16xi32>
      %and3A_1281 = arith.constant 31 : i32
      %and3A_1282 = vector.broadcast %and3A_1281 : i32 to vector<16xi32>
      %and3A_1283 = arith.andi %add3A_1280, %and3A_1282 : vector<16xi32>
      %gather3A_1284 = tpu.vector_load_idx %arg10[%add3A_1231, %and3A_1283] : memref<80x32xf32, #tpu.memory_space<vmem>>[vector<16xi32>, vector<16xi32>], vector<16xf32>,
      %gather3A_1285 = tpu.vector_load_idx %arg11[%add3A_1231, %and3A_1283] : memref<80x32xf32, #tpu.memory_space<vmem>>[vector<16xi32>, vector<16xi32>], vector<16xf32>,
      %sub3A_1286 = arith.subf %gather3A_1284, %gather3A_1285 : vector<16xf32>
      %mul3A_1287 = arith.mulf %sub3A_1286, %sub3A_1286 : vector<16xf32>
      %add3A_1288 = arith.addf %add3A_1277, %mul3A_1287 : vector<16xf32>
      %add3A_1289 = arith.constant 5 : i32
      %add3A_1290 = vector.broadcast %add3A_1289 : i32 to vector<16xi32>
      %add3A_1291 = arith.addi %iota3A, %add3A_1290 : vector<16xi32>
      %and3A_1292 = arith.constant 31 : i32
      %and3A_1293 = vector.broadcast %and3A_1292 : i32 to vector<16xi32>
      %and3A_1294 = arith.andi %add3A_1291, %and3A_1293 : vector<16xi32>
      %gather3A_1295 = tpu.vector_load_idx %arg10[%add3A_1231, %and3A_1294] : memref<80x32xf32, #tpu.memory_space<vmem>>[vector<16xi32>, vector<16xi32>], vector<16xf32>,
      %gather3A_1296 = tpu.vector_load_idx %arg11[%add3A_1231, %and3A_1294] : memref<80x32xf32, #tpu.memory_space<vmem>>[vector<16xi32>, vector<16xi32>], vector<16xf32>,
      %sub3A_1297 = arith.subf %gather3A_1295, %gather3A_1296 : vector<16xf32>
      %mul3A_1298 = arith.mulf %sub3A_1297, %sub3A_1297 : vector<16xf32>
      %add3A_1299 = arith.addf %add3A_1288, %mul3A_1298 : vector<16xf32>
      %add3A_1300 = arith.constant 6 : i32
      %add3A_1301 = vector.broadcast %add3A_1300 : i32 to vector<16xi32>
      %add3A_1302 = arith.addi %iota3A, %add3A_1301 : vector<16xi32>
      %and3A_1303 = arith.constant 31 : i32
      %and3A_1304 = vector.broadcast %and3A_1303 : i32 to vector<16xi32>
      %and3A_1305 = arith.andi %add3A_1302, %and3A_1304 : vector<16xi32>
      %gather3A_1306 = tpu.vector_load_idx %arg10[%add3A_1231, %and3A_1305] : memref<80x32xf32, #tpu.memory_space<vmem>>[vector<16xi32>, vector<16xi32>], vector<16xf32>,
      %gather3A_1307 = tpu.vector_load_idx %arg11[%add3A_1231, %and3A_1305] : memref<80x32xf32, #tpu.memory_space<vmem>>[vector<16xi32>, vector<16xi32>], vector<16xf32>,
      %sub3A_1308 = arith.subf %gather3A_1306, %gather3A_1307 : vector<16xf32>
      %mul3A_1309 = arith.mulf %sub3A_1308, %sub3A_1308 : vector<16xf32>
      %add3A_1310 = arith.addf %add3A_1299, %mul3A_1309 : vector<16xf32>
      %add3A_1311 = arith.constant 7 : i32
      %add3A_1312 = vector.broadcast %add3A_1311 : i32 to vector<16xi32>
      %add3A_1313 = arith.addi %iota3A, %add3A_1312 : vector<16xi32>
      %and3A_1314 = arith.constant 31 : i32
      %and3A_1315 = vector.broadcast %and3A_1314 : i32 to vector<16xi32>
      %and3A_1316 = arith.andi %add3A_1313, %and3A_1315 : vector<16xi32>
      %gather3A_1317 = tpu.vector_load_idx %arg10[%add3A_1231, %and3A_1316] : memref<80x32xf32, #tpu.memory_space<vmem>>[vector<16xi32>, vector<16xi32>], vector<16xf32>,
      %gather3A_1318 = tpu.vector_load_idx %arg11[%add3A_1231, %and3A_1316] : memref<80x32xf32, #tpu.memory_space<vmem>>[vector<16xi32>, vector<16xi32>], vector<16xf32>,
      %sub3A_1319 = arith.subf %gather3A_1317, %gather3A_1318 : vector<16xf32>
      %mul3A_1320 = arith.mulf %sub3A_1319, %sub3A_1319 : vector<16xf32>
      %add3A_1321 = arith.addf %add3A_1310, %mul3A_1320 : vector<16xf32>
      %add3A_1322 = arith.constant 8 : i32
      %add3A_1323 = vector.broadcast %add3A_1322 : i32 to vector<16xi32>
      %add3A_1324 = arith.addi %iota3A, %add3A_1323 : vector<16xi32>
      %and3A_1325 = arith.constant 31 : i32
      %and3A_1326 = vector.broadcast %and3A_1325 : i32 to vector<16xi32>
      %and3A_1327 = arith.andi %add3A_1324, %and3A_1326 : vector<16xi32>
      %gather3A_1328 = tpu.vector_load_idx %arg10[%add3A_1231, %and3A_1327] : memref<80x32xf32, #tpu.memory_space<vmem>>[vector<16xi32>, vector<16xi32>], vector<16xf32>,
      %gather3A_1329 = tpu.vector_load_idx %arg11[%add3A_1231, %and3A_1327] : memref<80x32xf32, #tpu.memory_space<vmem>>[vector<16xi32>, vector<16xi32>], vector<16xf32>,
      %sub3A_1330 = arith.subf %gather3A_1328, %gather3A_1329 : vector<16xf32>
      %mul3A_1331 = arith.mulf %sub3A_1330, %sub3A_1330 : vector<16xf32>
      %add3A_1332 = arith.addf %add3A_1321, %mul3A_1331 : vector<16xf32>
      %add3A_1333 = arith.constant 9 : i32
      %add3A_1334 = vector.broadcast %add3A_1333 : i32 to vector<16xi32>
      %add3A_1335 = arith.addi %iota3A, %add3A_1334 : vector<16xi32>
      %and3A_1336 = arith.constant 31 : i32
      %and3A_1337 = vector.broadcast %and3A_1336 : i32 to vector<16xi32>
      %and3A_1338 = arith.andi %add3A_1335, %and3A_1337 : vector<16xi32>
      %gather3A_1339 = tpu.vector_load_idx %arg10[%add3A_1231, %and3A_1338] : memref<80x32xf32, #tpu.memory_space<vmem>>[vector<16xi32>, vector<16xi32>], vector<16xf32>,
      %gather3A_1340 = tpu.vector_load_idx %arg11[%add3A_1231, %and3A_1338] : memref<80x32xf32, #tpu.memory_space<vmem>>[vector<16xi32>, vector<16xi32>], vector<16xf32>,
      %sub3A_1341 = arith.subf %gather3A_1339, %gather3A_1340 : vector<16xf32>
      %mul3A_1342 = arith.mulf %sub3A_1341, %sub3A_1341 : vector<16xf32>
      %add3A_1343 = arith.addf %add3A_1332, %mul3A_1342 : vector<16xf32>
      %add3A_1344 = arith.constant 10 : i32
      %add3A_1345 = vector.broadcast %add3A_1344 : i32 to vector<16xi32>
      %add3A_1346 = arith.addi %iota3A, %add3A_1345 : vector<16xi32>
      %and3A_1347 = arith.constant 31 : i32
      %and3A_1348 = vector.broadcast %and3A_1347 : i32 to vector<16xi32>
      %and3A_1349 = arith.andi %add3A_1346, %and3A_1348 : vector<16xi32>
      %gather3A_1350 = tpu.vector_load_idx %arg10[%add3A_1231, %and3A_1349] : memref<80x32xf32, #tpu.memory_space<vmem>>[vector<16xi32>, vector<16xi32>], vector<16xf32>,
      %gather3A_1351 = tpu.vector_load_idx %arg11[%add3A_1231, %and3A_1349] : memref<80x32xf32, #tpu.memory_space<vmem>>[vector<16xi32>, vector<16xi32>], vector<16xf32>,
      %sub3A_1352 = arith.subf %gather3A_1350, %gather3A_1351 : vector<16xf32>
      %mul3A_1353 = arith.mulf %sub3A_1352, %sub3A_1352 : vector<16xf32>
      %add3A_1354 = arith.addf %add3A_1343, %mul3A_1353 : vector<16xf32>
      %add3A_1355 = arith.constant 11 : i32
      %add3A_1356 = vector.broadcast %add3A_1355 : i32 to vector<16xi32>
      %add3A_1357 = arith.addi %iota3A, %add3A_1356 : vector<16xi32>
      %and3A_1358 = arith.constant 31 : i32
      %and3A_1359 = vector.broadcast %and3A_1358 : i32 to vector<16xi32>
      %and3A_1360 = arith.andi %add3A_1357, %and3A_1359 : vector<16xi32>
      %gather3A_1361 = tpu.vector_load_idx %arg10[%add3A_1231, %and3A_1360] : memref<80x32xf32, #tpu.memory_space<vmem>>[vector<16xi32>, vector<16xi32>], vector<16xf32>,
      %gather3A_1362 = tpu.vector_load_idx %arg11[%add3A_1231, %and3A_1360] : memref<80x32xf32, #tpu.memory_space<vmem>>[vector<16xi32>, vector<16xi32>], vector<16xf32>,
      %sub3A_1363 = arith.subf %gather3A_1361, %gather3A_1362 : vector<16xf32>
      %mul3A_1364 = arith.mulf %sub3A_1363, %sub3A_1363 : vector<16xf32>
      %add3A_1365 = arith.addf %add3A_1354, %mul3A_1364 : vector<16xf32>
      %add3A_1366 = arith.constant 12 : i32
      %add3A_1367 = vector.broadcast %add3A_1366 : i32 to vector<16xi32>
      %add3A_1368 = arith.addi %iota3A, %add3A_1367 : vector<16xi32>
      %and3A_1369 = arith.constant 31 : i32
      %and3A_1370 = vector.broadcast %and3A_1369 : i32 to vector<16xi32>
      %and3A_1371 = arith.andi %add3A_1368, %and3A_1370 : vector<16xi32>
      %gather3A_1372 = tpu.vector_load_idx %arg10[%add3A_1231, %and3A_1371] : memref<80x32xf32, #tpu.memory_space<vmem>>[vector<16xi32>, vector<16xi32>], vector<16xf32>,
      %gather3A_1373 = tpu.vector_load_idx %arg11[%add3A_1231, %and3A_1371] : memref<80x32xf32, #tpu.memory_space<vmem>>[vector<16xi32>, vector<16xi32>], vector<16xf32>,
      %sub3A_1374 = arith.subf %gather3A_1372, %gather3A_1373 : vector<16xf32>
      %mul3A_1375 = arith.mulf %sub3A_1374, %sub3A_1374 : vector<16xf32>
      %add3A_1376 = arith.addf %add3A_1365, %mul3A_1375 : vector<16xf32>
      %add3A_1377 = arith.constant 13 : i32
      %add3A_1378 = vector.broadcast %add3A_1377 : i32 to vector<16xi32>
      %add3A_1379 = arith.addi %iota3A, %add3A_1378 : vector<16xi32>
      %and3A_1380 = arith.constant 31 : i32
      %and3A_1381 = vector.broadcast %and3A_1380 : i32 to vector<16xi32>
      %and3A_1382 = arith.andi %add3A_1379, %and3A_1381 : vector<16xi32>
      %gather3A_1383 = tpu.vector_load_idx %arg10[%add3A_1231, %and3A_1382] : memref<80x32xf32, #tpu.memory_space<vmem>>[vector<16xi32>, vector<16xi32>], vector<16xf32>,
      %gather3A_1384 = tpu.vector_load_idx %arg11[%add3A_1231, %and3A_1382] : memref<80x32xf32, #tpu.memory_space<vmem>>[vector<16xi32>, vector<16xi32>], vector<16xf32>,
      %sub3A_1385 = arith.subf %gather3A_1383, %gather3A_1384 : vector<16xf32>
      %mul3A_1386 = arith.mulf %sub3A_1385, %sub3A_1385 : vector<16xf32>
      %add3A_1387 = arith.addf %add3A_1376, %mul3A_1386 : vector<16xf32>
      %add3A_1388 = arith.constant 14 : i32
      %add3A_1389 = vector.broadcast %add3A_1388 : i32 to vector<16xi32>
      %add3A_1390 = arith.addi %iota3A, %add3A_1389 : vector<16xi32>
      %and3A_1391 = arith.constant 31 : i32
      %and3A_1392 = vector.broadcast %and3A_1391 : i32 to vector<16xi32>
      %and3A_1393 = arith.andi %add3A_1390, %and3A_1392 : vector<16xi32>
      %gather3A_1394 = tpu.vector_load_idx %arg10[%add3A_1231, %and3A_1393] : memref<80x32xf32, #tpu.memory_space<vmem>>[vector<16xi32>, vector<16xi32>], vector<16xf32>,
      %gather3A_1395 = tpu.vector_load_idx %arg11[%add3A_1231, %and3A_1393] : memref<80x32xf32, #tpu.memory_space<vmem>>[vector<16xi32>, vector<16xi32>], vector<16xf32>,
      %sub3A_1396 = arith.subf %gather3A_1394, %gather3A_1395 : vector<16xf32>
      %mul3A_1397 = arith.mulf %sub3A_1396, %sub3A_1396 : vector<16xf32>
      %add3A_1398 = arith.addf %add3A_1387, %mul3A_1397 : vector<16xf32>
      %add3A_1399 = arith.constant 15 : i32
      %add3A_1400 = vector.broadcast %add3A_1399 : i32 to vector<16xi32>
      %add3A_1401 = arith.addi %iota3A, %add3A_1400 : vector<16xi32>
      %and3A_1402 = arith.constant 31 : i32
      %and3A_1403 = vector.broadcast %and3A_1402 : i32 to vector<16xi32>
      %and3A_1404 = arith.andi %add3A_1401, %and3A_1403 : vector<16xi32>
      %gather3A_1405 = tpu.vector_load_idx %arg10[%add3A_1231, %and3A_1404] : memref<80x32xf32, #tpu.memory_space<vmem>>[vector<16xi32>, vector<16xi32>], vector<16xf32>,
      %gather3A_1406 = tpu.vector_load_idx %arg11[%add3A_1231, %and3A_1404] : memref<80x32xf32, #tpu.memory_space<vmem>>[vector<16xi32>, vector<16xi32>], vector<16xf32>,
      %sub3A_1407 = arith.subf %gather3A_1405, %gather3A_1406 : vector<16xf32>
      %mul3A_1408 = arith.mulf %sub3A_1407, %sub3A_1407 : vector<16xf32>
      %add3A_1409 = arith.addf %add3A_1398, %mul3A_1408 : vector<16xf32>
      %add3A_1410 = arith.constant 16 : i32
      %add3A_1411 = vector.broadcast %add3A_1410 : i32 to vector<16xi32>
      %add3A_1412 = arith.addi %iota3A, %add3A_1411 : vector<16xi32>
      %and3A_1413 = arith.constant 31 : i32
      %and3A_1414 = vector.broadcast %and3A_1413 : i32 to vector<16xi32>
      %and3A_1415 = arith.andi %add3A_1412, %and3A_1414 : vector<16xi32>
      %gather3A_1416 = tpu.vector_load_idx %arg10[%add3A_1231, %and3A_1415] : memref<80x32xf32, #tpu.memory_space<vmem>>[vector<16xi32>, vector<16xi32>], vector<16xf32>,
      %gather3A_1417 = tpu.vector_load_idx %arg11[%add3A_1231, %and3A_1415] : memref<80x32xf32, #tpu.memory_space<vmem>>[vector<16xi32>, vector<16xi32>], vector<16xf32>,
      %sub3A_1418 = arith.subf %gather3A_1416, %gather3A_1417 : vector<16xf32>
      %mul3A_1419 = arith.mulf %sub3A_1418, %sub3A_1418 : vector<16xf32>
      %add3A_1420 = arith.addf %add3A_1409, %mul3A_1419 : vector<16xf32>
      %add3A_1421 = arith.constant 17 : i32
      %add3A_1422 = vector.broadcast %add3A_1421 : i32 to vector<16xi32>
      %add3A_1423 = arith.addi %iota3A, %add3A_1422 : vector<16xi32>
      %and3A_1424 = arith.constant 31 : i32
      %and3A_1425 = vector.broadcast %and3A_1424 : i32 to vector<16xi32>
      %and3A_1426 = arith.andi %add3A_1423, %and3A_1425 : vector<16xi32>
      %gather3A_1427 = tpu.vector_load_idx %arg10[%add3A_1231, %and3A_1426] : memref<80x32xf32, #tpu.memory_space<vmem>>[vector<16xi32>, vector<16xi32>], vector<16xf32>,
      %gather3A_1428 = tpu.vector_load_idx %arg11[%add3A_1231, %and3A_1426] : memref<80x32xf32, #tpu.memory_space<vmem>>[vector<16xi32>, vector<16xi32>], vector<16xf32>,
      %sub3A_1429 = arith.subf %gather3A_1427, %gather3A_1428 : vector<16xf32>
      %mul3A_1430 = arith.mulf %sub3A_1429, %sub3A_1429 : vector<16xf32>
      %add3A_1431 = arith.addf %add3A_1420, %mul3A_1430 : vector<16xf32>
      %add3A_1432 = arith.constant 18 : i32
      %add3A_1433 = vector.broadcast %add3A_1432 : i32 to vector<16xi32>
      %add3A_1434 = arith.addi %iota3A, %add3A_1433 : vector<16xi32>
      %and3A_1435 = arith.constant 31 : i32
      %and3A_1436 = vector.broadcast %and3A_1435 : i32 to vector<16xi32>
      %and3A_1437 = arith.andi %add3A_1434, %and3A_1436 : vector<16xi32>
      %gather3A_1438 = tpu.vector_load_idx %arg10[%add3A_1231, %and3A_1437] : memref<80x32xf32, #tpu.memory_space<vmem>>[vector<16xi32>, vector<16xi32>], vector<16xf32>,
      %gather3A_1439 = tpu.vector_load_idx %arg11[%add3A_1231, %and3A_1437] : memref<80x32xf32, #tpu.memory_space<vmem>>[vector<16xi32>, vector<16xi32>], vector<16xf32>,
      %sub3A_1440 = arith.subf %gather3A_1438, %gather3A_1439 : vector<16xf32>
      %mul3A_1441 = arith.mulf %sub3A_1440, %sub3A_1440 : vector<16xf32>
      %add3A_1442 = arith.addf %add3A_1431, %mul3A_1441 : vector<16xf32>
      %add3A_1443 = arith.constant 19 : i32
      %add3A_1444 = vector.broadcast %add3A_1443 : i32 to vector<16xi32>
      %add3A_1445 = arith.addi %iota3A, %add3A_1444 : vector<16xi32>
      %and3A_1446 = arith.constant 31 : i32
      %and3A_1447 = vector.broadcast %and3A_1446 : i32 to vector<16xi32>
      %and3A_1448 = arith.andi %add3A_1445, %and3A_1447 : vector<16xi32>
      %gather3A_1449 = tpu.vector_load_idx %arg10[%add3A_1231, %and3A_1448] : memref<80x32xf32, #tpu.memory_space<vmem>>[vector<16xi32>, vector<16xi32>], vector<16xf32>,
      %gather3A_1450 = tpu.vector_load_idx %arg11[%add3A_1231, %and3A_1448] : memref<80x32xf32, #tpu.memory_space<vmem>>[vector<16xi32>, vector<16xi32>], vector<16xf32>,
      %sub3A_1451 = arith.subf %gather3A_1449, %gather3A_1450 : vector<16xf32>
      %mul3A_1452 = arith.mulf %sub3A_1451, %sub3A_1451 : vector<16xf32>
      %add3A_1453 = arith.addf %add3A_1442, %mul3A_1452 : vector<16xf32>
      %add3A_1454 = arith.constant 20 : i32
      %add3A_1455 = vector.broadcast %add3A_1454 : i32 to vector<16xi32>
      %add3A_1456 = arith.addi %iota3A, %add3A_1455 : vector<16xi32>
      %and3A_1457 = arith.constant 31 : i32
      %and3A_1458 = vector.broadcast %and3A_1457 : i32 to vector<16xi32>
      %and3A_1459 = arith.andi %add3A_1456, %and3A_1458 : vector<16xi32>
      %gather3A_1460 = tpu.vector_load_idx %arg10[%add3A_1231, %and3A_1459] : memref<80x32xf32, #tpu.memory_space<vmem>>[vector<16xi32>, vector<16xi32>], vector<16xf32>,
      %gather3A_1461 = tpu.vector_load_idx %arg11[%add3A_1231, %and3A_1459] : memref<80x32xf32, #tpu.memory_space<vmem>>[vector<16xi32>, vector<16xi32>], vector<16xf32>,
      %sub3A_1462 = arith.subf %gather3A_1460, %gather3A_1461 : vector<16xf32>
      %mul3A_1463 = arith.mulf %sub3A_1462, %sub3A_1462 : vector<16xf32>
      %add3A_1464 = arith.addf %add3A_1453, %mul3A_1463 : vector<16xf32>
      %add3A_1465 = arith.constant 21 : i32
      %add3A_1466 = vector.broadcast %add3A_1465 : i32 to vector<16xi32>
      %add3A_1467 = arith.addi %iota3A, %add3A_1466 : vector<16xi32>
      %and3A_1468 = arith.constant 31 : i32
      %and3A_1469 = vector.broadcast %and3A_1468 : i32 to vector<16xi32>
      %and3A_1470 = arith.andi %add3A_1467, %and3A_1469 : vector<16xi32>
      %gather3A_1471 = tpu.vector_load_idx %arg10[%add3A_1231, %and3A_1470] : memref<80x32xf32, #tpu.memory_space<vmem>>[vector<16xi32>, vector<16xi32>], vector<16xf32>,
      %gather3A_1472 = tpu.vector_load_idx %arg11[%add3A_1231, %and3A_1470] : memref<80x32xf32, #tpu.memory_space<vmem>>[vector<16xi32>, vector<16xi32>], vector<16xf32>,
      %sub3A_1473 = arith.subf %gather3A_1471, %gather3A_1472 : vector<16xf32>
      %mul3A_1474 = arith.mulf %sub3A_1473, %sub3A_1473 : vector<16xf32>
      %add3A_1475 = arith.addf %add3A_1464, %mul3A_1474 : vector<16xf32>
      %add3A_1476 = arith.constant 22 : i32
      %add3A_1477 = vector.broadcast %add3A_1476 : i32 to vector<16xi32>
      %add3A_1478 = arith.addi %iota3A, %add3A_1477 : vector<16xi32>
      %and3A_1479 = arith.constant 31 : i32
      %and3A_1480 = vector.broadcast %and3A_1479 : i32 to vector<16xi32>
      %and3A_1481 = arith.andi %add3A_1478, %and3A_1480 : vector<16xi32>
      %gather3A_1482 = tpu.vector_load_idx %arg10[%add3A_1231, %and3A_1481] : memref<80x32xf32, #tpu.memory_space<vmem>>[vector<16xi32>, vector<16xi32>], vector<16xf32>,
      %gather3A_1483 = tpu.vector_load_idx %arg11[%add3A_1231, %and3A_1481] : memref<80x32xf32, #tpu.memory_space<vmem>>[vector<16xi32>, vector<16xi32>], vector<16xf32>,
      %sub3A_1484 = arith.subf %gather3A_1482, %gather3A_1483 : vector<16xf32>
      %mul3A_1485 = arith.mulf %sub3A_1484, %sub3A_1484 : vector<16xf32>
      %add3A_1486 = arith.addf %add3A_1475, %mul3A_1485 : vector<16xf32>
      %add3A_1487 = arith.constant 23 : i32
      %add3A_1488 = vector.broadcast %add3A_1487 : i32 to vector<16xi32>
      %add3A_1489 = arith.addi %iota3A, %add3A_1488 : vector<16xi32>
      %and3A_1490 = arith.constant 31 : i32
      %and3A_1491 = vector.broadcast %and3A_1490 : i32 to vector<16xi32>
      %and3A_1492 = arith.andi %add3A_1489, %and3A_1491 : vector<16xi32>
      %gather3A_1493 = tpu.vector_load_idx %arg10[%add3A_1231, %and3A_1492] : memref<80x32xf32, #tpu.memory_space<vmem>>[vector<16xi32>, vector<16xi32>], vector<16xf32>,
      %gather3A_1494 = tpu.vector_load_idx %arg11[%add3A_1231, %and3A_1492] : memref<80x32xf32, #tpu.memory_space<vmem>>[vector<16xi32>, vector<16xi32>], vector<16xf32>,
      %sub3A_1495 = arith.subf %gather3A_1493, %gather3A_1494 : vector<16xf32>
      %mul3A_1496 = arith.mulf %sub3A_1495, %sub3A_1495 : vector<16xf32>
      %add3A_1497 = arith.addf %add3A_1486, %mul3A_1496 : vector<16xf32>
      %add3A_1498 = arith.constant 24 : i32
      %add3A_1499 = vector.broadcast %add3A_1498 : i32 to vector<16xi32>
      %add3A_1500 = arith.addi %iota3A, %add3A_1499 : vector<16xi32>
      %and3A_1501 = arith.constant 31 : i32
      %and3A_1502 = vector.broadcast %and3A_1501 : i32 to vector<16xi32>
      %and3A_1503 = arith.andi %add3A_1500, %and3A_1502 : vector<16xi32>
      %gather3A_1504 = tpu.vector_load_idx %arg10[%add3A_1231, %and3A_1503] : memref<80x32xf32, #tpu.memory_space<vmem>>[vector<16xi32>, vector<16xi32>], vector<16xf32>,
      %gather3A_1505 = tpu.vector_load_idx %arg11[%add3A_1231, %and3A_1503] : memref<80x32xf32, #tpu.memory_space<vmem>>[vector<16xi32>, vector<16xi32>], vector<16xf32>,
      %sub3A_1506 = arith.subf %gather3A_1504, %gather3A_1505 : vector<16xf32>
      %mul3A_1507 = arith.mulf %sub3A_1506, %sub3A_1506 : vector<16xf32>
      %add3A_1508 = arith.addf %add3A_1497, %mul3A_1507 : vector<16xf32>
      %add3A_1509 = arith.constant 25 : i32
      %add3A_1510 = vector.broadcast %add3A_1509 : i32 to vector<16xi32>
      %add3A_1511 = arith.addi %iota3A, %add3A_1510 : vector<16xi32>
      %and3A_1512 = arith.constant 31 : i32
      %and3A_1513 = vector.broadcast %and3A_1512 : i32 to vector<16xi32>
      %and3A_1514 = arith.andi %add3A_1511, %and3A_1513 : vector<16xi32>
      %gather3A_1515 = tpu.vector_load_idx %arg10[%add3A_1231, %and3A_1514] : memref<80x32xf32, #tpu.memory_space<vmem>>[vector<16xi32>, vector<16xi32>], vector<16xf32>,
      %gather3A_1516 = tpu.vector_load_idx %arg11[%add3A_1231, %and3A_1514] : memref<80x32xf32, #tpu.memory_space<vmem>>[vector<16xi32>, vector<16xi32>], vector<16xf32>,
      %sub3A_1517 = arith.subf %gather3A_1515, %gather3A_1516 : vector<16xf32>
      %mul3A_1518 = arith.mulf %sub3A_1517, %sub3A_1517 : vector<16xf32>
      %add3A_1519 = arith.addf %add3A_1508, %mul3A_1518 : vector<16xf32>
      %add3A_1520 = arith.constant 26 : i32
      %add3A_1521 = vector.broadcast %add3A_1520 : i32 to vector<16xi32>
      %add3A_1522 = arith.addi %iota3A, %add3A_1521 : vector<16xi32>
      %and3A_1523 = arith.constant 31 : i32
      %and3A_1524 = vector.broadcast %and3A_1523 : i32 to vector<16xi32>
      %and3A_1525 = arith.andi %add3A_1522, %and3A_1524 : vector<16xi32>
      %gather3A_1526 = tpu.vector_load_idx %arg10[%add3A_1231, %and3A_1525] : memref<80x32xf32, #tpu.memory_space<vmem>>[vector<16xi32>, vector<16xi32>], vector<16xf32>,
      %gather3A_1527 = tpu.vector_load_idx %arg11[%add3A_1231, %and3A_1525] : memref<80x32xf32, #tpu.memory_space<vmem>>[vector<16xi32>, vector<16xi32>], vector<16xf32>,
      %sub3A_1528 = arith.subf %gather3A_1526, %gather3A_1527 : vector<16xf32>
      %mul3A_1529 = arith.mulf %sub3A_1528, %sub3A_1528 : vector<16xf32>
      %add3A_1530 = arith.addf %add3A_1519, %mul3A_1529 : vector<16xf32>
      %add3A_1531 = arith.constant 27 : i32
      %add3A_1532 = vector.broadcast %add3A_1531 : i32 to vector<16xi32>
      %add3A_1533 = arith.addi %iota3A, %add3A_1532 : vector<16xi32>
      %and3A_1534 = arith.constant 31 : i32
      %and3A_1535 = vector.broadcast %and3A_1534 : i32 to vector<16xi32>
      %and3A_1536 = arith.andi %add3A_1533, %and3A_1535 : vector<16xi32>
      %gather3A_1537 = tpu.vector_load_idx %arg10[%add3A_1231, %and3A_1536] : memref<80x32xf32, #tpu.memory_space<vmem>>[vector<16xi32>, vector<16xi32>], vector<16xf32>,
      %gather3A_1538 = tpu.vector_load_idx %arg11[%add3A_1231, %and3A_1536] : memref<80x32xf32, #tpu.memory_space<vmem>>[vector<16xi32>, vector<16xi32>], vector<16xf32>,
      %sub3A_1539 = arith.subf %gather3A_1537, %gather3A_1538 : vector<16xf32>
      %mul3A_1540 = arith.mulf %sub3A_1539, %sub3A_1539 : vector<16xf32>
      %add3A_1541 = arith.addf %add3A_1530, %mul3A_1540 : vector<16xf32>
      %add3A_1542 = arith.constant 28 : i32
      %add3A_1543 = vector.broadcast %add3A_1542 : i32 to vector<16xi32>
      %add3A_1544 = arith.addi %iota3A, %add3A_1543 : vector<16xi32>
      %and3A_1545 = arith.constant 31 : i32
      %and3A_1546 = vector.broadcast %and3A_1545 : i32 to vector<16xi32>
      %and3A_1547 = arith.andi %add3A_1544, %and3A_1546 : vector<16xi32>
      %gather3A_1548 = tpu.vector_load_idx %arg10[%add3A_1231, %and3A_1547] : memref<80x32xf32, #tpu.memory_space<vmem>>[vector<16xi32>, vector<16xi32>], vector<16xf32>,
      %gather3A_1549 = tpu.vector_load_idx %arg11[%add3A_1231, %and3A_1547] : memref<80x32xf32, #tpu.memory_space<vmem>>[vector<16xi32>, vector<16xi32>], vector<16xf32>,
      %sub3A_1550 = arith.subf %gather3A_1548, %gather3A_1549 : vector<16xf32>
      %mul3A_1551 = arith.mulf %sub3A_1550, %sub3A_1550 : vector<16xf32>
      %add3A_1552 = arith.addf %add3A_1541, %mul3A_1551 : vector<16xf32>
      %add3A_1553 = arith.constant 29 : i32
      %add3A_1554 = vector.broadcast %add3A_1553 : i32 to vector<16xi32>
      %add3A_1555 = arith.addi %iota3A, %add3A_1554 : vector<16xi32>
      %and3A_1556 = arith.constant 31 : i32
      %and3A_1557 = vector.broadcast %and3A_1556 : i32 to vector<16xi32>
      %and3A_1558 = arith.andi %add3A_1555, %and3A_1557 : vector<16xi32>
      %gather3A_1559 = tpu.vector_load_idx %arg10[%add3A_1231, %and3A_1558] : memref<80x32xf32, #tpu.memory_space<vmem>>[vector<16xi32>, vector<16xi32>], vector<16xf32>,
      %gather3A_1560 = tpu.vector_load_idx %arg11[%add3A_1231, %and3A_1558] : memref<80x32xf32, #tpu.memory_space<vmem>>[vector<16xi32>, vector<16xi32>], vector<16xf32>,
      %sub3A_1561 = arith.subf %gather3A_1559, %gather3A_1560 : vector<16xf32>
      %mul3A_1562 = arith.mulf %sub3A_1561, %sub3A_1561 : vector<16xf32>
      %add3A_1563 = arith.addf %add3A_1552, %mul3A_1562 : vector<16xf32>
      %add3A_1564 = arith.constant 30 : i32
      %add3A_1565 = vector.broadcast %add3A_1564 : i32 to vector<16xi32>
      %add3A_1566 = arith.addi %iota3A, %add3A_1565 : vector<16xi32>
      %and3A_1567 = arith.constant 31 : i32
      %and3A_1568 = vector.broadcast %and3A_1567 : i32 to vector<16xi32>
      %and3A_1569 = arith.andi %add3A_1566, %and3A_1568 : vector<16xi32>
      %gather3A_1570 = tpu.vector_load_idx %arg10[%add3A_1231, %and3A_1569] : memref<80x32xf32, #tpu.memory_space<vmem>>[vector<16xi32>, vector<16xi32>], vector<16xf32>,
      %gather3A_1571 = tpu.vector_load_idx %arg11[%add3A_1231, %and3A_1569] : memref<80x32xf32, #tpu.memory_space<vmem>>[vector<16xi32>, vector<16xi32>], vector<16xf32>,
      %sub3A_1572 = arith.subf %gather3A_1570, %gather3A_1571 : vector<16xf32>
      %mul3A_1573 = arith.mulf %sub3A_1572, %sub3A_1572 : vector<16xf32>
      %add3A_1574 = arith.addf %add3A_1563, %mul3A_1573 : vector<16xf32>
      %add3A_1575 = arith.constant 31 : i32
      %add3A_1576 = vector.broadcast %add3A_1575 : i32 to vector<16xi32>
      %add3A_1577 = arith.addi %iota3A, %add3A_1576 : vector<16xi32>
      %and3A_1578 = arith.constant 31 : i32
      %and3A_1579 = vector.broadcast %and3A_1578 : i32 to vector<16xi32>
      %and3A_1580 = arith.andi %add3A_1577, %and3A_1579 : vector<16xi32>
      %gather3A_1581 = tpu.vector_load_idx %arg10[%add3A_1231, %and3A_1580] : memref<80x32xf32, #tpu.memory_space<vmem>>[vector<16xi32>, vector<16xi32>], vector<16xf32>,
      %gather3A_1582 = tpu.vector_load_idx %arg11[%add3A_1231, %and3A_1580] : memref<80x32xf32, #tpu.memory_space<vmem>>[vector<16xi32>, vector<16xi32>], vector<16xf32>,
      %sub3A_1583 = arith.subf %gather3A_1581, %gather3A_1582 : vector<16xf32>
      %mul3A_1584 = arith.mulf %sub3A_1583, %sub3A_1583 : vector<16xf32>
      %add3A_1585 = arith.addf %add3A_1574, %mul3A_1584 : vector<16xf32>
      %add3A_1586 = arith.constant 9.99999996E-13 : f32
      %add3A_1587 = vector.broadcast %add3A_1586 : f32 to vector<16xf32>
      %add3A_1588 = arith.addf %add3A_1585, %add3A_1587 : vector<16xf32>
      %bitcast3A_1589 = vector.bitcast %add3A_1588 : vector<16xf32> to vector<16xi32>
      %shift_right_arithmetic3A_1590 = arith.constant 1 : i32
      %shift_right_arithmetic3A_1591 = vector.broadcast %shift_right_arithmetic3A_1590 : i32 to vector<16xi32>
      %shift_right_arithmetic3A_1592 = arith.shrsi %bitcast3A_1589, %shift_right_arithmetic3A_1591 : vector<16xi32>
      %sub3A_1593 = arith.constant 1597463007 : i32
      %sub3A_1594 = vector.broadcast %sub3A_1593 : i32 to vector<16xi32>
      %sub3A_1595 = arith.subi %sub3A_1594, %shift_right_arithmetic3A_1592 : vector<16xi32>
      %bitcast3A_1596 = vector.bitcast %sub3A_1595 : vector<16xi32> to vector<16xf32>
      %mul3A_1597 = arith.constant 5.000000e-01 : f32
      %mul3A_1598 = vector.broadcast %mul3A_1597 : f32 to vector<16xf32>
      %mul3A_1599 = arith.mulf %mul3A_1598, %add3A_1588 : vector<16xf32>
      %mul3A_1600 = arith.mulf %mul3A_1599, %bitcast3A_1596 : vector<16xf32>
      %mul3A_1601 = arith.mulf %mul3A_1600, %bitcast3A_1596 : vector<16xf32>
      %sub3A_1602 = arith.constant 1.500000e+00 : f32
      %sub3A_1603 = vector.broadcast %sub3A_1602 : f32 to vector<16xf32>
      %sub3A_1604 = arith.subf %sub3A_1603, %mul3A_1601 : vector<16xf32>
      %mul3A_1605 = arith.mulf %bitcast3A_1596, %sub3A_1604 : vector<16xf32>
      %mul3A_1606 = arith.constant 5.000000e-01 : f32
      %mul3A_1607 = vector.broadcast %mul3A_1606 : f32 to vector<16xf32>
      %mul3A_1608 = arith.mulf %mul3A_1607, %add3A_1588 : vector<16xf32>
      %mul3A_1609 = arith.mulf %mul3A_1608, %mul3A_1605 : vector<16xf32>
      %mul3A_1610 = arith.mulf %mul3A_1609, %mul3A_1605 : vector<16xf32>
      %sub3A_1611 = arith.constant 1.500000e+00 : f32
      %sub3A_1612 = vector.broadcast %sub3A_1611 : f32 to vector<16xf32>
      %sub3A_1613 = arith.subf %sub3A_1612, %mul3A_1610 : vector<16xf32>
      %mul3A_1614 = arith.mulf %mul3A_1605, %sub3A_1613 : vector<16xf32>
      %mul3A_1615 = arith.constant 5.000000e-01 : f32
      %mul3A_1616 = vector.broadcast %mul3A_1615 : f32 to vector<16xf32>
      %mul3A_1617 = arith.mulf %mul3A_1616, %add3A_1588 : vector<16xf32>
      %mul3A_1618 = arith.mulf %mul3A_1617, %mul3A_1614 : vector<16xf32>
      %mul3A_1619 = arith.mulf %mul3A_1618, %mul3A_1614 : vector<16xf32>
      %sub3A_1620 = arith.constant 1.500000e+00 : f32
      %sub3A_1621 = vector.broadcast %sub3A_1620 : f32 to vector<16xf32>
      %sub3A_1622 = arith.subf %sub3A_1621, %mul3A_1619 : vector<16xf32>
      %mul3A_1623 = arith.mulf %mul3A_1614, %sub3A_1622 : vector<16xf32>
      %mul3A_1624 = arith.mulf %add3A_1588, %mul3A_1623 : vector<16xf32>
      %get3A_1625 = arith.index_cast %scan3A_8 : i32 to index
      %get3A_1626 = arith.constant 48 : index
      %get3A_1627 = tpu.vector_load %arg9[%get3A_1625, %get3A_1626] {strides = array<i32>} : memref<125x80xf32, #tpu.memory_space<vmem>>, vector<16xf32>,
      %mul3A_1628 = arith.mulf %mul3A_1624, %get3A_1627 : vector<16xf32>
      %add3A_1629 = arith.addf %add3A_1228, %mul3A_1628 : vector<16xf32>
      %add3A_1630 = arith.constant 64 : i32
      %add3A_1631 = vector.broadcast %add3A_1630 : i32 to vector<16xi32>
      %add3A_1632 = arith.addi %iota3A, %add3A_1631 : vector<16xi32>
      %broadcast_in_dim3A_1633 = arith.constant 0.000000e+00 : f32
      %broadcast_in_dim3A_1634 = vector.broadcast %broadcast_in_dim3A_1633 : f32 to vector<16xf32>
      %add3A_1635 = arith.constant 0 : i32
      %add3A_1636 = vector.broadcast %add3A_1635 : i32 to vector<16xi32>
      %add3A_1637 = arith.addi %iota3A, %add3A_1636 : vector<16xi32>
      %and3A_1638 = arith.constant 31 : i32
      %and3A_1639 = vector.broadcast %and3A_1638 : i32 to vector<16xi32>
      %and3A_1640 = arith.andi %add3A_1637, %and3A_1639 : vector<16xi32>
      %gather3A_1641 = tpu.vector_load_idx %arg10[%add3A_1632, %and3A_1640] : memref<80x32xf32, #tpu.memory_space<vmem>>[vector<16xi32>, vector<16xi32>], vector<16xf32>,
      %gather3A_1642 = tpu.vector_load_idx %arg11[%add3A_1632, %and3A_1640] : memref<80x32xf32, #tpu.memory_space<vmem>>[vector<16xi32>, vector<16xi32>], vector<16xf32>,
      %sub3A_1643 = arith.subf %gather3A_1641, %gather3A_1642 : vector<16xf32>
      %mul3A_1644 = arith.mulf %sub3A_1643, %sub3A_1643 : vector<16xf32>
      %add3A_1645 = arith.addf %broadcast_in_dim3A_1634, %mul3A_1644 : vector<16xf32>
      %add3A_1646 = arith.constant 1 : i32
      %add3A_1647 = vector.broadcast %add3A_1646 : i32 to vector<16xi32>
      %add3A_1648 = arith.addi %iota3A, %add3A_1647 : vector<16xi32>
      %and3A_1649 = arith.constant 31 : i32
      %and3A_1650 = vector.broadcast %and3A_1649 : i32 to vector<16xi32>
      %and3A_1651 = arith.andi %add3A_1648, %and3A_1650 : vector<16xi32>
      %gather3A_1652 = tpu.vector_load_idx %arg10[%add3A_1632, %and3A_1651] : memref<80x32xf32, #tpu.memory_space<vmem>>[vector<16xi32>, vector<16xi32>], vector<16xf32>,
      %gather3A_1653 = tpu.vector_load_idx %arg11[%add3A_1632, %and3A_1651] : memref<80x32xf32, #tpu.memory_space<vmem>>[vector<16xi32>, vector<16xi32>], vector<16xf32>,
      %sub3A_1654 = arith.subf %gather3A_1652, %gather3A_1653 : vector<16xf32>
      %mul3A_1655 = arith.mulf %sub3A_1654, %sub3A_1654 : vector<16xf32>
      %add3A_1656 = arith.addf %add3A_1645, %mul3A_1655 : vector<16xf32>
      %add3A_1657 = arith.constant 2 : i32
      %add3A_1658 = vector.broadcast %add3A_1657 : i32 to vector<16xi32>
      %add3A_1659 = arith.addi %iota3A, %add3A_1658 : vector<16xi32>
      %and3A_1660 = arith.constant 31 : i32
      %and3A_1661 = vector.broadcast %and3A_1660 : i32 to vector<16xi32>
      %and3A_1662 = arith.andi %add3A_1659, %and3A_1661 : vector<16xi32>
      %gather3A_1663 = tpu.vector_load_idx %arg10[%add3A_1632, %and3A_1662] : memref<80x32xf32, #tpu.memory_space<vmem>>[vector<16xi32>, vector<16xi32>], vector<16xf32>,
      %gather3A_1664 = tpu.vector_load_idx %arg11[%add3A_1632, %and3A_1662] : memref<80x32xf32, #tpu.memory_space<vmem>>[vector<16xi32>, vector<16xi32>], vector<16xf32>,
      %sub3A_1665 = arith.subf %gather3A_1663, %gather3A_1664 : vector<16xf32>
      %mul3A_1666 = arith.mulf %sub3A_1665, %sub3A_1665 : vector<16xf32>
      %add3A_1667 = arith.addf %add3A_1656, %mul3A_1666 : vector<16xf32>
      %add3A_1668 = arith.constant 3 : i32
      %add3A_1669 = vector.broadcast %add3A_1668 : i32 to vector<16xi32>
      %add3A_1670 = arith.addi %iota3A, %add3A_1669 : vector<16xi32>
      %and3A_1671 = arith.constant 31 : i32
      %and3A_1672 = vector.broadcast %and3A_1671 : i32 to vector<16xi32>
      %and3A_1673 = arith.andi %add3A_1670, %and3A_1672 : vector<16xi32>
      %gather3A_1674 = tpu.vector_load_idx %arg10[%add3A_1632, %and3A_1673] : memref<80x32xf32, #tpu.memory_space<vmem>>[vector<16xi32>, vector<16xi32>], vector<16xf32>,
      %gather3A_1675 = tpu.vector_load_idx %arg11[%add3A_1632, %and3A_1673] : memref<80x32xf32, #tpu.memory_space<vmem>>[vector<16xi32>, vector<16xi32>], vector<16xf32>,
      %sub3A_1676 = arith.subf %gather3A_1674, %gather3A_1675 : vector<16xf32>
      %mul3A_1677 = arith.mulf %sub3A_1676, %sub3A_1676 : vector<16xf32>
      %add3A_1678 = arith.addf %add3A_1667, %mul3A_1677 : vector<16xf32>
      %add3A_1679 = arith.constant 4 : i32
      %add3A_1680 = vector.broadcast %add3A_1679 : i32 to vector<16xi32>
      %add3A_1681 = arith.addi %iota3A, %add3A_1680 : vector<16xi32>
      %and3A_1682 = arith.constant 31 : i32
      %and3A_1683 = vector.broadcast %and3A_1682 : i32 to vector<16xi32>
      %and3A_1684 = arith.andi %add3A_1681, %and3A_1683 : vector<16xi32>
      %gather3A_1685 = tpu.vector_load_idx %arg10[%add3A_1632, %and3A_1684] : memref<80x32xf32, #tpu.memory_space<vmem>>[vector<16xi32>, vector<16xi32>], vector<16xf32>,
      %gather3A_1686 = tpu.vector_load_idx %arg11[%add3A_1632, %and3A_1684] : memref<80x32xf32, #tpu.memory_space<vmem>>[vector<16xi32>, vector<16xi32>], vector<16xf32>,
      %sub3A_1687 = arith.subf %gather3A_1685, %gather3A_1686 : vector<16xf32>
      %mul3A_1688 = arith.mulf %sub3A_1687, %sub3A_1687 : vector<16xf32>
      %add3A_1689 = arith.addf %add3A_1678, %mul3A_1688 : vector<16xf32>
      %add3A_1690 = arith.constant 5 : i32
      %add3A_1691 = vector.broadcast %add3A_1690 : i32 to vector<16xi32>
      %add3A_1692 = arith.addi %iota3A, %add3A_1691 : vector<16xi32>
      %and3A_1693 = arith.constant 31 : i32
      %and3A_1694 = vector.broadcast %and3A_1693 : i32 to vector<16xi32>
      %and3A_1695 = arith.andi %add3A_1692, %and3A_1694 : vector<16xi32>
      %gather3A_1696 = tpu.vector_load_idx %arg10[%add3A_1632, %and3A_1695] : memref<80x32xf32, #tpu.memory_space<vmem>>[vector<16xi32>, vector<16xi32>], vector<16xf32>,
      %gather3A_1697 = tpu.vector_load_idx %arg11[%add3A_1632, %and3A_1695] : memref<80x32xf32, #tpu.memory_space<vmem>>[vector<16xi32>, vector<16xi32>], vector<16xf32>,
      %sub3A_1698 = arith.subf %gather3A_1696, %gather3A_1697 : vector<16xf32>
      %mul3A_1699 = arith.mulf %sub3A_1698, %sub3A_1698 : vector<16xf32>
      %add3A_1700 = arith.addf %add3A_1689, %mul3A_1699 : vector<16xf32>
      %add3A_1701 = arith.constant 6 : i32
      %add3A_1702 = vector.broadcast %add3A_1701 : i32 to vector<16xi32>
      %add3A_1703 = arith.addi %iota3A, %add3A_1702 : vector<16xi32>
      %and3A_1704 = arith.constant 31 : i32
      %and3A_1705 = vector.broadcast %and3A_1704 : i32 to vector<16xi32>
      %and3A_1706 = arith.andi %add3A_1703, %and3A_1705 : vector<16xi32>
      %gather3A_1707 = tpu.vector_load_idx %arg10[%add3A_1632, %and3A_1706] : memref<80x32xf32, #tpu.memory_space<vmem>>[vector<16xi32>, vector<16xi32>], vector<16xf32>,
      %gather3A_1708 = tpu.vector_load_idx %arg11[%add3A_1632, %and3A_1706] : memref<80x32xf32, #tpu.memory_space<vmem>>[vector<16xi32>, vector<16xi32>], vector<16xf32>,
      %sub3A_1709 = arith.subf %gather3A_1707, %gather3A_1708 : vector<16xf32>
      %mul3A_1710 = arith.mulf %sub3A_1709, %sub3A_1709 : vector<16xf32>
      %add3A_1711 = arith.addf %add3A_1700, %mul3A_1710 : vector<16xf32>
      %add3A_1712 = arith.constant 7 : i32
      %add3A_1713 = vector.broadcast %add3A_1712 : i32 to vector<16xi32>
      %add3A_1714 = arith.addi %iota3A, %add3A_1713 : vector<16xi32>
      %and3A_1715 = arith.constant 31 : i32
      %and3A_1716 = vector.broadcast %and3A_1715 : i32 to vector<16xi32>
      %and3A_1717 = arith.andi %add3A_1714, %and3A_1716 : vector<16xi32>
      %gather3A_1718 = tpu.vector_load_idx %arg10[%add3A_1632, %and3A_1717] : memref<80x32xf32, #tpu.memory_space<vmem>>[vector<16xi32>, vector<16xi32>], vector<16xf32>,
      %gather3A_1719 = tpu.vector_load_idx %arg11[%add3A_1632, %and3A_1717] : memref<80x32xf32, #tpu.memory_space<vmem>>[vector<16xi32>, vector<16xi32>], vector<16xf32>,
      %sub3A_1720 = arith.subf %gather3A_1718, %gather3A_1719 : vector<16xf32>
      %mul3A_1721 = arith.mulf %sub3A_1720, %sub3A_1720 : vector<16xf32>
      %add3A_1722 = arith.addf %add3A_1711, %mul3A_1721 : vector<16xf32>
      %add3A_1723 = arith.constant 8 : i32
      %add3A_1724 = vector.broadcast %add3A_1723 : i32 to vector<16xi32>
      %add3A_1725 = arith.addi %iota3A, %add3A_1724 : vector<16xi32>
      %and3A_1726 = arith.constant 31 : i32
      %and3A_1727 = vector.broadcast %and3A_1726 : i32 to vector<16xi32>
      %and3A_1728 = arith.andi %add3A_1725, %and3A_1727 : vector<16xi32>
      %gather3A_1729 = tpu.vector_load_idx %arg10[%add3A_1632, %and3A_1728] : memref<80x32xf32, #tpu.memory_space<vmem>>[vector<16xi32>, vector<16xi32>], vector<16xf32>,
      %gather3A_1730 = tpu.vector_load_idx %arg11[%add3A_1632, %and3A_1728] : memref<80x32xf32, #tpu.memory_space<vmem>>[vector<16xi32>, vector<16xi32>], vector<16xf32>,
      %sub3A_1731 = arith.subf %gather3A_1729, %gather3A_1730 : vector<16xf32>
      %mul3A_1732 = arith.mulf %sub3A_1731, %sub3A_1731 : vector<16xf32>
      %add3A_1733 = arith.addf %add3A_1722, %mul3A_1732 : vector<16xf32>
      %add3A_1734 = arith.constant 9 : i32
      %add3A_1735 = vector.broadcast %add3A_1734 : i32 to vector<16xi32>
      %add3A_1736 = arith.addi %iota3A, %add3A_1735 : vector<16xi32>
      %and3A_1737 = arith.constant 31 : i32
      %and3A_1738 = vector.broadcast %and3A_1737 : i32 to vector<16xi32>
      %and3A_1739 = arith.andi %add3A_1736, %and3A_1738 : vector<16xi32>
      %gather3A_1740 = tpu.vector_load_idx %arg10[%add3A_1632, %and3A_1739] : memref<80x32xf32, #tpu.memory_space<vmem>>[vector<16xi32>, vector<16xi32>], vector<16xf32>,
      %gather3A_1741 = tpu.vector_load_idx %arg11[%add3A_1632, %and3A_1739] : memref<80x32xf32, #tpu.memory_space<vmem>>[vector<16xi32>, vector<16xi32>], vector<16xf32>,
      %sub3A_1742 = arith.subf %gather3A_1740, %gather3A_1741 : vector<16xf32>
      %mul3A_1743 = arith.mulf %sub3A_1742, %sub3A_1742 : vector<16xf32>
      %add3A_1744 = arith.addf %add3A_1733, %mul3A_1743 : vector<16xf32>
      %add3A_1745 = arith.constant 10 : i32
      %add3A_1746 = vector.broadcast %add3A_1745 : i32 to vector<16xi32>
      %add3A_1747 = arith.addi %iota3A, %add3A_1746 : vector<16xi32>
      %and3A_1748 = arith.constant 31 : i32
      %and3A_1749 = vector.broadcast %and3A_1748 : i32 to vector<16xi32>
      %and3A_1750 = arith.andi %add3A_1747, %and3A_1749 : vector<16xi32>
      %gather3A_1751 = tpu.vector_load_idx %arg10[%add3A_1632, %and3A_1750] : memref<80x32xf32, #tpu.memory_space<vmem>>[vector<16xi32>, vector<16xi32>], vector<16xf32>,
      %gather3A_1752 = tpu.vector_load_idx %arg11[%add3A_1632, %and3A_1750] : memref<80x32xf32, #tpu.memory_space<vmem>>[vector<16xi32>, vector<16xi32>], vector<16xf32>,
      %sub3A_1753 = arith.subf %gather3A_1751, %gather3A_1752 : vector<16xf32>
      %mul3A_1754 = arith.mulf %sub3A_1753, %sub3A_1753 : vector<16xf32>
      %add3A_1755 = arith.addf %add3A_1744, %mul3A_1754 : vector<16xf32>
      %add3A_1756 = arith.constant 11 : i32
      %add3A_1757 = vector.broadcast %add3A_1756 : i32 to vector<16xi32>
      %add3A_1758 = arith.addi %iota3A, %add3A_1757 : vector<16xi32>
      %and3A_1759 = arith.constant 31 : i32
      %and3A_1760 = vector.broadcast %and3A_1759 : i32 to vector<16xi32>
      %and3A_1761 = arith.andi %add3A_1758, %and3A_1760 : vector<16xi32>
      %gather3A_1762 = tpu.vector_load_idx %arg10[%add3A_1632, %and3A_1761] : memref<80x32xf32, #tpu.memory_space<vmem>>[vector<16xi32>, vector<16xi32>], vector<16xf32>,
      %gather3A_1763 = tpu.vector_load_idx %arg11[%add3A_1632, %and3A_1761] : memref<80x32xf32, #tpu.memory_space<vmem>>[vector<16xi32>, vector<16xi32>], vector<16xf32>,
      %sub3A_1764 = arith.subf %gather3A_1762, %gather3A_1763 : vector<16xf32>
      %mul3A_1765 = arith.mulf %sub3A_1764, %sub3A_1764 : vector<16xf32>
      %add3A_1766 = arith.addf %add3A_1755, %mul3A_1765 : vector<16xf32>
      %add3A_1767 = arith.constant 12 : i32
      %add3A_1768 = vector.broadcast %add3A_1767 : i32 to vector<16xi32>
      %add3A_1769 = arith.addi %iota3A, %add3A_1768 : vector<16xi32>
      %and3A_1770 = arith.constant 31 : i32
      %and3A_1771 = vector.broadcast %and3A_1770 : i32 to vector<16xi32>
      %and3A_1772 = arith.andi %add3A_1769, %and3A_1771 : vector<16xi32>
      %gather3A_1773 = tpu.vector_load_idx %arg10[%add3A_1632, %and3A_1772] : memref<80x32xf32, #tpu.memory_space<vmem>>[vector<16xi32>, vector<16xi32>], vector<16xf32>,
      %gather3A_1774 = tpu.vector_load_idx %arg11[%add3A_1632, %and3A_1772] : memref<80x32xf32, #tpu.memory_space<vmem>>[vector<16xi32>, vector<16xi32>], vector<16xf32>,
      %sub3A_1775 = arith.subf %gather3A_1773, %gather3A_1774 : vector<16xf32>
      %mul3A_1776 = arith.mulf %sub3A_1775, %sub3A_1775 : vector<16xf32>
      %add3A_1777 = arith.addf %add3A_1766, %mul3A_1776 : vector<16xf32>
      %add3A_1778 = arith.constant 13 : i32
      %add3A_1779 = vector.broadcast %add3A_1778 : i32 to vector<16xi32>
      %add3A_1780 = arith.addi %iota3A, %add3A_1779 : vector<16xi32>
      %and3A_1781 = arith.constant 31 : i32
      %and3A_1782 = vector.broadcast %and3A_1781 : i32 to vector<16xi32>
      %and3A_1783 = arith.andi %add3A_1780, %and3A_1782 : vector<16xi32>
      %gather3A_1784 = tpu.vector_load_idx %arg10[%add3A_1632, %and3A_1783] : memref<80x32xf32, #tpu.memory_space<vmem>>[vector<16xi32>, vector<16xi32>], vector<16xf32>,
      %gather3A_1785 = tpu.vector_load_idx %arg11[%add3A_1632, %and3A_1783] : memref<80x32xf32, #tpu.memory_space<vmem>>[vector<16xi32>, vector<16xi32>], vector<16xf32>,
      %sub3A_1786 = arith.subf %gather3A_1784, %gather3A_1785 : vector<16xf32>
      %mul3A_1787 = arith.mulf %sub3A_1786, %sub3A_1786 : vector<16xf32>
      %add3A_1788 = arith.addf %add3A_1777, %mul3A_1787 : vector<16xf32>
      %add3A_1789 = arith.constant 14 : i32
      %add3A_1790 = vector.broadcast %add3A_1789 : i32 to vector<16xi32>
      %add3A_1791 = arith.addi %iota3A, %add3A_1790 : vector<16xi32>
      %and3A_1792 = arith.constant 31 : i32
      %and3A_1793 = vector.broadcast %and3A_1792 : i32 to vector<16xi32>
      %and3A_1794 = arith.andi %add3A_1791, %and3A_1793 : vector<16xi32>
      %gather3A_1795 = tpu.vector_load_idx %arg10[%add3A_1632, %and3A_1794] : memref<80x32xf32, #tpu.memory_space<vmem>>[vector<16xi32>, vector<16xi32>], vector<16xf32>,
      %gather3A_1796 = tpu.vector_load_idx %arg11[%add3A_1632, %and3A_1794] : memref<80x32xf32, #tpu.memory_space<vmem>>[vector<16xi32>, vector<16xi32>], vector<16xf32>,
      %sub3A_1797 = arith.subf %gather3A_1795, %gather3A_1796 : vector<16xf32>
      %mul3A_1798 = arith.mulf %sub3A_1797, %sub3A_1797 : vector<16xf32>
      %add3A_1799 = arith.addf %add3A_1788, %mul3A_1798 : vector<16xf32>
      %add3A_1800 = arith.constant 15 : i32
      %add3A_1801 = vector.broadcast %add3A_1800 : i32 to vector<16xi32>
      %add3A_1802 = arith.addi %iota3A, %add3A_1801 : vector<16xi32>
      %and3A_1803 = arith.constant 31 : i32
      %and3A_1804 = vector.broadcast %and3A_1803 : i32 to vector<16xi32>
      %and3A_1805 = arith.andi %add3A_1802, %and3A_1804 : vector<16xi32>
      %gather3A_1806 = tpu.vector_load_idx %arg10[%add3A_1632, %and3A_1805] : memref<80x32xf32, #tpu.memory_space<vmem>>[vector<16xi32>, vector<16xi32>], vector<16xf32>,
      %gather3A_1807 = tpu.vector_load_idx %arg11[%add3A_1632, %and3A_1805] : memref<80x32xf32, #tpu.memory_space<vmem>>[vector<16xi32>, vector<16xi32>], vector<16xf32>,
      %sub3A_1808 = arith.subf %gather3A_1806, %gather3A_1807 : vector<16xf32>
      %mul3A_1809 = arith.mulf %sub3A_1808, %sub3A_1808 : vector<16xf32>
      %add3A_1810 = arith.addf %add3A_1799, %mul3A_1809 : vector<16xf32>
      %add3A_1811 = arith.constant 16 : i32
      %add3A_1812 = vector.broadcast %add3A_1811 : i32 to vector<16xi32>
      %add3A_1813 = arith.addi %iota3A, %add3A_1812 : vector<16xi32>
      %and3A_1814 = arith.constant 31 : i32
      %and3A_1815 = vector.broadcast %and3A_1814 : i32 to vector<16xi32>
      %and3A_1816 = arith.andi %add3A_1813, %and3A_1815 : vector<16xi32>
      %gather3A_1817 = tpu.vector_load_idx %arg10[%add3A_1632, %and3A_1816] : memref<80x32xf32, #tpu.memory_space<vmem>>[vector<16xi32>, vector<16xi32>], vector<16xf32>,
      %gather3A_1818 = tpu.vector_load_idx %arg11[%add3A_1632, %and3A_1816] : memref<80x32xf32, #tpu.memory_space<vmem>>[vector<16xi32>, vector<16xi32>], vector<16xf32>,
      %sub3A_1819 = arith.subf %gather3A_1817, %gather3A_1818 : vector<16xf32>
      %mul3A_1820 = arith.mulf %sub3A_1819, %sub3A_1819 : vector<16xf32>
      %add3A_1821 = arith.addf %add3A_1810, %mul3A_1820 : vector<16xf32>
      %add3A_1822 = arith.constant 17 : i32
      %add3A_1823 = vector.broadcast %add3A_1822 : i32 to vector<16xi32>
      %add3A_1824 = arith.addi %iota3A, %add3A_1823 : vector<16xi32>
      %and3A_1825 = arith.constant 31 : i32
      %and3A_1826 = vector.broadcast %and3A_1825 : i32 to vector<16xi32>
      %and3A_1827 = arith.andi %add3A_1824, %and3A_1826 : vector<16xi32>
      %gather3A_1828 = tpu.vector_load_idx %arg10[%add3A_1632, %and3A_1827] : memref<80x32xf32, #tpu.memory_space<vmem>>[vector<16xi32>, vector<16xi32>], vector<16xf32>,
      %gather3A_1829 = tpu.vector_load_idx %arg11[%add3A_1632, %and3A_1827] : memref<80x32xf32, #tpu.memory_space<vmem>>[vector<16xi32>, vector<16xi32>], vector<16xf32>,
      %sub3A_1830 = arith.subf %gather3A_1828, %gather3A_1829 : vector<16xf32>
      %mul3A_1831 = arith.mulf %sub3A_1830, %sub3A_1830 : vector<16xf32>
      %add3A_1832 = arith.addf %add3A_1821, %mul3A_1831 : vector<16xf32>
      %add3A_1833 = arith.constant 18 : i32
      %add3A_1834 = vector.broadcast %add3A_1833 : i32 to vector<16xi32>
      %add3A_1835 = arith.addi %iota3A, %add3A_1834 : vector<16xi32>
      %and3A_1836 = arith.constant 31 : i32
      %and3A_1837 = vector.broadcast %and3A_1836 : i32 to vector<16xi32>
      %and3A_1838 = arith.andi %add3A_1835, %and3A_1837 : vector<16xi32>
      %gather3A_1839 = tpu.vector_load_idx %arg10[%add3A_1632, %and3A_1838] : memref<80x32xf32, #tpu.memory_space<vmem>>[vector<16xi32>, vector<16xi32>], vector<16xf32>,
      %gather3A_1840 = tpu.vector_load_idx %arg11[%add3A_1632, %and3A_1838] : memref<80x32xf32, #tpu.memory_space<vmem>>[vector<16xi32>, vector<16xi32>], vector<16xf32>,
      %sub3A_1841 = arith.subf %gather3A_1839, %gather3A_1840 : vector<16xf32>
      %mul3A_1842 = arith.mulf %sub3A_1841, %sub3A_1841 : vector<16xf32>
      %add3A_1843 = arith.addf %add3A_1832, %mul3A_1842 : vector<16xf32>
      %add3A_1844 = arith.constant 19 : i32
      %add3A_1845 = vector.broadcast %add3A_1844 : i32 to vector<16xi32>
      %add3A_1846 = arith.addi %iota3A, %add3A_1845 : vector<16xi32>
      %and3A_1847 = arith.constant 31 : i32
      %and3A_1848 = vector.broadcast %and3A_1847 : i32 to vector<16xi32>
      %and3A_1849 = arith.andi %add3A_1846, %and3A_1848 : vector<16xi32>
      %gather3A_1850 = tpu.vector_load_idx %arg10[%add3A_1632, %and3A_1849] : memref<80x32xf32, #tpu.memory_space<vmem>>[vector<16xi32>, vector<16xi32>], vector<16xf32>,
      %gather3A_1851 = tpu.vector_load_idx %arg11[%add3A_1632, %and3A_1849] : memref<80x32xf32, #tpu.memory_space<vmem>>[vector<16xi32>, vector<16xi32>], vector<16xf32>,
      %sub3A_1852 = arith.subf %gather3A_1850, %gather3A_1851 : vector<16xf32>
      %mul3A_1853 = arith.mulf %sub3A_1852, %sub3A_1852 : vector<16xf32>
      %add3A_1854 = arith.addf %add3A_1843, %mul3A_1853 : vector<16xf32>
      %add3A_1855 = arith.constant 20 : i32
      %add3A_1856 = vector.broadcast %add3A_1855 : i32 to vector<16xi32>
      %add3A_1857 = arith.addi %iota3A, %add3A_1856 : vector<16xi32>
      %and3A_1858 = arith.constant 31 : i32
      %and3A_1859 = vector.broadcast %and3A_1858 : i32 to vector<16xi32>
      %and3A_1860 = arith.andi %add3A_1857, %and3A_1859 : vector<16xi32>
      %gather3A_1861 = tpu.vector_load_idx %arg10[%add3A_1632, %and3A_1860] : memref<80x32xf32, #tpu.memory_space<vmem>>[vector<16xi32>, vector<16xi32>], vector<16xf32>,
      %gather3A_1862 = tpu.vector_load_idx %arg11[%add3A_1632, %and3A_1860] : memref<80x32xf32, #tpu.memory_space<vmem>>[vector<16xi32>, vector<16xi32>], vector<16xf32>,
      %sub3A_1863 = arith.subf %gather3A_1861, %gather3A_1862 : vector<16xf32>
      %mul3A_1864 = arith.mulf %sub3A_1863, %sub3A_1863 : vector<16xf32>
      %add3A_1865 = arith.addf %add3A_1854, %mul3A_1864 : vector<16xf32>
      %add3A_1866 = arith.constant 21 : i32
      %add3A_1867 = vector.broadcast %add3A_1866 : i32 to vector<16xi32>
      %add3A_1868 = arith.addi %iota3A, %add3A_1867 : vector<16xi32>
      %and3A_1869 = arith.constant 31 : i32
      %and3A_1870 = vector.broadcast %and3A_1869 : i32 to vector<16xi32>
      %and3A_1871 = arith.andi %add3A_1868, %and3A_1870 : vector<16xi32>
      %gather3A_1872 = tpu.vector_load_idx %arg10[%add3A_1632, %and3A_1871] : memref<80x32xf32, #tpu.memory_space<vmem>>[vector<16xi32>, vector<16xi32>], vector<16xf32>,
      %gather3A_1873 = tpu.vector_load_idx %arg11[%add3A_1632, %and3A_1871] : memref<80x32xf32, #tpu.memory_space<vmem>>[vector<16xi32>, vector<16xi32>], vector<16xf32>,
      %sub3A_1874 = arith.subf %gather3A_1872, %gather3A_1873 : vector<16xf32>
      %mul3A_1875 = arith.mulf %sub3A_1874, %sub3A_1874 : vector<16xf32>
      %add3A_1876 = arith.addf %add3A_1865, %mul3A_1875 : vector<16xf32>
      %add3A_1877 = arith.constant 22 : i32
      %add3A_1878 = vector.broadcast %add3A_1877 : i32 to vector<16xi32>
      %add3A_1879 = arith.addi %iota3A, %add3A_1878 : vector<16xi32>
      %and3A_1880 = arith.constant 31 : i32
      %and3A_1881 = vector.broadcast %and3A_1880 : i32 to vector<16xi32>
      %and3A_1882 = arith.andi %add3A_1879, %and3A_1881 : vector<16xi32>
      %gather3A_1883 = tpu.vector_load_idx %arg10[%add3A_1632, %and3A_1882] : memref<80x32xf32, #tpu.memory_space<vmem>>[vector<16xi32>, vector<16xi32>], vector<16xf32>,
      %gather3A_1884 = tpu.vector_load_idx %arg11[%add3A_1632, %and3A_1882] : memref<80x32xf32, #tpu.memory_space<vmem>>[vector<16xi32>, vector<16xi32>], vector<16xf32>,
      %sub3A_1885 = arith.subf %gather3A_1883, %gather3A_1884 : vector<16xf32>
      %mul3A_1886 = arith.mulf %sub3A_1885, %sub3A_1885 : vector<16xf32>
      %add3A_1887 = arith.addf %add3A_1876, %mul3A_1886 : vector<16xf32>
      %add3A_1888 = arith.constant 23 : i32
      %add3A_1889 = vector.broadcast %add3A_1888 : i32 to vector<16xi32>
      %add3A_1890 = arith.addi %iota3A, %add3A_1889 : vector<16xi32>
      %and3A_1891 = arith.constant 31 : i32
      %and3A_1892 = vector.broadcast %and3A_1891 : i32 to vector<16xi32>
      %and3A_1893 = arith.andi %add3A_1890, %and3A_1892 : vector<16xi32>
      %gather3A_1894 = tpu.vector_load_idx %arg10[%add3A_1632, %and3A_1893] : memref<80x32xf32, #tpu.memory_space<vmem>>[vector<16xi32>, vector<16xi32>], vector<16xf32>,
      %gather3A_1895 = tpu.vector_load_idx %arg11[%add3A_1632, %and3A_1893] : memref<80x32xf32, #tpu.memory_space<vmem>>[vector<16xi32>, vector<16xi32>], vector<16xf32>,
      %sub3A_1896 = arith.subf %gather3A_1894, %gather3A_1895 : vector<16xf32>
      %mul3A_1897 = arith.mulf %sub3A_1896, %sub3A_1896 : vector<16xf32>
      %add3A_1898 = arith.addf %add3A_1887, %mul3A_1897 : vector<16xf32>
      %add3A_1899 = arith.constant 24 : i32
      %add3A_1900 = vector.broadcast %add3A_1899 : i32 to vector<16xi32>
      %add3A_1901 = arith.addi %iota3A, %add3A_1900 : vector<16xi32>
      %and3A_1902 = arith.constant 31 : i32
      %and3A_1903 = vector.broadcast %and3A_1902 : i32 to vector<16xi32>
      %and3A_1904 = arith.andi %add3A_1901, %and3A_1903 : vector<16xi32>
      %gather3A_1905 = tpu.vector_load_idx %arg10[%add3A_1632, %and3A_1904] : memref<80x32xf32, #tpu.memory_space<vmem>>[vector<16xi32>, vector<16xi32>], vector<16xf32>,
      %gather3A_1906 = tpu.vector_load_idx %arg11[%add3A_1632, %and3A_1904] : memref<80x32xf32, #tpu.memory_space<vmem>>[vector<16xi32>, vector<16xi32>], vector<16xf32>,
      %sub3A_1907 = arith.subf %gather3A_1905, %gather3A_1906 : vector<16xf32>
      %mul3A_1908 = arith.mulf %sub3A_1907, %sub3A_1907 : vector<16xf32>
      %add3A_1909 = arith.addf %add3A_1898, %mul3A_1908 : vector<16xf32>
      %add3A_1910 = arith.constant 25 : i32
      %add3A_1911 = vector.broadcast %add3A_1910 : i32 to vector<16xi32>
      %add3A_1912 = arith.addi %iota3A, %add3A_1911 : vector<16xi32>
      %and3A_1913 = arith.constant 31 : i32
      %and3A_1914 = vector.broadcast %and3A_1913 : i32 to vector<16xi32>
      %and3A_1915 = arith.andi %add3A_1912, %and3A_1914 : vector<16xi32>
      %gather3A_1916 = tpu.vector_load_idx %arg10[%add3A_1632, %and3A_1915] : memref<80x32xf32, #tpu.memory_space<vmem>>[vector<16xi32>, vector<16xi32>], vector<16xf32>,
      %gather3A_1917 = tpu.vector_load_idx %arg11[%add3A_1632, %and3A_1915] : memref<80x32xf32, #tpu.memory_space<vmem>>[vector<16xi32>, vector<16xi32>], vector<16xf32>,
      %sub3A_1918 = arith.subf %gather3A_1916, %gather3A_1917 : vector<16xf32>
      %mul3A_1919 = arith.mulf %sub3A_1918, %sub3A_1918 : vector<16xf32>
      %add3A_1920 = arith.addf %add3A_1909, %mul3A_1919 : vector<16xf32>
      %add3A_1921 = arith.constant 26 : i32
      %add3A_1922 = vector.broadcast %add3A_1921 : i32 to vector<16xi32>
      %add3A_1923 = arith.addi %iota3A, %add3A_1922 : vector<16xi32>
      %and3A_1924 = arith.constant 31 : i32
      %and3A_1925 = vector.broadcast %and3A_1924 : i32 to vector<16xi32>
      %and3A_1926 = arith.andi %add3A_1923, %and3A_1925 : vector<16xi32>
      %gather3A_1927 = tpu.vector_load_idx %arg10[%add3A_1632, %and3A_1926] : memref<80x32xf32, #tpu.memory_space<vmem>>[vector<16xi32>, vector<16xi32>], vector<16xf32>,
      %gather3A_1928 = tpu.vector_load_idx %arg11[%add3A_1632, %and3A_1926] : memref<80x32xf32, #tpu.memory_space<vmem>>[vector<16xi32>, vector<16xi32>], vector<16xf32>,
      %sub3A_1929 = arith.subf %gather3A_1927, %gather3A_1928 : vector<16xf32>
      %mul3A_1930 = arith.mulf %sub3A_1929, %sub3A_1929 : vector<16xf32>
      %add3A_1931 = arith.addf %add3A_1920, %mul3A_1930 : vector<16xf32>
      %add3A_1932 = arith.constant 27 : i32
      %add3A_1933 = vector.broadcast %add3A_1932 : i32 to vector<16xi32>
      %add3A_1934 = arith.addi %iota3A, %add3A_1933 : vector<16xi32>
      %and3A_1935 = arith.constant 31 : i32
      %and3A_1936 = vector.broadcast %and3A_1935 : i32 to vector<16xi32>
      %and3A_1937 = arith.andi %add3A_1934, %and3A_1936 : vector<16xi32>
      %gather3A_1938 = tpu.vector_load_idx %arg10[%add3A_1632, %and3A_1937] : memref<80x32xf32, #tpu.memory_space<vmem>>[vector<16xi32>, vector<16xi32>], vector<16xf32>,
      %gather3A_1939 = tpu.vector_load_idx %arg11[%add3A_1632, %and3A_1937] : memref<80x32xf32, #tpu.memory_space<vmem>>[vector<16xi32>, vector<16xi32>], vector<16xf32>,
      %sub3A_1940 = arith.subf %gather3A_1938, %gather3A_1939 : vector<16xf32>
      %mul3A_1941 = arith.mulf %sub3A_1940, %sub3A_1940 : vector<16xf32>
      %add3A_1942 = arith.addf %add3A_1931, %mul3A_1941 : vector<16xf32>
      %add3A_1943 = arith.constant 28 : i32
      %add3A_1944 = vector.broadcast %add3A_1943 : i32 to vector<16xi32>
      %add3A_1945 = arith.addi %iota3A, %add3A_1944 : vector<16xi32>
      %and3A_1946 = arith.constant 31 : i32
      %and3A_1947 = vector.broadcast %and3A_1946 : i32 to vector<16xi32>
      %and3A_1948 = arith.andi %add3A_1945, %and3A_1947 : vector<16xi32>
      %gather3A_1949 = tpu.vector_load_idx %arg10[%add3A_1632, %and3A_1948] : memref<80x32xf32, #tpu.memory_space<vmem>>[vector<16xi32>, vector<16xi32>], vector<16xf32>,
      %gather3A_1950 = tpu.vector_load_idx %arg11[%add3A_1632, %and3A_1948] : memref<80x32xf32, #tpu.memory_space<vmem>>[vector<16xi32>, vector<16xi32>], vector<16xf32>,
      %sub3A_1951 = arith.subf %gather3A_1949, %gather3A_1950 : vector<16xf32>
      %mul3A_1952 = arith.mulf %sub3A_1951, %sub3A_1951 : vector<16xf32>
      %add3A_1953 = arith.addf %add3A_1942, %mul3A_1952 : vector<16xf32>
      %add3A_1954 = arith.constant 29 : i32
      %add3A_1955 = vector.broadcast %add3A_1954 : i32 to vector<16xi32>
      %add3A_1956 = arith.addi %iota3A, %add3A_1955 : vector<16xi32>
      %and3A_1957 = arith.constant 31 : i32
      %and3A_1958 = vector.broadcast %and3A_1957 : i32 to vector<16xi32>
      %and3A_1959 = arith.andi %add3A_1956, %and3A_1958 : vector<16xi32>
      %gather3A_1960 = tpu.vector_load_idx %arg10[%add3A_1632, %and3A_1959] : memref<80x32xf32, #tpu.memory_space<vmem>>[vector<16xi32>, vector<16xi32>], vector<16xf32>,
      %gather3A_1961 = tpu.vector_load_idx %arg11[%add3A_1632, %and3A_1959] : memref<80x32xf32, #tpu.memory_space<vmem>>[vector<16xi32>, vector<16xi32>], vector<16xf32>,
      %sub3A_1962 = arith.subf %gather3A_1960, %gather3A_1961 : vector<16xf32>
      %mul3A_1963 = arith.mulf %sub3A_1962, %sub3A_1962 : vector<16xf32>
      %add3A_1964 = arith.addf %add3A_1953, %mul3A_1963 : vector<16xf32>
      %add3A_1965 = arith.constant 30 : i32
      %add3A_1966 = vector.broadcast %add3A_1965 : i32 to vector<16xi32>
      %add3A_1967 = arith.addi %iota3A, %add3A_1966 : vector<16xi32>
      %and3A_1968 = arith.constant 31 : i32
      %and3A_1969 = vector.broadcast %and3A_1968 : i32 to vector<16xi32>
      %and3A_1970 = arith.andi %add3A_1967, %and3A_1969 : vector<16xi32>
      %gather3A_1971 = tpu.vector_load_idx %arg10[%add3A_1632, %and3A_1970] : memref<80x32xf32, #tpu.memory_space<vmem>>[vector<16xi32>, vector<16xi32>], vector<16xf32>,
      %gather3A_1972 = tpu.vector_load_idx %arg11[%add3A_1632, %and3A_1970] : memref<80x32xf32, #tpu.memory_space<vmem>>[vector<16xi32>, vector<16xi32>], vector<16xf32>,
      %sub3A_1973 = arith.subf %gather3A_1971, %gather3A_1972 : vector<16xf32>
      %mul3A_1974 = arith.mulf %sub3A_1973, %sub3A_1973 : vector<16xf32>
      %add3A_1975 = arith.addf %add3A_1964, %mul3A_1974 : vector<16xf32>
      %add3A_1976 = arith.constant 31 : i32
      %add3A_1977 = vector.broadcast %add3A_1976 : i32 to vector<16xi32>
      %add3A_1978 = arith.addi %iota3A, %add3A_1977 : vector<16xi32>
      %and3A_1979 = arith.constant 31 : i32
      %and3A_1980 = vector.broadcast %and3A_1979 : i32 to vector<16xi32>
      %and3A_1981 = arith.andi %add3A_1978, %and3A_1980 : vector<16xi32>
      %gather3A_1982 = tpu.vector_load_idx %arg10[%add3A_1632, %and3A_1981] : memref<80x32xf32, #tpu.memory_space<vmem>>[vector<16xi32>, vector<16xi32>], vector<16xf32>,
      %gather3A_1983 = tpu.vector_load_idx %arg11[%add3A_1632, %and3A_1981] : memref<80x32xf32, #tpu.memory_space<vmem>>[vector<16xi32>, vector<16xi32>], vector<16xf32>,
      %sub3A_1984 = arith.subf %gather3A_1982, %gather3A_1983 : vector<16xf32>
      %mul3A_1985 = arith.mulf %sub3A_1984, %sub3A_1984 : vector<16xf32>
      %add3A_1986 = arith.addf %add3A_1975, %mul3A_1985 : vector<16xf32>
      %add3A_1987 = arith.constant 9.99999996E-13 : f32
      %add3A_1988 = vector.broadcast %add3A_1987 : f32 to vector<16xf32>
      %add3A_1989 = arith.addf %add3A_1986, %add3A_1988 : vector<16xf32>
      %bitcast3A_1990 = vector.bitcast %add3A_1989 : vector<16xf32> to vector<16xi32>
      %shift_right_arithmetic3A_1991 = arith.constant 1 : i32
      %shift_right_arithmetic3A_1992 = vector.broadcast %shift_right_arithmetic3A_1991 : i32 to vector<16xi32>
      %shift_right_arithmetic3A_1993 = arith.shrsi %bitcast3A_1990, %shift_right_arithmetic3A_1992 : vector<16xi32>
      %sub3A_1994 = arith.constant 1597463007 : i32
      %sub3A_1995 = vector.broadcast %sub3A_1994 : i32 to vector<16xi32>
      %sub3A_1996 = arith.subi %sub3A_1995, %shift_right_arithmetic3A_1993 : vector<16xi32>
      %bitcast3A_1997 = vector.bitcast %sub3A_1996 : vector<16xi32> to vector<16xf32>
      %mul3A_1998 = arith.constant 5.000000e-01 : f32
      %mul3A_1999 = vector.broadcast %mul3A_1998 : f32 to vector<16xf32>
      %mul3A_2000 = arith.mulf %mul3A_1999, %add3A_1989 : vector<16xf32>
      %mul3A_2001 = arith.mulf %mul3A_2000, %bitcast3A_1997 : vector<16xf32>
      %mul3A_2002 = arith.mulf %mul3A_2001, %bitcast3A_1997 : vector<16xf32>
      %sub3A_2003 = arith.constant 1.500000e+00 : f32
      %sub3A_2004 = vector.broadcast %sub3A_2003 : f32 to vector<16xf32>
      %sub3A_2005 = arith.subf %sub3A_2004, %mul3A_2002 : vector<16xf32>
      %mul3A_2006 = arith.mulf %bitcast3A_1997, %sub3A_2005 : vector<16xf32>
      %mul3A_2007 = arith.constant 5.000000e-01 : f32
      %mul3A_2008 = vector.broadcast %mul3A_2007 : f32 to vector<16xf32>
      %mul3A_2009 = arith.mulf %mul3A_2008, %add3A_1989 : vector<16xf32>
      %mul3A_2010 = arith.mulf %mul3A_2009, %mul3A_2006 : vector<16xf32>
      %mul3A_2011 = arith.mulf %mul3A_2010, %mul3A_2006 : vector<16xf32>
      %sub3A_2012 = arith.constant 1.500000e+00 : f32
      %sub3A_2013 = vector.broadcast %sub3A_2012 : f32 to vector<16xf32>
      %sub3A_2014 = arith.subf %sub3A_2013, %mul3A_2011 : vector<16xf32>
      %mul3A_2015 = arith.mulf %mul3A_2006, %sub3A_2014 : vector<16xf32>
      %mul3A_2016 = arith.constant 5.000000e-01 : f32
      %mul3A_2017 = vector.broadcast %mul3A_2016 : f32 to vector<16xf32>
      %mul3A_2018 = arith.mulf %mul3A_2017, %add3A_1989 : vector<16xf32>
      %mul3A_2019 = arith.mulf %mul3A_2018, %mul3A_2015 : vector<16xf32>
      %mul3A_2020 = arith.mulf %mul3A_2019, %mul3A_2015 : vector<16xf32>
      %sub3A_2021 = arith.constant 1.500000e+00 : f32
      %sub3A_2022 = vector.broadcast %sub3A_2021 : f32 to vector<16xf32>
      %sub3A_2023 = arith.subf %sub3A_2022, %mul3A_2020 : vector<16xf32>
      %mul3A_2024 = arith.mulf %mul3A_2015, %sub3A_2023 : vector<16xf32>
      %mul3A_2025 = arith.mulf %add3A_1989, %mul3A_2024 : vector<16xf32>
      %get3A_2026 = arith.index_cast %scan3A_8 : i32 to index
      %get3A_2027 = arith.constant 64 : index
      %get3A_2028 = tpu.vector_load %arg9[%get3A_2026, %get3A_2027] {strides = array<i32>} : memref<125x80xf32, #tpu.memory_space<vmem>>, vector<16xf32>,
      %mul3A_2029 = arith.mulf %mul3A_2025, %get3A_2028 : vector<16xf32>
      %add3A_2030 = arith.addf %add3A_1629, %mul3A_2029 : vector<16xf32>
      scf.yield %add3A_2030 : vector<16xf32>
    }
    %scan3A_6 = arith.constant 125 : i32
    %swap3A = arith.constant 0 : index
    %swap3A_7 = tpu.vector_load %arg12[%swap3A] {strides = array<i32>} : memref<16xf32, #tpu.memory_space<vmem>>, vector<16xf32>,
    tpu.vector_store %arg12[%swap3A], %scan3A_5 {strides = array<i32>} : memref<16xf32, #tpu.memory_space<vmem>>, vector<16xf32>,
    "tpu.region"() ({
      %run_scoped3A = tpu.sem_alloc : memref<!tpu.dma_semaphore, #tpu.memory_space<semaphore_mem>>
      %dma_start3A = arith.constant 0 : i32
      %dma_start3A_8 = tpu.memref_slice %arg6[%add3A, %dma_start3A] : memref<32x16xf32, #tpu.memory_space<hbm>> -> memref<1x16xf32, #tpu.memory_space<hbm>>
      %dma_start3A_9 = tpu.memref_squeeze %dma_start3A_8 : memref<1x16xf32, #tpu.memory_space<hbm>> -> memref<16xf32, #tpu.memory_space<hbm>>
      %dma_start3A_10 = arith.constant 0 : i32
      %dma_start3A_11 = tpu.memref_slice %arg6[%add3A, %dma_start3A_10] : memref<32x16xf32, #tpu.memory_space<hbm>> -> memref<1x16xf32, #tpu.memory_space<hbm>>
      %dma_start3A_12 = tpu.memref_squeeze %dma_start3A_11 : memref<1x16xf32, #tpu.memory_space<hbm>> -> memref<16xf32, #tpu.memory_space<hbm>>
      tpu.enqueue_dma source(%arg12 : memref<16xf32, #tpu.memory_space<vmem>>) target(%dma_start3A_12 : memref<16xf32, #tpu.memory_space<hbm>>) target_semaphore(%run_scoped3A : memref<!tpu.dma_semaphore, #tpu.memory_space<semaphore_mem>>)
      %dma_wait3A = arith.constant 0 : i32
      %dma_wait3A_13 = tpu.memref_slice %arg6[%add3A, %dma_wait3A] : memref<32x16xf32, #tpu.memory_space<hbm>> -> memref<1x16xf32, #tpu.memory_space<hbm>>
      %dma_wait3A_14 = tpu.memref_squeeze %dma_wait3A_13 : memref<1x16xf32, #tpu.memory_space<hbm>> -> memref<16xf32, #tpu.memory_space<hbm>>
      %dma_wait3A_15 = arith.constant 0 : i32
      %dma_wait3A_16 = tpu.memref_slice %arg6[%add3A, %dma_wait3A_15] : memref<32x16xf32, #tpu.memory_space<hbm>> -> memref<1x16xf32, #tpu.memory_space<hbm>>
      %dma_wait3A_17 = tpu.memref_squeeze %dma_wait3A_16 : memref<1x16xf32, #tpu.memory_space<hbm>> -> memref<16xf32, #tpu.memory_space<hbm>>
      tpu.wait_dma2 semaphore(%run_scoped3A : memref<!tpu.dma_semaphore, #tpu.memory_space<semaphore_mem>>) src(%arg12 : memref<16xf32, #tpu.memory_space<vmem>>) dst(%dma_wait3A_17 : memref<16xf32, #tpu.memory_space<hbm>>)
      tpu.yield
    }) : () -> ()
    return
  }
}

module attributes {stable_mosaic.version = 14 : i64} {
  func.func @_encode_body(%arg0: memref<10000x128xf32, #tpu.memory_space<vmem>>, %arg1: memref<128x32xf32, #tpu.memory_space<vmem>>, %arg2: memref<1x32xf32, #tpu.memory_space<vmem>>, %arg3: memref<10000x32xf32, #tpu.memory_space<vmem>>) attributes {dimension_semantics = [], scalar_prefetch = 0 : i64, scratch_operands = 0 : i64, tpu.core_type = #tpu.core_type<tc>} {
    %get3A = arith.constant 0 : index
    %get3A_0 = arith.constant 0 : index
    %get3A_1 = vector.load %arg0[%get3A, %get3A_0] : memref<10000x128xf32, #tpu.memory_space<vmem>>, vector<10000x128xf32>
    %get3A_2 = arith.constant 0 : index
    %get3A_3 = arith.constant 0 : index
    %get3A_4 = vector.load %arg1[%get3A_2, %get3A_3] : memref<128x32xf32, #tpu.memory_space<vmem>>, vector<128x32xf32>
    %dot_general3A = arith.constant dense<0.000000e+00> : vector<10000x32xf32>
    %dot_general3A_5 = tpu.matmul %get3A_1, %get3A_4, %dot_general3A {dimension_numbers = #tpu.dot_dimension_numbers<[1], [0], [0], [1], [0, 0, 1, 1], [], []>, transpose_lhs_hint = false} : vector<10000x128xf32>, vector<128x32xf32>, vector<10000x32xf32> -> vector<10000x32xf32>
    %get3A_6 = arith.constant 0 : index
    %get3A_7 = arith.constant 0 : index
    %get3A_8 = vector.load %arg2[%get3A_6, %get3A_7] : memref<1x32xf32, #tpu.memory_space<vmem>>, vector<1x32xf32>
    %add3A = vector.broadcast %get3A_8 : vector<1x32xf32> to vector<10000x32xf32>
    %add3A_9 = arith.addf %dot_general3A_5, %add3A : vector<10000x32xf32>
    %tanh3A = math.tanh %add3A_9 : vector<10000x32xf32>
    %swap3A = arith.constant 0 : index
    %swap3A_10 = arith.constant 0 : index
    %swap3A_11 = vector.load %arg3[%swap3A, %swap3A_10] : memref<10000x32xf32, #tpu.memory_space<vmem>>, vector<10000x32xf32>
    tpu.vector_store %arg3[%swap3A, %swap3A_10], %tanh3A {strides = array<i32>} : memref<10000x32xf32, #tpu.memory_space<vmem>>, vector<10000x32xf32>,
    return
  }
}

module attributes {stable_mosaic.version = 14 : i64} {
  func.func @_decode_loss_body(%arg0: memref<10000x128xf32, #tpu.memory_space<vmem>>, %arg1: memref<10000x32xf32, #tpu.memory_space<vmem>>, %arg2: memref<32x128xf32, #tpu.memory_space<vmem>>, %arg3: memref<1x128xf32, #tpu.memory_space<vmem>>, %arg4: memref<1x1xf32, #tpu.memory_space<vmem>>) attributes {dimension_semantics = [], scalar_prefetch = 0 : i64, scratch_operands = 0 : i64, tpu.core_type = #tpu.core_type<tc>} {
    %get3A = arith.constant 0 : index
    %get3A_0 = arith.constant 0 : index
    %get3A_1 = vector.load %arg1[%get3A, %get3A_0] : memref<10000x32xf32, #tpu.memory_space<vmem>>, vector<10000x32xf32>
    %get3A_2 = arith.constant 0 : index
    %get3A_3 = arith.constant 0 : index
    %get3A_4 = vector.load %arg2[%get3A_2, %get3A_3] : memref<32x128xf32, #tpu.memory_space<vmem>>, vector<32x128xf32>
    %dot_general3A = arith.constant dense<0.000000e+00> : vector<10000x128xf32>
    %dot_general3A_5 = tpu.matmul %get3A_1, %get3A_4, %dot_general3A {dimension_numbers = #tpu.dot_dimension_numbers<[1], [0], [0], [1], [0, 0, 1, 1], [], []>, transpose_lhs_hint = false} : vector<10000x32xf32>, vector<32x128xf32>, vector<10000x128xf32> -> vector<10000x128xf32>
    %get3A_6 = arith.constant 0 : index
    %get3A_7 = arith.constant 0 : index
    %get3A_8 = vector.load %arg0[%get3A_6, %get3A_7] : memref<10000x128xf32, #tpu.memory_space<vmem>>, vector<10000x128xf32>
    %get3A_9 = arith.constant 0 : index
    %get3A_10 = arith.constant 0 : index
    %get3A_11 = vector.load %arg3[%get3A_9, %get3A_10] : memref<1x128xf32, #tpu.memory_space<vmem>>, vector<1x128xf32>
    %add3A = vector.broadcast %get3A_11 : vector<1x128xf32> to vector<10000x128xf32>
    %add3A_12 = arith.addf %dot_general3A_5, %add3A : vector<10000x128xf32>
    %sub3A = arith.subf %get3A_8, %add3A_12 : vector<10000x128xf32>
    %mul3A = arith.mulf %sub3A, %sub3A : vector<10000x128xf32>
    %reduce_sum3A = vector.shape_cast %mul3A : vector<10000x128xf32> to vector<1x10000x128xf32>
    %reduce_sum3A_13 = arith.constant dense<0.000000e+00> : vector<1xf32>
    %reduce_sum3A_14 = vector.multi_reduction <add>, %reduce_sum3A, %reduce_sum3A_13 [1, 2] : vector<1x10000x128xf32> to vector<1xf32>
    %reduce_sum3A_15 = vector.shape_cast %reduce_sum3A_14 : vector<1xf32> to vector<1x1x1xf32>
    %reduce_sum3A_16 = vector.extract %reduce_sum3A_15[0, 0, 0] : f32 from vector<1x1x1xf32>
    %reshape3A = vector.broadcast %reduce_sum3A_16 : f32 to vector<1x1xf32>
    %swap3A = arith.constant 0 : index
    %swap3A_17 = arith.constant 0 : index
    %swap3A_18 = vector.load %arg4[%swap3A, %swap3A_17] : memref<1x1xf32, #tpu.memory_space<vmem>>, vector<1x1xf32>
    tpu.vector_store %arg4[%swap3A, %swap3A_17], %reshape3A {strides = array<i32>} : memref<1x1xf32, #tpu.memory_space<vmem>>, vector<1x1xf32>,
    return
  }
}

</mosaic_0001>

<sc_bundles>
// kernel: kernel.5.cloned.1.call-start
scs
__scs_entry_jumppad:
0x0: {  	(pc) =	sbr.rel $0x88, $3  }
0x1: {  	(tag) =	ssettag $0x0;
	lr =	simm.s32 $0x1  }
0x2: {  	[smem:$0x3F9A] =	sst lr;
	_ =	strace $0xD0000000  }
0x3: {  	_ = 	snop  }
0x4: {  	_ = 	snop  }
0x5: {  	_ = 	snop  }
0x6: {  	_ = 	snop  }
0x7: {  	_ = 	snop  }
__scs_overlays_trampoline_lowered:
0x8: {  	[smem:$0x3FA9] =	sst s0  }
0x9: {  	[smem:$0x3FAA] =	sst s1  }
0xa: {  	[smem:$0x3FAB] =	sst s2  }
0xb: {  	[smem:$0x3FAC] =	sst s3  }
0xc: {  	[smem:$0x3FAD] =	sst s4  }
0xd: {  	[smem:$0x3FAE] =	sst s5  }
0xe: {  	[smem:$0x3FAF] =	sst s6  }
0xf: {  	[smem:$0x3FB0] =	sst s7  }
0x10: {  	[smem:$0x3FB1] =	sst s8  }
0x11: {  	[smem:$0x3FB2] =	sst s9;
	s0 =	simm.s32 @!p0 $0x0  }
0x12: {  	s1 =	sld [smem:$0x3F98];
	s0 =	simm.s32 @p0 $0x1  }
0x13: {  	[smem:$0x3FB3] =	sst s0;
	s0 =	simm.s32 @!p1 $0x0  }
0x14: {  	s2 =	sld [smem:$0x3F97];
	s0 =	simm.s32 @p1 $0x1  }
0x15: {  	[smem:$0x3FB4] =	sst s0;
	s0 =	simm.s32 @!p2 $0x0  }
0x16: {  	s3 =	sld [smem:$0x3FDB];
	s0 =	simm.s32 @p2 $0x1  }
0x17: {  	s4 =	simm.s32 $0x1BF5;
	[smem:$0x3FB6] =	sst s0  }
0x18: {  	s0 =	sld [smem:$0x3F99];
	_ =	swait.ge [sflag:s4], $0x0  }
0x19: {  	s7 =	sld [smem:$0x3F9A]  }
0x1a: {  	s8 =	sadd.s32 $0xFFFFE003, lr  }
0x1b: {  	s9 =	sadd.s32 $0xFFFFFEF7, lr;
	s5 =	simm.s32 $0xFFFFFFFF;
	p2 =	slt.u32 s8, $0xFFFFF086  }
0x1c: {  	p1 =	slt.u32 s9, $0xF7A;
	s5 =	simm.s32 @!p2 $0x0  }
0x1d: {  	s5 =	simm.s32 @p1 $0x1;
	p0 =	seq.s32 s7, s2  }
0x1e: {  	s7 =	smul.u32 @!p0 $0xF7A, s2;
	p2 =	seq.s32 @!p0 s5, $0x0  }
0x1f: {  	s9 =	smul.u32 $0xF7A, s1;
	s8 =	simm.s32 @!p0 $0x1BF5;
	p2 =	por !p2, p0  }
0x20: {  	[sflag:s8] =	ssyncset.s32 @!p0 $0xFFFFF086;
	s6 =	sadd.s32 @!p0 s3, s7;
	s7 =	simm.s32 @!p0 $0x108  }
0x21: {  	s3 =	sadd.s32 s3, s9;
	s6 =	sadd.s32 @!p0 $0x88, s6;
	s7 =	simm.s32 @p2 $0x1082  }
0x22: {  	[simem:s7], [sflag:s8] =	dma.local @!p0 [hbm:s6], $0xF7A  }
0x23: {  	s9 =	sor.u32 $0xD0000000, s2;
	s6 =	simm.s32 $0x108;
	_ =	swait.ge @!p0 [sflag:s8], $0x0  }
0x24: {  	s3 =	sadd.s32 $0x88, s3;
	s6 =	simm.s32 @!p1 $0x1082;
	[sflag:s4] =	ssyncset.s32 $0xFFFFF086  }
0x25: {  	[simem:s6], [sflag:s4] =	dma.local [hbm:s3], $0xF7A  }
0x26: {  	[smem:$0x3F9A] =	sst s1;
	(tag) =	ssettag s2;
	_ =	strace s9  }
0x27: {  	s1 =	sld [smem:$0x3FAA]  }
0x28: {  	s2 =	sld [smem:$0x3FAB]  }
0x29: {  	s4 =	sld [smem:$0x3FAD]  }
0x2a: {  	p0 =	seq.s32 s5, $0x0;
	s5 =	sld [smem:$0x3FAE]  }
0x2b: {  	s6 =	sld [smem:$0x3FAF]  }
0x2c: {  	s7 =	sld [smem:$0x3FB0]  }
0x2d: {  	s3 =	simm.s32 $0x108;
	s8 =	sld [smem:$0x3FB1]  }
0x2e: {  	s3 =	simm.s32 @!p0 $0x1082;
	s9 =	sld [smem:$0x3FB2]  }
0x2f: {  	lr =	sadd.s32 s0, s3;
	s0 =	sld [smem:$0x3FA9]  }
0x30: {  	s3 =	sld [smem:$0x3FAC]  }
0x31: {  	[smem:$0x3FB5] =	sst s10  }
0x32: {  	s10 =	sld [smem:$0x3FB3];
	_ =	sdelay $0x3  }
0x33: {  	p0 =	seq.s32 s10, $0x1;
	s10 =	sld [smem:$0x3FB5];
	_ =	sdelay $0x3  }
0x34: {  	[smem:$0x3FB5] =	sst s10  }
0x35: {  	s10 =	sld [smem:$0x3FB4];
	_ =	sdelay $0x3  }
0x36: {  	p1 =	seq.s32 s10, $0x1;
	s10 =	sld [smem:$0x3FB5];
	_ =	sdelay $0x3  }
0x37: {  	[smem:$0x3FB5] =	sst s10  }
0x38: {  	s10 =	sld [smem:$0x3FB6]  }
0x39: {  	_ = 	snop;
	(pc) =	sbr.ind lr, $3  }
0x3a: {  	_ = 	snop  }
0x3b: {  	_ = 	snop  }
0x3c: {  	p2 =	seq.s32 s10, $0x1;
	s10 =	sld [smem:$0x3FB5]  }
0x3d: {  	_ =	shalt  }
0x3e: {  	_ =	shalt  }
0x3f: {  	_ =	shalt  }
0x40: {  	_ =	shalt  }
0x41: {  	_ =	shalt  }
0x42: {  	_ =	shalt  }
0x43: {  	_ =	shalt  }
0x44: {  	_ =	shalt  }
0x45: {  	_ =	shalt  }
0x46: {  	_ =	shalt  }
0x47: {  	_ =	shalt  }
0x48: {  	_ =	shalt  }
0x49: {  	_ =	shalt  }
0x4a: {  	_ =	shalt  }
0x4b: {  	_ =	shalt  }
0x4c: {  	_ =	shalt  }
0x4d: {  	_ =	shalt  }
0x4e: {  	_ =	shalt  }
0x4f: {  	_ =	shalt  }
0x50: {  	_ =	shalt  }
0x51: {  	_ =	shalt  }
0x52: {  	_ =	shalt  }
0x53: {  	_ =	shalt  }
0x54: {  	_ =	shalt  }
0x55: {  	_ =	shalt  }
0x56: {  	_ =	shalt  }
0x57: {  	_ =	shalt  }
0x58: {  	_ =	shalt  }
0x59: {  	_ =	shalt  }
0x5a: {  	_ =	shalt  }
0x5b: {  	_ =	shalt  }
0x5c: {  	_ =	shalt  }
0x5d: {  	_ =	shalt  }
0x5e: {  	_ =	shalt  }
0x5f: {  	_ =	shalt  }
0x60: {  	_ =	shalt  }
0x61: {  	_ =	shalt  }
0x62: {  	_ =	shalt  }
0x63: {  	_ =	shalt  }
0x64: {  	_ =	shalt  }
0x65: {  	_ =	shalt  }
0x66: {  	_ =	shalt  }
0x67: {  	_ =	shalt  }
0x68: {  	_ =	shalt  }
0x69: {  	_ =	shalt  }
0x6a: {  	_ =	shalt  }
0x6b: {  	_ =	shalt  }
0x6c: {  	_ =	shalt  }
0x6d: {  	_ =	shalt  }
0x6e: {  	_ =	shalt  }
0x6f: {  	_ =	shalt  }
0x70: {  	_ =	shalt  }
0x71: {  	_ =	shalt  }
0x72: {  	_ =	shalt  }
0x73: {  	_ =	shalt  }
0x74: {  	_ =	shalt  }
0x75: {  	_ =	shalt  }
0x76: {  	_ =	shalt  }
0x77: {  	_ =	shalt  }
0x78: {  	_ =	shalt  }
0x79: {  	_ =	shalt  }
0x7a: {  	_ =	shalt  }
0x7b: {  	_ =	shalt  }
0x7c: {  	_ =	shalt  }
0x7d: {  	_ =	shalt  }
0x7e: {  	_ =	shalt  }
0x7f: {  	_ =	shalt  }
0x80: {  	_ =	shalt  }
0x81: {  	_ =	shalt  }
0x82: {  	_ =	shalt  }
0x83: {  	_ =	shalt  }
0x84: {  	_ =	shalt  }
0x85: {  	_ =	shalt  }
0x86: {  	_ =	shalt  }
0x87: {  	_ =	shalt  }
.Lfunc_end0:
.L_simem_size_0:
called_computation_lowered:
.L_overlay_start_0:
0x88: {  	s2 =	sld [smem:$0x3FD9]  }
0x89: {  	s3 =	sld [smem:$0x3FFE];
	_ =	sdelay $0x1  }
0x8a: {  	s1 =	srdreg.scid  }
0x8b: {  	s0 =	sand.u32 $0x1, s1  }
0x8c: {  	s17 =	sshll.u32 s0, $0xA;
	s2 =	sadd.s32 s3, s2  }
0x8d: {  	s2 =	sadd.s32 s2, s17  }
0x8e: {  	[smem:$0x3FC1] =	sst s2  }
0x8f: {  	_ = 	snop  }
0x90: {  	s2 =	sld [smem:$0x3FC7];
	(tm) =	ssettm $0x1  }
0x91: {  	s18 =	sld [smem:$0x3FFB];
	_ =	sdelay $0x3  }
0x92: {  	_ =	strace s18  }
0x93: {  	s3 =	sld [smem:$0x3FFC];
	_ =	sdelay $0x3  }
0x94: {  	_ =	strace s3  }
0x95: {  	s3 =	sld [smem:$0x3FFD];
	_ =	sdelay $0x3  }
0x96: {  	_ =	strace s3  }
0x97: {  	_ =	strace $0x8FFFFFFF  }
0x98: {  	s19 =	sld [smem:$0x3FDB];
	_ =	sdelay $0x1  }
0x99: {  	s4 =	simm.s32 $_scs_section_size  }
0x9a: {  	s5 =	simm.s32 $_size__tile_overlayer_lowered;
	s6 =	simm.s32 $_tile_overlayer_lowered  }
0x9b: {  	s22 =	simm.s32 $0x1BFF;
	s21 =	sshll.u32 s6, $0x1;
	s3 =	sadd.s32 s4, s19  }
0x9c: {  	s7 =	simm.s32 $0x0;
	s20 =	sshll.u32 s5, $0x1;
	s5 =	sadd.s32 s21, s3  }
0x9d: {  	[timem:s7], [sflag:s22] =	dma.local [hbm:s5], s20  }
0x9e: {  	_ =	swait.ge [sflag:s22], s20  }
0x9f: {  	s4 =	ssub.s32 $0x0, s20;
	[sflag:s22] =	ssyncset.done $0x0  }
0xa0: {  	[sflag:s22] =	ssyncadd.s32 s4;
	_ =	sdelay $0x1  }
0xa1: {  	s23 =	simm.s32 $0x1B8B  }
0xa2: {  	_ =	swait.ge [sflag:s23], $0x1  }
0xa3: {  	[sflag:s23] =	ssyncset.done $0x0  }
0xa4: {  	s25 =	simm.s32 $0x1B8E;
	s24 =	sld [smem:$0x3FFE];
	[sflag:s23] =	ssyncadd.s32 $0xFFFFFFFF  }
0xa5: {  	s26 =	simm.s32 $execute0_lowered;
	[smem:$0x3FD2] =	sst s25  }
0xa6: {  	s5 =	sshll.u32 s26, $0x1;
	_ =	strace $0x80000046;
	[dreg:$0x1] =	wrdreg $0xFFFFFFFF  }
0xa7: {  	s28 =	simm.s32 $_size_execute0_lowered;
	s3 =	sadd.s32 s3, s5;
	[dreg:$0x0] =	wrdreg $0x0  }
0xa8: {  	s5 =	sshll.u32 s28, $0x1;
	[dreg:$0x2] =	wrdreg s3  }
0xa9: {  	[dreg:$0x3] =	wrdreg s5  }
0xaa: {  	[dreg:$0x4] =	wrdreg $0xC0  }
0xab: {  	_ =	task [dreg:s7], $0x5FFFF  }
0xac: {  	[dreg:$0x1] =	wrdreg $0xFFFFFFFF  }
0xad: {  	[dreg:$0x0] =	wrdreg $0x60  }
0xae: {  	[dreg:$0x2] =	wrdreg s24  }
0xaf: {  	[dreg:$0x3] =	wrdreg s2  }
0xb0: {  	[dreg:$0x4] =	wrdreg $0x9  }
0xb1: {  	_ =	task.clear_ibuf [dreg:s7], $0x5FFFF;
	_ =	strace $0x90000046  }
0xb2: {  	s29 =	simm.s32 $0x9;
	_ =	strace $0x80000048  }
0xb3: {  	_ =	swait.ge [sflag:s29], $0x1  }
0xb4: {  	[sflag:s29] =	ssyncadd.s32 $0xFFFFFFFF  }
0xb5: {  	_ =	strace $0x90000048  }
0xb6: {  	_ =	sfence  }
0xb7: {  	s30 =	sld [smem:$0x0];
	_ =	sdelay $0x2  }
0xb8: {  	s31 =	sshll.u32 s1, $0xD;
	s1 =	sshrl.u32 s1, $0x2  }
0xb9: {  	s3 =	sand.u32 $0x4000, s31;
	s1 =	sadd.s32 s1, s30  }
0xba: {  	s0 =	sor.u32 s3, s0;
	s1 =	sshll.u32 s1, $0x11  }
0xbb: {  	s0 =	sor.u32 s1, s0  }
0xbc: {  	s0 =	sadd.s32 $0x8F2B, s0  }
0xbd: {  	[sflag:s0] =	ssyncadd.remote.s32 $0x1  }
0xbe: {  	_ =	sfence.sel $0xFFFF  }
0xbf: {  	[dreg:$0x0] =	wrdreg $0xFFFFFFFF;
	(pc) =	sbr.abs _section_cstart, $3  }
0xc0: {  	[dreg:$0x1] =	wrdreg $0xFFFFFFFF  }
0xc1: {  	_ =	task.clear_ibuf [dreg:s7], $0x2FFFF;
	_ =	strace $0x9FFFFFFF  }
0xc2: {  	(tm) =	ssettm $0x7FFFFFFF  }
0xc3: {  	_ =	shalt  }
tec
execute0_lowered:
.L_overlay_start_1:
0x0: {  	(tag) =	ssettag $0x1  }
0x1: {  	v0 =	vimm.s32 $0x74533211;
	v1 =	vimm.s32 $0xF8D7B695  }
0x2: {  	vm8 =	vcmask $0xF00;
	vm7 =	vcmask $0x1F10;
	vm1 =	vcmask $0x2320  }
0x3: {  	vm0 =	vcmask $0x2724;
	v57 =	vlaneseq.u32;
	v2 =	vimm.s32 $0x75543312  }
0x4: {  	vm2 =	vcmask $0x2B28;
	v3 =	vimm.s32 $0xF9D8B796;
	vm3 =	vcmask $0x2F2C  }
0x5: {  	vm4 =	vcmask $0x3330;
	vm5 =	vcmask $0x3734;
	vm6 =	vcmask $0x3B38  }
0x6: {  	v40 =	vimm.s32 $0xE4C3A281;
	v5 =	vimm.s32 $0xE5C4A382;
	v49 =	vimm.s32 $0x3E0  }
0x7: {  	vm9 =	vcmask $0xB08;
	vm10 =	vcmask $0xF0C;
	v52 =	vimm.s32 $0x3E1  }
0x8: {  	vm11 =	vcmask $0x1310;
	vm12 =	vcmask $0x1714;
	vm13 =	vcmask $0x1B18  }
0x9: {  	vm14 =	vcmask $0x1F1C;
	v55 =	vimm.s32 $0x3E3;
	v0 =	vunpack.c.0.s8.s32 v0  }
0xa: {  	v1 =	vunpack.c.0.s8.s32 v1;
	v2 =	vunpack.c.0.s8.s32 v2;
	v3 =	vunpack.c.0.s8.s32 v3  }
0xb: {  	v56 =	vimm.s32 $0x3E4;
	v50 =	vmul.u32 $0x21, v57;
	v0 =	vand.u32 $0xFF, v0  }
0xc: {  	v1 =	vand.u32 $0xFF, v1;
	v2 =	vand.u32 $0xFF, v2;
	v3 =	vand.u32 $0xFF, v3  }
0xd: {  	v7 =	vadd.s32 $0x3, v50;
	v10 =	vadd.s32 $0x4, v50;
	v12 =	vadd.s32 $0x5, v50  }
0xe: {  	v15 =	vadd.s32 $0x6, v50;
	v0 =	vnsel vm8, $0x1E0, v0;
	v2 =	vnsel vm8, $0x1E1, v2  }
0xf: {  	v17 =	vadd.s32 $0x7, v50;
	v0 =	vsel vm7, v1, v0;
	v2 =	vsel vm7, v3, v2  }
0x10: {  	v3 =	vimm.s32 $0x76553413;
	v0 =	vsel vm1, $0x119, v0;
	v2 =	vsel vm1, $0x11A, v2  }
0x11: {  	v3 =	vunpack.c.0.s8.s32 v3;
	v0 =	vsel vm0, $0x13A, v0;
	v2 =	vsel vm0, $0x13B, v2  }
0x12: {  	v18 =	vadd.s32 $0x8, v50;
	v4 =	vsel vm2, $0x15B, v0;
	v2 =	vsel vm2, $0x15C, v2  }
0x13: {  	v60 =	vand.u32 $0xFF, v3;
	v58 =	vsel vm3, $0x17C, v4;
	v4 =	vimm.s32 $0xFAD9B897  }
0x14: {  	v59 =	vsel vm3, $0x17D, v2;
	v1 =	vsel vm4, $0x19D, v58;
	v4 =	vunpack.c.0.s8.s32 v4  }
0x15: {  	v2 =	vnsel vm8, $0x1E2, v60;
	v60 =	vimm.s32 $0x3E7;
	v1 =	vsel vm5, $0x1BE, v1  }
0x16: {  	v35 =	vsel vm6, $0x1DF, v1;
	v3 =	vand.u32 $0xFF, v4;
	v4 =	vimm.s32 $0x77563514  }
0x17: {  	v1 =	vsel vm4, $0x19E, v59;
	v59 =	vimm.s32 $0x3E6;
	v2 =	vsel vm7, v3, v2  }
0x18: {  	v3 =	vunpack.c.0.s8.s32 v4;
	v4 =	vimm.s32 $0xFBDAB998;
	v2 =	vsel vm1, $0x11B, v2  }
0x19: {  	v1 =	vsel vm5, $0x1BF, v1;
	v4 =	vunpack.c.0.s8.s32 v4;
	v2 =	vsel vm0, $0x13C, v2  }
0x1a: {  	v37 =	vsel vm6, $0x1C0, v1;
	v3 =	vand.u32 $0xFF, v3;
	v2 =	vsel vm2, $0x15D, v2  }
0x1b: {  	v3 =	vnsel vm8, $0x1E3, v3;
	v4 =	vand.u32 $0xFF, v4;
	v61 =	vsel vm3, $0x17E, v2  }
0x1c: {  	v62 =	vsel vm7, v4, v3;
	v3 =	vimm.s32 $0x78573615;
	v4 =	vimm.s32 $0xFCDBBA99  }
0x1d: {  	v1 =	vsel vm4, $0x19F, v61;
	v2 =	vsel vm1, $0x11C, v62;
	v3 =	vunpack.c.0.s8.s32 v3  }
0x1e: {  	v4 =	vunpack.c.0.s8.s32 v4;
	v2 =	vsel vm0, $0x13D, v2;
	v1 =	vsel vm5, $0x1A0, v1  }
0x1f: {  	v2 =	vsel vm2, $0x15E, v2;
	v39 =	vsel vm6, $0x1C1, v1;
	v21 =	vand.u32 $0xFF, v3  }
0x20: {  	v3 =	vand.u32 $0xFF, v4;
	v63 =	vsel vm3, $0x17F, v2;
	v2 =	vnsel vm8, $0x1E4, v21  }
0x21: {  	v4 =	vimm.s32 $0x79583716;
	v21 =	vimm.s32 $0x3EA;
	v2 =	vsel vm7, v3, v2  }
0x22: {  	v3 =	vunpack.c.0.s8.s32 v4;
	v4 =	vimm.s32 $0xFDDCBB9A;
	v1 =	vsel vm4, $0x180, v63  }
0x23: {  	v2 =	vsel vm1, $0x11D, v2;
	v4 =	vunpack.c.0.s8.s32 v4;
	v1 =	vsel vm5, $0x1A1, v1  }
0x24: {  	v2 =	vsel vm0, $0x13E, v2;
	v3 =	vand.u32 $0xFF, v3;
	v41 =	vsel vm6, $0x1C2, v1  }
0x25: {  	v2 =	vsel vm2, $0x15F, v2;
	v3 =	vnsel vm8, $0x1E5, v3;
	v4 =	vand.u32 $0xFF, v4  }
0x26: {  	v22 =	vsel vm3, $0x160, v2;
	v23 =	vsel vm7, v4, v3;
	v3 =	vimm.s32 $0x7A593817  }
0x27: {  	v4 =	vimm.s32 $0xFEDDBC9B;
	v1 =	vsel vm4, $0x181, v22;
	v2 =	vsel vm1, $0x11E, v23  }
0x28: {  	v3 =	vunpack.c.0.s8.s32 v3;
	v4 =	vunpack.c.0.s8.s32 v4;
	v2 =	vsel vm0, $0x13F, v2  }
0x29: {  	v63 =	vimm.s32 $0x3E9;
	v1 =	vsel vm5, $0x1A2, v1;
	v2 =	vsel vm2, $0x140, v2  }
0x2a: {  	v43 =	vsel vm6, $0x1C3, v1;
	v25 =	vand.u32 $0xFF, v3;
	v3 =	vand.u32 $0xFF, v4  }
0x2b: {  	v4 =	vimm.s32 $0x7B5A3918;
	v24 =	vsel vm3, $0x161, v2;
	v2 =	vnsel vm8, $0x1E6, v25  }
0x2c: {  	v25 =	vimm.s32 $0x3ED;
	v2 =	vsel vm7, v3, v2;
	v3 =	vunpack.c.0.s8.s32 v4  }
0x2d: {  	v4 =	vimm.s32 $0xFFDEBD9C;
	v1 =	vsel vm4, $0x182, v24;
	v2 =	vsel vm1, $0x11F, v2  }
0x2e: {  	v4 =	vunpack.c.0.s8.s32 v4;
	v1 =	vsel vm5, $0x1A3, v1;
	v2 =	vsel vm0, $0x120, v2  }
0x2f: {  	v3 =	vand.u32 $0xFF, v3;
	v45 =	vsel vm6, $0x1C4, v1;
	v2 =	vsel vm2, $0x141, v2  }
0x30: {  	v3 =	vnsel vm8, $0x1E7, v3;
	v4 =	vand.u32 $0xFF, v4;
	v26 =	vsel vm3, $0x162, v2  }
0x31: {  	v27 =	vsel vm7, v4, v3;
	v3 =	vimm.s32 $0x7C5B3A19;
	v4 =	vimm.s32 $0xE0DFBE9D  }
0x32: {  	v1 =	vsel vm4, $0x183, v26;
	v2 =	vsel vm1, $0x100, v27;
	v3 =	vunpack.c.0.s8.s32 v3  }
0x33: {  	v4 =	vunpack.c.0.s8.s32 v4;
	v2 =	vsel vm0, $0x121, v2;
	v1 =	vsel vm5, $0x1A4, v1  }
0x34: {  	v24 =	vimm.s32 $0x3EC;
	v2 =	vsel vm2, $0x142, v2;
	v48 =	vsel vm6, $0x1C5, v1  }
0x35: {  	v29 =	vand.u32 $0xFF, v3;
	v3 =	vand.u32 $0xFF, v4;
	v4 =	vimm.s32 $0x7D5C3B1A  }
0x36: {  	v28 =	vsel vm3, $0x163, v2;
	v2 =	vnsel vm8, $0x1E8, v29;
	v29 =	vimm.s32 $0x5E1  }
0x37: {  	v2 =	vsel vm7, v3, v2;
	v3 =	vunpack.c.0.s8.s32 v4;
	v4 =	vimm.s32 $0xE1C0BF9E  }
0x38: {  	v1 =	vsel vm4, $0x184, v28;
	v28 =	vimm.s32 $0x5E0;
	v2 =	vsel vm1, $0x101, v2  }
0x39: {  	v4 =	vunpack.c.0.s8.s32 v4;
	v1 =	vsel vm5, $0x1A5, v1;
	v2 =	vsel vm0, $0x122, v2  }
0x3a: {  	v3 =	vand.u32 $0xFF, v3;
	v1 =	vsel vm6, $0x1C6, v1;
	v2 =	vsel vm2, $0x143, v2  }
0x3b: {  	v3 =	vnsel vm8, $0x1E9, v3;
	v4 =	vand.u32 $0xFF, v4;
	v30 =	vsel vm3, $0x164, v2  }
0x3c: {  	v31 =	vsel vm7, v4, v3;
	v3 =	vimm.s32 $0x7E5D3C1B;
	v4 =	vimm.s32 $0xE2C1A09F  }
0x3d: {  	[tilespmem:$0x1F940] =	vst v1;
	v1 =	vsel vm4, $0x185, v30;
	v2 =	vsel vm1, $0x102, v31;
	v3 =	vunpack.c.0.s8.s32 v3  }
0x3e: {  	v4 =	vunpack.c.0.s8.s32 v4;
	v2 =	vsel vm0, $0x123, v2;
	v1 =	vsel vm5, $0x1A6, v1  }
0x3f: {  	v2 =	vsel vm2, $0x144, v2;
	v1 =	vsel vm6, $0x1C7, v1;
	v33 =	vand.u32 $0xFF, v3  }
0x40: {  	v3 =	vand.u32 $0xFF, v4;
	v32 =	vsel vm3, $0x165, v2;
	v2 =	vnsel vm8, $0x1EA, v33  }
0x41: {  	v4 =	vimm.s32 $0x7F5E3D1C;
	v33 =	vimm.s32 $0x5E4;
	v2 =	vsel vm7, v3, v2  }
0x42: {  	[tilespmem:$0x1F950] =	vst v1;
	v3 =	vunpack.c.0.s8.s32 v4;
	v4 =	vimm.s32 $0xE3C2A180;
	v1 =	vsel vm4, $0x186, v32  }
0x43: {  	v32 =	vimm.s32 $0x5E3;
	v2 =	vsel vm1, $0x103, v2;
	v4 =	vunpack.c.0.s8.s32 v4  }
0x44: {  	v1 =	vsel vm5, $0x1A7, v1;
	v2 =	vsel vm0, $0x124, v2;
	v3 =	vand.u32 $0xFF, v3  }
0x45: {  	v2 =	vsel vm2, $0x145, v2;
	v3 =	vnsel vm8, $0x1EB, v3;
	v4 =	vand.u32 $0xFF, v4  }
0x46: {  	v1 =	vsel vm6, $0x1C8, v1;
	v34 =	vsel vm3, $0x166, v2;
	v36 =	vsel vm7, v4, v3  }
0x47: {  	[tilespmem:$0x1F960] =	vst v1;
	v3 =	vimm.s32 $0x605F3E1D;
	v4 =	vimm.s32 $0x61403F1E;
	v1 =	vsel vm4, $0x187, v34  }
0x48: {  	v2 =	vsel vm1, $0x104, v36;
	v3 =	vunpack.c.0.s8.s32 v3;
	v1 =	vsel vm5, $0x1A8, v1  }
0x49: {  	v4 =	vunpack.c.0.s8.s32 v4;
	v2 =	vsel vm0, $0x125, v2;
	v1 =	vsel vm6, $0x1C9, v1  }
0x4a: {  	v38 =	vsel vm2, $0x146, v2;
	v3 =	vand.u32 $0xFF, v3;
	v2 =	vunpack.c.0.s8.s32 v40  }
0x4b: {  	v44 =	vand.u32 $0xFF, v4;
	v4 =	vimm.s32 $0x6241201F;
	[tilespmem:$0x1F970] =	vst v1;
	v1 =	vsel vm3, $0x167, v38  }
0x4c: {  	v3 =	vnsel vm8, $0x1EC, v3;
	v1 =	vsel vm4, $0x188, v1;
	v2 =	vand.u32 $0xFF, v2  }
0x4d: {  	v1 =	vsel vm5, $0x1A9, v1;
	v2 =	vsel vm7, v2, v3;
	v3 =	vunpack.c.0.s8.s32 v5  }
0x4e: {  	v40 =	vimm.s32 $0x5E7;
	v38 =	vimm.s32 $0x5E6;
	v1 =	vsel vm6, $0x1CA, v1  }
0x4f: {  	v42 =	vsel vm1, $0x105, v2;
	v2 =	vnsel vm8, $0x1ED, v44;
	v3 =	vand.u32 $0xFF, v3  }
0x50: {  	v5 =	vadd.s32 $0x2, v50;
	[tilespmem:$0x1F980] =	vst v1;
	v1 =	vsel vm0, $0x126, v42;
	v2 =	vsel vm7, v3, v2  }
0x51: {  	v3 =	vunpack.c.0.s8.s32 v4;
	v4 =	vimm.s32 $0xE6C5A483;
	v1 =	vsel vm2, $0x147, v1  }
0x52: {  	v2 =	vsel vm1, $0x106, v2;
	v4 =	vunpack.c.0.s8.s32 v4;
	v1 =	vsel vm3, $0x168, v1  }
0x53: {  	v2 =	vsel vm0, $0x127, v2;
	v3 =	vand.u32 $0xFF, v3;
	v1 =	vsel vm4, $0x189, v1  }
0x54: {  	v2 =	vsel vm2, $0x148, v2;
	v3 =	vnsel vm8, $0x1EE, v3;
	v4 =	vand.u32 $0xFF, v4  }
0x55: {  	v1 =	vsel vm5, $0x1AA, v1;
	vm8 =	vcmask $0x704;
	v2 =	vsel vm3, $0x169, v2  }
0x56: {  	v3 =	vsel vm7, v4, v3;
	v1 =	vsel vm6, $0x1CB, v1;
	v2 =	vsel vm4, $0x18A, v2  }
0x57: {  	vm7 =	vcmask $0x300;
	v3 =	vsel vm1, $0x107, v3;
	v2 =	vsel vm5, $0x1AB, v2  }
0x58: {  	v4 =	vadd.s32 $0x1, v50;
	v3 =	vsel vm0, $0x128, v3;
	v46 =	vsel vm6, $0x1CC, v2  }
0x59: {  	v47 =	vsel vm2, $0x149, v3;
	v2 =	vsel vm7, $0x211, v49;
	v3 =	vimm.s32 $0x3E2  }
0x5a: {  	[tilespmem:$0x1F990] =	vst v1;
	v49 =	vimm.s32 $0x5EC;
	v1 =	vsel vm3, $0x16A, v47;
	v2 =	vsel vm8, $0x232, v2  }
0x5b: {  	[tilespmem:$0x1F9A0] =	vst v46;
	v3 =	vsel vm7, $0x213, v3;
	v46 =	vimm.s32 $0x5E9;
	v47 =	vimm.s32 $0x5EA  }
0x5c: {  	v1 =	vsel vm4, $0x18B, v1;
	v51 =	vsel vm9, $0x253, v2;
	v2 =	vsel vm7, $0x212, v52  }
0x5d: {  	v3 =	vsel vm8, $0x234, v3;
	v52 =	vimm.s32 $0x7E0;
	v1 =	vsel vm5, $0x1AC, v1  }
0x5e: {  	v2 =	vsel vm8, $0x233, v2;
	v3 =	vsel vm9, $0x255, v3;
	v1 =	vsel vm6, $0x1CD, v1  }
0x5f: {  	v2 =	vsel vm9, $0x254, v2;
	v3 =	vsel vm10, $0x276, v3;
	[tilespmem:$0x1F9B0] =	vst v1;
	v1 =	vsel vm10, $0x274, v51  }
0x60: {  	v2 =	vsel vm10, $0x275, v2;
	v3 =	vsel vm11, $0x297, v3;
	v51 =	vimm.s32 $0x5ED  }
0x61: {  	v1 =	vsel vm11, $0x295, v1;
	v2 =	vsel vm11, $0x296, v2;
	v3 =	vsel vm12, $0x2B8, v3  }
0x62: {  	v1 =	vsel vm12, $0x2B6, v1;
	v2 =	vsel vm12, $0x2B7, v2;
	v3 =	vsel vm13, $0x2D9, v3  }
0x63: {  	v1 =	vsel vm13, $0x2D7, v1;
	v2 =	vsel vm13, $0x2D8, v2;
	v3 =	vsel vm14, $0x2FA, v3  }
0x64: {  	v1 =	vsel vm14, $0x2F8, v1;
	v2 =	vsel vm14, $0x2F9, v2;
	v3 =	vsel vm1, $0x31B, v3  }
0x65: {  	v1 =	vsel vm1, $0x319, v1;
	v2 =	vsel vm1, $0x31A, v2;
	v3 =	vsel vm0, $0x33C, v3  }
0x66: {  	v1 =	vsel vm0, $0x33A, v1;
	v2 =	vsel vm0, $0x33B, v2;
	v3 =	vsel vm2, $0x35D, v3  }
0x67: {  	v1 =	vsel vm2, $0x35B, v1;
	v2 =	vsel vm2, $0x35C, v2;
	v3 =	vsel vm3, $0x37E, v3  }
0x68: {  	v1 =	vsel vm3, $0x37C, v1;
	v2 =	vsel vm3, $0x37D, v2;
	v3 =	vsel vm4, $0x39F, v3  }
0x69: {  	v1 =	vsel vm4, $0x39D, v1;
	v2 =	vsel vm4, $0x39E, v2;
	v3 =	vsel vm5, $0x3A0, v3  }
0x6a: {  	v1 =	vsel vm5, $0x3BE, v1;
	v2 =	vsel vm5, $0x3BF, v2;
	v54 =	vsel vm6, $0x3C1, v3  }
0x6b: {  	v3 =	vimm.s32 $0x3E5;
	v1 =	vsel vm6, $0x3DF, v1;
	v53 =	vsel vm6, $0x3C0, v2  }
0x6c: {  	[tilespmem:$0x1F9E0] =	vst v54;
	v2 =	vsel vm7, $0x215, v56;
	v3 =	vsel vm7, $0x216, v3;
	v54 =	vimm.s32 $0x7E3  }
0x6d: {  	[tilespmem:$0x1F9C0] =	vst v1;
	v1 =	vsel vm7, $0x214, v55;
	v2 =	vsel vm8, $0x236, v2;
	v3 =	vsel vm8, $0x237, v3  }
0x6e: {  	[tilespmem:$0x1F9D0] =	vst v53;
	v53 =	vimm.s32 $0x7E1;
	v1 =	vsel vm8, $0x235, v1;
	v2 =	vsel vm9, $0x257, v2  }
0x6f: {  	v3 =	vsel vm9, $0x258, v3;
	v1 =	vsel vm9, $0x256, v1;
	v2 =	vsel vm10, $0x278, v2  }
0x70: {  	v3 =	vsel vm10, $0x279, v3;
	v1 =	vsel vm10, $0x277, v1;
	v2 =	vsel vm11, $0x299, v2  }
0x71: {  	v3 =	vsel vm11, $0x29A, v3;
	v1 =	vsel vm11, $0x298, v1;
	v2 =	vsel vm12, $0x2BA, v2  }
0x72: {  	v3 =	vsel vm12, $0x2BB, v3;
	v1 =	vsel vm12, $0x2B9, v1;
	v2 =	vsel vm13, $0x2DB, v2  }
0x73: {  	v3 =	vsel vm13, $0x2DC, v3;
	v1 =	vsel vm13, $0x2DA, v1;
	v2 =	vsel vm14, $0x2FC, v2  }
0x74: {  	v3 =	vsel vm14, $0x2FD, v3;
	v1 =	vsel vm14, $0x2FB, v1;
	v2 =	vsel vm1, $0x31D, v2  }
0x75: {  	v3 =	vsel vm1, $0x31E, v3;
	v1 =	vsel vm1, $0x31C, v1;
	v2 =	vsel vm0, $0x33E, v2  }
0x76: {  	v3 =	vsel vm0, $0x33F, v3;
	v1 =	vsel vm0, $0x33D, v1;
	v2 =	vsel vm2, $0x35F, v2  }
0x77: {  	v3 =	vsel vm2, $0x340, v3;
	v1 =	vsel vm2, $0x35E, v1;
	v2 =	vsel vm3, $0x360, v2  }
0x78: {  	v3 =	vsel vm3, $0x361, v3;
	v1 =	vsel vm3, $0x37F, v1;
	v2 =	vsel vm4, $0x381, v2  }
0x79: {  	v3 =	vsel vm4, $0x382, v3;
	v1 =	vsel vm4, $0x380, v1;
	v2 =	vsel vm5, $0x3A2, v2  }
0x7a: {  	v3 =	vsel vm5, $0x3A3, v3;
	v1 =	vsel vm5, $0x3A1, v1;
	v57 =	vsel vm6, $0x3C3, v2  }
0x7b: {  	v58 =	vsel vm6, $0x3C4, v3;
	v3 =	vimm.s32 $0x3E8;
	v2 =	vsel vm7, $0x218, v60  }
0x7c: {  	v60 =	vimm.s32 $0x7E4;
	v1 =	vsel vm6, $0x3C2, v1;
	v3 =	vsel vm7, $0x219, v3  }
0x7d: {  	v2 =	vsel vm8, $0x239, v2;
	[tilespmem:$0x1F9F0] =	vst v1;
	v1 =	vsel vm7, $0x217, v59;
	v3 =	vsel vm8, $0x23A, v3  }
0x7e: {  	v2 =	vsel vm9, $0x25A, v2;
	v1 =	vsel vm8, $0x238, v1;
	v3 =	vsel vm9, $0x25B, v3  }
0x7f: {  	v2 =	vsel vm10, $0x27B, v2;
	v1 =	vsel vm9, $0x259, v1;
	v3 =	vsel vm10, $0x27C, v3  }
0x80: {  	v2 =	vsel vm11, $0x29C, v2;
	v1 =	vsel vm10, $0x27A, v1;
	v3 =	vsel vm11, $0x29D, v3  }
0x81: {  	v2 =	vsel vm12, $0x2BD, v2;
	v1 =	vsel vm11, $0x29B, v1;
	v3 =	vsel vm12, $0x2BE, v3  }
0x82: {  	v2 =	vsel vm13, $0x2DE, v2;
	v1 =	vsel vm12, $0x2BC, v1;
	v3 =	vsel vm13, $0x2DF, v3  }
0x83: {  	v2 =	vsel vm14, $0x2FF, v2;
	v1 =	vsel vm13, $0x2DD, v1;
	v3 =	vsel vm14, $0x2E0, v3  }
0x84: {  	v2 =	vsel vm1, $0x300, v2;
	v1 =	vsel vm14, $0x2FE, v1;
	v3 =	vsel vm1, $0x301, v3  }
0x85: {  	v2 =	vsel vm0, $0x321, v2;
	v1 =	vsel vm1, $0x31F, v1;
	v3 =	vsel vm0, $0x322, v3  }
0x86: {  	v2 =	vsel vm2, $0x342, v2;
	v1 =	vsel vm0, $0x320, v1;
	v3 =	vsel vm2, $0x343, v3  }
0x87: {  	v2 =	vsel vm3, $0x363, v2;
	v1 =	vsel vm2, $0x341, v1;
	v3 =	vsel vm3, $0x364, v3  }
0x88: {  	v2 =	vsel vm4, $0x384, v2;
	v1 =	vsel vm3, $0x362, v1;
	v3 =	vsel vm4, $0x385, v3  }
0x89: {  	v2 =	vsel vm5, $0x3A5, v2;
	v1 =	vsel vm4, $0x383, v1;
	v3 =	vsel vm5, $0x3A6, v3  }
0x8a: {  	v61 =	vsel vm6, $0x3C6, v2;
	v2 =	vsel vm7, $0x21B, v21;
	v21 =	vimm.s32 $0x7E9  }
0x8b: {  	v1 =	vsel vm5, $0x3A4, v1;
	v62 =	vsel vm6, $0x3C7, v3;
	v3 =	vimm.s32 $0x3EB  }
0x8c: {  	v2 =	vsel vm8, $0x23C, v2;
	v1 =	vsel vm6, $0x3C5, v1;
	[tilespmem:$0x1FA40] =	vst v62;
	v3 =	vsel vm7, $0x21C, v3  }
0x8d: {  	v2 =	vsel vm9, $0x25D, v2;
	v62 =	vimm.s32 $0x7E6;
	[tilespmem:$0x1FA20] =	vst v1;
	v1 =	vsel vm7, $0x21A, v63  }
0x8e: {  	v3 =	vsel vm8, $0x23D, v3;
	v2 =	vsel vm10, $0x27E, v2;
	v63 =	vimm.s32 $0x7E7  }
0x8f: {  	v1 =	vsel vm8, $0x23B, v1;
	v3 =	vsel vm9, $0x25E, v3;
	v2 =	vsel vm11, $0x29F, v2  }
0x90: {  	v1 =	vsel vm9, $0x25C, v1;
	v3 =	vsel vm10, $0x27F, v3;
	v2 =	vsel vm12, $0x2A0, v2  }
0x91: {  	v1 =	vsel vm10, $0x27D, v1;
	v3 =	vsel vm11, $0x280, v3;
	v2 =	vsel vm13, $0x2C1, v2  }
0x92: {  	v1 =	vsel vm11, $0x29E, v1;
	v3 =	vsel vm12, $0x2A1, v3;
	v2 =	vsel vm14, $0x2E2, v2  }
0x93: {  	v1 =	vsel vm12, $0x2BF, v1;
	v3 =	vsel vm13, $0x2C2, v3;
	v2 =	vsel vm1, $0x303, v2  }
0x94: {  	v1 =	vsel vm13, $0x2C0, v1;
	v3 =	vsel vm14, $0x2E3, v3;
	v2 =	vsel vm0, $0x324, v2  }
0x95: {  	v1 =	vsel vm14, $0x2E1, v1;
	v3 =	vsel vm1, $0x304, v3;
	v2 =	vsel vm2, $0x345, v2  }
0x96: {  	v1 =	vsel vm1, $0x302, v1;
	v3 =	vsel vm0, $0x325, v3;
	v2 =	vsel vm3, $0x366, v2  }
0x97: {  	v1 =	vsel vm0, $0x323, v1;
	v3 =	vsel vm2, $0x346, v3;
	v2 =	vsel vm4, $0x387, v2  }
0x98: {  	v1 =	vsel vm2, $0x344, v1;
	v3 =	vsel vm3, $0x367, v3;
	v2 =	vsel vm5, $0x3A8, v2  }
0x99: {  	v1 =	vsel vm3, $0x365, v1;
	v3 =	vsel vm4, $0x388, v3;
	v22 =	vsel vm6, $0x3C9, v2  }
0x9a: {  	v2 =	vsel vm7, $0x21E, v25;
	v25 =	vimm.s32 $0x7EC;
	v1 =	vsel vm4, $0x386, v1  }
0x9b: {  	v3 =	vsel vm5, $0x3A9, v3;
	[tilespmem:$0x1FA60] =	vst v22;
	v2 =	vsel vm8, $0x23F, v2;
	v22 =	vimm.s32 $0x7EA  }
0x9c: {  	v1 =	vsel vm5, $0x3A7, v1;
	v23 =	vsel vm6, $0x3CA, v3;
	v3 =	vimm.s32 $0x3EE  }
0x9d: {  	v2 =	vsel vm9, $0x240, v2;
	v1 =	vsel vm6, $0x3C8, v1;
	v3 =	vsel vm7, $0x21F, v3  }
0x9e: {  	v2 =	vsel vm10, $0x261, v2;
	[tilespmem:$0x1FA50] =	vst v1;
	v1 =	vsel vm7, $0x21D, v24;
	v3 =	vsel vm8, $0x220, v3  }
0x9f: {  	v2 =	vsel vm11, $0x282, v2;
	v1 =	vsel vm8, $0x23E, v1;
	v3 =	vsel vm9, $0x241, v3  }
0xa0: {  	v2 =	vsel vm12, $0x2A3, v2;
	v1 =	vsel vm9, $0x25F, v1;
	v3 =	vsel vm10, $0x262, v3  }
0xa1: {  	v2 =	vsel vm13, $0x2C4, v2;
	v1 =	vsel vm10, $0x260, v1;
	v3 =	vsel vm11, $0x283, v3  }
0xa2: {  	v2 =	vsel vm14, $0x2E5, v2;
	v1 =	vsel vm11, $0x281, v1;
	v3 =	vsel vm12, $0x2A4, v3  }
0xa3: {  	v2 =	vsel vm1, $0x306, v2;
	v1 =	vsel vm12, $0x2A2, v1;
	v3 =	vsel vm13, $0x2C5, v3  }
0xa4: {  	v2 =	vsel vm0, $0x327, v2;
	v1 =	vsel vm13, $0x2C3, v1;
	v3 =	vsel vm14, $0x2E6, v3  }
0xa5: {  	v2 =	vsel vm2, $0x348, v2;
	v1 =	vsel vm14, $0x2E4, v1;
	v3 =	vsel vm1, $0x307, v3  }
0xa6: {  	v2 =	vsel vm3, $0x369, v2;
	v1 =	vsel vm1, $0x305, v1;
	v3 =	vsel vm0, $0x328, v3  }
0xa7: {  	v2 =	vsel vm4, $0x38A, v2;
	v1 =	vsel vm0, $0x326, v1;
	v3 =	vsel vm2, $0x349, v3  }
0xa8: {  	v2 =	vsel vm5, $0x3AB, v2;
	v1 =	vsel vm2, $0x347, v1;
	v3 =	vsel vm3, $0x36A, v3  }
0xa9: {  	v26 =	vsel vm6, $0x3CC, v2;
	v2 =	vsel vm7, $0x412, v29;
	v29 =	vimm.s32 $0x9E1  }
0xaa: {  	v1 =	vsel vm3, $0x368, v1;
	v3 =	vsel vm4, $0x38B, v3;
	v2 =	vsel vm8, $0x433, v2  }
0xab: {  	[tilespmem:$0x1FA90] =	vst v26;
	v26 =	vimm.s32 $0x7ED;
	v1 =	vsel vm4, $0x389, v1;
	v3 =	vsel vm5, $0x3AC, v3  }
0xac: {  	v2 =	vsel vm9, $0x454, v2;
	v1 =	vsel vm5, $0x3AA, v1;
	v27 =	vsel vm6, $0x3CD, v3  }
0xad: {  	v3 =	vimm.s32 $0x5E2;
	v2 =	vsel vm10, $0x475, v2;
	v1 =	vsel vm6, $0x3CB, v1  }
0xae: {  	v3 =	vsel vm7, $0x413, v3;
	v2 =	vsel vm11, $0x496, v2;
	[tilespmem:$0x1FA80] =	vst v1;
	v1 =	vsel vm7, $0x411, v28  }
0xaf: {  	v3 =	vsel vm8, $0x434, v3;
	v2 =	vsel vm12, $0x4B7, v2;
	v28 =	vimm.s32 $0x9E0  }
0xb0: {  	v1 =	vsel vm8, $0x432, v1;
	v3 =	vsel vm9, $0x455, v3;
	v2 =	vsel vm13, $0x4D8, v2  }
0xb1: {  	v1 =	vsel vm9, $0x453, v1;
	v3 =	vsel vm10, $0x476, v3;
	v2 =	vsel vm14, $0x4F9, v2  }
0xb2: {  	v1 =	vsel vm10, $0x474, v1;
	v3 =	vsel vm11, $0x497, v3;
	v2 =	vsel vm1, $0x51A, v2  }
0xb3: {  	v1 =	vsel vm11, $0x495, v1;
	v3 =	vsel vm12, $0x4B8, v3;
	v2 =	vsel vm0, $0x53B, v2  }
0xb4: {  	v1 =	vsel vm12, $0x4B6, v1;
	v3 =	vsel vm13, $0x4D9, v3;
	v2 =	vsel vm2, $0x55C, v2  }
0xb5: {  	v1 =	vsel vm13, $0x4D7, v1;
	v3 =	vsel vm14, $0x4FA, v3;
	v2 =	vsel vm3, $0x57D, v2  }
0xb6: {  	v1 =	vsel vm14, $0x4F8, v1;
	v3 =	vsel vm1, $0x51B, v3;
	v2 =	vsel vm4, $0x59E, v2  }
0xb7: {  	v1 =	vsel vm1, $0x519, v1;
	v3 =	vsel vm0, $0x53C, v3;
	v2 =	vsel vm5, $0x5BF, v2  }
0xb8: {  	v1 =	vsel vm0, $0x53A, v1;
	v3 =	vsel vm2, $0x55D, v3;
	v30 =	vsel vm6, $0x5C0, v2  }
0xb9: {  	v2 =	vsel vm7, $0x415, v33;
	v33 =	vimm.s32 $0x9E7;
	v1 =	vsel vm2, $0x55B, v1  }
0xba: {  	v3 =	vsel vm3, $0x57E, v3;
	[tilespmem:$0x1FAC0] =	vst v30;
	v2 =	vsel vm8, $0x436, v2;
	v30 =	vimm.s32 $0x9E3  }
0xbb: {  	v1 =	vsel vm3, $0x57C, v1;
	v3 =	vsel vm4, $0x59F, v3;
	v2 =	vsel vm9, $0x457, v2  }
0xbc: {  	v1 =	vsel vm4, $0x59D, v1;
	v3 =	vsel vm5, $0x5A0, v3;
	v2 =	vsel vm10, $0x478, v2  }
0xbd: {  	v1 =	vsel vm5, $0x5BE, v1;
	v31 =	vsel vm6, $0x5C1, v3;
	v3 =	vimm.s32 $0x5E5  }
0xbe: {  	v2 =	vsel vm11, $0x499, v2;
	v1 =	vsel vm6, $0x5DF, v1;
	[tilespmem:$0x1FAD0] =	vst v31;
	v3 =	vsel vm7, $0x416, v3  }
0xbf: {  	v2 =	vsel vm12, $0x4BA, v2;
	v31 =	vimm.s32 $0x9E4;
	[tilespmem:$0x1FAB0] =	vst v1;
	v1 =	vsel vm7, $0x414, v32  }
0xc0: {  	v3 =	vsel vm8, $0x437, v3;
	v2 =	vsel vm13, $0x4DB, v2;
	v32 =	vimm.s32 $0x9E6  }
0xc1: {  	v1 =	vsel vm8, $0x435, v1;
	v3 =	vsel vm9, $0x458, v3;
	v2 =	vsel vm14, $0x4FC, v2  }
0xc2: {  	v1 =	vsel vm9, $0x456, v1;
	v3 =	vsel vm10, $0x479, v3;
	v2 =	vsel vm1, $0x51D, v2  }
0xc3: {  	v1 =	vsel vm10, $0x477, v1;
	v3 =	vsel vm11, $0x49A, v3;
	v2 =	vsel vm0, $0x53E, v2  }
0xc4: {  	v1 =	vsel vm11, $0x498, v1;
	v3 =	vsel vm12, $0x4BB, v3;
	v2 =	vsel vm2, $0x55F, v2  }
0xc5: {  	v1 =	vsel vm12, $0x4B9, v1;
	v3 =	vsel vm13, $0x4DC, v3;
	v2 =	vsel vm3, $0x560, v2  }
0xc6: {  	v1 =	vsel vm13, $0x4DA, v1;
	v3 =	vsel vm14, $0x4FD, v3;
	v2 =	vsel vm4, $0x581, v2  }
0xc7: {  	v1 =	vsel vm14, $0x4FB, v1;
	v3 =	vsel vm1, $0x51E, v3;
	v2 =	vsel vm5, $0x5A2, v2  }
0xc8: {  	v1 =	vsel vm1, $0x51C, v1;
	v3 =	vsel vm0, $0x53F, v3;
	v34 =	vsel vm6, $0x5C3, v2  }
0xc9: {  	v2 =	vsel vm7, $0x418, v40;
	v40 =	vimm.s32 $0x9EC;
	v1 =	vsel vm0, $0x53D, v1  }
0xca: {  	v3 =	vsel vm2, $0x540, v3;
	[tilespmem:$0x1FAF0] =	vst v34;
	v2 =	vsel vm8, $0x439, v2;
	v34 =	vimm.s32 $0x9E9  }
0xcb: {  	v1 =	vsel vm2, $0x55E, v1;
	v3 =	vsel vm3, $0x561, v3;
	v2 =	vsel vm9, $0x45A, v2  }
0xcc: {  	v1 =	vsel vm3, $0x57F, v1;
	v3 =	vsel vm4, $0x582, v3;
	v2 =	vsel vm10, $0x47B, v2  }
0xcd: {  	v1 =	vsel vm4, $0x580, v1;
	v3 =	vsel vm5, $0x5A3, v3;
	v2 =	vsel vm11, $0x49C, v2  }
0xce: {  	v1 =	vsel vm5, $0x5A1, v1;
	v36 =	vsel vm6, $0x5C4, v3;
	v3 =	vimm.s32 $0x5E8  }
0xcf: {  	v2 =	vsel vm12, $0x4BD, v2;
	v1 =	vsel vm6, $0x5C2, v1;
	v3 =	vsel vm7, $0x419, v3  }
0xd0: {  	v2 =	vsel vm13, $0x4DE, v2;
	[tilespmem:$0x1FAE0] =	vst v1;
	v1 =	vsel vm7, $0x417, v38;
	v3 =	vsel vm8, $0x43A, v3  }
0xd1: {  	v2 =	vsel vm14, $0x4FF, v2;
	v38 =	vimm.s32 $0x9EA;
	v1 =	vsel vm8, $0x438, v1  }
0xd2: {  	v3 =	vsel vm9, $0x45B, v3;
	v2 =	vsel vm1, $0x500, v2;
	v1 =	vsel vm9, $0x459, v1  }
0xd3: {  	v3 =	vsel vm10, $0x47C, v3;
	v2 =	vsel vm0, $0x521, v2;
	v1 =	vsel vm10, $0x47A, v1  }
0xd4: {  	v3 =	vsel vm11, $0x49D, v3;
	v2 =	vsel vm2, $0x542, v2;
	v1 =	vsel vm11, $0x49B, v1  }
0xd5: {  	v3 =	vsel vm12, $0x4BE, v3;
	v2 =	vsel vm3, $0x563, v2;
	v1 =	vsel vm12, $0x4BC, v1  }
0xd6: {  	v3 =	vsel vm13, $0x4DF, v3;
	v2 =	vsel vm4, $0x584, v2;
	v1 =	vsel vm13, $0x4DD, v1  }
0xd7: {  	v3 =	vsel vm14, $0x4E0, v3;
	v2 =	vsel vm5, $0x5A5, v2;
	v1 =	vsel vm14, $0x4FE, v1  }
0xd8: {  	v3 =	vsel vm1, $0x501, v3;
	v42 =	vsel vm6, $0x5C6, v2;
	v2 =	vsel vm7, $0x41B, v47  }
0xd9: {  	v1 =	vsel vm1, $0x51F, v1;
	v3 =	vsel vm0, $0x522, v3;
	v2 =	vsel vm8, $0x43C, v2  }
0xda: {  	[tilespmem:$0x1FB20] =	vst v42;
	v42 =	vimm.s32 $0x9ED;
	v1 =	vsel vm0, $0x520, v1;
	v3 =	vsel vm2, $0x543, v3  }
0xdb: {  	v2 =	vsel vm9, $0x45D, v2;
	v1 =	vsel vm2, $0x541, v1;
	v3 =	vsel vm3, $0x564, v3  }
0xdc: {  	v2 =	vsel vm10, $0x47E, v2;
	v1 =	vsel vm3, $0x562, v1;
	v3 =	vsel vm4, $0x585, v3  }
0xdd: {  	v2 =	vsel vm11, $0x49F, v2;
	v1 =	vsel vm4, $0x583, v1;
	v3 =	vsel vm5, $0x5A6, v3  }
0xde: {  	v2 =	vsel vm12, $0x4A0, v2;
	v1 =	vsel vm5, $0x5A4, v1;
	v44 =	vsel vm6, $0x5C7, v3  }
0xdf: {  	v3 =	vimm.s32 $0x5EB;
	v2 =	vsel vm13, $0x4C1, v2;
	v1 =	vsel vm6, $0x5C5, v1  }
0xe0: {  	v3 =	vsel vm7, $0x41C, v3;
	v2 =	vsel vm14, $0x4E2, v2;
	[tilespmem:$0x1FB10] =	vst v1;
	v1 =	vsel vm7, $0x41A, v46  }
0xe1: {  	v3 =	vsel vm8, $0x43D, v3;
	v2 =	vsel vm1, $0x503, v2;
	v1 =	vsel vm8, $0x43B, v1  }
0xe2: {  	v3 =	vsel vm9, $0x45E, v3;
	v2 =	vsel vm0, $0x524, v2;
	v1 =	vsel vm9, $0x45C, v1  }
0xe3: {  	v3 =	vsel vm10, $0x47F, v3;
	v2 =	vsel vm2, $0x545, v2;
	v1 =	vsel vm10, $0x47D, v1  }
0xe4: {  	v3 =	vsel vm11, $0x480, v3;
	v2 =	vsel vm3, $0x566, v2;
	v1 =	vsel vm11, $0x49E, v1  }
0xe5: {  	v3 =	vsel vm12, $0x4A1, v3;
	v2 =	vsel vm4, $0x587, v2;
	v1 =	vsel vm12, $0x4BF, v1  }
0xe6: {  	v3 =	vsel vm13, $0x4C2, v3;
	v2 =	vsel vm5, $0x5A8, v2;
	v1 =	vsel vm13, $0x4C0, v1  }
0xe7: {  	[tilespmem:$0x1FA30] =	vst v61;
	v3 =	vsel vm14, $0x4E3, v3;
	v61 =	vsel vm6, $0x5C9, v2;
	v2 =	vsel vm7, $0x41E, v51  }
0xe8: {  	v1 =	vsel vm14, $0x4E1, v1;
	v3 =	vsel vm1, $0x504, v3;
	v2 =	vsel vm8, $0x43F, v2  }
0xe9: {  	v1 =	vsel vm1, $0x502, v1;
	v3 =	vsel vm0, $0x525, v3;
	v2 =	vsel vm9, $0x440, v2  }
0xea: {  	v1 =	vsel vm0, $0x523, v1;
	v3 =	vsel vm2, $0x546, v3;
	v2 =	vsel vm10, $0x461, v2  }
0xeb: {  	v1 =	vsel vm2, $0x544, v1;
	v3 =	vsel vm3, $0x567, v3;
	v2 =	vsel vm11, $0x482, v2  }
0xec: {  	v1 =	vsel vm3, $0x565, v1;
	v3 =	vsel vm4, $0x588, v3;
	v2 =	vsel vm12, $0x4A3, v2  }
0xed: {  	v1 =	vsel vm4, $0x586, v1;
	v3 =	vsel vm5, $0x5A9, v3;
	v2 =	vsel vm13, $0x4C4, v2  }
0xee: {  	v1 =	vsel vm5, $0x5A7, v1;
	v59 =	vsel vm6, $0x5CA, v3;
	v3 =	vimm.s32 $0x5EE  }
0xef: {  	v2 =	vsel vm14, $0x4E5, v2;
	v1 =	vsel vm6, $0x5C8, v1;
	v3 =	vsel vm7, $0x41F, v3  }
0xf0: {  	v2 =	vsel vm1, $0x506, v2;
	[tilespmem:$0x1FB40] =	vst v1;
	v1 =	vsel vm7, $0x41D, v49;
	v3 =	vsel vm8, $0x420, v3  }
0xf1: {  	v2 =	vsel vm0, $0x527, v2;
	v1 =	vsel vm8, $0x43E, v1;
	v3 =	vsel vm9, $0x441, v3  }
0xf2: {  	v2 =	vsel vm2, $0x548, v2;
	v1 =	vsel vm9, $0x45F, v1;
	v3 =	vsel vm10, $0x462, v3  }
0xf3: {  	v2 =	vsel vm3, $0x569, v2;
	v1 =	vsel vm10, $0x460, v1;
	v3 =	vsel vm11, $0x483, v3  }
0xf4: {  	v2 =	vsel vm4, $0x58A, v2;
	v1 =	vsel vm11, $0x481, v1;
	v3 =	vsel vm12, $0x4A4, v3  }
0xf5: {  	v2 =	vsel vm5, $0x5AB, v2;
	v1 =	vsel vm12, $0x4A2, v1;
	v3 =	vsel vm13, $0x4C5, v3  }
0xf6: {  	v56 =	vsel vm6, $0x5CC, v2;
	v2 =	vsel vm7, $0x612, v53;
	v1 =	vsel vm13, $0x4C3, v1  }
0xf7: {  	v3 =	vsel vm14, $0x4E6, v3;
	v2 =	vsel vm8, $0x633, v2;
	v1 =	vsel vm14, $0x4E4, v1  }
0xf8: {  	v3 =	vsel vm1, $0x507, v3;
	v2 =	vsel vm9, $0x654, v2;
	v1 =	vsel vm1, $0x505, v1  }
0xf9: {  	v3 =	vsel vm0, $0x528, v3;
	v2 =	vsel vm10, $0x675, v2;
	v1 =	vsel vm0, $0x526, v1  }
0xfa: {  	v3 =	vsel vm2, $0x549, v3;
	v2 =	vsel vm11, $0x696, v2;
	v1 =	vsel vm2, $0x547, v1  }
0xfb: {  	v3 =	vsel vm3, $0x56A, v3;
	v2 =	vsel vm12, $0x6B7, v2;
	v1 =	vsel vm3, $0x568, v1  }
0xfc: {  	v3 =	vsel vm4, $0x58B, v3;
	v2 =	vsel vm13, $0x6D8, v2;
	v1 =	vsel vm4, $0x589, v1  }
0xfd: {  	v3 =	vsel vm5, $0x5AC, v3;
	v2 =	vsel vm14, $0x6F9, v2;
	v1 =	vsel vm5, $0x5AA, v1  }
0xfe: {  	v55 =	vsel vm6, $0x5CD, v3;
	v3 =	vimm.s32 $0x7E2;
	v2 =	vsel vm1, $0x71A, v2  }
0xff: {  	[tilespmem:$0x1FA00] =	vst v57;
	v57 =	vsel vm6, $0x5CB, v1;
	v1 =	vsel vm7, $0x611, v52;
	v3 =	vsel vm7, $0x613, v3  }
0x100: {  	v2 =	vsel vm0, $0x73B, v2;
	v1 =	vsel vm8, $0x632, v1;
	v3 =	vsel vm8, $0x634, v3  }
0x101: {  	v2 =	vsel vm2, $0x75C, v2;
	v1 =	vsel vm9, $0x653, v1;
	v3 =	vsel vm9, $0x655, v3  }
0x102: {  	v2 =	vsel vm3, $0x77D, v2;
	v1 =	vsel vm10, $0x674, v1;
	v3 =	vsel vm10, $0x676, v3  }
0x103: {  	v2 =	vsel vm4, $0x79E, v2;
	v1 =	vsel vm11, $0x695, v1;
	v3 =	vsel vm11, $0x697, v3  }
0x104: {  	v2 =	vsel vm5, $0x7BF, v2;
	v1 =	vsel vm12, $0x6B6, v1;
	v3 =	vsel vm12, $0x6B8, v3  }
0x105: {  	v52 =	vsel vm6, $0x7C0, v2;
	v2 =	vsel vm7, $0x615, v60;
	v1 =	vsel vm13, $0x6D7, v1  }
0x106: {  	v3 =	vsel vm13, $0x6D9, v3;
	v2 =	vsel vm8, $0x636, v2;
	v1 =	vsel vm14, $0x6F8, v1  }
0x107: {  	v3 =	vsel vm14, $0x6FA, v3;
	v2 =	vsel vm9, $0x657, v2;
	v1 =	vsel vm1, $0x719, v1  }
0x108: {  	v3 =	vsel vm1, $0x71B, v3;
	v2 =	vsel vm10, $0x678, v2;
	v1 =	vsel vm0, $0x73A, v1  }
0x109: {  	v3 =	vsel vm0, $0x73C, v3;
	v2 =	vsel vm11, $0x699, v2;
	v1 =	vsel vm2, $0x75B, v1  }
0x10a: {  	v3 =	vsel vm2, $0x75D, v3;
	v2 =	vsel vm12, $0x6BA, v2;
	v1 =	vsel vm3, $0x77C, v1  }
0x10b: {  	v3 =	vsel vm3, $0x77E, v3;
	v2 =	vsel vm13, $0x6DB, v2;
	v1 =	vsel vm4, $0x79D, v1  }
0x10c: {  	v3 =	vsel vm4, $0x79F, v3;
	v2 =	vsel vm14, $0x6FC, v2;
	v1 =	vsel vm5, $0x7BE, v1  }
0x10d: {  	[tilespmem:$0x1FA10] =	vst v58;
	v3 =	vsel vm5, $0x7A0, v3;
	v2 =	vsel vm1, $0x71D, v2;
	v58 =	vsel vm6, $0x7DF, v1  }
0x10e: {  	v51 =	vsel vm6, $0x7C1, v3;
	v3 =	vimm.s32 $0x7E5;
	v1 =	vsel vm7, $0x614, v54  }
0x10f: {  	v2 =	vsel vm0, $0x73E, v2;
	v3 =	vsel vm7, $0x616, v3;
	v1 =	vsel vm8, $0x635, v1  }
0x110: {  	v2 =	vsel vm2, $0x75F, v2;
	v3 =	vsel vm8, $0x637, v3;
	v1 =	vsel vm9, $0x656, v1  }
0x111: {  	v2 =	vsel vm3, $0x760, v2;
	v3 =	vsel vm9, $0x658, v3;
	v1 =	vsel vm10, $0x677, v1  }
0x112: {  	v2 =	vsel vm4, $0x781, v2;
	v3 =	vsel vm10, $0x679, v3;
	v1 =	vsel vm11, $0x698, v1  }
0x113: {  	v2 =	vsel vm5, $0x7A2, v2;
	v3 =	vsel vm11, $0x69A, v3;
	v1 =	vsel vm12, $0x6B9, v1  }
0x114: {  	v0 =	vsel vm6, $0x7C3, v2;
	v2 =	vsel vm7, $0x618, v63;
	v3 =	vsel vm12, $0x6BB, v3  }
0x115: {  	v1 =	vsel vm13, $0x6DA, v1;
	v2 =	vsel vm8, $0x639, v2;
	v3 =	vsel vm13, $0x6DC, v3  }
0x116: {  	v1 =	vsel vm14, $0x6FB, v1;
	v2 =	vsel vm9, $0x65A, v2;
	v3 =	vsel vm14, $0x6FD, v3  }
0x117: {  	v1 =	vsel vm1, $0x71C, v1;
	v2 =	vsel vm10, $0x67B, v2;
	v3 =	vsel vm1, $0x71E, v3  }
0x118: {  	v1 =	vsel vm0, $0x73D, v1;
	v2 =	vsel vm11, $0x69C, v2;
	v3 =	vsel vm0, $0x73F, v3  }
0x119: {  	v1 =	vsel vm2, $0x75E, v1;
	v2 =	vsel vm12, $0x6BD, v2;
	v3 =	vsel vm2, $0x740, v3  }
0x11a: {  	v1 =	vsel vm3, $0x77F, v1;
	v2 =	vsel vm13, $0x6DE, v2;
	v3 =	vsel vm3, $0x761, v3  }
0x11b: {  	v1 =	vsel vm4, $0x780, v1;
	v2 =	vsel vm14, $0x6FF, v2;
	v3 =	vsel vm4, $0x782, v3  }
0x11c: {  	v1 =	vsel vm5, $0x7A1, v1;
	v2 =	vsel vm1, $0x700, v2;
	v3 =	vsel vm5, $0x7A3, v3  }
0x11d: {  	v53 =	vsel vm6, $0x7C2, v1;
	v1 =	vsel vm7, $0x617, v62;
	v2 =	vsel vm0, $0x721, v2  }
0x11e: {  	v54 =	vsel vm6, $0x7C4, v3;
	v3 =	vimm.s32 $0x7E8;
	v1 =	vsel vm8, $0x638, v1  }
0x11f: {  	v2 =	vsel vm2, $0x742, v2;
	v3 =	vsel vm7, $0x619, v3;
	v1 =	vsel vm9, $0x659, v1  }
0x120: {  	v2 =	vsel vm3, $0x763, v2;
	v3 =	vsel vm8, $0x63A, v3;
	v1 =	vsel vm10, $0x67A, v1  }
0x121: {  	v2 =	vsel vm4, $0x784, v2;
	v3 =	vsel vm9, $0x65B, v3;
	v1 =	vsel vm11, $0x69B, v1  }
0x122: {  	v2 =	vsel vm5, $0x7A5, v2;
	v3 =	vsel vm10, $0x67C, v3;
	v1 =	vsel vm12, $0x6BC, v1  }
0x123: {  	v62 =	vsel vm6, $0x7C6, v2;
	v2 =	vsel vm7, $0x61B, v22;
	v3 =	vsel vm11, $0x69D, v3  }
0x124: {  	v1 =	vsel vm13, $0x6DD, v1;
	v2 =	vsel vm8, $0x63C, v2;
	v3 =	vsel vm12, $0x6BE, v3  }
0x125: {  	v1 =	vsel vm14, $0x6FE, v1;
	v2 =	vsel vm9, $0x65D, v2;
	v3 =	vsel vm13, $0x6DF, v3  }
0x126: {  	v1 =	vsel vm1, $0x71F, v1;
	v2 =	vsel vm10, $0x67E, v2;
	v3 =	vsel vm14, $0x6E0, v3  }
0x127: {  	v1 =	vsel vm0, $0x720, v1;
	v2 =	vsel vm11, $0x69F, v2;
	v3 =	vsel vm1, $0x701, v3  }
0x128: {  	v1 =	vsel vm2, $0x741, v1;
	v2 =	vsel vm12, $0x6A0, v2;
	v3 =	vsel vm0, $0x722, v3  }
0x129: {  	v1 =	vsel vm3, $0x762, v1;
	v2 =	vsel vm13, $0x6C1, v2;
	v3 =	vsel vm2, $0x743, v3  }
0x12a: {  	v1 =	vsel vm4, $0x783, v1;
	v2 =	vsel vm14, $0x6E2, v2;
	v3 =	vsel vm3, $0x764, v3  }
0x12b: {  	v1 =	vsel vm5, $0x7A4, v1;
	v2 =	vsel vm1, $0x703, v2;
	v3 =	vsel vm4, $0x785, v3  }
0x12c: {  	v60 =	vsel vm6, $0x7C5, v1;
	v1 =	vsel vm7, $0x61A, v21;
	v2 =	vsel vm0, $0x724, v2  }
0x12d: {  	v3 =	vsel vm5, $0x7A6, v3;
	v1 =	vsel vm8, $0x63B, v1;
	v2 =	vsel vm2, $0x745, v2  }
0x12e: {  	v63 =	vsel vm6, $0x7C7, v3;
	v3 =	vimm.s32 $0x7EB;
	v1 =	vsel vm9, $0x65C, v1  }
0x12f: {  	v2 =	vsel vm3, $0x766, v2;
	v3 =	vsel vm7, $0x61C, v3;
	v1 =	vsel vm10, $0x67D, v1  }
0x130: {  	v2 =	vsel vm4, $0x787, v2;
	v3 =	vsel vm8, $0x63D, v3;
	v1 =	vsel vm11, $0x69E, v1  }
0x131: {  	v2 =	vsel vm5, $0x7A8, v2;
	v3 =	vsel vm9, $0x65E, v3;
	v1 =	vsel vm12, $0x6BF, v1  }
0x132: {  	[tilespmem:$0x1FA70] =	vst v23;
	v23 =	vsel vm6, $0x7C9, v2;
	v2 =	vsel vm7, $0x61E, v26;
	v3 =	vsel vm10, $0x67F, v3  }
0x133: {  	v1 =	vsel vm13, $0x6C0, v1;
	v2 =	vsel vm8, $0x63F, v2;
	v3 =	vsel vm11, $0x680, v3  }
0x134: {  	v1 =	vsel vm14, $0x6E1, v1;
	v2 =	vsel vm9, $0x640, v2;
	v3 =	vsel vm12, $0x6A1, v3  }
0x135: {  	v1 =	vsel vm1, $0x702, v1;
	v2 =	vsel vm10, $0x661, v2;
	v3 =	vsel vm13, $0x6C2, v3  }
0x136: {  	v1 =	vsel vm0, $0x723, v1;
	v2 =	vsel vm11, $0x682, v2;
	v3 =	vsel vm14, $0x6E3, v3  }
0x137: {  	v1 =	vsel vm2, $0x744, v1;
	v2 =	vsel vm12, $0x6A3, v2;
	v3 =	vsel vm1, $0x704, v3  }
0x138: {  	v1 =	vsel vm3, $0x765, v1;
	v2 =	vsel vm13, $0x6C4, v2;
	v3 =	vsel vm0, $0x725, v3  }
0x139: {  	v1 =	vsel vm4, $0x786, v1;
	v2 =	vsel vm14, $0x6E5, v2;
	v3 =	vsel vm2, $0x746, v3  }
0x13a: {  	v1 =	vsel vm5, $0x7A7, v1;
	v2 =	vsel vm1, $0x706, v2;
	v3 =	vsel vm3, $0x767, v3  }
0x13b: {  	v1 =	vsel vm6, $0x7C8, v1;
	v2 =	vsel vm0, $0x727, v2;
	v3 =	vsel vm4, $0x788, v3  }
0x13c: {  	[tilespmem:$0x1FB50] =	vst v1;
	v1 =	vsel vm7, $0x61D, v25;
	v2 =	vsel vm2, $0x748, v2;
	v3 =	vsel vm5, $0x7A9, v3  }
0x13d: {  	v1 =	vsel vm8, $0x63E, v1;
	v2 =	vsel vm3, $0x769, v2;
	v24 =	vsel vm6, $0x7CA, v3  }
0x13e: {  	v3 =	vimm.s32 $0x7EE;
	v1 =	vsel vm9, $0x65F, v1;
	v2 =	vsel vm4, $0x78A, v2  }
0x13f: {  	v3 =	vsel vm7, $0x61F, v3;
	v1 =	vsel vm10, $0x660, v1;
	v2 =	vsel vm5, $0x7AB, v2  }
0x140: {  	[tilespmem:$0x1FAA0] =	vst v27;
	v3 =	vsel vm8, $0x620, v3;
	v1 =	vsel vm11, $0x681, v1;
	v27 =	vsel vm6, $0x7CC, v2  }
0x141: {  	v2 =	vsel vm7, $0x812, v29;
	v3 =	vsel vm9, $0x641, v3;
	v1 =	vsel vm12, $0x6A2, v1  }
0x142: {  	v2 =	vsel vm8, $0x833, v2;
	v3 =	vsel vm10, $0x662, v3;
	v1 =	vsel vm13, $0x6C3, v1  }
0x143: {  	v2 =	vsel vm9, $0x854, v2;
	v3 =	vsel vm11, $0x683, v3;
	v1 =	vsel vm14, $0x6E4, v1  }
0x144: {  	v2 =	vsel vm10, $0x875, v2;
	v3 =	vsel vm12, $0x6A4, v3;
	v1 =	vsel vm1, $0x705, v1  }
0x145: {  	v2 =	vsel vm11, $0x896, v2;
	v3 =	vsel vm13, $0x6C5, v3;
	v1 =	vsel vm0, $0x726, v1  }
0x146: {  	v2 =	vsel vm12, $0x8B7, v2;
	v3 =	vsel vm14, $0x6E6, v3;
	v1 =	vsel vm2, $0x747, v1  }
0x147: {  	v2 =	vsel vm13, $0x8D8, v2;
	v3 =	vsel vm1, $0x707, v3;
	v1 =	vsel vm3, $0x768, v1  }
0x148: {  	v2 =	vsel vm14, $0x8F9, v2;
	v3 =	vsel vm0, $0x728, v3;
	v1 =	vsel vm4, $0x789, v1  }
0x149: {  	v2 =	vsel vm1, $0x91A, v2;
	v3 =	vsel vm2, $0x749, v3;
	v1 =	vsel vm5, $0x7AA, v1  }
0x14a: {  	v2 =	vsel vm0, $0x93B, v2;
	v3 =	vsel vm3, $0x76A, v3;
	v1 =	vsel vm6, $0x7CB, v1  }
0x14b: {  	v2 =	vsel vm2, $0x95C, v2;
	v3 =	vsel vm4, $0x78B, v3;
	[tilespmem:$0x1FB80] =	vst v1;
	v1 =	vsel vm7, $0x811, v28  }
0x14c: {  	v2 =	vsel vm3, $0x97D, v2;
	v3 =	vsel vm5, $0x7AC, v3;
	v1 =	vsel vm8, $0x832, v1  }
0x14d: {  	v2 =	vsel vm4, $0x99E, v2;
	v21 =	vsel vm6, $0x7CD, v3;
	v3 =	vimm.s32 $0x9E2  }
0x14e: {  	v1 =	vsel vm9, $0x853, v1;
	v2 =	vsel vm5, $0x9BF, v2;
	v3 =	vsel vm7, $0x813, v3  }
0x14f: {  	v1 =	vsel vm10, $0x874, v1;
	v46 =	vsel vm6, $0x9C0, v2;
	v2 =	vsel vm7, $0x815, v31  }
0x150: {  	v3 =	vsel vm8, $0x834, v3;
	v1 =	vsel vm11, $0x895, v1;
	v2 =	vsel vm8, $0x836, v2  }
0x151: {  	v3 =	vsel vm9, $0x855, v3;
	v1 =	vsel vm12, $0x8B6, v1;
	v2 =	vsel vm9, $0x857, v2  }
0x152: {  	v3 =	vsel vm10, $0x876, v3;
	v1 =	vsel vm13, $0x8D7, v1;
	v2 =	vsel vm10, $0x878, v2  }
0x153: {  	v3 =	vsel vm11, $0x897, v3;
	v1 =	vsel vm14, $0x8F8, v1;
	v2 =	vsel vm11, $0x899, v2  }
0x154: {  	v3 =	vsel vm12, $0x8B8, v3;
	v1 =	vsel vm1, $0x919, v1;
	v2 =	vsel vm12, $0x8BA, v2  }
0x155: {  	v3 =	vsel vm13, $0x8D9, v3;
	v1 =	vsel vm0, $0x93A, v1;
	v2 =	vsel vm13, $0x8DB, v2  }
0x156: {  	v3 =	vsel vm14, $0x8FA, v3;
	v1 =	vsel vm2, $0x95B, v1;
	v2 =	vsel vm14, $0x8FC, v2  }
0x157: {  	v3 =	vsel vm1, $0x91B, v3;
	v1 =	vsel vm3, $0x97C, v1;
	v2 =	vsel vm1, $0x91D, v2  }
0x158: {  	v3 =	vsel vm0, $0x93C, v3;
	v1 =	vsel vm4, $0x99D, v1;
	v2 =	vsel vm0, $0x93E, v2  }
0x159: {  	v3 =	vsel vm2, $0x95D, v3;
	v1 =	vsel vm5, $0x9BE, v1;
	v2 =	vsel vm2, $0x95F, v2  }
0x15a: {  	v3 =	vsel vm3, $0x97E, v3;
	v47 =	vsel vm6, $0x9DF, v1;
	v1 =	vsel vm7, $0x814, v30  }
0x15b: {  	v2 =	vsel vm3, $0x960, v2;
	v3 =	vsel vm4, $0x99F, v3;
	v1 =	vsel vm8, $0x835, v1  }
0x15c: {  	v2 =	vsel vm4, $0x981, v2;
	v3 =	vsel vm5, $0x9A0, v3;
	v1 =	vsel vm9, $0x856, v1  }
0x15d: {  	v2 =	vsel vm5, $0x9A2, v2;
	v49 =	vsel vm6, $0x9C1, v3;
	v3 =	vimm.s32 $0x9E5  }
0x15e: {  	[tilespmem:$0x1FB30] =	vst v44;
	v1 =	vsel vm10, $0x877, v1;
	v44 =	vsel vm6, $0x9C3, v2;
	v2 =	vsel vm7, $0x818, v33  }
0x15f: {  	v33 =	vadd.s32 $0xA, v50;
	v3 =	vsel vm7, $0x816, v3;
	v1 =	vsel vm11, $0x898, v1  }
0x160: {  	[tilespmem:$0x1FB00] =	vst v36;
	v2 =	vsel vm8, $0x839, v2;
	v3 =	vsel vm8, $0x837, v3;
	v1 =	vsel vm12, $0x8B9, v1  }
0x161: {  	s4 =	rddreg [dreg:$0x0];
	[tilespmem:$0x1FB60] =	vst v23;
	v2 =	vsel vm9, $0x85A, v2;
	v3 =	vsel vm9, $0x858, v3;
	v1 =	vsel vm13, $0x8DA, v1  }
0x162: {  	s6 =	rddreg [dreg:$0x1];
	s2 =	simm.s32 $0x0;
	[tilespmem:$0x1FB70] =	vst v24;
	v2 =	vsel vm10, $0x87B, v2;
	v3 =	vsel vm10, $0x879, v3;
	v1 =	vsel vm14, $0x8FB, v1  }
0x163: {  	[smem:$0x7FF] =	sst s2;
	[tilespmem:$0x1FB90] =	vst v27;
	v2 =	vsel vm11, $0x89C, v2;
	v3 =	vsel vm11, $0x89A, v3;
	v1 =	vsel vm1, $0x91C, v1  }
0x164: {  	s0 =	rddreg [dreg:$0x2];
	_ =	strace $0x80000047;
	[tilespmem:$0x1FCD0] =	vst v35;
	v2 =	vsel vm12, $0x8BD, v2;
	v3 =	vsel vm12, $0x8BB, v3;
	v1 =	vsel vm0, $0x93D, v1  }
0x165: {  	[tilespmem:$0x1FCE0] =	vst v37;
	v2 =	vsel vm13, $0x8DE, v2;
	v3 =	vsel vm13, $0x8DC, v3;
	v1 =	vsel vm2, $0x95E, v1  }
0x166: {  	[tilespmem:$0x1FCF0] =	vst v39;
	v2 =	vsel vm14, $0x8FF, v2;
	v3 =	vsel vm14, $0x8FD, v3;
	v1 =	vsel vm3, $0x97F, v1  }
0x167: {  	[tilespmem:$0x1FD00] =	vst v41;
	v2 =	vsel vm1, $0x900, v2;
	v3 =	vsel vm1, $0x91E, v3;
	v1 =	vsel vm4, $0x980, v1  }
0x168: {  	[tilespmem:$0x1FD10] =	vst v43;
	v2 =	vsel vm0, $0x921, v2;
	v3 =	vsel vm0, $0x93F, v3;
	v1 =	vsel vm5, $0x9A1, v1  }
0x169: {  	[tilespmem:$0x1FD20] =	vst v45;
	v2 =	vsel vm2, $0x942, v2;
	v3 =	vsel vm2, $0x940, v3;
	v36 =	vsel vm6, $0x9C2, v1  }
0x16a: {  	[tilespmem:$0x1FD30] =	vst v48;
	v1 =	vsel vm7, $0x817, v32;
	v2 =	vsel vm3, $0x963, v2;
	v32 =	vadd.s32 $0x9, v50  }
0x16b: {  	[tilespmem:$0x1FD40] =	vst v61;
	v3 =	vsel vm3, $0x961, v3;
	v1 =	vsel vm8, $0x838, v1;
	v2 =	vsel vm4, $0x984, v2  }
0x16c: {  	[tilespmem:$0x1FD50] =	vst v59;
	v3 =	vsel vm4, $0x982, v3;
	v1 =	vsel vm9, $0x859, v1;
	v2 =	vsel vm5, $0x9A5, v2  }
0x16d: {  	[tilespmem:$0x1FD60] =	vst v57;
	v3 =	vsel vm5, $0x9A3, v3;
	v1 =	vsel vm10, $0x87A, v1;
	v29 =	vsel vm6, $0x9C6, v2  }
0x16e: {  	[tilespmem:$0x1FD70] =	vst v56;
	v2 =	vsel vm7, $0x81B, v38;
	v38 =	vadd.s32 $0xC, v50;
	v1 =	vsel vm11, $0x89B, v1  }
0x16f: {  	[tilespmem:$0x1FD80] =	vst v55;
	v31 =	vsel vm6, $0x9C4, v3;
	v3 =	vimm.s32 $0x9E8;
	v1 =	vsel vm12, $0x8BC, v1  }
0x170: {  	[tilespmem:$0x1FD90] =	vst v58;
	v2 =	vsel vm8, $0x83C, v2;
	v3 =	vsel vm7, $0x819, v3;
	v1 =	vsel vm13, $0x8DD, v1  }
0x171: {  	[tilespmem:$0x1FDA0] =	vst v52;
	v2 =	vsel vm9, $0x85D, v2;
	v3 =	vsel vm8, $0x83A, v3;
	v1 =	vsel vm14, $0x8FE, v1  }
0x172: {  	[tilespmem:$0x1FDB0] =	vst v51;
	v2 =	vsel vm10, $0x87E, v2;
	v3 =	vsel vm9, $0x85B, v3;
	v1 =	vsel vm1, $0x91F, v1  }
0x173: {  	[tilespmem:$0x1FDC0] =	vst v53;
	v2 =	vsel vm11, $0x89F, v2;
	v3 =	vsel vm10, $0x87C, v3;
	v1 =	vsel vm0, $0x920, v1  }
0x174: {  	[tilespmem:$0x1FDD0] =	vst v0;
	v2 =	vsel vm12, $0x8A0, v2;
	v3 =	vsel vm11, $0x89D, v3;
	v1 =	vsel vm2, $0x941, v1  }
0x175: {  	[tilespmem:$0x1FDE0] =	vst v54;
	v2 =	vsel vm13, $0x8C1, v2;
	v3 =	vsel vm12, $0x8BE, v3;
	v1 =	vsel vm3, $0x962, v1  }
0x176: {  	[tilespmem:$0x1FDF0] =	vst v60;
	v2 =	vsel vm14, $0x8E2, v2;
	v3 =	vsel vm13, $0x8DF, v3;
	v1 =	vsel vm4, $0x983, v1  }
0x177: {  	[tilespmem:$0x1FE00] =	vst v62;
	v2 =	vsel vm1, $0x903, v2;
	v3 =	vsel vm14, $0x8E0, v3;
	v1 =	vsel vm5, $0x9A4, v1  }
0x178: {  	[tilespmem:$0x1FE10] =	vst v63;
	v2 =	vsel vm0, $0x924, v2;
	v28 =	vsel vm6, $0x9C5, v1;
	v1 =	vsel vm7, $0x81A, v34  }
0x179: {  	[tilespmem:$0x1FF20] =	vst v4;
	v3 =	vsel vm1, $0x901, v3;
	v2 =	vsel vm2, $0x945, v2;
	v1 =	vsel vm8, $0x83B, v1  }
0x17a: {  	[tilespmem:$0x1FF30] =	vst v5;
	v3 =	vsel vm0, $0x922, v3;
	v2 =	vsel vm3, $0x966, v2;
	v1 =	vsel vm9, $0x85C, v1  }
0x17b: {  	[tilespmem:$0x1FF40] =	vst v7;
	v34 =	vadd.s32 $0xB, v50;
	v3 =	vsel vm2, $0x943, v3;
	v1 =	vsel vm10, $0x87D, v1  }
0x17c: {  	[tilespmem:$0x1FF50] =	vst v10;
	v2 =	vsel vm4, $0x987, v2;
	v3 =	vsel vm3, $0x964, v3;
	v1 =	vsel vm11, $0x89E, v1  }
0x17d: {  	[tilespmem:$0x1FF60] =	vst v12;
	v2 =	vsel vm5, $0x9A8, v2;
	v3 =	vsel vm4, $0x985, v3;
	v1 =	vsel vm12, $0x8BF, v1  }
0x17e: {  	[tilespmem:$0x1FF70] =	vst v15;
	v24 =	vsel vm6, $0x9C9, v2;
	v3 =	vsel vm5, $0x9A6, v3;
	v1 =	vsel vm13, $0x8C0, v1  }
0x17f: {  	[tilespmem:$0x1FF80] =	vst v17;
	v27 =	vsel vm6, $0x9C7, v3;
	v3 =	vimm.s32 $0x9EB;
	v1 =	vsel vm14, $0x8E1, v1  }
0x180: {  	[tilespmem:$0x1FF90] =	vst v18;
	v2 =	vsel vm7, $0x81E, v42;
	v3 =	vsel vm7, $0x81C, v3;
	v1 =	vsel vm1, $0x902, v1  }
0x181: {  	[tilespmem:$0x1FE20] =	vst v21;
	v42 =	vadd.s32 $0xE, v50;
	v3 =	vsel vm8, $0x83D, v3;
	v1 =	vsel vm0, $0x923, v1  }
0x182: {  	[tilespmem:$0x1FE40] =	vst v46;
	v2 =	vsel vm8, $0x83F, v2;
	v3 =	vsel vm9, $0x85E, v3;
	v1 =	vsel vm2, $0x944, v1  }
0x183: {  	[tilespmem:$0x1FE30] =	vst v47;
	v2 =	vsel vm9, $0x840, v2;
	v3 =	vsel vm10, $0x87F, v3;
	v1 =	vsel vm3, $0x965, v1  }
0x184: {  	[tilespmem:$0x1FE50] =	vst v49;
	v2 =	vsel vm10, $0x861, v2;
	v3 =	vsel vm11, $0x880, v3;
	v1 =	vsel vm4, $0x986, v1  }
0x185: {  	[tilespmem:$0x1FE70] =	vst v44;
	v2 =	vsel vm11, $0x882, v2;
	v3 =	vsel vm12, $0x8A1, v3;
	v1 =	vsel vm5, $0x9A7, v1  }
0x186: {  	[tilespmem:$0x1FFB0] =	vst v33;
	v3 =	vsel vm13, $0x8C2, v3;
	v23 =	vsel vm6, $0x9C8, v1;
	v1 =	vsel vm7, $0x81D, v40  }
0x187: {  	[tilespmem:$0x1FE60] =	vst v36;
	v2 =	vsel vm12, $0x8A3, v2;
	v3 =	vsel vm14, $0x8E3, v3;
	v1 =	vsel vm8, $0x83E, v1  }
0x188: {  	[tilespmem:$0x1FFA0] =	vst v32;
	v2 =	vsel vm13, $0x8C4, v2;
	v3 =	vsel vm1, $0x904, v3;
	v1 =	vsel vm9, $0x85F, v1  }
0x189: {  	[tilespmem:$0x1FEA0] =	vst v29;
	v2 =	vsel vm14, $0x8E5, v2;
	v3 =	vsel vm0, $0x925, v3;
	v1 =	vsel vm10, $0x860, v1  }
0x18a: {  	[tilespmem:$0x1FFD0] =	vst v38;
	v2 =	vsel vm1, $0x906, v2;
	v3 =	vsel vm2, $0x946, v3;
	v1 =	vsel vm11, $0x881, v1  }
0x18b: {  	[tilespmem:$0x1FE80] =	vst v31;
	v2 =	vsel vm0, $0x927, v2;
	v3 =	vsel vm3, $0x967, v3;
	v1 =	vsel vm12, $0x8A2, v1  }
0x18c: {  	[tilespmem:$0x1FE90] =	vst v28;
	v2 =	vsel vm2, $0x948, v2;
	v3 =	vsel vm4, $0x988, v3;
	v1 =	vsel vm13, $0x8C3, v1  }
0x18d: {  	[tilespmem:$0x1FFC0] =	vst v34;
	v2 =	vsel vm3, $0x969, v2;
	v3 =	vsel vm5, $0x9A9, v3;
	v1 =	vsel vm14, $0x8E4, v1  }
0x18e: {  	[tilespmem:$0x1FED0] =	vst v24;
	v25 =	vsel vm6, $0x9CA, v3;
	v3 =	vimm.s32 $0x9EE;
	v1 =	vsel vm1, $0x905, v1  }
0x18f: {  	[tilespmem:$0x1FFF0] =	vst v42;
	v40 =	vadd.s32 $0xD, v50;
	v3 =	vsel vm7, $0x81F, v3;
	v1 =	vsel vm0, $0x926, v1  }
0x190: {  	[tilespmem:$0x1FEB0] =	vst v27;
	v2 =	vsel vm4, $0x98A, v2;
	v3 =	vsel vm8, $0x820, v3;
	v1 =	vsel vm2, $0x947, v1  }
0x191: {  	[tilespmem:$0x1FEC0] =	vst v23;
	v2 =	vsel vm5, $0x9AB, v2;
	v3 =	vsel vm9, $0x841, v3;
	v1 =	vsel vm3, $0x968, v1  }
0x192: {  	[tilespmem:$0x1FFE0] =	vst v40;
	v26 =	vsel vm6, $0x9CC, v2;
	v3 =	vsel vm10, $0x862, v3;
	v1 =	vsel vm4, $0x989, v1  }
0x193: {  	[tilespmem:$0x1FF00] =	vst v26;
	v3 =	vsel vm11, $0x883, v3;
	v1 =	vsel vm5, $0x9AA, v1  }
0x194: {  	[tilespmem:$0x1FEE0] =	vst v25;
	v3 =	vsel vm12, $0x8A4, v3;
	v22 =	vsel vm6, $0x9CB, v1;
	v1 =	vadd.s32 $0xF, v50  }
0x195: {  	v3 =	vsel vm13, $0x8C5, v3;
	[tilespmem:$0x1FBA0] =	vst v1  }
0x196: {  	v3 =	vsel vm14, $0x8E6, v3;
	v1 =	vadd.s32 $0x10, v50;
	[tilespmem:$0x1FEF0] =	vst v22  }
0x197: {  	v3 =	vsel vm1, $0x907, v3;
	[tilespmem:$0x1FBB0] =	vst v1;
	v1 =	vor.u32 $0x200, v50  }
0x198: {  	v3 =	vsel vm0, $0x928, v3;
	[tilespmem:$0x1FBC0] =	vst v1;
	v1 =	vadd.s32 $0x201, v50  }
0x199: {  	v3 =	vsel vm2, $0x949, v3;
	[tilespmem:$0x1FBD0] =	vst v1;
	v1 =	vadd.s32 $0x202, v50  }
0x19a: {  	v3 =	vsel vm3, $0x96A, v3;
	[tilespmem:$0x1FBE0] =	vst v1;
	v1 =	vadd.s32 $0x203, v50  }
0x19b: {  	v3 =	vsel vm4, $0x98B, v3;
	[tilespmem:$0x1FBF0] =	vst v1;
	v1 =	vadd.s32 $0x204, v50  }
0x19c: {  	v3 =	vsel vm5, $0x9AC, v3;
	[tilespmem:$0x1FC00] =	vst v1;
	v1 =	vadd.s32 $0x205, v50  }
0x19d: {  	v30 =	vsel vm6, $0x9CD, v3;
	[tilespmem:$0x1FC10] =	vst v1  }
0x19e: {  	v1 =	vadd.s32 $0x206, v50;
	[tilespmem:$0x1FF10] =	vst v30  }
0x19f: {  	[tilespmem:$0x1FC20] =	vst v1;
	v1 =	vadd.s32 $0x207, v50  }
0x1a0: {  	[tilespmem:$0x1FC30] =	vst v1;
	v1 =	vadd.s32 $0x208, v50  }
0x1a1: {  	s3 =	srdreg.scid;
	s1 =	stileid.u32;
	s10 =	simm.s32 $0x2710;
	[tilespmem:$0x1FC40] =	vst v1;
	v1 =	vadd.s32 $0x209, v50  }
0x1a2: {  	s11 =	simm.s32 $0x4E20;
	s12 =	simm.s32 $0x50;
	s13 =	simm.s32 $0x7530;
	[tilespmem:$0x1FC50] =	vst v1;
	v1 =	vadd.s32 $0x20A, v50  }
0x1a3: {  	s14 =	simm.s32 $0x7F30;
	s15 =	simm.s32 $0x1;
	s16 =	simm.s32 $0x2;
	[tilespmem:$0x1FC60] =	vst v1;
	v1 =	vadd.s32 $0x20B, v50  }
0x1a4: {  	s17 =	simm.s32 $0x8930;
	s5 =	sand.u32 $0x1, s3;
	s31 =	sshll.u32 s1, $0x1;
	[tilespmem:$0x1FC70] =	vst v1;
	v1 =	vadd.s32 $0x20C, v50  }
0x1a5: {  	s18 =	simm.s32 $0x0;
	s7 =	sor.u32 s5, s31;
	s5 =	ssub.s32 $0x2, s5;
	[tilespmem:$0x1FC80] =	vst v1;
	v1 =	vadd.s32 $0x20D, v50  }
0x1a6: {  	s8 =	smul.u32 $0x4E2, s7;
	s7 =	sshll.u32 s7, $0x1;
	s9 =	sshrl.u32 s5, $0x1;
	[tilespmem:$0x1FC90] =	vst v1;
	v1 =	vadd.s32 $0x20E, v50  }
0x1a7: {  	s3 =	sadd.s32 $0x13C00, s4;
	s7 =	sadd.s32 s7, s4;
	s9 =	ssub.s32 s5, s9;
	[tilespmem:$0x1FCA0] =	vst v1;
	v1 =	vadd.s32 $0x20F, v50  }
0x1a8: {  	s4 =	sadd.s32 s4, s8;
	s6 =	sadd.s32 s6, s8;
	s7 =	sadd.s32 $0x1DA00, s7;
	[tilespmem:$0x1FCB0] =	vst v1;
	v1 =	vadd.s32 $0x210, v50  }
0x1a9: {  	s8 =	smax.u32 s9, $0x1;
	s9 =	simm.s32 $0x3;
	s5 =	sadd.s32 $0x9E00, s4;
	[tilespmem:$0x1FCC0] =	vst v1  }
.LBB2_1:
0x1aa: {  	[tilespmem:s2], [sflag:$0x3] =	stream.linear.gather [hbm4b:s5+s2], $0x2710, $0x38;
	[tilespmem:$0x8940] =	vst v63  }
0x1ab: {  	_ =	swait.ge [sflag:s9], $0x2710  }
0x1ac: {  	[sflag:s9] =	ssyncset.done $0x0  }
0x1ad: {  	[sflag:s9] =	ssyncadd.s32 $0xFFFFD8F0  }
0x1ae: {  	[tilespmem:s10], [sflag:$0x3] =	stream.linear.gather [hbm4b:s4+s2], $0x2710, $0x38;
	[tilespmem:$0x8940] =	vst v63  }
0x1af: {  	_ =	swait.ge [sflag:s9], $0x2710  }
0x1b0: {  	[sflag:s9] =	ssyncset.done $0x0  }
0x1b1: {  	[sflag:s9] =	ssyncadd.s32 $0xFFFFD8F0  }
0x1b2: {  	[tilespmem:s11], [sflag:$0x3] =	stream.linear.gather [hbm4b:s6+s2], $0x2710, $0x38;
	[tilespmem:$0x8940] =	vst v63  }
0x1b3: {  	_ =	swait.ge [sflag:s9], $0x2710  }
0x1b4: {  	[sflag:s9] =	ssyncset.done $0x0  }
0x1b5: {  	v2 =	vimm.f32 $0.0e+00;
	s19 =	simm.s32 $0x0;
	[sflag:s9] =	ssyncadd.s32 $0xFFFFD8F0  }
.LBB2_2:
0x1b6: {  	s20 =	sshra.s32 s19, $0x2  }
0x1b7: {  	[tilespmem:s13], [sflag:$0x1] =	stream.indirect.gather [hbm4b:s3+s12], $0x20, s20, s12, $0xb8;
	[tilespmem:$0x8940] =	vst v63  }
0x1b8: {  	[tilespmem:$0x1F930] =	vst v2;
	s21 =	sadd.s32 $0x2710, s20  }
0x1b9: {  	[tilespmem:s14], [sflag:$0x2] =	stream.indirect.gather [hbm4b:s3+s12], $0x20, s21, s12, $0xb8;
	[tilespmem:$0x8940] =	vst v63  }
0x1ba: {  	_ =	swait.ge [sflag:s15], $0xA00  }
0x1bb: {  	v2 =	vadd.s32 $0x401, v50;
	[sflag:s15] =	ssyncset.done $0x0  }
0x1bc: {  	[sflag:s15] =	ssyncadd.s32 $0xFFFFF600  }
0x1bd: {  	_ =	swait.ge [sflag:s16], $0xA00  }
0x1be: {  	[sflag:s16] =	ssyncset.done $0x0  }
0x1bf: {  	[sflag:s16] =	ssyncadd.s32 $0xFFFFF600  }
0x1c0: {  	v62 =	vld.idx.msk [tilespmem:v2+s13+$0x0], $0xffff  }
0x1c1: {  	v63 =	vld.idx.msk [tilespmem:v2+s14+$0x0], $0xffff;
	v2 =	vadd.s32 $0x404, v50;
	_ =	sdelay $0x2  }
0x1c2: {  	v3 =	vadd.s32 $0x402, v50;
	_ =	sdelay $0x1  }
0x1c3: {  	v54 =	vld.idx.msk [tilespmem:v2+s13+$0x0], $0xffff  }
0x1c4: {  	v55 =	vld.idx.msk [tilespmem:v2+s14+$0x0], $0xffff;
	v2 =	vadd.s32 $0x407, v50  }
0x1c5: {  	v1 =	vor.u32 $0x400, v50  }
0x1c6: {  	v58 =	vld.idx.msk [tilespmem:v3+s13+$0x0], $0xffff  }
0x1c7: {  	v60 =	vld.idx.msk [tilespmem:v3+s14+$0x0], $0xffff;
	v3 =	vadd.s32 $0x405, v50;
	_ =	sdelay $0x1  }
0x1c8: {  	v0 =	vld.idx.msk [tilespmem:v2+s13+$0x0], $0xffff  }
0x1c9: {  	v59 =	vld.idx.msk [tilespmem:v1+s13+$0x0], $0xffff  }
0x1ca: {  	v61 =	vld.idx.msk [tilespmem:v1+s14+$0x0], $0xffff;
	v1 =	vadd.s32 $0x403, v50  }
0x1cb: {  	v52 =	vld.idx.msk [tilespmem:v3+s13+$0x0], $0xffff  }
0x1cc: {  	v53 =	vld.idx.msk [tilespmem:v3+s14+$0x0], $0xffff  }
0x1cd: {  	v3 =	vadd.s32 $0x408, v50;
	[tilespmem:$0x1F4F0] =	vst v0;
	v0 =	vld.idx.msk [tilespmem:v2+s14+$0x0], $0xffff;
	_ =	sdelay $0x1  }
0x1ce: {  	v56 =	vld.idx.msk [tilespmem:v1+s13+$0x0], $0xffff  }
0x1cf: {  	v57 =	vld.idx.msk [tilespmem:v1+s14+$0x0], $0xffff;
	v1 =	vadd.s32 $0x406, v50;
	_ =	sdelay $0x1  }
0x1d0: {  	[tilespmem:$0x1F500] =	vst v0;
	v0 =	vld.idx.msk [tilespmem:v3+s13+$0x0], $0xffff;
	_ =	sdelay $0x2  }
0x1d1: {  	v49 =	vld.idx.msk [tilespmem:v1+s13+$0x0], $0xffff  }
0x1d2: {  	v51 =	vld.idx.msk [tilespmem:v1+s14+$0x0], $0xffff  }
0x1d3: {  	v1 =	vadd.s32 $0x409, v50;
	[tilespmem:$0x1F510] =	vst v0;
	v0 =	vld.idx.msk [tilespmem:v3+s14+$0x0], $0xffff;
	_ =	sdelay $0x4  }
0x1d4: {  	[tilespmem:$0x1F520] =	vst v0;
	v0 =	vld.idx.msk [tilespmem:v1+s13+$0x0], $0xffff;
	_ =	sdelay $0x4  }
0x1d5: {  	v2 =	vadd.s32 $0x40A, v50;
	[tilespmem:$0x1F530] =	vst v0;
	v0 =	vld.idx.msk [tilespmem:v1+s14+$0x0], $0xffff;
	_ =	sdelay $0x4  }
0x1d6: {  	[tilespmem:$0x1F540] =	vst v0;
	v0 =	vld.idx.msk [tilespmem:v2+s13+$0x0], $0xffff;
	_ =	sdelay $0x4  }
0x1d7: {  	v3 =	vadd.s32 $0x40B, v50;
	[tilespmem:$0x1F550] =	vst v0;
	v0 =	vld.idx.msk [tilespmem:v2+s14+$0x0], $0xffff;
	_ =	sdelay $0x4  }
0x1d8: {  	[tilespmem:$0x1F560] =	vst v0;
	v0 =	vld.idx.msk [tilespmem:v3+s13+$0x0], $0xffff;
	_ =	sdelay $0x4  }
0x1d9: {  	v1 =	vadd.s32 $0x40C, v50;
	[tilespmem:$0x1F570] =	vst v0;
	v0 =	vld.idx.msk [tilespmem:v3+s14+$0x0], $0xffff;
	_ =	sdelay $0x4  }
0x1da: {  	[tilespmem:$0x1F580] =	vst v0;
	v0 =	vld.idx.msk [tilespmem:v1+s13+$0x0], $0xffff;
	_ =	sdelay $0x4  }
0x1db: {  	v2 =	vadd.s32 $0x40D, v50;
	[tilespmem:$0x1F590] =	vst v0;
	v0 =	vld.idx.msk [tilespmem:v1+s14+$0x0], $0xffff;
	_ =	sdelay $0x4  }
0x1dc: {  	[tilespmem:$0x1F5A0] =	vst v0;
	v0 =	vld.idx.msk [tilespmem:v2+s13+$0x0], $0xffff;
	_ =	sdelay $0x4  }
0x1dd: {  	v3 =	vadd.s32 $0x40E, v50;
	[tilespmem:$0x1F5B0] =	vst v0;
	v0 =	vld.idx.msk [tilespmem:v2+s14+$0x0], $0xffff;
	_ =	sdelay $0x4  }
0x1de: {  	[tilespmem:$0x1F5C0] =	vst v0;
	v0 =	vld.idx.msk [tilespmem:v3+s13+$0x0], $0xffff;
	_ =	sdelay $0x4  }
0x1df: {  	v1 =	vadd.s32 $0x40F, v50;
	[tilespmem:$0x1F5D0] =	vst v0;
	v0 =	vld.idx.msk [tilespmem:v3+s14+$0x0], $0xffff;
	_ =	sdelay $0x4  }
0x1e0: {  	[tilespmem:$0x1F5E0] =	vst v0;
	v0 =	vld.idx.msk [tilespmem:v1+s13+$0x0], $0xffff;
	_ =	sdelay $0x4  }
0x1e1: {  	v2 =	vadd.s32 $0x410, v50;
	[tilespmem:$0x1F5F0] =	vst v0;
	v0 =	vld.idx.msk [tilespmem:v1+s14+$0x0], $0xffff;
	_ =	sdelay $0x4  }
0x1e2: {  	[tilespmem:$0x1F600] =	vst v0;
	v0 =	vld.idx.msk [tilespmem:v2+s13+$0x0], $0xffff;
	_ =	sdelay $0x4  }
0x1e3: {  	v3 =	vor.u32 $0x600, v50;
	[tilespmem:$0x1F610] =	vst v0;
	v0 =	vld.idx.msk [tilespmem:v2+s14+$0x0], $0xffff;
	_ =	sdelay $0x4  }
0x1e4: {  	[tilespmem:$0x1F620] =	vst v0;
	v0 =	vld.idx.msk [tilespmem:v3+s13+$0x0], $0xffff;
	_ =	sdelay $0x4  }
0x1e5: {  	v1 =	vadd.s32 $0x601, v50;
	[tilespmem:$0x1F650] =	vst v0;
	v0 =	vld.idx.msk [tilespmem:v3+s14+$0x0], $0xffff;
	_ =	sdelay $0x4  }
0x1e6: {  	[tilespmem:$0x1F660] =	vst v0;
	v0 =	vld.idx.msk [tilespmem:v1+s13+$0x0], $0xffff;
	_ =	sdelay $0x4  }
0x1e7: {  	v2 =	vadd.s32 $0x602, v50;
	[tilespmem:$0x1F670] =	vst v0;
	v0 =	vld.idx.msk [tilespmem:v1+s14+$0x0], $0xffff;
	_ =	sdelay $0x4  }
0x1e8: {  	[tilespmem:$0x1F680] =	vst v0;
	v0 =	vld.idx.msk [tilespmem:v2+s13+$0x0], $0xffff;
	_ =	sdelay $0x4  }
0x1e9: {  	v3 =	vadd.s32 $0x603, v50;
	[tilespmem:$0x1F690] =	vst v0;
	v0 =	vld.idx.msk [tilespmem:v2+s14+$0x0], $0xffff;
	_ =	sdelay $0x4  }
0x1ea: {  	[tilespmem:$0x1F6A0] =	vst v0;
	v0 =	vld.idx.msk [tilespmem:v3+s13+$0x0], $0xffff;
	_ =	sdelay $0x4  }
0x1eb: {  	v1 =	vadd.s32 $0x604, v50;
	[tilespmem:$0x1F6B0] =	vst v0;
	v0 =	vld.idx.msk [tilespmem:v3+s14+$0x0], $0xffff;
	_ =	sdelay $0x4  }
0x1ec: {  	[tilespmem:$0x1F6C0] =	vst v0;
	v0 =	vld.idx.msk [tilespmem:v1+s13+$0x0], $0xffff;
	_ =	sdelay $0x4  }
0x1ed: {  	v2 =	vadd.s32 $0x605, v50;
	[tilespmem:$0x1F6D0] =	vst v0;
	v0 =	vld.idx.msk [tilespmem:v1+s14+$0x0], $0xffff;
	_ =	sdelay $0x4  }
0x1ee: {  	[tilespmem:$0x1F6E0] =	vst v0;
	v0 =	vld.idx.msk [tilespmem:v2+s13+$0x0], $0xffff;
	_ =	sdelay $0x4  }
0x1ef: {  	v3 =	vadd.s32 $0x606, v50;
	[tilespmem:$0x1F6F0] =	vst v0;
	v0 =	vld.idx.msk [tilespmem:v2+s14+$0x0], $0xffff;
	_ =	sdelay $0x4  }
0x1f0: {  	[tilespmem:$0x1F700] =	vst v0;
	v0 =	vld.idx.msk [tilespmem:v3+s13+$0x0], $0xffff;
	_ =	sdelay $0x4  }
0x1f1: {  	[tilespmem:$0x1F710] =	vst v0;
	v0 =	vld.idx.msk [tilespmem:v3+s14+$0x0], $0xffff  }
0x1f2: {  	v1 =	vadd.s32 $0x607, v50;
	_ =	sdelay $0x3  }
0x1f3: {  	[tilespmem:$0x1F720] =	vst v0  }
0x1f4: {  	v0 =	vld.idx.msk [tilespmem:v1+s13+$0x0], $0xffff;
	_ =	sdelay $0x4  }
0x1f5: {  	v2 =	vadd.s32 $0x608, v50;
	[tilespmem:$0x1F770] =	vst v0;
	v0 =	vld.idx.msk [tilespmem:v1+s14+$0x0], $0xffff;
	_ =	sdelay $0x4  }
0x1f6: {  	[tilespmem:$0x1F780] =	vst v0;
	v0 =	vld.idx.msk [tilespmem:v2+s13+$0x0], $0xffff;
	_ =	sdelay $0x4  }
0x1f7: {  	v3 =	vadd.s32 $0x609, v50;
	[tilespmem:$0x1F7D0] =	vst v0;
	v0 =	vld.idx.msk [tilespmem:v2+s14+$0x0], $0xffff;
	_ =	sdelay $0x4  }
0x1f8: {  	[tilespmem:$0x1F7E0] =	vst v0;
	v0 =	vld.idx.msk [tilespmem:v3+s13+$0x0], $0xffff;
	_ =	sdelay $0x4  }
0x1f9: {  	v1 =	vadd.s32 $0x60A, v50;
	[tilespmem:$0x1F810] =	vst v0;
	v0 =	vld.idx.msk [tilespmem:v3+s14+$0x0], $0xffff;
	_ =	sdelay $0x4  }
0x1fa: {  	[tilespmem:$0x1F820] =	vst v0;
	v0 =	vld.idx.msk [tilespmem:v1+s13+$0x0], $0xffff;
	_ =	sdelay $0x4  }
0x1fb: {  	v2 =	vadd.s32 $0x60B, v50;
	[tilespmem:$0x1F850] =	vst v0;
	v0 =	vld.idx.msk [tilespmem:v1+s14+$0x0], $0xffff;
	_ =	sdelay $0x4  }
0x1fc: {  	[tilespmem:$0x1F860] =	vst v0;
	v0 =	vld.idx.msk [tilespmem:v2+s13+$0x0], $0xffff;
	_ =	sdelay $0x4  }
0x1fd: {  	v3 =	vadd.s32 $0x60C, v50;
	[tilespmem:$0x1F870] =	vst v0;
	v0 =	vld.idx.msk [tilespmem:v2+s14+$0x0], $0xffff;
	_ =	sdelay $0x4  }
0x1fe: {  	[tilespmem:$0x1F880] =	vst v0;
	v0 =	vld.idx.msk [tilespmem:v3+s13+$0x0], $0xffff;
	_ =	sdelay $0x4  }
0x1ff: {  	v1 =	vadd.s32 $0x60D, v50;
	[tilespmem:$0x1F890] =	vst v0;
	v0 =	vld.idx.msk [tilespmem:v3+s14+$0x0], $0xffff;
	_ =	sdelay $0x4  }
0x200: {  	[tilespmem:$0x1F8A0] =	vst v0;
	v0 =	vld.idx.msk [tilespmem:v1+s13+$0x0], $0xffff;
	_ =	sdelay $0x4  }
0x201: {  	v2 =	vadd.s32 $0x60E, v50;
	[tilespmem:$0x1F8B0] =	vst v0;
	v0 =	vld.idx.msk [tilespmem:v1+s14+$0x0], $0xffff;
	_ =	sdelay $0x4  }
0x202: {  	[tilespmem:$0x1F8C0] =	vst v0;
	v0 =	vld.idx.msk [tilespmem:v2+s13+$0x0], $0xffff;
	_ =	sdelay $0x4  }
0x203: {  	v3 =	vadd.s32 $0x60F, v50;
	[tilespmem:$0x1F8D0] =	vst v0;
	v0 =	vld.idx.msk [tilespmem:v2+s14+$0x0], $0xffff;
	_ =	sdelay $0x4  }
0x204: {  	[tilespmem:$0x1F8E0] =	vst v0;
	v0 =	vld.idx.msk [tilespmem:v3+s13+$0x0], $0xffff;
	_ =	sdelay $0x4  }
0x205: {  	v1 =	vadd.s32 $0x610, v50;
	[tilespmem:$0x1F8F0] =	vst v0;
	v0 =	vld.idx.msk [tilespmem:v3+s14+$0x0], $0xffff;
	_ =	sdelay $0x4  }
0x206: {  	[tilespmem:$0x1F900] =	vst v0;
	v0 =	vld.idx.msk [tilespmem:v1+s13+$0x0], $0xffff;
	_ =	sdelay $0x4  }
0x207: {  	v2 =	vor.u32 $0x800, v50;
	[tilespmem:$0x1F910] =	vst v0;
	v0 =	vld.idx.msk [tilespmem:v1+s14+$0x0], $0xffff;
	_ =	sdelay $0x4  }
0x208: {  	[tilespmem:$0x1F920] =	vst v0;
	v0 =	vld.idx.msk [tilespmem:v2+s13+$0x0], $0xffff;
	_ =	sdelay $0x4  }
0x209: {  	v3 =	vadd.s32 $0x801, v50;
	[tilespmem:$0x1F730] =	vst v0;
	v0 =	vld.idx.msk [tilespmem:v2+s14+$0x0], $0xffff;
	_ =	sdelay $0x4  }
0x20a: {  	[tilespmem:$0x1F740] =	vst v0;
	v0 =	vld.idx.msk [tilespmem:v3+s13+$0x0], $0xffff;
	_ =	sdelay $0x4  }
0x20b: {  	v1 =	vadd.s32 $0x802, v50;
	[tilespmem:$0x1F750] =	vst v0;
	v0 =	vld.idx.msk [tilespmem:v3+s14+$0x0], $0xffff;
	_ =	sdelay $0x4  }
0x20c: {  	[tilespmem:$0x1F760] =	vst v0;
	v0 =	vld.idx.msk [tilespmem:v1+s13+$0x0], $0xffff;
	_ =	sdelay $0x4  }
0x20d: {  	v2 =	vadd.s32 $0x803, v50;
	[tilespmem:$0x1F790] =	vst v0;
	v0 =	vld.idx.msk [tilespmem:v1+s14+$0x0], $0xffff;
	_ =	sdelay $0x4  }
0x20e: {  	[tilespmem:$0x1F7A0] =	vst v0;
	v0 =	vld.idx.msk [tilespmem:v2+s13+$0x0], $0xffff;
	_ =	sdelay $0x1  }
0x20f: {  	v5 =	vld.idx.msk [tilespmem:v5+s13+$0x0], $0xffff  }
0x210: {  	v6 =	vld [tilespmem:$0x1FF30]  }
0x211: {  	v8 =	vld [tilespmem:$0x1FF40]  }
0x212: {  	v3 =	vadd.s32 $0x804, v50;
	[tilespmem:$0x1F7B0] =	vst v0;
	v0 =	vld.idx.msk [tilespmem:v2+s14+$0x0], $0xffff  }
0x213: {  	v11 =	vld.idx.msk [tilespmem:v12+s13+$0x0], $0xffff  }
0x214: {  	v13 =	vld.idx.msk [tilespmem:v12+s14+$0x0], $0xffff  }
0x215: {  	v14 =	vld.idx.msk [tilespmem:v15+s13+$0x0], $0xffff  }
0x216: {  	v12 =	vld [tilespmem:$0x1FF70]  }
0x217: {  	[tilespmem:$0x1F7C0] =	vst v0;
	v0 =	vld.idx.msk [tilespmem:v3+s13+$0x0], $0xffff  }
0x218: {  	v16 =	vld.idx.msk [tilespmem:v17+s13+$0x0], $0xffff  }
0x219: {  	v19 =	vld.idx.msk [tilespmem:v17+s14+$0x0], $0xffff  }
0x21a: {  	v20 =	vld.idx.msk [tilespmem:v18+s13+$0x0], $0xffff  }
0x21b: {  	v21 =	vld.idx.msk [tilespmem:v18+s14+$0x0], $0xffff  }
0x21c: {  	v1 =	vadd.s32 $0x805, v50;
	[tilespmem:$0x1F7F0] =	vst v0;
	v0 =	vld.idx.msk [tilespmem:v3+s14+$0x0], $0xffff  }
0x21d: {  	v22 =	vld.idx.msk [tilespmem:v32+s13+$0x0], $0xffff  }
0x21e: {  	v23 =	vld.idx.msk [tilespmem:v32+s14+$0x0], $0xffff  }
0x21f: {  	v17 =	vld.idx.msk [tilespmem:v33+s13+$0x0], $0xffff  }
0x220: {  	v24 =	vld.idx.msk [tilespmem:v34+s13+$0x0], $0xffff  }
0x221: {  	[tilespmem:$0x1F800] =	vst v0;
	v0 =	vld.idx.msk [tilespmem:v1+s13+$0x0], $0xffff  }
0x222: {  	v18 =	vld.idx.msk [tilespmem:v34+s14+$0x0], $0xffff  }
0x223: {  	v28 =	vld.idx.msk [tilespmem:v40+s13+$0x0], $0xffff  }
0x224: {  	v27 =	vld.idx.msk [tilespmem:v40+s14+$0x0], $0xffff  }
0x225: {  	v36 =	vld.idx.msk [tilespmem:v35+s13+$0x0], $0xffff  }
0x226: {  	[tilespmem:$0x1F830] =	vst v0;
	v0 =	vld.idx.msk [tilespmem:v1+s14+$0x0], $0xffff  }
0x227: {  	v40 =	vld [tilespmem:$0x1FCD0]  }
0x228: {  	v44 =	vld [tilespmem:$0x1FCF0]  }
0x229: {  	v3 =	vld.idx.msk [tilespmem:v4+s13+$0x0], $0xffff  }
0x22a: {  	v4 =	vld [tilespmem:$0x1FF20]  }
0x22b: {  	[tilespmem:$0x1F840] =	vst v0;
	v0 =	vld [tilespmem:$0x1FBA0]  }
0x22c: {  	v47 =	vld [tilespmem:$0x1FD10]  }
0x22d: {  	v15 =	vld.idx.msk [tilespmem:v12+s14+$0x0], $0xffff  }
0x22e: {  	v12 =	vld.idx.msk [tilespmem:v33+s14+$0x0], $0xffff  }
0x22f: {  	v35 =	vld.idx.msk [tilespmem:v40+s14+$0x0], $0xffff  }
0x230: {  	v40 =	vld.idx.msk [tilespmem:v39+s13+$0x0], $0xffff  }
0x231: {  	v2 =	vld.idx.msk [tilespmem:v50+s14+$0x0], $0xffff  }
0x232: {  	v4 =	vld.idx.msk [tilespmem:v4+s14+$0x0], $0xffff  }
0x233: {  	v32 =	vld.idx.msk [tilespmem:v0+s13+$0x0], $0xffff  }
0x234: {  	v31 =	vld.idx.msk [tilespmem:v0+s14+$0x0], $0xffff  }
0x235: {  	v0 =	vld [tilespmem:$0x1FBB0]  }
0x236: {  	v1 =	vld.idx.msk [tilespmem:v50+s13+$0x0], $0xffff  }
0x237: {  	v39 =	vld.idx.msk [tilespmem:v44+s14+$0x0], $0xffff  }
0x238: {  	v44 =	vld.idx.msk [tilespmem:v43+s13+$0x0], $0xffff  }
0x239: {  	v43 =	vld.idx.msk [tilespmem:v47+s14+$0x0], $0xffff  }
0x23a: {  	v47 =	vld.idx.msk [tilespmem:v48+s13+$0x0], $0xffff  }
0x23b: {  	v1 =	vsub.f32 v1, v2;
	v2 =	vsub.f32 v3, v4;
	v3 =	vld.idx.msk [tilespmem:v48+s14+$0x0], $0xffff  }
0x23c: {  	v48 =	vld [tilespmem:$0x1F940]  }
0x23d: {  	v34 =	vld.idx.msk [tilespmem:v0+s13+$0x0], $0xffff  }
0x23e: {  	v33 =	vld.idx.msk [tilespmem:v0+s14+$0x0], $0xffff  }
0x23f: {  	v0 =	vld [tilespmem:$0x1F950]  }
0x240: {  	v7 =	vld.idx.msk [tilespmem:v7+s13+$0x0], $0xffff  }
0x241: {  	v6 =	vld.idx.msk [tilespmem:v6+s14+$0x0], $0xffff  }
0x242: {  	v9 =	vld.idx.msk [tilespmem:v10+s13+$0x0], $0xffff  }
0x243: {  	v8 =	vld.idx.msk [tilespmem:v8+s14+$0x0], $0xffff  }
0x244: {  	v10 =	vld [tilespmem:$0x1FF50]  }
0x245: {  	v4 =	vld.idx.msk [tilespmem:v48+s13+$0x0], $0xffff  }
0x246: {  	v5 =	vsub.f32 v5, v6;
	v1 =	vmul.f32 v1, v1;
	v2 =	vmul.f32 v2, v2;
	v6 =	vld.idx.msk [tilespmem:v48+s14+$0x0], $0xffff  }
0x247: {  	v48 =	vld.idx.msk [tilespmem:v0+s13+$0x0], $0xffff  }
0x248: {  	v1 =	vadd.f32 v2, v1;
	v2 =	vsub.f32 v7, v8;
	v7 =	vld.idx.msk [tilespmem:v0+s14+$0x0], $0xffff  }
0x249: {  	v0 =	vld [tilespmem:$0x1F960];
	_ =	sdelay $0x3  }
0x24a: {  	v10 =	vld.idx.msk [tilespmem:v10+s14+$0x0], $0xffff;
	_ =	sdelay $0x2  }
0x24b: {  	v5 =	vmul.f32 v5, v5  }
0x24c: {  	v8 =	vld.idx.msk [tilespmem:v0+s13+$0x0], $0xffff  }
0x24d: {  	v1 =	vadd.f32 v5, v1;
	v5 =	vsub.f32 v9, v10;
	v9 =	vld.idx.msk [tilespmem:v0+s14+$0x0], $0xffff  }
0x24e: {  	v0 =	vld [tilespmem:$0x1F970];
	_ =	sdelay $0x6  }
0x24f: {  	v2 =	vmul.f32 v2, v2  }
0x250: {  	v10 =	vld.idx.msk [tilespmem:v0+s13+$0x0], $0xffff  }
0x251: {  	v1 =	vadd.f32 v2, v1;
	v2 =	vsub.f32 v11, v13;
	v11 =	vld.idx.msk [tilespmem:v0+s14+$0x0], $0xffff  }
0x252: {  	v0 =	vld [tilespmem:$0x1F980];
	_ =	sdelay $0x6  }
0x253: {  	v5 =	vmul.f32 v5, v5  }
0x254: {  	v13 =	vld.idx.msk [tilespmem:v0+s13+$0x0], $0xffff  }
0x255: {  	v1 =	vadd.f32 v5, v1;
	v5 =	vsub.f32 v14, v15;
	v14 =	vld.idx.msk [tilespmem:v0+s14+$0x0], $0xffff  }
0x256: {  	v0 =	vld [tilespmem:$0x1F990];
	_ =	sdelay $0x6  }
0x257: {  	v2 =	vmul.f32 v2, v2  }
0x258: {  	v15 =	vld.idx.msk [tilespmem:v0+s13+$0x0], $0xffff  }
0x259: {  	v1 =	vadd.f32 v2, v1;
	v2 =	vsub.f32 v16, v19;
	v19 =	vld.idx.msk [tilespmem:v0+s14+$0x0], $0xffff  }
0x25a: {  	v0 =	vld [tilespmem:$0x1F9A0];
	_ =	sdelay $0x6  }
0x25b: {  	v5 =	vmul.f32 v5, v5  }
0x25c: {  	v16 =	vld.idx.msk [tilespmem:v0+s13+$0x0], $0xffff  }
0x25d: {  	v1 =	vadd.f32 v5, v1;
	v5 =	vsub.f32 v20, v21;
	v20 =	vld.idx.msk [tilespmem:v0+s14+$0x0], $0xffff  }
0x25e: {  	v0 =	vld [tilespmem:$0x1F9B0];
	_ =	sdelay $0x7  }
0x25f: {  	v21 =	vld.idx.msk [tilespmem:v0+s13+$0x0], $0xffff  }
0x260: {  	v0 =	vld.idx.msk [tilespmem:v0+s14+$0x0], $0xffff;
	_ =	sdelay $0x4  }
0x261: {  	[tilespmem:$0x1F640] =	vst v0;
	v0 =	vld [tilespmem:$0x1FBC0];
	_ =	sdelay $0x4  }
0x262: {  	v2 =	vmul.f32 v2, v2;
	_ =	sdelay $0x1  }
0x263: {  	v1 =	vadd.f32 v2, v1;
	v5 =	vmul.f32 v5, v5  }
0x264: {  	[tilespmem:$0x1F630] =	vst v21;
	v21 =	vld.idx.msk [tilespmem:v0+s13+$0x0], $0xffff  }
0x265: {  	v1 =	vadd.f32 v5, v1;
	v5 =	vsub.f32 v17, v12;
	v12 =	vld.idx.msk [tilespmem:v0+s14+$0x0], $0xffff  }
0x266: {  	v0 =	vld [tilespmem:$0x1FBD0];
	_ =	sdelay $0x4  }
0x267: {  	v2 =	vsub.f32 v22, v23;
	_ =	sdelay $0x1  }
0x268: {  	v2 =	vmul.f32 v2, v2  }
0x269: {  	v17 =	vld.idx.msk [tilespmem:v0+s13+$0x0], $0xffff  }
0x26a: {  	v1 =	vadd.f32 v2, v1;
	v2 =	vsub.f32 v24, v18;
	v24 =	vld.idx.msk [tilespmem:v0+s14+$0x0], $0xffff  }
0x26b: {  	v0 =	vld [tilespmem:$0x1FBE0];
	_ =	sdelay $0x2  }
0x26c: {  	v26 =	vld.idx.msk [tilespmem:v38+s13+$0x0], $0xffff  }
0x26d: {  	v25 =	vld.idx.msk [tilespmem:v38+s14+$0x0], $0xffff;
	_ =	sdelay $0x2  }
0x26e: {  	v5 =	vmul.f32 v5, v5  }
0x26f: {  	v18 =	vld.idx.msk [tilespmem:v0+s13+$0x0], $0xffff  }
0x270: {  	v1 =	vadd.f32 v5, v1;
	v5 =	vsub.f32 v26, v25;
	v26 =	vld.idx.msk [tilespmem:v0+s14+$0x0], $0xffff  }
0x271: {  	v0 =	vld [tilespmem:$0x1FBF0];
	_ =	sdelay $0x6  }
0x272: {  	v2 =	vmul.f32 v2, v2  }
0x273: {  	v25 =	vld.idx.msk [tilespmem:v0+s13+$0x0], $0xffff  }
0x274: {  	v1 =	vadd.f32 v2, v1;
	v2 =	vsub.f32 v28, v27;
	v28 =	vld.idx.msk [tilespmem:v0+s14+$0x0], $0xffff  }
0x275: {  	v0 =	vld [tilespmem:$0x1FC00];
	_ =	sdelay $0x2  }
0x276: {  	v30 =	vld.idx.msk [tilespmem:v42+s13+$0x0], $0xffff  }
0x277: {  	v29 =	vld.idx.msk [tilespmem:v42+s14+$0x0], $0xffff;
	_ =	sdelay $0x2  }
0x278: {  	v5 =	vmul.f32 v5, v5  }
0x279: {  	v27 =	vld.idx.msk [tilespmem:v0+s13+$0x0], $0xffff  }
0x27a: {  	v1 =	vadd.f32 v5, v1;
	v5 =	vsub.f32 v30, v29;
	v30 =	vld.idx.msk [tilespmem:v0+s14+$0x0], $0xffff  }
0x27b: {  	v0 =	vld [tilespmem:$0x1FC10];
	_ =	sdelay $0x6  }
0x27c: {  	v2 =	vmul.f32 v2, v2  }
0x27d: {  	v29 =	vld.idx.msk [tilespmem:v0+s13+$0x0], $0xffff  }
0x27e: {  	v1 =	vadd.f32 v2, v1;
	v2 =	vsub.f32 v32, v31;
	v32 =	vld.idx.msk [tilespmem:v0+s14+$0x0], $0xffff  }
0x27f: {  	v0 =	vld [tilespmem:$0x1FC20];
	_ =	sdelay $0x6  }
0x280: {  	v5 =	vmul.f32 v5, v5  }
0x281: {  	v31 =	vld.idx.msk [tilespmem:v0+s13+$0x0], $0xffff  }
0x282: {  	v1 =	vadd.f32 v5, v1;
	v5 =	vsub.f32 v34, v33;
	v34 =	vld.idx.msk [tilespmem:v0+s14+$0x0], $0xffff  }
0x283: {  	v0 =	vld [tilespmem:$0x1FC30];
	_ =	sdelay $0x5  }
0x284: {  	v42 =	vld [tilespmem:$0x1FCE0]  }
0x285: {  	v2 =	vmul.f32 v2, v2  }
0x286: {  	v33 =	vld.idx.msk [tilespmem:v0+s13+$0x0], $0xffff  }
0x287: {  	v1 =	vadd.f32 v2, v1;
	v2 =	vsub.f32 v36, v35;
	v36 =	vld.idx.msk [tilespmem:v0+s14+$0x0], $0xffff  }
0x288: {  	v0 =	vld [tilespmem:$0x1FC40];
	_ =	sdelay $0x2  }
0x289: {  	v38 =	vld.idx.msk [tilespmem:v37+s13+$0x0], $0xffff  }
0x28a: {  	v37 =	vld.idx.msk [tilespmem:v42+s14+$0x0], $0xffff;
	_ =	sdelay $0x2  }
0x28b: {  	v5 =	vmul.f32 v5, v5  }
0x28c: {  	v35 =	vld.idx.msk [tilespmem:v0+s13+$0x0], $0xffff  }
0x28d: {  	v1 =	vadd.f32 v5, v1;
	v5 =	vsub.f32 v38, v37;
	v38 =	vld.idx.msk [tilespmem:v0+s14+$0x0], $0xffff  }
0x28e: {  	v0 =	vld [tilespmem:$0x1FC50];
	_ =	sdelay $0x5  }
0x28f: {  	v46 =	vld [tilespmem:$0x1FD00]  }
0x290: {  	v2 =	vmul.f32 v2, v2  }
0x291: {  	v37 =	vld.idx.msk [tilespmem:v0+s13+$0x0], $0xffff  }
0x292: {  	v1 =	vadd.f32 v2, v1;
	v2 =	vsub.f32 v40, v39;
	v40 =	vld.idx.msk [tilespmem:v0+s14+$0x0], $0xffff  }
0x293: {  	v0 =	vld [tilespmem:$0x1FC60];
	_ =	sdelay $0x2  }
0x294: {  	v42 =	vld.idx.msk [tilespmem:v41+s13+$0x0], $0xffff  }
0x295: {  	v41 =	vld.idx.msk [tilespmem:v46+s14+$0x0], $0xffff;
	_ =	sdelay $0x2  }
0x296: {  	v5 =	vmul.f32 v5, v5  }
0x297: {  	v39 =	vld.idx.msk [tilespmem:v0+s13+$0x0], $0xffff  }
0x298: {  	v1 =	vadd.f32 v5, v1;
	v5 =	vsub.f32 v42, v41;
	v42 =	vld.idx.msk [tilespmem:v0+s14+$0x0], $0xffff  }
0x299: {  	v0 =	vld [tilespmem:$0x1FC70];
	_ =	sdelay $0x4  }
0x29a: {  	v46 =	vld.idx.msk [tilespmem:v45+s13+$0x0], $0xffff  }
0x29b: {  	v45 =	vld [tilespmem:$0x1FD20]  }
0x29c: {  	v2 =	vmul.f32 v2, v2  }
0x29d: {  	v41 =	vld.idx.msk [tilespmem:v0+s13+$0x0], $0xffff  }
0x29e: {  	v1 =	vadd.f32 v2, v1;
	v2 =	vsub.f32 v44, v43;
	v44 =	vld.idx.msk [tilespmem:v0+s14+$0x0], $0xffff  }
0x29f: {  	v0 =	vld [tilespmem:$0x1FC80];
	_ =	sdelay $0x3  }
0x2a0: {  	v45 =	vld.idx.msk [tilespmem:v45+s14+$0x0], $0xffff;
	_ =	sdelay $0x2  }
0x2a1: {  	v5 =	vmul.f32 v5, v5  }
0x2a2: {  	v43 =	vld.idx.msk [tilespmem:v0+s13+$0x0], $0xffff  }
0x2a3: {  	v1 =	vadd.f32 v5, v1;
	v5 =	vsub.f32 v46, v45;
	v46 =	vld.idx.msk [tilespmem:v0+s14+$0x0], $0xffff  }
0x2a4: {  	v0 =	vld [tilespmem:$0x1FC90];
	_ =	sdelay $0x6  }
0x2a5: {  	v2 =	vmul.f32 v2, v2  }
0x2a6: {  	v45 =	vld.idx.msk [tilespmem:v0+s13+$0x0], $0xffff  }
0x2a7: {  	v1 =	vadd.f32 v2, v1;
	v2 =	vld.idx.msk [tilespmem:v0+s14+$0x0], $0xffff  }
0x2a8: {  	v0 =	vld [tilespmem:$0x1FCA0];
	_ =	sdelay $0x6  }
0x2a9: {  	v5 =	vmul.f32 v5, v5  }
0x2aa: {  	v22 =	vld.idx.msk [tilespmem:v0+s13+$0x0], $0xffff  }
0x2ab: {  	v1 =	vadd.f32 v5, v1;
	v5 =	vsub.f32 v4, v6;
	v4 =	vld.idx.msk [tilespmem:v0+s14+$0x0], $0xffff  }
0x2ac: {  	v0 =	vld [tilespmem:$0x1FCB0];
	_ =	sdelay $0x4  }
0x2ad: {  	v3 =	vsub.f32 v47, v3;
	_ =	sdelay $0x1  }
0x2ae: {  	v3 =	vmul.f32 v3, v3  }
0x2af: {  	v6 =	vld.idx.msk [tilespmem:v0+s13+$0x0], $0xffff  }
0x2b0: {  	v3 =	vadd.f32 v3, v1;
	v1 =	vld.idx.msk [tilespmem:v0+s14+$0x0], $0xffff  }
0x2b1: {  	v0 =	vld [tilespmem:$0x1FCC0];
	_ =	sdelay $0x1  }
0x2b2: {  	v48 =	vsub.f32 v48, v7;
	v5 =	vmul.f32 v5, v5;
	_ =	sdelay $0x1  }
0x2b3: {  	v8 =	vsub.f32 v8, v9;
	v9 =	vmul.f32 v48, v48;
	v5 =	vadd.f32 v5, v3;
	_ =	sdelay $0x1  }
0x2b4: {  	v8 =	vmul.f32 v8, v8;
	v10 =	vsub.f32 v10, v11;
	v9 =	vadd.f32 v9, v5;
	_ =	sdelay $0x1  }
0x2b5: {  	v10 =	vmul.f32 v10, v10;
	v8 =	vadd.f32 v8, v9;
	v9 =	vsub.f32 v13, v14;
	v7 =	vld.idx.msk [tilespmem:v0+s13+$0x0], $0xffff  }
0x2b6: {  	v3 =	vld.idx.msk [tilespmem:v0+s14+$0x0], $0xffff  }
0x2b7: {  	v8 =	vadd.f32 v10, v8;
	v9 =	vmul.f32 v9, v9;
	v0 =	vld [tilespmem:$0x1F9C0]  }
0x2b8: {  	v12 =	vsub.f32 v21, v12;
	v13 =	vsub.f32 v17, v24  }
0x2b9: {  	v8 =	vadd.f32 v9, v8;
	v9 =	vsub.f32 v16, v20  }
0x2ba: {  	v12 =	vmul.f32 v12, v12;
	v13 =	vmul.f32 v13, v13;
	v16 =	vsub.f32 v18, v26;
	_ =	sdelay $0x1  }
0x2bb: {  	v12 =	vadd.f32 v13, v12;
	v16 =	vmul.f32 v16, v16;
	v18 =	vsub.f32 v25, v28;
	_ =	sdelay $0x1  }
0x2bc: {  	v12 =	vadd.f32 v16, v12;
	v18 =	vmul.f32 v18, v18;
	v16 =	vsub.f32 v27, v30  }
0x2bd: {  	v21 =	vsub.f32 v59, v61;
	v48 =	vld.idx.msk [tilespmem:v0+s13+$0x0], $0xffff  }
0x2be: {  	v28 =	vsub.f32 v62, v63;
	v12 =	vadd.f32 v18, v12;
	v16 =	vmul.f32 v16, v16;
	v5 =	vld.idx.msk [tilespmem:v0+s14+$0x0], $0xffff  }
0x2bf: {  	v18 =	vsub.f32 v29, v32;
	v0 =	vld [tilespmem:$0x1F9D0]  }
0x2c0: {  	v21 =	vmul.f32 v21, v21;
	v24 =	vmul.f32 v28, v28;
	v12 =	vadd.f32 v16, v12  }
0x2c1: {  	v32 =	vsub.f32 v56, v57;
	v18 =	vmul.f32 v18, v18;
	v16 =	vsub.f32 v31, v34  }
0x2c2: {  	v21 =	vadd.f32 v24, v21;
	v30 =	vsub.f32 v58, v60  }
0x2c3: {  	v24 =	vmul.f32 v32, v32;
	v32 =	vld [tilespmem:$0x1F530];
	v12 =	vadd.f32 v18, v12;
	v16 =	vmul.f32 v16, v16  }
0x2c4: {  	v31 =	vld [tilespmem:$0x1FDA0]  }
0x2c5: {  	v25 =	vmul.f32 v30, v30;
	v12 =	vadd.f32 v16, v12;
	v16 =	vsub.f32 v35, v38;
	v35 =	vld [tilespmem:$0x1FAB0]  }
0x2c6: {  	v18 =	vsub.f32 v33, v36;
	v33 =	vld [tilespmem:$0x1F540]  }
0x2c7: {  	v21 =	vadd.f32 v25, v21;
	v34 =	vsub.f32 v54, v55;
	v47 =	vld.idx.msk [tilespmem:v0+s13+$0x0], $0xffff  }
0x2c8: {  	v36 =	vsub.f32 v52, v53;
	v23 =	vld.idx.msk [tilespmem:v0+s14+$0x0], $0xffff  }
0x2c9: {  	v21 =	vadd.f32 v24, v21;
	v25 =	vmul.f32 v34, v34;
	v38 =	vsub.f32 v49, v51;
	v0 =	vld [tilespmem:$0x1F9E0]  }
0x2ca: {  	v18 =	vmul.f32 v18, v18;
	v24 =	vmul.f32 v36, v36;
	v36 =	vld [tilespmem:$0x1F550]  }
0x2cb: {  	v21 =	vadd.f32 v25, v21;
	v25 =	vmul.f32 v38, v38;
	v38 =	vld [tilespmem:$0x1FAC0]  }
0x2cc: {  	v12 =	vadd.f32 v18, v12;
	v18 =	vsub.f32 v37, v40;
	v40 =	vld [tilespmem:$0x1F500]  }
0x2cd: {  	v27 =	vld.idx.msk [tilespmem:v35+s13+$0x0], $0xffff  }
0x2ce: {  	v16 =	vmul.f32 v16, v16;
	v37 =	vld [tilespmem:$0x1F560]  }
0x2cf: {  	v28 =	vld.idx.msk [tilespmem:v35+s14+$0x0], $0xffff  }
0x2d0: {  	v12 =	vadd.f32 v16, v12;
	v16 =	vsub.f32 v39, v42;
	v39 =	vld [tilespmem:$0x1F4F0]  }
0x2d1: {  	v11 =	vld.idx.msk [tilespmem:v0+s13+$0x0], $0xffff  }
0x2d2: {  	v10 =	vsub.f32 v15, v19;
	v19 =	vld.idx.msk [tilespmem:v0+s14+$0x0], $0xffff  }
0x2d3: {  	v0 =	vld [tilespmem:$0x1F9F0]  }
0x2d4: {  	v35 =	vld [tilespmem:$0x1F5E0]  }
0x2d5: {  	v26 =	vld.idx.msk [tilespmem:v38+s14+$0x0], $0xffff  }
0x2d6: {  	v18 =	vmul.f32 v18, v18;
	v42 =	vld [tilespmem:$0x1F520]  }
0x2d7: {  	v21 =	vadd.f32 v24, v21;
	v24 =	vsub.f32 v39, v40;
	v39 =	vld [tilespmem:$0x1F570]  }
0x2d8: {  	v12 =	vadd.f32 v18, v12;
	v16 =	vmul.f32 v16, v16;
	v40 =	vld [tilespmem:$0x1F580]  }
0x2d9: {  	v18 =	vsub.f32 v41, v44;
	v41 =	vld [tilespmem:$0x1F510]  }
0x2da: {  	v44 =	vadd.f32 v16, v12;
	v16 =	vld [tilespmem:$0x1FAA0]  }
0x2db: {  	v17 =	vld.idx.msk [tilespmem:v0+s13+$0x0], $0xffff  }
0x2dc: {  	v21 =	vadd.f32 v25, v21;
	v24 =	vmul.f32 v24, v24;
	v20 =	vld.idx.msk [tilespmem:v0+s14+$0x0], $0xffff  }
0x2dd: {  	v18 =	vmul.f32 v18, v18;
	v0 =	vld [tilespmem:$0x1FA00]  }
0x2de: {  	v21 =	vadd.f32 v24, v21;
	v24 =	vsub.f32 v32, v33;
	v33 =	vld [tilespmem:$0x1FAF0]  }
0x2df: {  	v18 =	vadd.f32 v18, v44;
	v44 =	vld [tilespmem:$0x1FAE0]  }
0x2e0: {  	v25 =	vsub.f32 v41, v42;
	v41 =	vld [tilespmem:$0x1FAD0]  }
0x2e1: {  	v42 =	vld [tilespmem:$0x1F590]  }
0x2e2: {  	v12 =	vld.idx.msk [tilespmem:v16+s13+$0x0], $0xffff  }
0x2e3: {  	v16 =	vld.idx.msk [tilespmem:v16+s14+$0x0], $0xffff  }
0x2e4: {  	v46 =	vsub.f32 v43, v46;
	v43 =	vld [tilespmem:$0x1F5A0]  }
0x2e5: {  	v14 =	vmul.f32 v10, v10;
	v10 =	vld.idx.msk [tilespmem:v0+s13+$0x0], $0xffff  }
0x2e6: {  	v25 =	vmul.f32 v25, v25;
	v15 =	vld.idx.msk [tilespmem:v0+s14+$0x0], $0xffff  }
0x2e7: {  	v0 =	vld [tilespmem:$0x1FA10]  }
0x2e8: {  	v24 =	vmul.f32 v24, v24;
	v21 =	vadd.f32 v25, v21;
	v29 =	vld.idx.msk [tilespmem:v33+s14+$0x0], $0xffff  }
0x2e9: {  	v25 =	vsub.f32 v36, v37;
	v36 =	vld [tilespmem:$0x1FB00]  }
0x2ea: {  	v21 =	vadd.f32 v24, v21;
	v24 =	vsub.f32 v39, v40;
	v39 =	vld [tilespmem:$0x1FB10]  }
0x2eb: {  	v34 =	vmul.f32 v46, v46;
	v40 =	vld [tilespmem:$0x1F620]  }
0x2ec: {  	v46 =	vld.idx.msk [tilespmem:v44+s14+$0x0], $0xffff  }
0x2ed: {  	v18 =	vadd.f32 v34, v18;
	v34 =	vld [tilespmem:$0x1F5D0]  }
0x2ee: {  	v14 =	vadd.f32 v14, v8;
	v9 =	vmul.f32 v9, v9;
	v2 =	vsub.f32 v45, v2;
	v45 =	vld [tilespmem:$0x1F5C0]  }
0x2ef: {  	v8 =	vld.idx.msk [tilespmem:v0+s13+$0x0], $0xffff  }
0x2f0: {  	v13 =	vadd.f32 v9, v14;
	v14 =	vld.idx.msk [tilespmem:v0+s14+$0x0], $0xffff  }
0x2f1: {  	v0 =	vld [tilespmem:$0x1FA20]  }
0x2f2: {  	v25 =	vmul.f32 v25, v25;
	v37 =	vld.idx.msk [tilespmem:v36+s13+$0x0], $0xffff;
	v2 =	vmul.f32 v2, v2  }
0x2f3: {  	v30 =	vld.idx.msk [tilespmem:v36+s14+$0x0], $0xffff  }
0x2f4: {  	v2 =	vadd.f32 v2, v18;
	v18 =	vadd.f32 v25, v21;
	v25 =	vld.idx.msk [tilespmem:v41+s14+$0x0], $0xffff  }
0x2f5: {  	v21 =	vsub.f32 v42, v43;
	v42 =	vld [tilespmem:$0x1FB30]  }
0x2f6: {  	v43 =	vld [tilespmem:$0x1FB40]  }
0x2f7: {  	v4 =	vsub.f32 v22, v4;
	v22 =	vld.idx.msk [tilespmem:v38+s13+$0x0], $0xffff  }
0x2f8: {  	v38 =	vld [tilespmem:$0x1F600]  }
0x2f9: {  	v9 =	vld.idx.msk [tilespmem:v0+s13+$0x0], $0xffff  }
0x2fa: {  	v4 =	vmul.f32 v4, v4;
	v61 =	vld.idx.msk [tilespmem:v0+s14+$0x0], $0xffff  }
0x2fb: {  	v0 =	vld [tilespmem:$0x1FA30]  }
0x2fc: {  	v2 =	vadd.f32 v4, v2;
	v4 =	vld.idx.msk [tilespmem:v44+s13+$0x0], $0xffff  }
0x2fd: {  	v44 =	vld [tilespmem:$0x1FD40]  }
0x2fe: {  	v24 =	vmul.f32 v24, v24;
	v1 =	vsub.f32 v6, v1;
	v6 =	vld.idx.msk [tilespmem:v41+s13+$0x0], $0xffff  }
0x2ff: {  	v41 =	vld.idx.msk [tilespmem:v39+s14+$0x0], $0xffff  }
0x300: {  	v21 =	vmul.f32 v21, v21;
	v3 =	vsub.f32 v7, v3;
	v7 =	vadd.f32 v24, v18;
	v18 =	vld [tilespmem:$0x1F5B0]  }
0x301: {  	v4 =	vsub.f32 v4, v46;
	v46 =	vld [tilespmem:$0x1FD90]  }
0x302: {  	v7 =	vadd.f32 v21, v7;
	v21 =	vsub.f32 v34, v35;
	v35 =	vld.idx.msk [tilespmem:v31+s13+$0x0], $0xffff  }
0x303: {  	v59 =	vld.idx.msk [tilespmem:v0+s13+$0x0], $0xffff  }
0x304: {  	v1 =	vmul.f32 v1, v1;
	v60 =	vld.idx.msk [tilespmem:v0+s14+$0x0], $0xffff  }
0x305: {  	v18 =	vsub.f32 v18, v45;
	v0 =	vld [tilespmem:$0x1FA40]  }
0x306: {  	v1 =	vadd.f32 v1, v2;
	v2 =	vsub.f32 v48, v5;
	v5 =	vld.idx.msk [tilespmem:v33+s13+$0x0], $0xffff  }
0x307: {  	v34 =	vld [tilespmem:$0x1FDE0];
	v18 =	vmul.f32 v18, v18  }
0x308: {  	v48 =	vld [tilespmem:$0x1FD70]  }
0x309: {  	v7 =	vadd.f32 v18, v7;
	v18 =	vld [tilespmem:$0x1F5F0]  }
0x30a: {  	v3 =	vmul.f32 v3, v3;
	v45 =	vld [tilespmem:$0x1FD50]  }
0x30b: {  	v5 =	vsub.f32 v5, v29;
	v29 =	vld [tilespmem:$0x1F640]  }
0x30c: {  	v1 =	vadd.f32 v3, v1;
	v3 =	vsub.f32 v47, v23;
	v47 =	vld [tilespmem:$0x1FD60]  }
0x30d: {  	v58 =	vld.idx.msk [tilespmem:v0+s13+$0x0], $0xffff  }
0x30e: {  	v21 =	vmul.f32 v21, v21;
	v18 =	vsub.f32 v18, v38;
	v57 =	vld.idx.msk [tilespmem:v0+s14+$0x0], $0xffff  }
0x30f: {  	v2 =	vmul.f32 v2, v2;
	v0 =	vld [tilespmem:$0x1FA50]  }
0x310: {  	v7 =	vadd.f32 v21, v7;
	v18 =	vmul.f32 v18, v18;
	v24 =	vld.idx.msk [tilespmem:v48+s13+$0x0], $0xffff  }
0x311: {  	v1 =	vadd.f32 v2, v1;
	v2 =	vsub.f32 v11, v19;
	v19 =	vld [tilespmem:$0x1F610]  }
0x312: {  	v7 =	vadd.f32 v18, v7;
	v18 =	vsub.f32 v27, v28;
	v28 =	vld.idx.msk [tilespmem:v34+s13+$0x0], $0xffff  }
0x313: {  	v3 =	vmul.f32 v3, v3;
	v11 =	vld.idx.msk [tilespmem:v39+s13+$0x0], $0xffff  }
0x314: {  	v23 =	vld.idx.msk [tilespmem:v47+s14+$0x0], $0xffff  }
0x315: {  	v1 =	vadd.f32 v3, v1;
	v3 =	vsub.f32 v17, v20;
	v20 =	vld [tilespmem:$0x1FB20]  }
0x316: {  	v39 =	vld.idx.msk [tilespmem:v46+s13+$0x0], $0xffff;
	v19 =	vsub.f32 v19, v40  }
0x317: {  	v56 =	vld.idx.msk [tilespmem:v0+s13+$0x0], $0xffff  }
0x318: {  	v19 =	vmul.f32 v19, v19;
	v62 =	vld.idx.msk [tilespmem:v0+s14+$0x0], $0xffff  }
0x319: {  	v0 =	vld [tilespmem:$0x1FA60]  }
0x31a: {  	v18 =	vmul.f32 v18, v18;
	v46 =	vld.idx.msk [tilespmem:v46+s14+$0x0], $0xffff;
	v7 =	vadd.f32 v19, v7  }
0x31b: {  	v19 =	vld.idx.msk [tilespmem:v42+s14+$0x0], $0xffff  }
0x31c: {  	v2 =	vmul.f32 v2, v2;
	v7 =	vadd.f32 v18, v7;
	v18 =	vld.idx.msk [tilespmem:v45+s13+$0x0], $0xffff  }
0x31d: {  	v17 =	vld.idx.msk [tilespmem:v20+s13+$0x0], $0xffff  }
0x31e: {  	v1 =	vadd.f32 v2, v1;
	v20 =	vld.idx.msk [tilespmem:v20+s14+$0x0], $0xffff  }
0x31f: {  	v2 =	vsub.f32 v10, v15;
	v15 =	vsub.f32 v22, v26;
	v22 =	vld.idx.msk [tilespmem:v47+s13+$0x0], $0xffff  }
0x320: {  	v47 =	vld [tilespmem:$0x1FDB0]  }
0x321: {  	v55 =	vld.idx.msk [tilespmem:v0+s13+$0x0], $0xffff  }
0x322: {  	v63 =	vld.idx.msk [tilespmem:v0+s14+$0x0], $0xffff  }
0x323: {  	v3 =	vmul.f32 v3, v3;
	v0 =	vld [tilespmem:$0x1FA70]  }
0x324: {  	v10 =	vld.idx.msk [tilespmem:v42+s13+$0x0], $0xffff  }
0x325: {  	v1 =	vadd.f32 v3, v1;
	v3 =	vsub.f32 v8, v14;
	v8 =	vld.idx.msk [tilespmem:v43+s13+$0x0], $0xffff  }
0x326: {  	v6 =	vsub.f32 v6, v25;
	v14 =	vmul.f32 v15, v15;
	v15 =	vld.idx.msk [tilespmem:v43+s14+$0x0], $0xffff  }
0x327: {  	v43 =	vld.idx.msk [tilespmem:v31+s14+$0x0], $0xffff  }
0x328: {  	v6 =	vmul.f32 v6, v6;
	v36 =	vld.idx.msk [tilespmem:v47+s13+$0x0], $0xffff;
	v7 =	vadd.f32 v14, v7  }
0x329: {  	v2 =	vmul.f32 v2, v2;
	v14 =	vld.idx.msk [tilespmem:v44+s14+$0x0], $0xffff  }
0x32a: {  	v6 =	vadd.f32 v6, v7;
	v7 =	vld.idx.msk [tilespmem:v45+s14+$0x0], $0xffff  }
0x32b: {  	v1 =	vadd.f32 v2, v1;
	v3 =	vmul.f32 v3, v3;
	v2 =	vsub.f32 v9, v61;
	v52 =	vld.idx.msk [tilespmem:v0+s13+$0x0], $0xffff  }
0x32c: {  	v4 =	vmul.f32 v4, v4;
	v53 =	vld.idx.msk [tilespmem:v0+s14+$0x0], $0xffff  }
0x32d: {  	v1 =	vadd.f32 v3, v1;
	v2 =	vmul.f32 v2, v2;
	v3 =	vsub.f32 v59, v60;
	v0 =	vld [tilespmem:$0x1FA80]  }
0x32e: {  	v5 =	vmul.f32 v5, v5;
	v4 =	vadd.f32 v4, v6;
	v6 =	vsub.f32 v37, v30;
	v30 =	vld [tilespmem:$0x1FDC0]  }
0x32f: {  	v9 =	vld.idx.msk [tilespmem:v44+s13+$0x0], $0xffff;
	v1 =	vadd.f32 v2, v1;
	v3 =	vmul.f32 v3, v3;
	v2 =	vsub.f32 v58, v57  }
0x330: {  	v4 =	vadd.f32 v5, v4;
	v5 =	vsub.f32 v11, v41;
	v11 =	vld.idx.msk [tilespmem:v48+s14+$0x0], $0xffff  }
0x331: {  	v44 =	vld.idx.msk [tilespmem:v47+s14+$0x0], $0xffff;
	v1 =	vadd.f32 v3, v1;
	v2 =	vmul.f32 v2, v2;
	v3 =	vsub.f32 v56, v62  }
0x332: {  	v6 =	vmul.f32 v6, v6;
	v41 =	vld.idx.msk [tilespmem:v34+s14+$0x0], $0xffff  }
0x333: {  	v59 =	vld [tilespmem:$0x1FD80];
	v1 =	vadd.f32 v2, v1;
	v3 =	vmul.f32 v3, v3  }
0x334: {  	v4 =	vadd.f32 v6, v4;
	v6 =	vsub.f32 v17, v20;
	v5 =	vmul.f32 v5, v5;
	v60 =	vld [tilespmem:$0x1FDF0]  }
0x335: {  	v1 =	vadd.f32 v3, v1;
	v2 =	vsub.f32 v55, v63;
	v51 =	vld.idx.msk [tilespmem:v0+s13+$0x0], $0xffff  }
0x336: {  	v3 =	vadd.f32 v5, v4;
	v4 =	vsub.f32 v10, v19;
	v5 =	vmul.f32 v6, v6;
	v54 =	vld.idx.msk [tilespmem:v0+s14+$0x0], $0xffff  }
0x337: {  	v17 =	vld [tilespmem:$0x1F630];
	v2 =	vmul.f32 v2, v2  }
0x338: {  	v37 =	vld.idx.msk [tilespmem:v30+s13+$0x0], $0xffff;
	v3 =	vadd.f32 v5, v3;
	v5 =	vsub.f32 v8, v15;
	v4 =	vmul.f32 v4, v4  }
0x339: {  	v45 =	vld.idx.msk [tilespmem:v30+s14+$0x0], $0xffff;
	v1 =	vadd.f32 v2, v1;
	v2 =	vsub.f32 v52, v53  }
0x33a: {  	v57 =	vld [tilespmem:$0x1FE10];
	v3 =	vadd.f32 v4, v3;
	v5 =	vmul.f32 v5, v5  }
0x33b: {  	v61 =	vld.idx.msk [tilespmem:v59+s13+$0x0], $0xffff;
	v2 =	vmul.f32 v2, v2;
	v6 =	vsub.f32 v51, v54  }
0x33c: {  	v3 =	vadd.f32 v5, v3;
	v5 =	vsub.f32 v18, v7;
	v7 =	vld [tilespmem:$0x1F660]  }
0x33d: {  	v1 =	vadd.f32 v2, v1;
	v2 =	vmul.f32 v6, v6;
	v6 =	vld [tilespmem:$0x1F650]  }
0x33e: {  	v17 =	vsub.f32 v17, v29;
	v29 =	vld.idx.msk [tilespmem:v60+s13+$0x0], $0xffff  }
0x33f: {  	v40 =	vld.idx.msk [tilespmem:v60+s14+$0x0], $0xffff  }
0x340: {  	v0 =	vld [tilespmem:$0x1FA90]  }
0x341: {  	v60 =	vadd.s32 $0x80A, v50;
	v4 =	vsub.f32 v9, v14;
	v9 =	vld [tilespmem:$0x1F680]  }
0x342: {  	v6 =	vsub.f32 v6, v7;
	v7 =	vld [tilespmem:$0x1F670]  }
0x343: {  	v20 =	vld.idx.msk [tilespmem:v59+s14+$0x0], $0xffff  }
0x344: {  	v58 =	vld [tilespmem:$0x1F810];
	v4 =	vmul.f32 v4, v4  }
0x345: {  	v59 =	vld [tilespmem:$0x1F820]  }
0x346: {  	v47 =	vld.idx.msk [tilespmem:v60+s14+$0x0], $0xffff;
	v3 =	vadd.f32 v4, v3;
	v4 =	vsub.f32 v22, v23;
	v5 =	vmul.f32 v5, v5  }
0x347: {  	v62 =	vld [tilespmem:$0x1FE00];
	v7 =	vsub.f32 v7, v9  }
0x348: {  	v3 =	vadd.f32 v5, v3;
	v4 =	vmul.f32 v4, v4;
	v49 =	vld.idx.msk [tilespmem:v0+s13+$0x0], $0xffff  }
0x349: {  	v0 =	vld.idx.msk [tilespmem:v0+s14+$0x0], $0xffff;
	v6 =	vmul.f32 v6, v6;
	v7 =	vmul.f32 v7, v7  }
0x34a: {  	v10 =	vld [tilespmem:$0x1F6D0];
	v3 =	vadd.f32 v4, v3  }
0x34b: {  	v4 =	vadd.f32 v7, v6;
	v7 =	vsub.f32 v24, v11;
	v11 =	vld [tilespmem:$0x1F6E0]  }
0x34c: {  	v32 =	vld.idx.msk [tilespmem:v57+s14+$0x0], $0xffff  }
0x34d: {  	v56 =	vld [tilespmem:$0x1F800]  }
0x34e: {  	v19 =	vld [tilespmem:$0x1F7A0];
	v1 =	vadd.f32 v2, v1;
	v2 =	vsub.f32 v49, v0  }
0x34f: {  	v5 =	vld [tilespmem:$0x1F690]  }
0x350: {  	v2 =	vmul.f32 v2, v2;
	v10 =	vsub.f32 v10, v11;
	v11 =	vld [tilespmem:$0x1FB50]  }
0x351: {  	v9 =	vld [tilespmem:$0x1F6A0]  }
0x352: {  	v2 =	vadd.f32 v2, v1;
	v1 =	vld [tilespmem:$0x1F6B0]  }
0x353: {  	v6 =	vld [tilespmem:$0x1F6C0]  }
0x354: {  	v8 =	vmul.f32 v17, v17;
	v17 =	vld.idx.msk [tilespmem:v57+s13+$0x0], $0xffff  }
0x355: {  	v15 =	vld [tilespmem:$0x1F790]  }
0x356: {  	v27 =	vld.idx.msk [tilespmem:v62+s13+$0x0], $0xffff;
	v5 =	vsub.f32 v5, v9  }
0x357: {  	v8 =	vadd.f32 v8, v13;
	v9 =	vsub.f32 v12, v16;
	v12 =	vld [tilespmem:$0x1F700]  }
0x358: {  	v5 =	vmul.f32 v5, v5;
	v6 =	vsub.f32 v1, v6;
	v24 =	vld.idx.msk [tilespmem:v11+s13+$0x0], $0xffff  }
0x359: {  	v14 =	vadd.s32 $0x807, v50;
	v1 =	vadd.f32 $9.999999960e-13, v8;
	v33 =	vld.idx.msk [tilespmem:v11+s14+$0x0], $0xffff  }
0x35a: {  	v15 =	vsub.f32 v15, v19;
	v4 =	vadd.f32 v5, v4;
	v5 =	vmul.f32 v6, v6;
	v11 =	vld [tilespmem:$0x1F6F0]  }
0x35b: {  	v38 =	vld.idx.msk [tilespmem:v62+s14+$0x0], $0xffff;
	v19 =	vadd.s32 $0x808, v50;
	v6 =	vshra.s32 v1, $0x1;
	v16 =	vmul.f32 $5.000000000e-01, v1  }
0x35c: {  	v13 =	vld [tilespmem:$0x1F780];
	v6 =	vsub.s32 $0x5F3759DF, v6;
	v4 =	vadd.f32 v5, v4;
	v5 =	vmul.f32 v7, v7  }
0x35d: {  	v18 =	vld [tilespmem:$0x1FB90];
	v23 =	vsub.f32 v58, v59;
	v8 =	vsub.f32 v61, v20;
	v7 =	vmul.f32 v6, v16  }
0x35e: {  	v59 =	vld [tilespmem:$0x1F8B0];
	v9 =	vmul.f32 v9, v9;
	v10 =	vmul.f32 v10, v10;
	v3 =	vadd.f32 v5, v3  }
0x35f: {  	v57 =	vld.idx.msk [tilespmem:v14+s13+$0x0], $0xffff;
	v5 =	vmul.f32 v6, v7;
	v7 =	vmul.f32 v8, v8;
	v11 =	vsub.f32 v11, v12  }
0x360: {  	v14 =	vld.idx.msk [tilespmem:v14+s14+$0x0], $0xffff;
	v9 =	vadd.f32 v9, v2  }
0x361: {  	v2 =	vadd.f32 v10, v4;
	v8 =	vadd.f32 v7, v3;
	v3 =	vld [tilespmem:$0x1F720];
	v4 =	vmul.f32 v11, v11  }
0x362: {  	v12 =	vld [tilespmem:$0x1FB60]  }
0x363: {  	v4 =	vadd.f32 v4, v2;
	v2 =	vld [tilespmem:$0x1F710]  }
0x364: {  	v62 =	vld.idx.msk [tilespmem:v19+s13+$0x0], $0xffff  }
0x365: {  	v19 =	vld.idx.msk [tilespmem:v19+s14+$0x0], $0xffff  }
0x366: {  	v53 =	vld [tilespmem:$0x1F870];
	v5 =	vsub.f32 $1.500000000e+00, v5  }
0x367: {  	v0 =	vld [tilespmem:$0x1FDD0]  }
0x368: {  	v7 =	vsub.f32 v2, v3;
	v2 =	vmul.f32 v6, v5;
	v5 =	vld [tilespmem:$0x1F730]  }
0x369: {  	v6 =	vld [tilespmem:$0x1F740]  }
0x36a: {  	v58 =	vadd.s32 $0x80F, v50;
	v11 =	vld [tilespmem:$0x1FB80]  }
0x36b: {  	v25 =	vld.idx.msk [tilespmem:v12+s13+$0x0], $0xffff  }
0x36c: {  	v34 =	vld.idx.msk [tilespmem:v12+s14+$0x0], $0xffff  }
0x36d: {  	v12 =	vld [tilespmem:$0x1F760]  }
0x36e: {  	v5 =	vsub.f32 v5, v6;
	v6 =	vld [tilespmem:$0x1F750]  }
0x36f: {  	v21 =	vld.idx.msk [tilespmem:v58+s14+$0x0], $0xffff  }
0x370: {  	v10 =	vld [tilespmem:$0x1FB70]  }
0x371: {  	v54 =	vld [tilespmem:$0x1F7E0]  }
0x372: {  	v3 =	vld.idx.msk [tilespmem:v11+s13+$0x0], $0xffff  }
0x373: {  	v6 =	vsub.f32 v6, v12;
	v12 =	vld.idx.msk [tilespmem:v11+s14+$0x0], $0xffff  }
0x374: {  	v11 =	vld [tilespmem:$0x1F770]  }
0x375: {  	v31 =	vld.idx.msk [tilespmem:v0+s13+$0x0], $0xffff;
	v7 =	vmul.f32 v7, v7  }
0x376: {  	v20 =	vld [tilespmem:$0x1F7C0]  }
0x377: {  	v7 =	vadd.f32 v7, v4;
	v4 =	vld [tilespmem:$0x1FE20];
	v5 =	vmul.f32 v5, v5;
	v6 =	vmul.f32 v6, v6  }
0x378: {  	v26 =	vld.idx.msk [tilespmem:v10+s13+$0x0], $0xffff  }
0x379: {  	v15 =	vmul.f32 v15, v15;
	v5 =	vadd.f32 v6, v5;
	v6 =	vld [tilespmem:$0x1F7B0];
	v11 =	vsub.f32 v11, v13  }
0x37a: {  	v30 =	vld.idx.msk [tilespmem:v10+s14+$0x0], $0xffff  }
0x37b: {  	v10 =	vadd.s32 $0x806, v50;
	v5 =	vadd.f32 v15, v5;
	v15 =	vld [tilespmem:$0x1F7F0];
	v11 =	vmul.f32 v11, v11  }
0x37c: {  	v42 =	vld.idx.msk [tilespmem:v0+s14+$0x0], $0xffff  }
0x37d: {  	v7 =	vadd.f32 v11, v7;
	v11 =	vld [tilespmem:$0x1F7D0]  }
0x37e: {  	v61 =	vld [tilespmem:$0x1F840];
	v6 =	vsub.f32 v6, v20  }
0x37f: {  	v4 =	vld.idx.msk [tilespmem:v4+s13+$0x0], $0xffff  }
0x380: {  	v20 =	vld.idx.msk [tilespmem:v10+s13+$0x0], $0xffff;
	v6 =	vmul.f32 v6, v6;
	v15 =	vsub.f32 v15, v56  }
0x381: {  	v63 =	vadd.s32 $0x80B, v50;
	v10 =	vld.idx.msk [tilespmem:v10+s14+$0x0], $0xffff  }
0x382: {  	v5 =	vadd.f32 v6, v5;
	v6 =	vmul.f32 v15, v15;
	v15 =	vld [tilespmem:$0x1F830];
	v11 =	vsub.f32 v11, v54  }
0x383: {  	v13 =	vld.idx.msk [tilespmem:v18+s13+$0x0], $0xffff  }
0x384: {  	v54 =	vld [tilespmem:$0x1F880];
	v11 =	vmul.f32 v11, v11  }
0x385: {  	v18 =	vld.idx.msk [tilespmem:v18+s14+$0x0], $0xffff  }
0x386: {  	v55 =	vadd.s32 $0x809, v50;
	v56 =	vld.idx.msk [tilespmem:v63+s14+$0x0], $0xffff;
	v7 =	vadd.f32 v11, v7;
	v11 =	vmul.f32 v23, v23  }
0x387: {  	v10 =	vsub.f32 v20, v10;
	v20 =	vld [tilespmem:$0x1F860];
	v15 =	vsub.f32 v15, v61  }
0x388: {  	v7 =	vadd.f32 v11, v7;
	v11 =	vld [tilespmem:$0x1F850]  }
0x389: {  	v5 =	vadd.f32 v6, v5;
	v22 =	vsub.f32 v53, v54;
	v53 =	vld [tilespmem:$0x1F900];
	v6 =	vmul.f32 v15, v15  }
0x38a: {  	v54 =	vld [tilespmem:$0x1F920]  }
0x38b: {  	v15 =	vld.idx.msk [tilespmem:v55+s13+$0x0], $0xffff;
	v5 =	vadd.f32 v6, v5  }
0x38c: {  	v6 =	vmul.f32 v10, v10;
	v10 =	vsub.f32 v57, v14;
	v14 =	vld.idx.msk [tilespmem:v60+s13+$0x0], $0xffff;
	v57 =	vadd.s32 $0x80E, v50  }
0x38d: {  	v52 =	vadd.s32 $0x80C, v50;
	v11 =	vsub.f32 v11, v20;
	v20 =	vld.idx.msk [tilespmem:v55+s14+$0x0], $0xffff  }
0x38e: {  	v60 =	vld [tilespmem:$0x1F8C0]  }
0x38f: {  	v5 =	vadd.f32 v6, v5;
	v6 =	vmul.f32 v10, v10;
	v10 =	vsub.f32 v62, v19;
	v19 =	vld.idx.msk [tilespmem:v63+s13+$0x0], $0xffff  }
0x390: {  	v63 =	vld [tilespmem:$0x1F8E0];
	v55 =	vadd.s32 $0x80D, v50;
	v11 =	vmul.f32 v11, v11  }
0x391: {  	v62 =	vadd.s32 $0x810, v50;
	v5 =	vadd.f32 v6, v5;
	v6 =	vmul.f32 v10, v10;
	v23 =	vld.idx.msk [tilespmem:v57+s14+$0x0], $0xffff  }
0x392: {  	v7 =	vadd.f32 v11, v7;
	v11 =	vmul.f32 v22, v22;
	v10 =	vsub.f32 v15, v20;
	v15 =	vld.idx.msk [tilespmem:v52+s13+$0x0], $0xffff  }
0x393: {  	v20 =	vld [tilespmem:$0x1F8A0]  }
0x394: {  	v7 =	vadd.f32 v11, v7;
	v11 =	vld [tilespmem:$0x1F890]  }
0x395: {  	v61 =	vld.idx.msk [tilespmem:v55+s14+$0x0], $0xffff  }
0x396: {  	v5 =	vadd.f32 v6, v5;
	v6 =	vmul.f32 v10, v10;
	v10 =	vsub.f32 v14, v47;
	v14 =	vld.idx.msk [tilespmem:v55+s13+$0x0], $0xffff  }
0x397: {  	v55 =	vld.idx.msk [tilespmem:v62+s14+$0x0], $0xffff  }
0x398: {  	v47 =	vsub.f32 v59, v60;
	v60 =	vld [tilespmem:$0x1FE70];
	v5 =	vadd.f32 v6, v5  }
0x399: {  	v6 =	vmul.f32 v10, v10;
	v10 =	vsub.f32 v19, v56;
	v19 =	vld.idx.msk [tilespmem:v57+s13+$0x0], $0xffff;
	v11 =	vsub.f32 v11, v20  }
0x39a: {  	v57 =	vld [tilespmem:$0x1FE40]  }
0x39b: {  	v20 =	vld.idx.msk [tilespmem:v52+s14+$0x0], $0xffff;
	v11 =	vmul.f32 v11, v11  }
0x39c: {  	v56 =	vld [tilespmem:$0x1FE50]  }
0x39d: {  	v7 =	vadd.f32 v11, v7;
	v11 =	vld [tilespmem:$0x1F8D0]  }
0x39e: {  	v51 =	vmul.f32 v47, v47;
	v47 =	vld [tilespmem:$0x1FE90]  }
0x39f: {  	v52 =	vld [tilespmem:$0x1FE30]  }
0x3a0: {  	v5 =	vadd.f32 v6, v5;
	v6 =	vmul.f32 v10, v10;
	v10 =	vsub.f32 v15, v20;
	v15 =	vld.idx.msk [tilespmem:v58+s13+$0x0], $0xffff  }
0x3a1: {  	v20 =	vld [tilespmem:$0x1F8F0]  }
0x3a2: {  	v59 =	vld.idx.msk [tilespmem:v57+s14+$0x0], $0xffff;
	v11 =	vsub.f32 v11, v63  }
0x3a3: {  	v5 =	vadd.f32 v6, v5;
	v7 =	vadd.f32 v51, v7;
	v51 =	vld [tilespmem:$0x1FEA0]  }
0x3a4: {  	v6 =	vmul.f32 v10, v10;
	v10 =	vsub.f32 v14, v61;
	v14 =	vld.idx.msk [tilespmem:v62+s13+$0x0], $0xffff;
	v11 =	vmul.f32 v11, v11  }
0x3a5: {  	v61 =	vld [tilespmem:$0x1FE60]  }
0x3a6: {  	v7 =	vadd.f32 v11, v7;
	v11 =	vld [tilespmem:$0x1F910]  }
0x3a7: {  	v62 =	vld.idx.msk [tilespmem:v56+s14+$0x0], $0xffff  }
0x3a8: {  	v58 =	vld.idx.msk [tilespmem:v52+s14+$0x0], $0xffff;
	v5 =	vadd.f32 v6, v5;
	v6 =	vmul.f32 v10, v10;
	v10 =	vsub.f32 v19, v23  }
0x3a9: {  	v19 =	vld.idx.msk [tilespmem:v52+s13+$0x0], $0xffff;
	v20 =	vsub.f32 v20, v53  }
0x3aa: {  	v52 =	vld.idx.msk [tilespmem:v47+s14+$0x0], $0xffff;
	v5 =	vadd.f32 v6, v5;
	v6 =	vmul.f32 v10, v10;
	v10 =	vsub.f32 v15, v21  }
0x3ab: {  	v53 =	vld [tilespmem:$0x1FEB0];
	v20 =	vmul.f32 v20, v20;
	v11 =	vsub.f32 v11, v54  }
0x3ac: {  	v15 =	vld.idx.msk [tilespmem:v57+s13+$0x0], $0xffff;
	v5 =	vadd.f32 v6, v5;
	v6 =	vmul.f32 v10, v10;
	v10 =	vsub.f32 v14, v55  }
0x3ad: {  	v14 =	vld.idx.msk [tilespmem:v56+s13+$0x0], $0xffff;
	v7 =	vadd.f32 v20, v7;
	v20 =	vsub.f32 v39, v46;
	v11 =	vmul.f32 v11, v11  }
0x3ae: {  	v55 =	vld [tilespmem:$0x1FEC0]  }
0x3af: {  	v56 =	vld [tilespmem:$0x1FED0];
	v7 =	vadd.f32 v11, v7;
	v11 =	vmul.f32 v20, v20;
	v20 =	vsub.f32 v35, v43  }
0x3b0: {  	v5 =	vadd.f32 v6, v5;
	v6 =	vmul.f32 v10, v10;
	v10 =	vsub.f32 v19, v58;
	v19 =	vld.idx.msk [tilespmem:v61+s13+$0x0], $0xffff  }
0x3b1: {  	v7 =	vadd.f32 v11, v7;
	v11 =	vmul.f32 v20, v20;
	v20 =	vsub.f32 v36, v44;
	v36 =	vld [tilespmem:$0x1FE80]  }
0x3b2: {  	v63 =	vld.idx.msk [tilespmem:v61+s14+$0x0], $0xffff  }
0x3b3: {  	v46 =	vld.idx.msk [tilespmem:v60+s14+$0x0], $0xffff  }
0x3b4: {  	v58 =	vld [tilespmem:$0x1FEE0];
	v7 =	vadd.f32 v11, v7;
	v11 =	vmul.f32 v20, v20;
	v20 =	vsub.f32 v37, v45  }
0x3b5: {  	v61 =	vld [tilespmem:$0x1FF00];
	v5 =	vadd.f32 v6, v5;
	v6 =	vmul.f32 v10, v10;
	v10 =	vsub.f32 v15, v59  }
0x3b6: {  	v15 =	vld.idx.msk [tilespmem:v60+s13+$0x0], $0xffff;
	v7 =	vadd.f32 v11, v7;
	v11 =	vmul.f32 v20, v20;
	v20 =	vsub.f32 v31, v42  }
0x3b7: {  	v60 =	vld [tilespmem:$0x1FF10]  }
0x3b8: {  	v54 =	vld.idx.msk [tilespmem:v51+s14+$0x0], $0xffff;
	v7 =	vadd.f32 v11, v7;
	v11 =	vmul.f32 v20, v20;
	v20 =	vsub.f32 v28, v41  }
0x3b9: {  	v5 =	vadd.f32 v6, v5;
	v6 =	vmul.f32 v10, v10;
	v10 =	vsub.f32 v14, v62;
	v14 =	vld.idx.msk [tilespmem:v36+s13+$0x0], $0xffff  }
0x3ba: {  	v49 =	vld.idx.msk [tilespmem:v36+s14+$0x0], $0xffff;
	v7 =	vadd.f32 v11, v7;
	v11 =	vmul.f32 v20, v20;
	v20 =	vsub.f32 v29, v40  }
0x3bb: {  	v62 =	vld [tilespmem:$0x1FEF0];
	v5 =	vadd.f32 v6, v5;
	v6 =	vmul.f32 v10, v10;
	v10 =	vsub.f32 v19, v63  }
0x3bc: {  	v19 =	vld.idx.msk [tilespmem:v47+s13+$0x0], $0xffff;
	v7 =	vadd.f32 v11, v7;
	v11 =	vmul.f32 v20, v20;
	v20 =	vsub.f32 v27, v38  }
0x3bd: {  	v57 =	vld.idx.msk [tilespmem:v55+s14+$0x0], $0xffff;
	v5 =	vadd.f32 v6, v5;
	v6 =	vmul.f32 v10, v10;
	v10 =	vsub.f32 v15, v46  }
0x3be: {  	v17 =	vsub.f32 v17, v32;
	v15 =	vld.idx.msk [tilespmem:v51+s13+$0x0], $0xffff;
	v7 =	vadd.f32 v11, v7;
	v11 =	vmul.f32 v20, v20  }
0x3bf: {  	v5 =	vadd.f32 v6, v5;
	v6 =	vmul.f32 v10, v10;
	v20 =	vld.idx.msk [tilespmem:v53+s14+$0x0], $0xffff;
	v10 =	vsub.f32 v14, v49  }
0x3c0: {  	v14 =	vld.idx.msk [tilespmem:v53+s13+$0x0], $0xffff;
	v7 =	vadd.f32 v11, v7;
	v11 =	vmul.f32 v17, v17;
	v17 =	vsub.f32 v24, v33  }
0x3c1: {  	v63 =	vld [tilespmem:$0x1FE20];
	v5 =	vadd.f32 v6, v5;
	v6 =	vmul.f32 v10, v10;
	v10 =	vsub.f32 v19, v52  }
0x3c2: {  	v19 =	vld.idx.msk [tilespmem:v55+s13+$0x0], $0xffff;
	v7 =	vadd.f32 v11, v7;
	v11 =	vmul.f32 v17, v17;
	v17 =	vsub.f32 v25, v34  }
0x3c3: {  	v59 =	vld.idx.msk [tilespmem:v56+s14+$0x0], $0xffff;
	v5 =	vadd.f32 v6, v5;
	v6 =	vmul.f32 v10, v10;
	v10 =	vsub.f32 v15, v54  }
0x3c4: {  	v15 =	vld.idx.msk [tilespmem:v56+s13+$0x0], $0xffff;
	v7 =	vadd.f32 v11, v7;
	v11 =	vmul.f32 v17, v17;
	v17 =	vsub.f32 v26, v30  }
0x3c5: {  	v5 =	vadd.f32 v6, v5;
	v6 =	vmul.f32 v10, v10;
	v10 =	vsub.f32 v14, v20;
	v14 =	vld.idx.msk [tilespmem:v58+s13+$0x0], $0xffff  }
0x3c6: {  	v20 =	vld.idx.msk [tilespmem:v58+s14+$0x0], $0xffff;
	v7 =	vadd.f32 v11, v7;
	v11 =	vmul.f32 v17, v17  }
0x3c7: {  	v17 =	vld.idx.msk [tilespmem:v62+s14+$0x0], $0xffff;
	v5 =	vadd.f32 v6, v5;
	v6 =	vmul.f32 v10, v10;
	v10 =	vsub.f32 v19, v57  }
0x3c8: {  	v9 =	vadd.f32 $9.999999960e-13, v9;
	v3 =	vsub.f32 v3, v12;
	v19 =	vld.idx.msk [tilespmem:v62+s13+$0x0], $0xffff  }
0x3c9: {  	v12 =	vld.idx.msk [tilespmem:v61+s13+$0x0], $0xffff;
	v5 =	vadd.f32 v6, v5;
	v6 =	vsub.f32 v15, v59;
	v10 =	vmul.f32 v10, v10  }
0x3ca: {  	v8 =	vadd.f32 $9.999999960e-13, v8;
	v3 =	vmul.f32 v3, v3;
	v7 =	vadd.f32 v11, v7;
	v15 =	vld.idx.msk [tilespmem:v63+s14+$0x0], $0xffff  }
0x3cb: {  	v13 =	vsub.f32 v13, v18;
	v5 =	vadd.f32 v10, v5;
	v6 =	vmul.f32 v6, v6;
	v10 =	vld.idx.msk [tilespmem:v61+s14+$0x0], $0xffff  }
0x3cc: {  	v14 =	vsub.f32 v14, v20;
	v20 =	vld.idx.msk [tilespmem:v60+s13+$0x0], $0xffff;
	v3 =	vadd.f32 v3, v7  }
0x3cd: {  	v7 =	vmul.f32 v13, v13;
	v5 =	vadd.f32 v6, v5;
	v6 =	vsub.f32 v19, v17;
	v17 =	vld.idx.msk [tilespmem:v60+s14+$0x0], $0xffff  }
0x3ce: {  	v18 =	vmul.f32 v2, v16;
	v11 =	vshra.s32 v9, $0x1;
	v14 =	vmul.f32 v14, v14  }
0x3cf: {  	v11 =	vsub.s32 $0x5F3759DF, v11;
	v3 =	vadd.f32 v7, v3;
	v4 =	vsub.f32 v4, v15  }
0x3d0: {  	v5 =	vadd.f32 v14, v5;
	v6 =	vmul.f32 v6, v6;
	v10 =	vsub.f32 v12, v10  }
0x3d1: {  	v19 =	vmul.f32 $5.000000000e-01, v9;
	v12 =	vshra.s32 v8, $0x1;
	v4 =	vmul.f32 v4, v4  }
0x3d2: {  	v5 =	vadd.f32 v6, v5;
	v6 =	vmul.f32 v10, v10;
	v7 =	vsub.f32 v20, v17  }
0x3d3: {  	v13 =	vmul.f32 $5.000000000e-01, v8;
	v12 =	vsub.s32 $0x5F3759DF, v12;
	v10 =	vmul.f32 v11, v19  }
0x3d4: {  	v3 =	vadd.f32 v4, v3;
	v4 =	vadd.f32 v6, v5;
	v5 =	vmul.f32 v7, v7  }
0x3d5: {  	v6 =	vmul.f32 v11, v10;
	v7 =	vmul.f32 v12, v13  }
0x3d6: {  	v3 =	vadd.f32 $9.999999960e-13, v3;
	v4 =	vadd.f32 v5, v4  }
0x3d7: {  	v5 =	vmul.f32 v18, v2;
	v6 =	vsub.f32 $1.500000000e+00, v6;
	v7 =	vmul.f32 v12, v7  }
0x3d8: {  	v10 =	vshra.s32 v3, $0x1;
	v14 =	vmul.f32 $5.000000000e-01, v3;
	v4 =	vadd.f32 $9.999999960e-13, v4  }
0x3d9: {  	v10 =	vsub.s32 $0x5F3759DF, v10;
	v6 =	vmul.f32 v11, v6;
	v7 =	vsub.f32 $1.500000000e+00, v7  }
0x3da: {  	v11 =	vmul.f32 v10, v14;
	v15 =	vshra.s32 v4, $0x1;
	v17 =	vmul.f32 $5.000000000e-01, v4  }
0x3db: {  	v18 =	vmul.f32 v6, v19;
	v7 =	vmul.f32 v12, v7;
	v12 =	vsub.s32 $0x5F3759DF, v15  }
0x3dc: {  	v11 =	vmul.f32 v10, v11;
	v15 =	vmul.f32 v12, v17  }
0x3dd: {  	v18 =	vmul.f32 v18, v6;
	v20 =	vmul.f32 v7, v13  }
0x3de: {  	v5 =	vsub.f32 $1.500000000e+00, v5;
	v11 =	vsub.f32 $1.500000000e+00, v11;
	v15 =	vmul.f32 v12, v15  }
0x3df: {  	v48 =	vld [tilespmem:$0x1FD30];
	v18 =	vsub.f32 $1.500000000e+00, v18;
	v20 =	vmul.f32 v20, v7  }
0x3e0: {  	v32 =	vld [tilespmem:$0x1FFA0];
	v2 =	vmul.f32 v5, v2;
	v10 =	vmul.f32 v10, v11;
	v11 =	vsub.f32 $1.500000000e+00, v15  }
0x3e1: {  	v39 =	vld [tilespmem:$0x1FCF0];
	v5 =	vmul.f32 v18, v6;
	v6 =	vsub.f32 $1.500000000e+00, v20  }
0x3e2: {  	v43 =	vld [tilespmem:$0x1FD10];
	v15 =	vmul.f32 v2, v16;
	v11 =	vmul.f32 v12, v11  }
0x3e3: {  	v35 =	vld [tilespmem:$0x1FCD0];
	v12 =	vmul.f32 v10, v14;
	v6 =	vmul.f32 v6, v7  }
0x3e4: {  	v45 =	vld [tilespmem:$0x1FD20];
	v15 =	vmul.f32 v15, v2;
	v16 =	vmul.f32 v5, v19  }
0x3e5: {  	v37 =	vld [tilespmem:$0x1FCE0];
	v7 =	vmul.f32 v12, v10;
	v12 =	vmul.f32 v11, v17  }
0x3e6: {  	v42 =	vld [tilespmem:$0x1FFF0];
	v15 =	vsub.f32 $1.500000000e+00, v15;
	v16 =	vmul.f32 v16, v5;
	v13 =	vmul.f32 v6, v13  }
0x3e7: {  	v41 =	vld [tilespmem:$0x1FD00];
	v7 =	vsub.f32 $1.500000000e+00, v7;
	v12 =	vmul.f32 v12, v11  }
0x3e8: {  	v40 =	vld [tilespmem:$0x1FFE0];
	v2 =	vmul.f32 v15, v2;
	v15 =	vsub.f32 $1.500000000e+00, v16;
	v13 =	vmul.f32 v13, v6  }
0x3e9: {  	v38 =	vld [tilespmem:$0x1FFD0];
	v7 =	vmul.f32 v7, v10;
	v12 =	vsub.f32 $1.500000000e+00, v12  }
0x3ea: {  	v10 =	vld [tilespmem:s20+$0x4E20];
	v1 =	vmul.f32 v2, v1;
	v2 =	vmul.f32 v15, v5;
	v13 =	vsub.f32 $1.500000000e+00, v13  }
0x3eb: {  	v5 =	vld [tilespmem:s20+$0x4E30];
	v11 =	vmul.f32 v12, v11;
	v12 =	vmul.f32 v7, v14  }
0x3ec: {  	v6 =	vmul.f32 v13, v6;
	v13 =	vld [tilespmem:$0x1F930]  }
0x3ed: {  	v14 =	vld [tilespmem:s20+$0x4E40];
	v12 =	vmul.f32 v12, v7;
	v15 =	vmul.f32 v11, v17  }
0x3ee: {  	v33 =	vld [tilespmem:$0x1FFB0];
	v2 =	vmul.f32 v2, v9  }
0x3ef: {  	v34 =	vld [tilespmem:$0x1FFC0];
	v1 =	vmul.f32 v1, v10;
	v9 =	vsub.f32 $1.500000000e+00, v12;
	v10 =	vmul.f32 v15, v11  }
0x3f0: {  	v6 =	vmul.f32 v6, v8;
	v8 =	vld [tilespmem:s20+$0x4E50];
	v2 =	vmul.f32 v2, v5  }
0x3f1: {  	v18 =	vld [tilespmem:$0x1FF90];
	v1 =	vadd.f32 v1, v13;
	v5 =	vmul.f32 v9, v7;
	v7 =	vsub.f32 $1.500000000e+00, v10  }
0x3f2: {  	v6 =	vmul.f32 v6, v14;
	v9 =	vld [tilespmem:s20+$0x4E60]  }
0x3f3: {  	v17 =	vld [tilespmem:$0x1FF80];
	v1 =	vadd.f32 v2, v1;
	v2 =	vmul.f32 v5, v3;
	v3 =	vmul.f32 v7, v11  }
0x3f4: {  	p0 =	sne.s32 s19, $0x9B00;
	v12 =	vld [tilespmem:$0x1FF60]  }
.Ltmp0:
0x3f5: {  	v15 =	vld [tilespmem:$0x1FF70];
	v1 =	vadd.f32 v6, v1;
	v2 =	vmul.f32 v2, v8;
	v3 =	vmul.f32 v3, v4;
	(pc) =	sbr.rel @p0 .LBB2_2-.Ltmp0, $4  }
0x3f6: {  	v10 =	vld [tilespmem:$0x1FF50]  }
0x3f7: {  	v5 =	vld [tilespmem:$0x1FF30];
	v1 =	vadd.f32 v2, v1;
	v2 =	vmul.f32 v3, v9  }
0x3f8: {  	v7 =	vld [tilespmem:$0x1FF40]  }
0x3f9: {  	s19 =	sadd.s32 $0x140, s19;
	v4 =	vld [tilespmem:$0x1FF20];
	v2 =	vadd.f32 v2, v1  }
0x3fa: {  	s18 =	sadd.s32 $0x1, s18  }
0x3fb: {  	p0 =	sne.s32 s18, s8  }
.Ltmp1:
0x3fc: {  	[tilespmem:$0x8930] =	vst v2;
	(pc) =	sbr.rel @p0 .LBB2_1-.Ltmp1, $4  }
0x3fd: {  	[hbm4b:s7+s2] =	stream.linear.scatter [tilespmem:s17], [sflag:$0x3], $0x10, $0x38;
	[tilespmem:$0x8940] =	vst v63  }
0x3fe: {  	_ =	swait.ge [sflag:s9], $0x10  }
0x3ff: {  	[sflag:s9] =	ssyncset.done $0x0  }
0x400: {  	[sflag:s9] =	ssyncadd.s32 $0xFFFFFFF0  }
0x401: {  	_ =	sfence.sel $0x180000  }
0x402: {  	[bflag:$0x0] =	sbarrier.arrive $0xFFFF  }
0x403: {  	p0 =	sne.s32 s1, $0x0;
	_ =	strace $0x90000047  }
0x404: {  	s0 =	sadd.s32 @!p0 $0x100000, s0;
	[bflag:$0x2] =	sbarrier.arrive $0xFFFF  }
0x405: {  	[sflag:s0] =	ssyncadd.tile.s32 @!p0 $0x1;
	_ =	shalt  }
.Lfunc_end2:
_tile_overlayer_lowered:
.L_overlay_start_2:
0x406: {  	(tag) =	ssettag $0x2  }
0x407: {  	s0 =	rddreg [dreg:$0x0];
	s2 =	stileid.u32  }
0x408: {  	s1 =	rddreg [dreg:$0x1];
	p0 =	sne.s32 s2, $0x0  }
0x409: {  	s3 =	rddreg [dreg:$0x2];
	[bflag:$0x3] =	sbarrier.arrive $0xFFFF;
	s2 =	simm.s32 @!p0 $0x1C03  }
0x40a: {  	[timem:s3], [sflag:s2] =	dma.local @!p0 [hbm:s0], s1  }
0x40b: {  	s0 =	simm.s32 @!p0 $0x3  }
0x40c: {  	_ =	swait.ge @!p0 [sflag:s0], s1  }
0x40d: {  	s1 =	ssub.s32 @!p0 $0x0, s1;
	[sflag:s0] =	ssyncset.done @!p0 $0x0  }
0x40e: {  	[sflag:s0] =	ssyncadd.s32 @!p0 s1  }
0x40f: {  	[bflag:$0x3] =	sbarrier.arrive $0xFFFF  }
0x410: {  	_ =	shalt  }

</sc_bundles>
